<compile_context>
chip_gen: v7x
topology: tpu7x:2x2x1
jax: 0.10.2.dev20260603
libtpu: 0.0.44.dev20260713+nightly
codegen_flags: <defaults>
</compile_context>

<pallas_src>
import functools

import jax
import jax.numpy as jnp
from jax import lax
from jax.experimental import pallas as pl
from jax.experimental.pallas import tpu as pltpu
from jax.experimental.pallas import tpu_sc as plsc

NC, NS, LANES = 2, 16, 16
NW = NC * NS
CHUNK = 256
N_PAD = 10240
ROWS_PER_TILE = N_PAD // NS
CPW = 40
CPW0 = 76
CPW1 = 4
NCH = NS * (CPW0 + CPW1)
EPI_ROWS = 160
IDXH = 36
NBUF = 3
E_PAD = NCH * CHUNK
R_BLK = 5120
GRID = N_PAD // R_BLK


def _mesh():
  return plsc.VectorSubcoreMesh(
      core_axis_name="c", subcore_axis_name="s",
      num_cores=NC, num_subcores=NS)


@functools.lru_cache(maxsize=None)
def _make_sc_scatter(h):

  def body(src_hbm, dst_hbm, g_hbm, out0, out1, src_v, dst_v, rows0, rows1,
           rows2, ebuf, accum, gsem0, gsem1, gsem2, ssem0, ssem1, ssem2):
    c = lax.axis_index("c")
    s = lax.axis_index("s")

    def zero_row(i, carry):
      for jj in range(h // LANES):
        ebuf[i, pl.ds(jj * LANES, LANES)] = jnp.zeros((LANES,), jnp.float32)
      return carry

    lax.fori_loop(0, EPI_ROWS, zero_row, 0)
    for part in range(ROWS_PER_TILE // EPI_ROWS):
      pltpu.sync_copy(
          ebuf, accum.at[pl.ds(s * ROWS_PER_TILE + part * EPI_ROWS, EPI_ROWS)])
    plsc.subcore_barrier()

    def gstart(j, buf, sem):
      pltpu.async_copy(g_hbm.at[src_v.at[j]], buf, sem)

    def gwait(j, buf, sem):
      pltpu.make_async_copy(g_hbm.at[src_v.at[j]], buf, sem).wait()

    def sstart(j, buf, sem):
      pltpu.async_copy(buf, accum.at[dst_v.at[j]], sem, add=True)

    def swait(j, buf, sem):
      pltpu.make_async_copy(buf, accum.at[dst_v.at[j]], sem).wait()

    bufs = (rows0, rows1, rows2)
    gsems = (gsem0, gsem1, gsem2)
    ssems = (ssem0, ssem1, ssem2)

    def run_ring(cnt):
      steps = cnt // NBUF
      for b in range(NBUF):
        gstart(b, bufs[b], gsems[b])

      def step(t, carry):
        j = NBUF * t
        for b in range(NBUF):
          gwait(j + b, bufs[b], gsems[b])
          sstart(j + b, bufs[b], ssems[b])
        for b in range(NBUF):
          swait(j + b, bufs[b], ssems[b])

          @pl.when(t < steps - 1)
          def _():
            gstart(j + b + NBUF, bufs[b], gsems[b])

        return carry

      lax.fori_loop(0, steps, step, 0)

    def run_pairs(cnt):
      steps = cnt // 2
      gstart(0, rows0, gsem0)
      gstart(1, rows1, gsem1)

      def step(t, carry):
        j0 = 2 * t
        j1 = j0 + 1
        gwait(j0, rows0, gsem0)
        sstart(j0, rows0, ssem0)
        gwait(j1, rows1, gsem1)
        sstart(j1, rows1, ssem1)
        swait(j0, rows0, ssem0)
        swait(j1, rows1, ssem1)

        @pl.when(t < steps - 1)
        def _():
          gstart(j0 + 2, rows0, gsem0)
          gstart(j1 + 2, rows1, gsem1)

        return carry

      lax.fori_loop(0, steps, step, 0)

    def run_edges(base, cpw):
      for h0 in range(0, cpw, IDXH):
        cnt = min(IDXH, cpw - h0)
        pltpu.sync_copy(src_hbm.at[pl.ds(base + h0, cnt)],
                        src_v.at[pl.ds(0, cnt)])
        pltpu.sync_copy(dst_hbm.at[pl.ds(base + h0, cnt)],
                        dst_v.at[pl.ds(0, cnt)])
        if cnt % NBUF == 0:
          run_ring(cnt)
        else:
          run_pairs(cnt)

    @pl.when(c == 0)
    def _():
      run_edges(s * CPW0, CPW0)

    if CPW1:
      @pl.when(c == 1)
      def _():
        run_edges(NS * CPW0 + s * CPW1, CPW1)

    plsc.subcore_barrier()

    for part in range(ROWS_PER_TILE // EPI_ROWS):
      psl = pl.ds(s * ROWS_PER_TILE + part * EPI_ROWS, EPI_ROWS)
      pltpu.sync_copy(accum.at[psl], ebuf)

      @pl.when(c == 0)
      def _():
        pltpu.sync_copy(ebuf, out0.at[psl])

      @pl.when(c == 1)
      def _():
        pltpu.sync_copy(ebuf, out1.at[psl])

  return pl.kernel(
      body,
      out_type=[jax.ShapeDtypeStruct((N_PAD, h), jnp.float32)] * 2,
      mesh=_mesh(),
      scratch_types=[
          pltpu.VMEM((IDXH, CHUNK), jnp.int32),
          pltpu.VMEM((IDXH, CHUNK), jnp.int32),
          pltpu.VMEM((CHUNK, h), jnp.float32),
          pltpu.VMEM((CHUNK, h), jnp.float32),
          pltpu.VMEM((CHUNK, h), jnp.float32),
          pltpu.VMEM((EPI_ROWS, h), jnp.float32),
          pltpu.VMEM_SHARED((N_PAD, h), jnp.float32),
          pltpu.SemaphoreType.DMA,
          pltpu.SemaphoreType.DMA,
          pltpu.SemaphoreType.DMA,
          pltpu.SemaphoreType.DMA,
          pltpu.SemaphoreType.DMA,
          pltpu.SemaphoreType.DMA,
      ],
      compiler_params=pltpu.CompilerParams(use_tc_tiling_on_sc=False),
  )


@functools.lru_cache(maxsize=None)
def _make_sc_degree():
  h = LANES

  def body(dst_hbm, out0, out1, dst_v, ones_v, ebuf, accum):
    c = lax.axis_index("c")
    s = lax.axis_index("s")
    w = c * NS + s
    pltpu.sync_copy(dst_hbm.at[pl.ds(w * CPW, CPW)], dst_v)

    def fill_ones(i, carry):
      ones_v[i, :] = jnp.ones((LANES,), jnp.float32)
      return carry

    lax.fori_loop(0, CHUNK, fill_ones, 0)

    def zero_row(i, carry):
      ebuf[i, :] = jnp.zeros((LANES,), jnp.float32)
      return carry

    lax.fori_loop(0, ROWS_PER_TILE, zero_row, 0)
    sl = pl.ds(s * ROWS_PER_TILE, ROWS_PER_TILE)
    pltpu.sync_copy(ebuf, accum.at[sl])
    plsc.subcore_barrier()

    def step(j, carry):
      pltpu.sync_copy(ones_v, accum.at[dst_v.at[j]], add=True)
      return carry

    lax.fori_loop(0, CPW, step, 0)
    plsc.subcore_barrier()

    pltpu.sync_copy(accum.at[sl], ebuf)

    @pl.when(c == 0)
    def _():
      pltpu.sync_copy(ebuf, out0.at[sl])

    @pl.when(c == 1)
    def _():
      pltpu.sync_copy(ebuf, out1.at[sl])

  return pl.kernel(
      body,
      out_type=[jax.ShapeDtypeStruct((N_PAD, h), jnp.float32)] * 2,
      mesh=_mesh(),
      scratch_types=[
          pltpu.VMEM((CPW, CHUNK), jnp.int32),
          pltpu.VMEM((CHUNK, h), jnp.float32),
          pltpu.VMEM((ROWS_PER_TILE, h), jnp.float32),
          pltpu.VMEM_SHARED((N_PAD, h), jnp.float32),
      ],
      compiler_params=pltpu.CompilerParams(use_tc_tiling_on_sc=False),
  )


def _tc_prep(deg0, deg1, xp, W1):
  d = xp.shape[1]
  hh = W1.shape[1]

  def body(d0, d1, x_r, w_r, g_r, dinv_r):
    deg = d0[:, :1] + d1[:, :1] + 1.0
    dinv = jnp.where(deg > 0, lax.rsqrt(deg), 0.0)
    m = jnp.dot(x_r[...], w_r[...], preferred_element_type=jnp.float32)
    g_r[...] = m * dinv
    dinv_r[...] = dinv

  return pl.pallas_call(
      body,
      grid=(GRID,),
      in_specs=[
          pl.BlockSpec((R_BLK, LANES), lambda i: (i, 0)),
          pl.BlockSpec((R_BLK, LANES), lambda i: (i, 0)),
          pl.BlockSpec((R_BLK, d), lambda i: (i, 0)),
          pl.BlockSpec((d, hh), lambda i: (0, 0)),
      ],
      out_specs=[
          pl.BlockSpec((R_BLK, hh), lambda i: (i, 0)),
          pl.BlockSpec((R_BLK, 1), lambda i: (i, 0)),
      ],
      out_shape=[
          jax.ShapeDtypeStruct((N_PAD, hh), jnp.float32),
          jax.ShapeDtypeStruct((N_PAD, 1), jnp.float32),
      ],
  )(deg0, deg1, xp, W1)


def _tc_layer(p0, p1, g, dinv, b, W):
  h_in = g.shape[1]
  h_out = W.shape[1]

  def body(p0r, p1r, gr, dr, br, wr, outr):
    total = p0r[...] + p1r[...] + gr[...]
    dv = dr[...]
    z = jnp.maximum(dv * total + br[...], 0.0)
    outr[...] = jnp.dot(dv * z, wr[...], preferred_element_type=jnp.float32)

  return pl.pallas_call(
      body,
      grid=(GRID,),
      in_specs=[
          pl.BlockSpec((R_BLK, h_in), lambda i: (i, 0)),
          pl.BlockSpec((R_BLK, h_in), lambda i: (i, 0)),
          pl.BlockSpec((R_BLK, h_in), lambda i: (i, 0)),
          pl.BlockSpec((R_BLK, 1), lambda i: (i, 0)),
          pl.BlockSpec((1, h_in), lambda i: (0, 0)),
          pl.BlockSpec((h_in, h_out), lambda i: (0, 0)),
      ],
      out_specs=pl.BlockSpec((R_BLK, h_out), lambda i: (i, 0)),
      out_shape=jax.ShapeDtypeStruct((N_PAD, h_out), jnp.float32),
  )(p0, p1, g, dinv, b, W)


def _tc_final(p0, p1, g, dinv, b, d_out):
  h_in = g.shape[1]

  def body(p0r, p1r, gr, dr, br, outr):
    total = p0r[...] + p1r[...] + gr[...]
    outr[...] = (dr[...] * total)[:, :d_out] + br[...]

  return pl.pallas_call(
      body,
      grid=(GRID,),
      in_specs=[
          pl.BlockSpec((R_BLK, h_in), lambda i: (i, 0)),
          pl.BlockSpec((R_BLK, h_in), lambda i: (i, 0)),
          pl.BlockSpec((R_BLK, h_in), lambda i: (i, 0)),
          pl.BlockSpec((R_BLK, 1), lambda i: (i, 0)),
          pl.BlockSpec((1, d_out), lambda i: (0, 0)),
      ],
      out_specs=pl.BlockSpec((R_BLK, d_out), lambda i: (i, 0)),
      out_shape=jax.ShapeDtypeStruct((N_PAD, d_out), jnp.float32),
  )(p0, p1, g, dinv, b)


def kernel(x, edge_index, W1, b1, W2, b2, W3, b3):
  n = x.shape[0]
  e = edge_index.shape[1]
  d_out = W3.shape[1]

  xp = jnp.zeros((N_PAD, x.shape[1]), jnp.float32).at[:n].set(x)
  fill = jnp.full((E_PAD - e,), n, jnp.int32)
  src2 = jnp.concatenate([edge_index[0].astype(jnp.int32), fill])
  src2 = src2.reshape(NW * CPW, CHUNK)
  dst2 = jnp.concatenate([edge_index[1].astype(jnp.int32), fill])
  dst2 = dst2.reshape(NW * CPW, CHUNK)

  deg0, deg1 = _make_sc_degree()(dst2)
  g1, dinv = _tc_prep(deg0, deg1, xp, W1)

  p10, p11 = _make_sc_scatter(64)(src2, dst2, g1)
  g2 = _tc_layer(p10, p11, g1, dinv, b1.reshape(1, -1), W2)

  p20, p21 = _make_sc_scatter(32)(src2, dst2, g2)
  W3p = jnp.zeros((W3.shape[0], LANES), jnp.float32).at[:, :d_out].set(W3)
  g3 = _tc_layer(p20, p21, g2, dinv, b2.reshape(1, -1), W3p)

  p30, p31 = _make_sc_scatter(LANES)(src2, dst2, g3)
  out = _tc_final(p30, p31, g3, dinv, b3.reshape(1, -1), d_out)
  return out[:n]

# --- scband reference (transcript-rebuilt; emitter-appended) ---
"""Pipeline reference for scband-gcn3-classifier-35021163332022 (READ-ONLY COPY).

The authoritative reference and input builder live on the scoring server;
editing this copy changes nothing except your own understanding.
"""

import jax, jax.numpy as jnp
import numpy as np

N = 10000
E = 320000
D_IN, H1, H2, D_OUT = 128, 64, 32, 4


def setup_inputs(seed: int = 0) -> dict:
    key = jax.random.key(seed)
    ks = jax.random.split(key, 8)
    x = jax.random.normal(ks[0], (N, D_IN), dtype=jnp.float32)
    edge_index = jax.random.randint(ks[1], (2, E), 0, N, dtype=jnp.int32)
    def glorot(k, fan_in, fan_out):
        lim = np.sqrt(6.0 / (fan_in + fan_out))
        return jax.random.uniform(k, (fan_in, fan_out), jnp.float32, -lim, lim)
    W1 = glorot(ks[2], D_IN, H1)
    b1 = jnp.zeros((H1,), jnp.float32)
    W2 = glorot(ks[3], H1, H2)
    b2 = jnp.zeros((H2,), jnp.float32)
    W3 = glorot(ks[4], H2, D_OUT)
    b3 = jnp.zeros((D_OUT,), jnp.float32)
    return {"x": x, "edge_index": edge_index, "W1": W1, "b1": b1, "W2": W2, "b2": b2, "W3": W3, "b3": b3}


def _gcn_conv(x, src, dst, norm, W, b):
    h = x @ W
    msg = h[src] * norm[:, None]
    out = jnp.zeros((x.shape[0], W.shape[1]), x.dtype).at[dst].add(msg)
    return out + b


def reference(x, edge_index, W1, b1, W2, b2, W3, b3):
    n = x.shape[0]
    src = edge_index[0]
    dst = edge_index[1]
    loop = jnp.arange(n, dtype=src.dtype)
    src = jnp.concatenate([src, loop])
    dst = jnp.concatenate([dst, loop])
    w = jnp.ones(src.shape[0], dtype=x.dtype)
    deg = jnp.zeros(n, x.dtype).at[dst].add(w)
    dinv = jnp.where(deg > 0, deg ** -0.5, 0.0)
    norm = dinv[src] * w * dinv[dst]
    h = _gcn_conv(x, src, dst, norm, W1, b1)
    h = jax.nn.relu(h)
    h = _gcn_conv(h, src, dst, norm, W2, b2)
    h = jax.nn.relu(h)
    h = _gcn_conv(h, src, dst, norm, W3, b3)
    return h

if __name__ == "__main__":
    import jax
    _d = setup_inputs()
    print(jax.jit(kernel)(*tuple(_d.values())))

</pallas_src>

<mosaic_0001>
#map = affine_map<(d0, d1) -> (0, 0)>
module attributes {stable_mosaic.version = 14 : i64} {
  func.func @body(%arg0: i32, %arg1: i32, %arg2: memref<1280x256xi32, #tpu.memory_space<hbm>>, %arg3: memref<10240x16xf32, #tpu.memory_space<hbm>>, %arg4: memref<10240x16xf32, #tpu.memory_space<hbm>>, %arg5: memref<40x256xi32, #tpu.memory_space<vmem>>, %arg6: memref<256x16xf32, #tpu.memory_space<vmem>>, %arg7: memref<640x16xf32, #tpu.memory_space<vmem>>, %arg8: memref<10240x16xf32, #tpu.memory_space<vmem_shared>>) attributes {dimension_semantics = [#tpu.dimension_semantics<core_parallel>, #tpu.dimension_semantics<subcore_parallel>], iteration_bounds = array<i64: 2, 16>, scalar_prefetch = 0 : i64, scratch_operands = 4 : i64, tpu.core_type = #tpu.core_type<sc_vector_subcore>, window_params = [{transform_indices = #map}, {transform_indices = #map}, {transform_indices = #map}]} {
    %mul3A = arith.constant 16 : i32
    %mul3A_0 = arith.muli %arg0, %mul3A : i32
    %add3A = arith.addi %mul3A_0, %arg1 : i32
    %mul3A_1 = arith.constant 40 : i32
    %mul3A_2 = arith.muli %add3A, %mul3A_1 : i32
    "tpu.region"() ({
      %run_scoped3A = tpu.sem_alloc : memref<!tpu.dma_semaphore, #tpu.memory_space<semaphore_mem>>
      %dma_start3A = arith.constant 0 : i32
      %dma_start3A_30 = tpu.memref_slice %arg2[%mul3A_2, %dma_start3A] : memref<1280x256xi32, #tpu.memory_space<hbm>> -> memref<40x256xi32, #tpu.memory_space<hbm>>
      %dma_start3A_31 = arith.constant 0 : i32
      %dma_start3A_32 = tpu.memref_slice %arg2[%mul3A_2, %dma_start3A_31] : memref<1280x256xi32, #tpu.memory_space<hbm>> -> memref<40x256xi32, #tpu.memory_space<hbm>>
      tpu.enqueue_dma source(%dma_start3A_32 : memref<40x256xi32, #tpu.memory_space<hbm>>) target(%arg5 : memref<40x256xi32, #tpu.memory_space<vmem>>) target_semaphore(%run_scoped3A : memref<!tpu.dma_semaphore, #tpu.memory_space<semaphore_mem>>)
      %dma_wait3A = arith.constant 0 : i32
      %dma_wait3A_33 = tpu.memref_slice %arg2[%mul3A_2, %dma_wait3A] : memref<1280x256xi32, #tpu.memory_space<hbm>> -> memref<40x256xi32, #tpu.memory_space<hbm>>
      %dma_wait3A_34 = arith.constant 0 : i32
      %dma_wait3A_35 = tpu.memref_slice %arg2[%mul3A_2, %dma_wait3A_34] : memref<1280x256xi32, #tpu.memory_space<hbm>> -> memref<40x256xi32, #tpu.memory_space<hbm>>
      tpu.wait_dma2 semaphore(%run_scoped3A : memref<!tpu.dma_semaphore, #tpu.memory_space<semaphore_mem>>) src(%dma_wait3A_35 : memref<40x256xi32, #tpu.memory_space<hbm>>) dst(%arg5 : memref<40x256xi32, #tpu.memory_space<vmem>>)
      tpu.yield
    }) : () -> ()
    %scan3A = arith.constant 0 : i32
    %scan3A_3 = arith.constant 0 : i32
    %scan3A_4 = arith.constant 256 : i32
    %scan3A_5 = arith.addi %scan3A_3, %scan3A_4 : i32
    %scan3A_6 = arith.constant 1 : i32
    scf.for %scan3A_30 = %scan3A_3 to %scan3A_5 step %scan3A_6  : i32 {
      %broadcast_in_dim3A = arith.constant 1.000000e+00 : f32
      %broadcast_in_dim3A_31 = vector.broadcast %broadcast_in_dim3A : f32 to vector<16xf32>
      %swap3A = arith.index_cast %scan3A_30 : i32 to index
      %swap3A_32 = arith.constant 0 : index
      %swap3A_33 = tpu.vector_load %arg6[%swap3A, %swap3A_32] {strides = array<i32>} : memref<256x16xf32, #tpu.memory_space<vmem>>, vector<1x16xf32>,
      %swap3A_34 = vector.shape_cast %swap3A_33 : vector<1x16xf32> to vector<16xf32>
      %swap3A_35 = vector.shape_cast %broadcast_in_dim3A_31 : vector<16xf32> to vector<1x16xf32>
      tpu.vector_store %arg6[%swap3A, %swap3A_32], %swap3A_35 {strides = array<i32>} : memref<256x16xf32, #tpu.memory_space<vmem>>, vector<1x16xf32>,
    }
    %scan3A_7 = arith.constant 256 : i32
    %scan3A_8 = arith.constant 0 : i32
    %scan3A_9 = arith.constant 0 : i32
    %scan3A_10 = arith.constant 640 : i32
    %scan3A_11 = arith.addi %scan3A_9, %scan3A_10 : i32
    %scan3A_12 = arith.constant 1 : i32
    scf.for %scan3A_30 = %scan3A_9 to %scan3A_11 step %scan3A_12  : i32 {
      %broadcast_in_dim3A = arith.constant 0.000000e+00 : f32
      %broadcast_in_dim3A_31 = vector.broadcast %broadcast_in_dim3A : f32 to vector<16xf32>
      %swap3A = arith.index_cast %scan3A_30 : i32 to index
      %swap3A_32 = arith.constant 0 : index
      %swap3A_33 = tpu.vector_load %arg7[%swap3A, %swap3A_32] {strides = array<i32>} : memref<640x16xf32, #tpu.memory_space<vmem>>, vector<1x16xf32>,
      %swap3A_34 = vector.shape_cast %swap3A_33 : vector<1x16xf32> to vector<16xf32>
      %swap3A_35 = vector.shape_cast %broadcast_in_dim3A_31 : vector<16xf32> to vector<1x16xf32>
      tpu.vector_store %arg7[%swap3A, %swap3A_32], %swap3A_35 {strides = array<i32>} : memref<640x16xf32, #tpu.memory_space<vmem>>, vector<1x16xf32>,
    }
    %scan3A_13 = arith.constant 640 : i32
    %mul3A_14 = arith.constant 640 : i32
    %mul3A_15 = arith.muli %arg1, %mul3A_14 : i32
    "tpu.region"() ({
      %run_scoped3A = tpu.sem_alloc : memref<!tpu.dma_semaphore, #tpu.memory_space<semaphore_mem>>
      %dma_start3A = arith.constant 0 : i32
      %dma_start3A_30 = tpu.memref_slice %arg8[%mul3A_15, %dma_start3A] : memref<10240x16xf32, #tpu.memory_space<vmem_shared>> -> memref<640x16xf32, #tpu.memory_space<vmem_shared>>
      %dma_start3A_31 = arith.constant 0 : i32
      %dma_start3A_32 = tpu.memref_slice %arg8[%mul3A_15, %dma_start3A_31] : memref<10240x16xf32, #tpu.memory_space<vmem_shared>> -> memref<640x16xf32, #tpu.memory_space<vmem_shared>>
      tpu.enqueue_dma source(%arg7 : memref<640x16xf32, #tpu.memory_space<vmem>>) target(%dma_start3A_32 : memref<640x16xf32, #tpu.memory_space<vmem_shared>>) target_semaphore(%run_scoped3A : memref<!tpu.dma_semaphore, #tpu.memory_space<semaphore_mem>>)
      %dma_wait3A = arith.constant 0 : i32
      %dma_wait3A_33 = tpu.memref_slice %arg8[%mul3A_15, %dma_wait3A] : memref<10240x16xf32, #tpu.memory_space<vmem_shared>> -> memref<640x16xf32, #tpu.memory_space<vmem_shared>>
      %dma_wait3A_34 = arith.constant 0 : i32
      %dma_wait3A_35 = tpu.memref_slice %arg8[%mul3A_15, %dma_wait3A_34] : memref<10240x16xf32, #tpu.memory_space<vmem_shared>> -> memref<640x16xf32, #tpu.memory_space<vmem_shared>>
      tpu.wait_dma2 semaphore(%run_scoped3A : memref<!tpu.dma_semaphore, #tpu.memory_space<semaphore_mem>>) src(%arg7 : memref<640x16xf32, #tpu.memory_space<vmem>>) dst(%dma_wait3A_35 : memref<640x16xf32, #tpu.memory_space<vmem_shared>>)
      tpu.yield
    }) : () -> ()
    %barrier3A = arith.constant 0 : index
    tpu.barrier barrier_id(%barrier3A)
    %scan3A_16 = arith.constant 0 : i32
    %scan3A_17 = arith.constant 0 : i32
    %scan3A_18 = arith.constant 40 : i32
    %scan3A_19 = arith.addi %scan3A_17, %scan3A_18 : i32
    %scan3A_20 = arith.constant 1 : i32
    scf.for %scan3A_30 = %scan3A_17 to %scan3A_19 step %scan3A_20  : i32 {
      "tpu.region"() ({
        %run_scoped3A = tpu.sem_alloc : memref<!tpu.dma_semaphore, #tpu.memory_space<semaphore_mem>>
        %dma_start3A = arith.constant 0 : i32
        %dma_start3A_31 = tpu.memref_slice %arg5[%scan3A_30, %dma_start3A] : memref<40x256xi32, #tpu.memory_space<vmem>> -> memref<1x256xi32, #tpu.memory_space<vmem>>
        %dma_start3A_32 = tpu.memref_squeeze %dma_start3A_31 : memref<1x256xi32, #tpu.memory_space<vmem>> -> memref<256xi32, #tpu.memory_space<vmem>>
        %dma_start3A_33 = arith.constant 0 : i32
        %dma_start3A_34 = arith.constant 0 : i32
        %dma_start3A_35 = tpu.memref_slice %arg8[%dma_start3A_33, %dma_start3A_34] : memref<10240x16xf32, #tpu.memory_space<vmem_shared>> -> memref<10240x16xf32, #tpu.memory_space<vmem_shared>>
        tpu.enqueue_indirect_dma source(%arg6 : memref<256x16xf32, #tpu.memory_space<vmem>>) target(%dma_start3A_35 : memref<10240x16xf32, #tpu.memory_space<vmem_shared>>) offsets(%dma_start3A_32 : memref<256xi32, #tpu.memory_space<vmem>>) semaphore(%run_scoped3A : memref<!tpu.dma_semaphore, #tpu.memory_space<semaphore_mem>>) {add = true}
        %dma_wait3A = arith.constant 0 : i32
        %dma_wait3A_36 = tpu.memref_slice %arg5[%scan3A_30, %dma_wait3A] : memref<40x256xi32, #tpu.memory_space<vmem>> -> memref<1x256xi32, #tpu.memory_space<vmem>>
        %dma_wait3A_37 = tpu.memref_squeeze %dma_wait3A_36 : memref<1x256xi32, #tpu.memory_space<vmem>> -> memref<256xi32, #tpu.memory_space<vmem>>
        %dma_wait3A_38 = arith.constant 0 : i32
        %dma_wait3A_39 = arith.constant 0 : i32
        %dma_wait3A_40 = tpu.memref_slice %arg8[%dma_wait3A_38, %dma_wait3A_39] : memref<10240x16xf32, #tpu.memory_space<vmem_shared>> -> memref<10240x16xf32, #tpu.memory_space<vmem_shared>>
        tpu.wait_indirect_dma semaphore(%run_scoped3A : memref<!tpu.dma_semaphore, #tpu.memory_space<semaphore_mem>>) src(%arg6 : memref<256x16xf32, #tpu.memory_space<vmem>>) dst(%dma_wait3A_40 : memref<10240x16xf32, #tpu.memory_space<vmem_shared>>)
        tpu.yield
      }) : () -> ()
    }
    %scan3A_21 = arith.constant 40 : i32
    %barrier3A_22 = arith.constant 0 : index
    tpu.barrier barrier_id(%barrier3A_22)
    "tpu.region"() ({
      %run_scoped3A = tpu.sem_alloc : memref<!tpu.dma_semaphore, #tpu.memory_space<semaphore_mem>>
      %dma_start3A = arith.constant 0 : i32
      %dma_start3A_30 = tpu.memref_slice %arg8[%mul3A_15, %dma_start3A] : memref<10240x16xf32, #tpu.memory_space<vmem_shared>> -> memref<640x16xf32, #tpu.memory_space<vmem_shared>>
      %dma_start3A_31 = arith.constant 0 : i32
      %dma_start3A_32 = tpu.memref_slice %arg8[%mul3A_15, %dma_start3A_31] : memref<10240x16xf32, #tpu.memory_space<vmem_shared>> -> memref<640x16xf32, #tpu.memory_space<vmem_shared>>
      tpu.enqueue_dma source(%dma_start3A_32 : memref<640x16xf32, #tpu.memory_space<vmem_shared>>) target(%arg7 : memref<640x16xf32, #tpu.memory_space<vmem>>) target_semaphore(%run_scoped3A : memref<!tpu.dma_semaphore, #tpu.memory_space<semaphore_mem>>)
      %dma_wait3A = arith.constant 0 : i32
      %dma_wait3A_33 = tpu.memref_slice %arg8[%mul3A_15, %dma_wait3A] : memref<10240x16xf32, #tpu.memory_space<vmem_shared>> -> memref<640x16xf32, #tpu.memory_space<vmem_shared>>
      %dma_wait3A_34 = arith.constant 0 : i32
      %dma_wait3A_35 = tpu.memref_slice %arg8[%mul3A_15, %dma_wait3A_34] : memref<10240x16xf32, #tpu.memory_space<vmem_shared>> -> memref<640x16xf32, #tpu.memory_space<vmem_shared>>
      tpu.wait_dma2 semaphore(%run_scoped3A : memref<!tpu.dma_semaphore, #tpu.memory_space<semaphore_mem>>) src(%dma_wait3A_35 : memref<640x16xf32, #tpu.memory_space<vmem_shared>>) dst(%arg7 : memref<640x16xf32, #tpu.memory_space<vmem>>)
      tpu.yield
    }) : () -> ()
    %eq3A = arith.constant 0 : i32
    %eq3A_23 = arith.cmpi eq, %arg0, %eq3A : i32
    %convert_element_type3A = arith.extui %eq3A_23 : i1 to i32
    %cond3A = arith.constant 0 : i32
    %cond3A_24 = arith.cmpi ne, %convert_element_type3A, %cond3A : i32
    scf.if %cond3A_24 {
      "tpu.region"() ({
        %run_scoped3A = tpu.sem_alloc : memref<!tpu.dma_semaphore, #tpu.memory_space<semaphore_mem>>
        %dma_start3A = arith.constant 0 : i32
        %dma_start3A_30 = tpu.memref_slice %arg3[%mul3A_15, %dma_start3A] : memref<10240x16xf32, #tpu.memory_space<hbm>> -> memref<640x16xf32, #tpu.memory_space<hbm>>
        %dma_start3A_31 = arith.constant 0 : i32
        %dma_start3A_32 = tpu.memref_slice %arg3[%mul3A_15, %dma_start3A_31] : memref<10240x16xf32, #tpu.memory_space<hbm>> -> memref<640x16xf32, #tpu.memory_space<hbm>>
        tpu.enqueue_dma source(%arg7 : memref<640x16xf32, #tpu.memory_space<vmem>>) target(%dma_start3A_32 : memref<640x16xf32, #tpu.memory_space<hbm>>) target_semaphore(%run_scoped3A : memref<!tpu.dma_semaphore, #tpu.memory_space<semaphore_mem>>)
        %dma_wait3A = arith.constant 0 : i32
        %dma_wait3A_33 = tpu.memref_slice %arg3[%mul3A_15, %dma_wait3A] : memref<10240x16xf32, #tpu.memory_space<hbm>> -> memref<640x16xf32, #tpu.memory_space<hbm>>
        %dma_wait3A_34 = arith.constant 0 : i32
        %dma_wait3A_35 = tpu.memref_slice %arg3[%mul3A_15, %dma_wait3A_34] : memref<10240x16xf32, #tpu.memory_space<hbm>> -> memref<640x16xf32, #tpu.memory_space<hbm>>
        tpu.wait_dma2 semaphore(%run_scoped3A : memref<!tpu.dma_semaphore, #tpu.memory_space<semaphore_mem>>) src(%arg7 : memref<640x16xf32, #tpu.memory_space<vmem>>) dst(%dma_wait3A_35 : memref<640x16xf32, #tpu.memory_space<hbm>>)
        tpu.yield
      }) : () -> ()
    } else {
    }
    %eq3A_25 = arith.constant 1 : i32
    %eq3A_26 = arith.cmpi eq, %arg0, %eq3A_25 : i32
    %convert_element_type3A_27 = arith.extui %eq3A_26 : i1 to i32
    %cond3A_28 = arith.constant 0 : i32
    %cond3A_29 = arith.cmpi ne, %convert_element_type3A_27, %cond3A_28 : i32
    scf.if %cond3A_29 {
      "tpu.region"() ({
        %run_scoped3A = tpu.sem_alloc : memref<!tpu.dma_semaphore, #tpu.memory_space<semaphore_mem>>
        %dma_start3A = arith.constant 0 : i32
        %dma_start3A_30 = tpu.memref_slice %arg4[%mul3A_15, %dma_start3A] : memref<10240x16xf32, #tpu.memory_space<hbm>> -> memref<640x16xf32, #tpu.memory_space<hbm>>
        %dma_start3A_31 = arith.constant 0 : i32
        %dma_start3A_32 = tpu.memref_slice %arg4[%mul3A_15, %dma_start3A_31] : memref<10240x16xf32, #tpu.memory_space<hbm>> -> memref<640x16xf32, #tpu.memory_space<hbm>>
        tpu.enqueue_dma source(%arg7 : memref<640x16xf32, #tpu.memory_space<vmem>>) target(%dma_start3A_32 : memref<640x16xf32, #tpu.memory_space<hbm>>) target_semaphore(%run_scoped3A : memref<!tpu.dma_semaphore, #tpu.memory_space<semaphore_mem>>)
        %dma_wait3A = arith.constant 0 : i32
        %dma_wait3A_33 = tpu.memref_slice %arg4[%mul3A_15, %dma_wait3A] : memref<10240x16xf32, #tpu.memory_space<hbm>> -> memref<640x16xf32, #tpu.memory_space<hbm>>
        %dma_wait3A_34 = arith.constant 0 : i32
        %dma_wait3A_35 = tpu.memref_slice %arg4[%mul3A_15, %dma_wait3A_34] : memref<10240x16xf32, #tpu.memory_space<hbm>> -> memref<640x16xf32, #tpu.memory_space<hbm>>
        tpu.wait_dma2 semaphore(%run_scoped3A : memref<!tpu.dma_semaphore, #tpu.memory_space<semaphore_mem>>) src(%arg7 : memref<640x16xf32, #tpu.memory_space<vmem>>) dst(%dma_wait3A_35 : memref<640x16xf32, #tpu.memory_space<hbm>>)
        tpu.yield
      }) : () -> ()
    } else {
    }
    return
  }
}

#map = affine_map<(d0, d1) -> (0, 0)>
module attributes {stable_mosaic.version = 14 : i64} {
  func.func @body(%arg0: i32, %arg1: i32, %arg2: memref<1280x256xi32, #tpu.memory_space<hbm>>, %arg3: memref<1280x256xi32, #tpu.memory_space<hbm>>, %arg4: memref<10240x16xf32, #tpu.memory_space<hbm>>, %arg5: memref<10240x16xf32, #tpu.memory_space<hbm>>, %arg6: memref<10240x16xf32, #tpu.memory_space<hbm>>, %arg7: memref<36x256xi32, #tpu.memory_space<vmem>>, %arg8: memref<36x256xi32, #tpu.memory_space<vmem>>, %arg9: memref<256x16xf32, #tpu.memory_space<vmem>>, %arg10: memref<256x16xf32, #tpu.memory_space<vmem>>, %arg11: memref<256x16xf32, #tpu.memory_space<vmem>>, %arg12: memref<160x16xf32, #tpu.memory_space<vmem>>, %arg13: memref<10240x16xf32, #tpu.memory_space<vmem_shared>>, %arg14: memref<!tpu.dma_semaphore, #tpu.memory_space<semaphore_mem>>, %arg15: memref<!tpu.dma_semaphore, #tpu.memory_space<semaphore_mem>>, %arg16: memref<!tpu.dma_semaphore, #tpu.memory_space<semaphore_mem>>, %arg17: memref<!tpu.dma_semaphore, #tpu.memory_space<semaphore_mem>>, %arg18: memref<!tpu.dma_semaphore, #tpu.memory_space<semaphore_mem>>, %arg19: memref<!tpu.dma_semaphore, #tpu.memory_space<semaphore_mem>>) attributes {dimension_semantics = [#tpu.dimension_semantics<core_parallel>, #tpu.dimension_semantics<subcore_parallel>], iteration_bounds = array<i64: 2, 16>, scalar_prefetch = 0 : i64, scratch_operands = 13 : i64, tpu.core_type = #tpu.core_type<sc_vector_subcore>, window_params = [{transform_indices = #map}, {transform_indices = #map}, {transform_indices = #map}, {transform_indices = #map}, {transform_indices = #map}]} {
    %scan3A = arith.constant 0 : i32
    %scan3A_0 = arith.constant 0 : i32
    %scan3A_1 = arith.constant 160 : i32
    %scan3A_2 = arith.addi %scan3A_0, %scan3A_1 : i32
    %scan3A_3 = arith.constant 1 : i32
    scf.for %scan3A_83 = %scan3A_0 to %scan3A_2 step %scan3A_3  : i32 {
      %broadcast_in_dim3A = arith.constant 0.000000e+00 : f32
      %broadcast_in_dim3A_84 = vector.broadcast %broadcast_in_dim3A : f32 to vector<16xf32>
      %swap3A = arith.index_cast %scan3A_83 : i32 to index
      %swap3A_85 = arith.constant 0 : index
      %swap3A_86 = tpu.vector_load %arg12[%swap3A, %swap3A_85] {strides = array<i32>} : memref<160x16xf32, #tpu.memory_space<vmem>>, vector<1x16xf32>,
      %swap3A_87 = vector.shape_cast %swap3A_86 : vector<1x16xf32> to vector<16xf32>
      %swap3A_88 = vector.shape_cast %broadcast_in_dim3A_84 : vector<16xf32> to vector<1x16xf32>
      tpu.vector_store %arg12[%swap3A, %swap3A_85], %swap3A_88 {strides = array<i32>} : memref<160x16xf32, #tpu.memory_space<vmem>>, vector<1x16xf32>,
    }
    %scan3A_4 = arith.constant 160 : i32
    %mul3A = arith.constant 640 : i32
    %mul3A_5 = arith.muli %arg1, %mul3A : i32
    %add3A = arith.constant 0 : i32
    %add3A_6 = arith.addi %mul3A_5, %add3A : i32
    "tpu.region"() ({
      %run_scoped3A = tpu.sem_alloc : memref<!tpu.dma_semaphore, #tpu.memory_space<semaphore_mem>>
      %dma_start3A = arith.constant 0 : i32
      %dma_start3A_83 = tpu.memref_slice %arg13[%add3A_6, %dma_start3A] : memref<10240x16xf32, #tpu.memory_space<vmem_shared>> -> memref<160x16xf32, #tpu.memory_space<vmem_shared>>
      %dma_start3A_84 = arith.constant 0 : i32
      %dma_start3A_85 = tpu.memref_slice %arg13[%add3A_6, %dma_start3A_84] : memref<10240x16xf32, #tpu.memory_space<vmem_shared>> -> memref<160x16xf32, #tpu.memory_space<vmem_shared>>
      tpu.enqueue_dma source(%arg12 : memref<160x16xf32, #tpu.memory_space<vmem>>) target(%dma_start3A_85 : memref<160x16xf32, #tpu.memory_space<vmem_shared>>) target_semaphore(%run_scoped3A : memref<!tpu.dma_semaphore, #tpu.memory_space<semaphore_mem>>)
      %dma_wait3A = arith.constant 0 : i32
      %dma_wait3A_86 = tpu.memref_slice %arg13[%add3A_6, %dma_wait3A] : memref<10240x16xf32, #tpu.memory_space<vmem_shared>> -> memref<160x16xf32, #tpu.memory_space<vmem_shared>>
      %dma_wait3A_87 = arith.constant 0 : i32
      %dma_wait3A_88 = tpu.memref_slice %arg13[%add3A_6, %dma_wait3A_87] : memref<10240x16xf32, #tpu.memory_space<vmem_shared>> -> memref<160x16xf32, #tpu.memory_space<vmem_shared>>
      tpu.wait_dma2 semaphore(%run_scoped3A : memref<!tpu.dma_semaphore, #tpu.memory_space<semaphore_mem>>) src(%arg12 : memref<160x16xf32, #tpu.memory_space<vmem>>) dst(%dma_wait3A_88 : memref<160x16xf32, #tpu.memory_space<vmem_shared>>)
      tpu.yield
    }) : () -> ()
    %mul3A_7 = arith.constant 640 : i32
    %mul3A_8 = arith.muli %arg1, %mul3A_7 : i32
    %add3A_9 = arith.constant 160 : i32
    %add3A_10 = arith.addi %mul3A_8, %add3A_9 : i32
    "tpu.region"() ({
      %run_scoped3A = tpu.sem_alloc : memref<!tpu.dma_semaphore, #tpu.memory_space<semaphore_mem>>
      %dma_start3A = arith.constant 0 : i32
      %dma_start3A_83 = tpu.memref_slice %arg13[%add3A_10, %dma_start3A] : memref<10240x16xf32, #tpu.memory_space<vmem_shared>> -> memref<160x16xf32, #tpu.memory_space<vmem_shared>>
      %dma_start3A_84 = arith.constant 0 : i32
      %dma_start3A_85 = tpu.memref_slice %arg13[%add3A_10, %dma_start3A_84] : memref<10240x16xf32, #tpu.memory_space<vmem_shared>> -> memref<160x16xf32, #tpu.memory_space<vmem_shared>>
      tpu.enqueue_dma source(%arg12 : memref<160x16xf32, #tpu.memory_space<vmem>>) target(%dma_start3A_85 : memref<160x16xf32, #tpu.memory_space<vmem_shared>>) target_semaphore(%run_scoped3A : memref<!tpu.dma_semaphore, #tpu.memory_space<semaphore_mem>>)
      %dma_wait3A = arith.constant 0 : i32
      %dma_wait3A_86 = tpu.memref_slice %arg13[%add3A_10, %dma_wait3A] : memref<10240x16xf32, #tpu.memory_space<vmem_shared>> -> memref<160x16xf32, #tpu.memory_space<vmem_shared>>
      %dma_wait3A_87 = arith.constant 0 : i32
      %dma_wait3A_88 = tpu.memref_slice %arg13[%add3A_10, %dma_wait3A_87] : memref<10240x16xf32, #tpu.memory_space<vmem_shared>> -> memref<160x16xf32, #tpu.memory_space<vmem_shared>>
      tpu.wait_dma2 semaphore(%run_scoped3A : memref<!tpu.dma_semaphore, #tpu.memory_space<semaphore_mem>>) src(%arg12 : memref<160x16xf32, #tpu.memory_space<vmem>>) dst(%dma_wait3A_88 : memref<160x16xf32, #tpu.memory_space<vmem_shared>>)
      tpu.yield
    }) : () -> ()
    %mul3A_11 = arith.constant 640 : i32
    %mul3A_12 = arith.muli %arg1, %mul3A_11 : i32
    %add3A_13 = arith.constant 320 : i32
    %add3A_14 = arith.addi %mul3A_12, %add3A_13 : i32
    "tpu.region"() ({
      %run_scoped3A = tpu.sem_alloc : memref<!tpu.dma_semaphore, #tpu.memory_space<semaphore_mem>>
      %dma_start3A = arith.constant 0 : i32
      %dma_start3A_83 = tpu.memref_slice %arg13[%add3A_14, %dma_start3A] : memref<10240x16xf32, #tpu.memory_space<vmem_shared>> -> memref<160x16xf32, #tpu.memory_space<vmem_shared>>
      %dma_start3A_84 = arith.constant 0 : i32
      %dma_start3A_85 = tpu.memref_slice %arg13[%add3A_14, %dma_start3A_84] : memref<10240x16xf32, #tpu.memory_space<vmem_shared>> -> memref<160x16xf32, #tpu.memory_space<vmem_shared>>
      tpu.enqueue_dma source(%arg12 : memref<160x16xf32, #tpu.memory_space<vmem>>) target(%dma_start3A_85 : memref<160x16xf32, #tpu.memory_space<vmem_shared>>) target_semaphore(%run_scoped3A : memref<!tpu.dma_semaphore, #tpu.memory_space<semaphore_mem>>)
      %dma_wait3A = arith.constant 0 : i32
      %dma_wait3A_86 = tpu.memref_slice %arg13[%add3A_14, %dma_wait3A] : memref<10240x16xf32, #tpu.memory_space<vmem_shared>> -> memref<160x16xf32, #tpu.memory_space<vmem_shared>>
      %dma_wait3A_87 = arith.constant 0 : i32
      %dma_wait3A_88 = tpu.memref_slice %arg13[%add3A_14, %dma_wait3A_87] : memref<10240x16xf32, #tpu.memory_space<vmem_shared>> -> memref<160x16xf32, #tpu.memory_space<vmem_shared>>
      tpu.wait_dma2 semaphore(%run_scoped3A : memref<!tpu.dma_semaphore, #tpu.memory_space<semaphore_mem>>) src(%arg12 : memref<160x16xf32, #tpu.memory_space<vmem>>) dst(%dma_wait3A_88 : memref<160x16xf32, #tpu.memory_space<vmem_shared>>)
      tpu.yield
    }) : () -> ()
    %mul3A_15 = arith.constant 640 : i32
    %mul3A_16 = arith.muli %arg1, %mul3A_15 : i32
    %add3A_17 = arith.constant 480 : i32
    %add3A_18 = arith.addi %mul3A_16, %add3A_17 : i32
    "tpu.region"() ({
      %run_scoped3A = tpu.sem_alloc : memref<!tpu.dma_semaphore, #tpu.memory_space<semaphore_mem>>
      %dma_start3A = arith.constant 0 : i32
      %dma_start3A_83 = tpu.memref_slice %arg13[%add3A_18, %dma_start3A] : memref<10240x16xf32, #tpu.memory_space<vmem_shared>> -> memref<160x16xf32, #tpu.memory_space<vmem_shared>>
      %dma_start3A_84 = arith.constant 0 : i32
      %dma_start3A_85 = tpu.memref_slice %arg13[%add3A_18, %dma_start3A_84] : memref<10240x16xf32, #tpu.memory_space<vmem_shared>> -> memref<160x16xf32, #tpu.memory_space<vmem_shared>>
      tpu.enqueue_dma source(%arg12 : memref<160x16xf32, #tpu.memory_space<vmem>>) target(%dma_start3A_85 : memref<160x16xf32, #tpu.memory_space<vmem_shared>>) target_semaphore(%run_scoped3A : memref<!tpu.dma_semaphore, #tpu.memory_space<semaphore_mem>>)
      %dma_wait3A = arith.constant 0 : i32
      %dma_wait3A_86 = tpu.memref_slice %arg13[%add3A_18, %dma_wait3A] : memref<10240x16xf32, #tpu.memory_space<vmem_shared>> -> memref<160x16xf32, #tpu.memory_space<vmem_shared>>
      %dma_wait3A_87 = arith.constant 0 : i32
      %dma_wait3A_88 = tpu.memref_slice %arg13[%add3A_18, %dma_wait3A_87] : memref<10240x16xf32, #tpu.memory_space<vmem_shared>> -> memref<160x16xf32, #tpu.memory_space<vmem_shared>>
      tpu.wait_dma2 semaphore(%run_scoped3A : memref<!tpu.dma_semaphore, #tpu.memory_space<semaphore_mem>>) src(%arg12 : memref<160x16xf32, #tpu.memory_space<vmem>>) dst(%dma_wait3A_88 : memref<160x16xf32, #tpu.memory_space<vmem_shared>>)
      tpu.yield
    }) : () -> ()
    %barrier3A = arith.constant 0 : index
    tpu.barrier barrier_id(%barrier3A)
    %eq3A = arith.constant 0 : i32
    %eq3A_19 = arith.cmpi eq, %arg0, %eq3A : i32
    %convert_element_type3A = arith.extui %eq3A_19 : i1 to i32
    %cond3A = arith.constant 0 : i32
    %cond3A_20 = arith.cmpi ne, %convert_element_type3A, %cond3A : i32
    scf.if %cond3A_20 {
      %mul3A_83 = arith.constant 76 : i32
      %mul3A_84 = arith.muli %arg1, %mul3A_83 : i32
      %add3A_85 = arith.constant 0 : i32
      %add3A_86 = arith.addi %mul3A_84, %add3A_85 : i32
      "tpu.region"() ({
        %run_scoped3A = tpu.sem_alloc : memref<!tpu.dma_semaphore, #tpu.memory_space<semaphore_mem>>
        %dma_start3A_170 = arith.constant 0 : i32
        %dma_start3A_171 = arith.constant 0 : i32
        %dma_start3A_172 = tpu.memref_slice %arg7[%dma_start3A_170, %dma_start3A_171] : memref<36x256xi32, #tpu.memory_space<vmem>> -> memref<36x256xi32, #tpu.memory_space<vmem>>
        %dma_start3A_173 = arith.constant 0 : i32
        %dma_start3A_174 = tpu.memref_slice %arg2[%add3A_86, %dma_start3A_173] : memref<1280x256xi32, #tpu.memory_space<hbm>> -> memref<36x256xi32, #tpu.memory_space<hbm>>
        %dma_start3A_175 = arith.constant 0 : i32
        %dma_start3A_176 = arith.constant 0 : i32
        %dma_start3A_177 = tpu.memref_slice %arg7[%dma_start3A_175, %dma_start3A_176] : memref<36x256xi32, #tpu.memory_space<vmem>> -> memref<36x256xi32, #tpu.memory_space<vmem>>
        %dma_start3A_178 = arith.constant 0 : i32
        %dma_start3A_179 = tpu.memref_slice %arg2[%add3A_86, %dma_start3A_178] : memref<1280x256xi32, #tpu.memory_space<hbm>> -> memref<36x256xi32, #tpu.memory_space<hbm>>
        tpu.enqueue_dma source(%dma_start3A_179 : memref<36x256xi32, #tpu.memory_space<hbm>>) target(%dma_start3A_177 : memref<36x256xi32, #tpu.memory_space<vmem>>) target_semaphore(%run_scoped3A : memref<!tpu.dma_semaphore, #tpu.memory_space<semaphore_mem>>)
        %dma_wait3A = arith.constant 0 : i32
        %dma_wait3A_180 = arith.constant 0 : i32
        %dma_wait3A_181 = tpu.memref_slice %arg7[%dma_wait3A, %dma_wait3A_180] : memref<36x256xi32, #tpu.memory_space<vmem>> -> memref<36x256xi32, #tpu.memory_space<vmem>>
        %dma_wait3A_182 = arith.constant 0 : i32
        %dma_wait3A_183 = tpu.memref_slice %arg2[%add3A_86, %dma_wait3A_182] : memref<1280x256xi32, #tpu.memory_space<hbm>> -> memref<36x256xi32, #tpu.memory_space<hbm>>
        %dma_wait3A_184 = arith.constant 0 : i32
        %dma_wait3A_185 = arith.constant 0 : i32
        %dma_wait3A_186 = tpu.memref_slice %arg7[%dma_wait3A_184, %dma_wait3A_185] : memref<36x256xi32, #tpu.memory_space<vmem>> -> memref<36x256xi32, #tpu.memory_space<vmem>>
        %dma_wait3A_187 = arith.constant 0 : i32
        %dma_wait3A_188 = tpu.memref_slice %arg2[%add3A_86, %dma_wait3A_187] : memref<1280x256xi32, #tpu.memory_space<hbm>> -> memref<36x256xi32, #tpu.memory_space<hbm>>
        tpu.wait_dma2 semaphore(%run_scoped3A : memref<!tpu.dma_semaphore, #tpu.memory_space<semaphore_mem>>) src(%dma_wait3A_188 : memref<36x256xi32, #tpu.memory_space<hbm>>) dst(%dma_wait3A_186 : memref<36x256xi32, #tpu.memory_space<vmem>>)
        tpu.yield
      }) : () -> ()
      %add3A_87 = arith.constant 0 : i32
      %add3A_88 = arith.addi %mul3A_84, %add3A_87 : i32
      "tpu.region"() ({
        %run_scoped3A = tpu.sem_alloc : memref<!tpu.dma_semaphore, #tpu.memory_space<semaphore_mem>>
        %dma_start3A_170 = arith.constant 0 : i32
        %dma_start3A_171 = arith.constant 0 : i32
        %dma_start3A_172 = tpu.memref_slice %arg8[%dma_start3A_170, %dma_start3A_171] : memref<36x256xi32, #tpu.memory_space<vmem>> -> memref<36x256xi32, #tpu.memory_space<vmem>>
        %dma_start3A_173 = arith.constant 0 : i32
        %dma_start3A_174 = tpu.memref_slice %arg3[%add3A_88, %dma_start3A_173] : memref<1280x256xi32, #tpu.memory_space<hbm>> -> memref<36x256xi32, #tpu.memory_space<hbm>>
        %dma_start3A_175 = arith.constant 0 : i32
        %dma_start3A_176 = arith.constant 0 : i32
        %dma_start3A_177 = tpu.memref_slice %arg8[%dma_start3A_175, %dma_start3A_176] : memref<36x256xi32, #tpu.memory_space<vmem>> -> memref<36x256xi32, #tpu.memory_space<vmem>>
        %dma_start3A_178 = arith.constant 0 : i32
        %dma_start3A_179 = tpu.memref_slice %arg3[%add3A_88, %dma_start3A_178] : memref<1280x256xi32, #tpu.memory_space<hbm>> -> memref<36x256xi32, #tpu.memory_space<hbm>>
        tpu.enqueue_dma source(%dma_start3A_179 : memref<36x256xi32, #tpu.memory_space<hbm>>) target(%dma_start3A_177 : memref<36x256xi32, #tpu.memory_space<vmem>>) target_semaphore(%run_scoped3A : memref<!tpu.dma_semaphore, #tpu.memory_space<semaphore_mem>>)
        %dma_wait3A = arith.constant 0 : i32
        %dma_wait3A_180 = arith.constant 0 : i32
        %dma_wait3A_181 = tpu.memref_slice %arg8[%dma_wait3A, %dma_wait3A_180] : memref<36x256xi32, #tpu.memory_space<vmem>> -> memref<36x256xi32, #tpu.memory_space<vmem>>
        %dma_wait3A_182 = arith.constant 0 : i32
        %dma_wait3A_183 = tpu.memref_slice %arg3[%add3A_88, %dma_wait3A_182] : memref<1280x256xi32, #tpu.memory_space<hbm>> -> memref<36x256xi32, #tpu.memory_space<hbm>>
        %dma_wait3A_184 = arith.constant 0 : i32
        %dma_wait3A_185 = arith.constant 0 : i32
        %dma_wait3A_186 = tpu.memref_slice %arg8[%dma_wait3A_184, %dma_wait3A_185] : memref<36x256xi32, #tpu.memory_space<vmem>> -> memref<36x256xi32, #tpu.memory_space<vmem>>
        %dma_wait3A_187 = arith.constant 0 : i32
        %dma_wait3A_188 = tpu.memref_slice %arg3[%add3A_88, %dma_wait3A_187] : memref<1280x256xi32, #tpu.memory_space<hbm>> -> memref<36x256xi32, #tpu.memory_space<hbm>>
        tpu.wait_dma2 semaphore(%run_scoped3A : memref<!tpu.dma_semaphore, #tpu.memory_space<semaphore_mem>>) src(%dma_wait3A_188 : memref<36x256xi32, #tpu.memory_space<hbm>>) dst(%dma_wait3A_186 : memref<36x256xi32, #tpu.memory_space<vmem>>)
        tpu.yield
      }) : () -> ()
      %dma_start3A = arith.constant 0 : i32
      %dma_start3A_89 = arith.constant 0 : i32
      %dma_start3A_90 = tpu.memref_slice %arg7[%dma_start3A, %dma_start3A_89] : memref<36x256xi32, #tpu.memory_space<vmem>> -> memref<1x256xi32, #tpu.memory_space<vmem>>
      %dma_start3A_91 = tpu.memref_squeeze %dma_start3A_90 : memref<1x256xi32, #tpu.memory_space<vmem>> -> memref<256xi32, #tpu.memory_space<vmem>>
      %dma_start3A_92 = arith.constant 0 : i32
      %dma_start3A_93 = arith.constant 0 : i32
      %dma_start3A_94 = tpu.memref_slice %arg4[%dma_start3A_92, %dma_start3A_93] : memref<10240x16xf32, #tpu.memory_space<hbm>> -> memref<10240x16xf32, #tpu.memory_space<hbm>>
      tpu.enqueue_indirect_dma source(%dma_start3A_94 : memref<10240x16xf32, #tpu.memory_space<hbm>>) target(%arg9 : memref<256x16xf32, #tpu.memory_space<vmem>>) offsets(%dma_start3A_91 : memref<256xi32, #tpu.memory_space<vmem>>) semaphore(%arg14 : memref<!tpu.dma_semaphore, #tpu.memory_space<semaphore_mem>>)
      %dma_start3A_95 = arith.constant 1 : i32
      %dma_start3A_96 = arith.constant 0 : i32
      %dma_start3A_97 = tpu.memref_slice %arg7[%dma_start3A_95, %dma_start3A_96] : memref<36x256xi32, #tpu.memory_space<vmem>> -> memref<1x256xi32, #tpu.memory_space<vmem>>
      %dma_start3A_98 = tpu.memref_squeeze %dma_start3A_97 : memref<1x256xi32, #tpu.memory_space<vmem>> -> memref<256xi32, #tpu.memory_space<vmem>>
      %dma_start3A_99 = arith.constant 0 : i32
      %dma_start3A_100 = arith.constant 0 : i32
      %dma_start3A_101 = tpu.memref_slice %arg4[%dma_start3A_99, %dma_start3A_100] : memref<10240x16xf32, #tpu.memory_space<hbm>> -> memref<10240x16xf32, #tpu.memory_space<hbm>>
      tpu.enqueue_indirect_dma source(%dma_start3A_101 : memref<10240x16xf32, #tpu.memory_space<hbm>>) target(%arg10 : memref<256x16xf32, #tpu.memory_space<vmem>>) offsets(%dma_start3A_98 : memref<256xi32, #tpu.memory_space<vmem>>) semaphore(%arg15 : memref<!tpu.dma_semaphore, #tpu.memory_space<semaphore_mem>>)
      %dma_start3A_102 = arith.constant 2 : i32
      %dma_start3A_103 = arith.constant 0 : i32
      %dma_start3A_104 = tpu.memref_slice %arg7[%dma_start3A_102, %dma_start3A_103] : memref<36x256xi32, #tpu.memory_space<vmem>> -> memref<1x256xi32, #tpu.memory_space<vmem>>
      %dma_start3A_105 = tpu.memref_squeeze %dma_start3A_104 : memref<1x256xi32, #tpu.memory_space<vmem>> -> memref<256xi32, #tpu.memory_space<vmem>>
      %dma_start3A_106 = arith.constant 0 : i32
      %dma_start3A_107 = arith.constant 0 : i32
      %dma_start3A_108 = tpu.memref_slice %arg4[%dma_start3A_106, %dma_start3A_107] : memref<10240x16xf32, #tpu.memory_space<hbm>> -> memref<10240x16xf32, #tpu.memory_space<hbm>>
      tpu.enqueue_indirect_dma source(%dma_start3A_108 : memref<10240x16xf32, #tpu.memory_space<hbm>>) target(%arg11 : memref<256x16xf32, #tpu.memory_space<vmem>>) offsets(%dma_start3A_105 : memref<256xi32, #tpu.memory_space<vmem>>) semaphore(%arg16 : memref<!tpu.dma_semaphore, #tpu.memory_space<semaphore_mem>>)
      %scan3A_109 = arith.constant 0 : i32
      %scan3A_110 = arith.constant 0 : i32
      %scan3A_111 = arith.constant 12 : i32
      %scan3A_112 = arith.addi %scan3A_110, %scan3A_111 : i32
      %scan3A_113 = arith.constant 1 : i32
      scf.for %scan3A_170 = %scan3A_110 to %scan3A_112 step %scan3A_113  : i32 {
        %mul3A_171 = arith.constant 3 : i32
        %mul3A_172 = arith.muli %mul3A_171, %scan3A_170 : i32
        %add3A_173 = arith.constant 0 : i32
        %add3A_174 = arith.addi %mul3A_172, %add3A_173 : i32
        %dma_wait3A = arith.constant 0 : i32
        %dma_wait3A_175 = tpu.memref_slice %arg7[%add3A_174, %dma_wait3A] : memref<36x256xi32, #tpu.memory_space<vmem>> -> memref<1x256xi32, #tpu.memory_space<vmem>>
        %dma_wait3A_176 = tpu.memref_squeeze %dma_wait3A_175 : memref<1x256xi32, #tpu.memory_space<vmem>> -> memref<256xi32, #tpu.memory_space<vmem>>
        %dma_wait3A_177 = arith.constant 0 : i32
        %dma_wait3A_178 = arith.constant 0 : i32
        %dma_wait3A_179 = tpu.memref_slice %arg4[%dma_wait3A_177, %dma_wait3A_178] : memref<10240x16xf32, #tpu.memory_space<hbm>> -> memref<10240x16xf32, #tpu.memory_space<hbm>>
        tpu.wait_indirect_dma semaphore(%arg14 : memref<!tpu.dma_semaphore, #tpu.memory_space<semaphore_mem>>) src(%dma_wait3A_179 : memref<10240x16xf32, #tpu.memory_space<hbm>>) dst(%arg9 : memref<256x16xf32, #tpu.memory_space<vmem>>)
        %add3A_180 = arith.constant 0 : i32
        %add3A_181 = arith.addi %mul3A_172, %add3A_180 : i32
        %dma_start3A_182 = arith.constant 0 : i32
        %dma_start3A_183 = tpu.memref_slice %arg8[%add3A_181, %dma_start3A_182] : memref<36x256xi32, #tpu.memory_space<vmem>> -> memref<1x256xi32, #tpu.memory_space<vmem>>
        %dma_start3A_184 = tpu.memref_squeeze %dma_start3A_183 : memref<1x256xi32, #tpu.memory_space<vmem>> -> memref<256xi32, #tpu.memory_space<vmem>>
        %dma_start3A_185 = arith.constant 0 : i32
        %dma_start3A_186 = arith.constant 0 : i32
        %dma_start3A_187 = tpu.memref_slice %arg13[%dma_start3A_185, %dma_start3A_186] : memref<10240x16xf32, #tpu.memory_space<vmem_shared>> -> memref<10240x16xf32, #tpu.memory_space<vmem_shared>>
        tpu.enqueue_indirect_dma source(%arg9 : memref<256x16xf32, #tpu.memory_space<vmem>>) target(%dma_start3A_187 : memref<10240x16xf32, #tpu.memory_space<vmem_shared>>) offsets(%dma_start3A_184 : memref<256xi32, #tpu.memory_space<vmem>>) semaphore(%arg17 : memref<!tpu.dma_semaphore, #tpu.memory_space<semaphore_mem>>) {add = true}
        %add3A_188 = arith.constant 1 : i32
        %add3A_189 = arith.addi %mul3A_172, %add3A_188 : i32
        %dma_wait3A_190 = arith.constant 0 : i32
        %dma_wait3A_191 = tpu.memref_slice %arg7[%add3A_189, %dma_wait3A_190] : memref<36x256xi32, #tpu.memory_space<vmem>> -> memref<1x256xi32, #tpu.memory_space<vmem>>
        %dma_wait3A_192 = tpu.memref_squeeze %dma_wait3A_191 : memref<1x256xi32, #tpu.memory_space<vmem>> -> memref<256xi32, #tpu.memory_space<vmem>>
        %dma_wait3A_193 = arith.constant 0 : i32
        %dma_wait3A_194 = arith.constant 0 : i32
        %dma_wait3A_195 = tpu.memref_slice %arg4[%dma_wait3A_193, %dma_wait3A_194] : memref<10240x16xf32, #tpu.memory_space<hbm>> -> memref<10240x16xf32, #tpu.memory_space<hbm>>
        tpu.wait_indirect_dma semaphore(%arg15 : memref<!tpu.dma_semaphore, #tpu.memory_space<semaphore_mem>>) src(%dma_wait3A_195 : memref<10240x16xf32, #tpu.memory_space<hbm>>) dst(%arg10 : memref<256x16xf32, #tpu.memory_space<vmem>>)
        %add3A_196 = arith.constant 1 : i32
        %add3A_197 = arith.addi %mul3A_172, %add3A_196 : i32
        %dma_start3A_198 = arith.constant 0 : i32
        %dma_start3A_199 = tpu.memref_slice %arg8[%add3A_197, %dma_start3A_198] : memref<36x256xi32, #tpu.memory_space<vmem>> -> memref<1x256xi32, #tpu.memory_space<vmem>>
        %dma_start3A_200 = tpu.memref_squeeze %dma_start3A_199 : memref<1x256xi32, #tpu.memory_space<vmem>> -> memref<256xi32, #tpu.memory_space<vmem>>
        %dma_start3A_201 = arith.constant 0 : i32
        %dma_start3A_202 = arith.constant 0 : i32
        %dma_start3A_203 = tpu.memref_slice %arg13[%dma_start3A_201, %dma_start3A_202] : memref<10240x16xf32, #tpu.memory_space<vmem_shared>> -> memref<10240x16xf32, #tpu.memory_space<vmem_shared>>
        tpu.enqueue_indirect_dma source(%arg10 : memref<256x16xf32, #tpu.memory_space<vmem>>) target(%dma_start3A_203 : memref<10240x16xf32, #tpu.memory_space<vmem_shared>>) offsets(%dma_start3A_200 : memref<256xi32, #tpu.memory_space<vmem>>) semaphore(%arg18 : memref<!tpu.dma_semaphore, #tpu.memory_space<semaphore_mem>>) {add = true}
        %add3A_204 = arith.constant 2 : i32
        %add3A_205 = arith.addi %mul3A_172, %add3A_204 : i32
        %dma_wait3A_206 = arith.constant 0 : i32
        %dma_wait3A_207 = tpu.memref_slice %arg7[%add3A_205, %dma_wait3A_206] : memref<36x256xi32, #tpu.memory_space<vmem>> -> memref<1x256xi32, #tpu.memory_space<vmem>>
        %dma_wait3A_208 = tpu.memref_squeeze %dma_wait3A_207 : memref<1x256xi32, #tpu.memory_space<vmem>> -> memref<256xi32, #tpu.memory_space<vmem>>
        %dma_wait3A_209 = arith.constant 0 : i32
        %dma_wait3A_210 = arith.constant 0 : i32
        %dma_wait3A_211 = tpu.memref_slice %arg4[%dma_wait3A_209, %dma_wait3A_210] : memref<10240x16xf32, #tpu.memory_space<hbm>> -> memref<10240x16xf32, #tpu.memory_space<hbm>>
        tpu.wait_indirect_dma semaphore(%arg16 : memref<!tpu.dma_semaphore, #tpu.memory_space<semaphore_mem>>) src(%dma_wait3A_211 : memref<10240x16xf32, #tpu.memory_space<hbm>>) dst(%arg11 : memref<256x16xf32, #tpu.memory_space<vmem>>)
        %add3A_212 = arith.constant 2 : i32
        %add3A_213 = arith.addi %mul3A_172, %add3A_212 : i32
        %dma_start3A_214 = arith.constant 0 : i32
        %dma_start3A_215 = tpu.memref_slice %arg8[%add3A_213, %dma_start3A_214] : memref<36x256xi32, #tpu.memory_space<vmem>> -> memref<1x256xi32, #tpu.memory_space<vmem>>
        %dma_start3A_216 = tpu.memref_squeeze %dma_start3A_215 : memref<1x256xi32, #tpu.memory_space<vmem>> -> memref<256xi32, #tpu.memory_space<vmem>>
        %dma_start3A_217 = arith.constant 0 : i32
        %dma_start3A_218 = arith.constant 0 : i32
        %dma_start3A_219 = tpu.memref_slice %arg13[%dma_start3A_217, %dma_start3A_218] : memref<10240x16xf32, #tpu.memory_space<vmem_shared>> -> memref<10240x16xf32, #tpu.memory_space<vmem_shared>>
        tpu.enqueue_indirect_dma source(%arg11 : memref<256x16xf32, #tpu.memory_space<vmem>>) target(%dma_start3A_219 : memref<10240x16xf32, #tpu.memory_space<vmem_shared>>) offsets(%dma_start3A_216 : memref<256xi32, #tpu.memory_space<vmem>>) semaphore(%arg19 : memref<!tpu.dma_semaphore, #tpu.memory_space<semaphore_mem>>) {add = true}
        %add3A_220 = arith.constant 0 : i32
        %add3A_221 = arith.addi %mul3A_172, %add3A_220 : i32
        %dma_wait3A_222 = arith.constant 0 : i32
        %dma_wait3A_223 = tpu.memref_slice %arg8[%add3A_221, %dma_wait3A_222] : memref<36x256xi32, #tpu.memory_space<vmem>> -> memref<1x256xi32, #tpu.memory_space<vmem>>
        %dma_wait3A_224 = tpu.memref_squeeze %dma_wait3A_223 : memref<1x256xi32, #tpu.memory_space<vmem>> -> memref<256xi32, #tpu.memory_space<vmem>>
        %dma_wait3A_225 = arith.constant 0 : i32
        %dma_wait3A_226 = arith.constant 0 : i32
        %dma_wait3A_227 = tpu.memref_slice %arg13[%dma_wait3A_225, %dma_wait3A_226] : memref<10240x16xf32, #tpu.memory_space<vmem_shared>> -> memref<10240x16xf32, #tpu.memory_space<vmem_shared>>
        tpu.wait_indirect_dma semaphore(%arg17 : memref<!tpu.dma_semaphore, #tpu.memory_space<semaphore_mem>>) src(%arg9 : memref<256x16xf32, #tpu.memory_space<vmem>>) dst(%dma_wait3A_227 : memref<10240x16xf32, #tpu.memory_space<vmem_shared>>)
        %lt3A = arith.constant 11 : i32
        %lt3A_228 = arith.cmpi slt, %scan3A_170, %lt3A : i32
        %convert_element_type3A_229 = arith.extui %lt3A_228 : i1 to i32
        %cond3A_230 = arith.constant 0 : i32
        %cond3A_231 = arith.cmpi ne, %convert_element_type3A_229, %cond3A_230 : i32
        scf.if %cond3A_231 {
          %add3A_258 = arith.constant 0 : i32
          %add3A_259 = arith.addi %mul3A_172, %add3A_258 : i32
          %add3A_260 = arith.constant 3 : i32
          %add3A_261 = arith.addi %add3A_259, %add3A_260 : i32
          %dma_start3A_262 = arith.constant 0 : i32
          %dma_start3A_263 = tpu.memref_slice %arg7[%add3A_261, %dma_start3A_262] : memref<36x256xi32, #tpu.memory_space<vmem>> -> memref<1x256xi32, #tpu.memory_space<vmem>>
          %dma_start3A_264 = tpu.memref_squeeze %dma_start3A_263 : memref<1x256xi32, #tpu.memory_space<vmem>> -> memref<256xi32, #tpu.memory_space<vmem>>
          %dma_start3A_265 = arith.constant 0 : i32
          %dma_start3A_266 = arith.constant 0 : i32
          %dma_start3A_267 = tpu.memref_slice %arg4[%dma_start3A_265, %dma_start3A_266] : memref<10240x16xf32, #tpu.memory_space<hbm>> -> memref<10240x16xf32, #tpu.memory_space<hbm>>
          tpu.enqueue_indirect_dma source(%dma_start3A_267 : memref<10240x16xf32, #tpu.memory_space<hbm>>) target(%arg9 : memref<256x16xf32, #tpu.memory_space<vmem>>) offsets(%dma_start3A_264 : memref<256xi32, #tpu.memory_space<vmem>>) semaphore(%arg14 : memref<!tpu.dma_semaphore, #tpu.memory_space<semaphore_mem>>)
        } else {
        }
        %add3A_232 = arith.constant 1 : i32
        %add3A_233 = arith.addi %mul3A_172, %add3A_232 : i32
        %dma_wait3A_234 = arith.constant 0 : i32
        %dma_wait3A_235 = tpu.memref_slice %arg8[%add3A_233, %dma_wait3A_234] : memref<36x256xi32, #tpu.memory_space<vmem>> -> memref<1x256xi32, #tpu.memory_space<vmem>>
        %dma_wait3A_236 = tpu.memref_squeeze %dma_wait3A_235 : memref<1x256xi32, #tpu.memory_space<vmem>> -> memref<256xi32, #tpu.memory_space<vmem>>
        %dma_wait3A_237 = arith.constant 0 : i32
        %dma_wait3A_238 = arith.constant 0 : i32
        %dma_wait3A_239 = tpu.memref_slice %arg13[%dma_wait3A_237, %dma_wait3A_238] : memref<10240x16xf32, #tpu.memory_space<vmem_shared>> -> memref<10240x16xf32, #tpu.memory_space<vmem_shared>>
        tpu.wait_indirect_dma semaphore(%arg18 : memref<!tpu.dma_semaphore, #tpu.memory_space<semaphore_mem>>) src(%arg10 : memref<256x16xf32, #tpu.memory_space<vmem>>) dst(%dma_wait3A_239 : memref<10240x16xf32, #tpu.memory_space<vmem_shared>>)
        %lt3A_240 = arith.constant 11 : i32
        %lt3A_241 = arith.cmpi slt, %scan3A_170, %lt3A_240 : i32
        %convert_element_type3A_242 = arith.extui %lt3A_241 : i1 to i32
        %cond3A_243 = arith.constant 0 : i32
        %cond3A_244 = arith.cmpi ne, %convert_element_type3A_242, %cond3A_243 : i32
        scf.if %cond3A_244 {
          %add3A_258 = arith.constant 1 : i32
          %add3A_259 = arith.addi %mul3A_172, %add3A_258 : i32
          %add3A_260 = arith.constant 3 : i32
          %add3A_261 = arith.addi %add3A_259, %add3A_260 : i32
          %dma_start3A_262 = arith.constant 0 : i32
          %dma_start3A_263 = tpu.memref_slice %arg7[%add3A_261, %dma_start3A_262] : memref<36x256xi32, #tpu.memory_space<vmem>> -> memref<1x256xi32, #tpu.memory_space<vmem>>
          %dma_start3A_264 = tpu.memref_squeeze %dma_start3A_263 : memref<1x256xi32, #tpu.memory_space<vmem>> -> memref<256xi32, #tpu.memory_space<vmem>>
          %dma_start3A_265 = arith.constant 0 : i32
          %dma_start3A_266 = arith.constant 0 : i32
          %dma_start3A_267 = tpu.memref_slice %arg4[%dma_start3A_265, %dma_start3A_266] : memref<10240x16xf32, #tpu.memory_space<hbm>> -> memref<10240x16xf32, #tpu.memory_space<hbm>>
          tpu.enqueue_indirect_dma source(%dma_start3A_267 : memref<10240x16xf32, #tpu.memory_space<hbm>>) target(%arg10 : memref<256x16xf32, #tpu.memory_space<vmem>>) offsets(%dma_start3A_264 : memref<256xi32, #tpu.memory_space<vmem>>) semaphore(%arg15 : memref<!tpu.dma_semaphore, #tpu.memory_space<semaphore_mem>>)
        } else {
        }
        %add3A_245 = arith.constant 2 : i32
        %add3A_246 = arith.addi %mul3A_172, %add3A_245 : i32
        %dma_wait3A_247 = arith.constant 0 : i32
        %dma_wait3A_248 = tpu.memref_slice %arg8[%add3A_246, %dma_wait3A_247] : memref<36x256xi32, #tpu.memory_space<vmem>> -> memref<1x256xi32, #tpu.memory_space<vmem>>
        %dma_wait3A_249 = tpu.memref_squeeze %dma_wait3A_248 : memref<1x256xi32, #tpu.memory_space<vmem>> -> memref<256xi32, #tpu.memory_space<vmem>>
        %dma_wait3A_250 = arith.constant 0 : i32
        %dma_wait3A_251 = arith.constant 0 : i32
        %dma_wait3A_252 = tpu.memref_slice %arg13[%dma_wait3A_250, %dma_wait3A_251] : memref<10240x16xf32, #tpu.memory_space<vmem_shared>> -> memref<10240x16xf32, #tpu.memory_space<vmem_shared>>
        tpu.wait_indirect_dma semaphore(%arg19 : memref<!tpu.dma_semaphore, #tpu.memory_space<semaphore_mem>>) src(%arg11 : memref<256x16xf32, #tpu.memory_space<vmem>>) dst(%dma_wait3A_252 : memref<10240x16xf32, #tpu.memory_space<vmem_shared>>)
        %lt3A_253 = arith.constant 11 : i32
        %lt3A_254 = arith.cmpi slt, %scan3A_170, %lt3A_253 : i32
        %convert_element_type3A_255 = arith.extui %lt3A_254 : i1 to i32
        %cond3A_256 = arith.constant 0 : i32
        %cond3A_257 = arith.cmpi ne, %convert_element_type3A_255, %cond3A_256 : i32
        scf.if %cond3A_257 {
          %add3A_258 = arith.constant 2 : i32
          %add3A_259 = arith.addi %mul3A_172, %add3A_258 : i32
          %add3A_260 = arith.constant 3 : i32
          %add3A_261 = arith.addi %add3A_259, %add3A_260 : i32
          %dma_start3A_262 = arith.constant 0 : i32
          %dma_start3A_263 = tpu.memref_slice %arg7[%add3A_261, %dma_start3A_262] : memref<36x256xi32, #tpu.memory_space<vmem>> -> memref<1x256xi32, #tpu.memory_space<vmem>>
          %dma_start3A_264 = tpu.memref_squeeze %dma_start3A_263 : memref<1x256xi32, #tpu.memory_space<vmem>> -> memref<256xi32, #tpu.memory_space<vmem>>
          %dma_start3A_265 = arith.constant 0 : i32
          %dma_start3A_266 = arith.constant 0 : i32
          %dma_start3A_267 = tpu.memref_slice %arg4[%dma_start3A_265, %dma_start3A_266] : memref<10240x16xf32, #tpu.memory_space<hbm>> -> memref<10240x16xf32, #tpu.memory_space<hbm>>
          tpu.enqueue_indirect_dma source(%dma_start3A_267 : memref<10240x16xf32, #tpu.memory_space<hbm>>) target(%arg11 : memref<256x16xf32, #tpu.memory_space<vmem>>) offsets(%dma_start3A_264 : memref<256xi32, #tpu.memory_space<vmem>>) semaphore(%arg16 : memref<!tpu.dma_semaphore, #tpu.memory_space<semaphore_mem>>)
        } else {
        }
      }
      %scan3A_114 = arith.constant 12 : i32
      %add3A_115 = arith.constant 36 : i32
      %add3A_116 = arith.addi %mul3A_84, %add3A_115 : i32
      "tpu.region"() ({
        %run_scoped3A = tpu.sem_alloc : memref<!tpu.dma_semaphore, #tpu.memory_space<semaphore_mem>>
        %dma_start3A_170 = arith.constant 0 : i32
        %dma_start3A_171 = arith.constant 0 : i32
        %dma_start3A_172 = tpu.memref_slice %arg7[%dma_start3A_170, %dma_start3A_171] : memref<36x256xi32, #tpu.memory_space<vmem>> -> memref<36x256xi32, #tpu.memory_space<vmem>>
        %dma_start3A_173 = arith.constant 0 : i32
        %dma_start3A_174 = tpu.memref_slice %arg2[%add3A_116, %dma_start3A_173] : memref<1280x256xi32, #tpu.memory_space<hbm>> -> memref<36x256xi32, #tpu.memory_space<hbm>>
        %dma_start3A_175 = arith.constant 0 : i32
        %dma_start3A_176 = arith.constant 0 : i32
        %dma_start3A_177 = tpu.memref_slice %arg7[%dma_start3A_175, %dma_start3A_176] : memref<36x256xi32, #tpu.memory_space<vmem>> -> memref<36x256xi32, #tpu.memory_space<vmem>>
        %dma_start3A_178 = arith.constant 0 : i32
        %dma_start3A_179 = tpu.memref_slice %arg2[%add3A_116, %dma_start3A_178] : memref<1280x256xi32, #tpu.memory_space<hbm>> -> memref<36x256xi32, #tpu.memory_space<hbm>>
        tpu.enqueue_dma source(%dma_start3A_179 : memref<36x256xi32, #tpu.memory_space<hbm>>) target(%dma_start3A_177 : memref<36x256xi32, #tpu.memory_space<vmem>>) target_semaphore(%run_scoped3A : memref<!tpu.dma_semaphore, #tpu.memory_space<semaphore_mem>>)
        %dma_wait3A = arith.constant 0 : i32
        %dma_wait3A_180 = arith.constant 0 : i32
        %dma_wait3A_181 = tpu.memref_slice %arg7[%dma_wait3A, %dma_wait3A_180] : memref<36x256xi32, #tpu.memory_space<vmem>> -> memref<36x256xi32, #tpu.memory_space<vmem>>
        %dma_wait3A_182 = arith.constant 0 : i32
        %dma_wait3A_183 = tpu.memref_slice %arg2[%add3A_116, %dma_wait3A_182] : memref<1280x256xi32, #tpu.memory_space<hbm>> -> memref<36x256xi32, #tpu.memory_space<hbm>>
        %dma_wait3A_184 = arith.constant 0 : i32
        %dma_wait3A_185 = arith.constant 0 : i32
        %dma_wait3A_186 = tpu.memref_slice %arg7[%dma_wait3A_184, %dma_wait3A_185] : memref<36x256xi32, #tpu.memory_space<vmem>> -> memref<36x256xi32, #tpu.memory_space<vmem>>
        %dma_wait3A_187 = arith.constant 0 : i32
        %dma_wait3A_188 = tpu.memref_slice %arg2[%add3A_116, %dma_wait3A_187] : memref<1280x256xi32, #tpu.memory_space<hbm>> -> memref<36x256xi32, #tpu.memory_space<hbm>>
        tpu.wait_dma2 semaphore(%run_scoped3A : memref<!tpu.dma_semaphore, #tpu.memory_space<semaphore_mem>>) src(%dma_wait3A_188 : memref<36x256xi32, #tpu.memory_space<hbm>>) dst(%dma_wait3A_186 : memref<36x256xi32, #tpu.memory_space<vmem>>)
        tpu.yield
      }) : () -> ()
      %add3A_117 = arith.constant 36 : i32
      %add3A_118 = arith.addi %mul3A_84, %add3A_117 : i32
      "tpu.region"() ({
        %run_scoped3A = tpu.sem_alloc : memref<!tpu.dma_semaphore, #tpu.memory_space<semaphore_mem>>
        %dma_start3A_170 = arith.constant 0 : i32
        %dma_start3A_171 = arith.constant 0 : i32
        %dma_start3A_172 = tpu.memref_slice %arg8[%dma_start3A_170, %dma_start3A_171] : memref<36x256xi32, #tpu.memory_space<vmem>> -> memref<36x256xi32, #tpu.memory_space<vmem>>
        %dma_start3A_173 = arith.constant 0 : i32
        %dma_start3A_174 = tpu.memref_slice %arg3[%add3A_118, %dma_start3A_173] : memref<1280x256xi32, #tpu.memory_space<hbm>> -> memref<36x256xi32, #tpu.memory_space<hbm>>
        %dma_start3A_175 = arith.constant 0 : i32
        %dma_start3A_176 = arith.constant 0 : i32
        %dma_start3A_177 = tpu.memref_slice %arg8[%dma_start3A_175, %dma_start3A_176] : memref<36x256xi32, #tpu.memory_space<vmem>> -> memref<36x256xi32, #tpu.memory_space<vmem>>
        %dma_start3A_178 = arith.constant 0 : i32
        %dma_start3A_179 = tpu.memref_slice %arg3[%add3A_118, %dma_start3A_178] : memref<1280x256xi32, #tpu.memory_space<hbm>> -> memref<36x256xi32, #tpu.memory_space<hbm>>
        tpu.enqueue_dma source(%dma_start3A_179 : memref<36x256xi32, #tpu.memory_space<hbm>>) target(%dma_start3A_177 : memref<36x256xi32, #tpu.memory_space<vmem>>) target_semaphore(%run_scoped3A : memref<!tpu.dma_semaphore, #tpu.memory_space<semaphore_mem>>)
        %dma_wait3A = arith.constant 0 : i32
        %dma_wait3A_180 = arith.constant 0 : i32
        %dma_wait3A_181 = tpu.memref_slice %arg8[%dma_wait3A, %dma_wait3A_180] : memref<36x256xi32, #tpu.memory_space<vmem>> -> memref<36x256xi32, #tpu.memory_space<vmem>>
        %dma_wait3A_182 = arith.constant 0 : i32
        %dma_wait3A_183 = tpu.memref_slice %arg3[%add3A_118, %dma_wait3A_182] : memref<1280x256xi32, #tpu.memory_space<hbm>> -> memref<36x256xi32, #tpu.memory_space<hbm>>
        %dma_wait3A_184 = arith.constant 0 : i32
        %dma_wait3A_185 = arith.constant 0 : i32
        %dma_wait3A_186 = tpu.memref_slice %arg8[%dma_wait3A_184, %dma_wait3A_185] : memref<36x256xi32, #tpu.memory_space<vmem>> -> memref<36x256xi32, #tpu.memory_space<vmem>>
        %dma_wait3A_187 = arith.constant 0 : i32
        %dma_wait3A_188 = tpu.memref_slice %arg3[%add3A_118, %dma_wait3A_187] : memref<1280x256xi32, #tpu.memory_space<hbm>> -> memref<36x256xi32, #tpu.memory_space<hbm>>
        tpu.wait_dma2 semaphore(%run_scoped3A : memref<!tpu.dma_semaphore, #tpu.memory_space<semaphore_mem>>) src(%dma_wait3A_188 : memref<36x256xi32, #tpu.memory_space<hbm>>) dst(%dma_wait3A_186 : memref<36x256xi32, #tpu.memory_space<vmem>>)
        tpu.yield
      }) : () -> ()
      %dma_start3A_119 = arith.constant 0 : i32
      %dma_start3A_120 = arith.constant 0 : i32
      %dma_start3A_121 = tpu.memref_slice %arg7[%dma_start3A_119, %dma_start3A_120] : memref<36x256xi32, #tpu.memory_space<vmem>> -> memref<1x256xi32, #tpu.memory_space<vmem>>
      %dma_start3A_122 = tpu.memref_squeeze %dma_start3A_121 : memref<1x256xi32, #tpu.memory_space<vmem>> -> memref<256xi32, #tpu.memory_space<vmem>>
      %dma_start3A_123 = arith.constant 0 : i32
      %dma_start3A_124 = arith.constant 0 : i32
      %dma_start3A_125 = tpu.memref_slice %arg4[%dma_start3A_123, %dma_start3A_124] : memref<10240x16xf32, #tpu.memory_space<hbm>> -> memref<10240x16xf32, #tpu.memory_space<hbm>>
      tpu.enqueue_indirect_dma source(%dma_start3A_125 : memref<10240x16xf32, #tpu.memory_space<hbm>>) target(%arg9 : memref<256x16xf32, #tpu.memory_space<vmem>>) offsets(%dma_start3A_122 : memref<256xi32, #tpu.memory_space<vmem>>) semaphore(%arg14 : memref<!tpu.dma_semaphore, #tpu.memory_space<semaphore_mem>>)
      %dma_start3A_126 = arith.constant 1 : i32
      %dma_start3A_127 = arith.constant 0 : i32
      %dma_start3A_128 = tpu.memref_slice %arg7[%dma_start3A_126, %dma_start3A_127] : memref<36x256xi32, #tpu.memory_space<vmem>> -> memref<1x256xi32, #tpu.memory_space<vmem>>
      %dma_start3A_129 = tpu.memref_squeeze %dma_start3A_128 : memref<1x256xi32, #tpu.memory_space<vmem>> -> memref<256xi32, #tpu.memory_space<vmem>>
      %dma_start3A_130 = arith.constant 0 : i32
      %dma_start3A_131 = arith.constant 0 : i32
      %dma_start3A_132 = tpu.memref_slice %arg4[%dma_start3A_130, %dma_start3A_131] : memref<10240x16xf32, #tpu.memory_space<hbm>> -> memref<10240x16xf32, #tpu.memory_space<hbm>>
      tpu.enqueue_indirect_dma source(%dma_start3A_132 : memref<10240x16xf32, #tpu.memory_space<hbm>>) target(%arg10 : memref<256x16xf32, #tpu.memory_space<vmem>>) offsets(%dma_start3A_129 : memref<256xi32, #tpu.memory_space<vmem>>) semaphore(%arg15 : memref<!tpu.dma_semaphore, #tpu.memory_space<semaphore_mem>>)
      %dma_start3A_133 = arith.constant 2 : i32
      %dma_start3A_134 = arith.constant 0 : i32
      %dma_start3A_135 = tpu.memref_slice %arg7[%dma_start3A_133, %dma_start3A_134] : memref<36x256xi32, #tpu.memory_space<vmem>> -> memref<1x256xi32, #tpu.memory_space<vmem>>
      %dma_start3A_136 = tpu.memref_squeeze %dma_start3A_135 : memref<1x256xi32, #tpu.memory_space<vmem>> -> memref<256xi32, #tpu.memory_space<vmem>>
      %dma_start3A_137 = arith.constant 0 : i32
      %dma_start3A_138 = arith.constant 0 : i32
      %dma_start3A_139 = tpu.memref_slice %arg4[%dma_start3A_137, %dma_start3A_138] : memref<10240x16xf32, #tpu.memory_space<hbm>> -> memref<10240x16xf32, #tpu.memory_space<hbm>>
      tpu.enqueue_indirect_dma source(%dma_start3A_139 : memref<10240x16xf32, #tpu.memory_space<hbm>>) target(%arg11 : memref<256x16xf32, #tpu.memory_space<vmem>>) offsets(%dma_start3A_136 : memref<256xi32, #tpu.memory_space<vmem>>) semaphore(%arg16 : memref<!tpu.dma_semaphore, #tpu.memory_space<semaphore_mem>>)
      %scan3A_140 = arith.constant 0 : i32
      %scan3A_141 = arith.constant 0 : i32
      %scan3A_142 = arith.constant 12 : i32
      %scan3A_143 = arith.addi %scan3A_141, %scan3A_142 : i32
      %scan3A_144 = arith.constant 1 : i32
      scf.for %scan3A_170 = %scan3A_141 to %scan3A_143 step %scan3A_144  : i32 {
        %mul3A_171 = arith.constant 3 : i32
        %mul3A_172 = arith.muli %mul3A_171, %scan3A_170 : i32
        %add3A_173 = arith.constant 0 : i32
        %add3A_174 = arith.addi %mul3A_172, %add3A_173 : i32
        %dma_wait3A = arith.constant 0 : i32
        %dma_wait3A_175 = tpu.memref_slice %arg7[%add3A_174, %dma_wait3A] : memref<36x256xi32, #tpu.memory_space<vmem>> -> memref<1x256xi32, #tpu.memory_space<vmem>>
        %dma_wait3A_176 = tpu.memref_squeeze %dma_wait3A_175 : memref<1x256xi32, #tpu.memory_space<vmem>> -> memref<256xi32, #tpu.memory_space<vmem>>
        %dma_wait3A_177 = arith.constant 0 : i32
        %dma_wait3A_178 = arith.constant 0 : i32
        %dma_wait3A_179 = tpu.memref_slice %arg4[%dma_wait3A_177, %dma_wait3A_178] : memref<10240x16xf32, #tpu.memory_space<hbm>> -> memref<10240x16xf32, #tpu.memory_space<hbm>>
        tpu.wait_indirect_dma semaphore(%arg14 : memref<!tpu.dma_semaphore, #tpu.memory_space<semaphore_mem>>) src(%dma_wait3A_179 : memref<10240x16xf32, #tpu.memory_space<hbm>>) dst(%arg9 : memref<256x16xf32, #tpu.memory_space<vmem>>)
        %add3A_180 = arith.constant 0 : i32
        %add3A_181 = arith.addi %mul3A_172, %add3A_180 : i32
        %dma_start3A_182 = arith.constant 0 : i32
        %dma_start3A_183 = tpu.memref_slice %arg8[%add3A_181, %dma_start3A_182] : memref<36x256xi32, #tpu.memory_space<vmem>> -> memref<1x256xi32, #tpu.memory_space<vmem>>
        %dma_start3A_184 = tpu.memref_squeeze %dma_start3A_183 : memref<1x256xi32, #tpu.memory_space<vmem>> -> memref<256xi32, #tpu.memory_space<vmem>>
        %dma_start3A_185 = arith.constant 0 : i32
        %dma_start3A_186 = arith.constant 0 : i32
        %dma_start3A_187 = tpu.memref_slice %arg13[%dma_start3A_185, %dma_start3A_186] : memref<10240x16xf32, #tpu.memory_space<vmem_shared>> -> memref<10240x16xf32, #tpu.memory_space<vmem_shared>>
        tpu.enqueue_indirect_dma source(%arg9 : memref<256x16xf32, #tpu.memory_space<vmem>>) target(%dma_start3A_187 : memref<10240x16xf32, #tpu.memory_space<vmem_shared>>) offsets(%dma_start3A_184 : memref<256xi32, #tpu.memory_space<vmem>>) semaphore(%arg17 : memref<!tpu.dma_semaphore, #tpu.memory_space<semaphore_mem>>) {add = true}
        %add3A_188 = arith.constant 1 : i32
        %add3A_189 = arith.addi %mul3A_172, %add3A_188 : i32
        %dma_wait3A_190 = arith.constant 0 : i32
        %dma_wait3A_191 = tpu.memref_slice %arg7[%add3A_189, %dma_wait3A_190] : memref<36x256xi32, #tpu.memory_space<vmem>> -> memref<1x256xi32, #tpu.memory_space<vmem>>
        %dma_wait3A_192 = tpu.memref_squeeze %dma_wait3A_191 : memref<1x256xi32, #tpu.memory_space<vmem>> -> memref<256xi32, #tpu.memory_space<vmem>>
        %dma_wait3A_193 = arith.constant 0 : i32
        %dma_wait3A_194 = arith.constant 0 : i32
        %dma_wait3A_195 = tpu.memref_slice %arg4[%dma_wait3A_193, %dma_wait3A_194] : memref<10240x16xf32, #tpu.memory_space<hbm>> -> memref<10240x16xf32, #tpu.memory_space<hbm>>
        tpu.wait_indirect_dma semaphore(%arg15 : memref<!tpu.dma_semaphore, #tpu.memory_space<semaphore_mem>>) src(%dma_wait3A_195 : memref<10240x16xf32, #tpu.memory_space<hbm>>) dst(%arg10 : memref<256x16xf32, #tpu.memory_space<vmem>>)
        %add3A_196 = arith.constant 1 : i32
        %add3A_197 = arith.addi %mul3A_172, %add3A_196 : i32
        %dma_start3A_198 = arith.constant 0 : i32
        %dma_start3A_199 = tpu.memref_slice %arg8[%add3A_197, %dma_start3A_198] : memref<36x256xi32, #tpu.memory_space<vmem>> -> memref<1x256xi32, #tpu.memory_space<vmem>>
        %dma_start3A_200 = tpu.memref_squeeze %dma_start3A_199 : memref<1x256xi32, #tpu.memory_space<vmem>> -> memref<256xi32, #tpu.memory_space<vmem>>
        %dma_start3A_201 = arith.constant 0 : i32
        %dma_start3A_202 = arith.constant 0 : i32
        %dma_start3A_203 = tpu.memref_slice %arg13[%dma_start3A_201, %dma_start3A_202] : memref<10240x16xf32, #tpu.memory_space<vmem_shared>> -> memref<10240x16xf32, #tpu.memory_space<vmem_shared>>
        tpu.enqueue_indirect_dma source(%arg10 : memref<256x16xf32, #tpu.memory_space<vmem>>) target(%dma_start3A_203 : memref<10240x16xf32, #tpu.memory_space<vmem_shared>>) offsets(%dma_start3A_200 : memref<256xi32, #tpu.memory_space<vmem>>) semaphore(%arg18 : memref<!tpu.dma_semaphore, #tpu.memory_space<semaphore_mem>>) {add = true}
        %add3A_204 = arith.constant 2 : i32
        %add3A_205 = arith.addi %mul3A_172, %add3A_204 : i32
        %dma_wait3A_206 = arith.constant 0 : i32
        %dma_wait3A_207 = tpu.memref_slice %arg7[%add3A_205, %dma_wait3A_206] : memref<36x256xi32, #tpu.memory_space<vmem>> -> memref<1x256xi32, #tpu.memory_space<vmem>>
        %dma_wait3A_208 = tpu.memref_squeeze %dma_wait3A_207 : memref<1x256xi32, #tpu.memory_space<vmem>> -> memref<256xi32, #tpu.memory_space<vmem>>
        %dma_wait3A_209 = arith.constant 0 : i32
        %dma_wait3A_210 = arith.constant 0 : i32
        %dma_wait3A_211 = tpu.memref_slice %arg4[%dma_wait3A_209, %dma_wait3A_210] : memref<10240x16xf32, #tpu.memory_space<hbm>> -> memref<10240x16xf32, #tpu.memory_space<hbm>>
        tpu.wait_indirect_dma semaphore(%arg16 : memref<!tpu.dma_semaphore, #tpu.memory_space<semaphore_mem>>) src(%dma_wait3A_211 : memref<10240x16xf32, #tpu.memory_space<hbm>>) dst(%arg11 : memref<256x16xf32, #tpu.memory_space<vmem>>)
        %add3A_212 = arith.constant 2 : i32
        %add3A_213 = arith.addi %mul3A_172, %add3A_212 : i32
        %dma_start3A_214 = arith.constant 0 : i32
        %dma_start3A_215 = tpu.memref_slice %arg8[%add3A_213, %dma_start3A_214] : memref<36x256xi32, #tpu.memory_space<vmem>> -> memref<1x256xi32, #tpu.memory_space<vmem>>
        %dma_start3A_216 = tpu.memref_squeeze %dma_start3A_215 : memref<1x256xi32, #tpu.memory_space<vmem>> -> memref<256xi32, #tpu.memory_space<vmem>>
        %dma_start3A_217 = arith.constant 0 : i32
        %dma_start3A_218 = arith.constant 0 : i32
        %dma_start3A_219 = tpu.memref_slice %arg13[%dma_start3A_217, %dma_start3A_218] : memref<10240x16xf32, #tpu.memory_space<vmem_shared>> -> memref<10240x16xf32, #tpu.memory_space<vmem_shared>>
        tpu.enqueue_indirect_dma source(%arg11 : memref<256x16xf32, #tpu.memory_space<vmem>>) target(%dma_start3A_219 : memref<10240x16xf32, #tpu.memory_space<vmem_shared>>) offsets(%dma_start3A_216 : memref<256xi32, #tpu.memory_space<vmem>>) semaphore(%arg19 : memref<!tpu.dma_semaphore, #tpu.memory_space<semaphore_mem>>) {add = true}
        %add3A_220 = arith.constant 0 : i32
        %add3A_221 = arith.addi %mul3A_172, %add3A_220 : i32
        %dma_wait3A_222 = arith.constant 0 : i32
        %dma_wait3A_223 = tpu.memref_slice %arg8[%add3A_221, %dma_wait3A_222] : memref<36x256xi32, #tpu.memory_space<vmem>> -> memref<1x256xi32, #tpu.memory_space<vmem>>
        %dma_wait3A_224 = tpu.memref_squeeze %dma_wait3A_223 : memref<1x256xi32, #tpu.memory_space<vmem>> -> memref<256xi32, #tpu.memory_space<vmem>>
        %dma_wait3A_225 = arith.constant 0 : i32
        %dma_wait3A_226 = arith.constant 0 : i32
        %dma_wait3A_227 = tpu.memref_slice %arg13[%dma_wait3A_225, %dma_wait3A_226] : memref<10240x16xf32, #tpu.memory_space<vmem_shared>> -> memref<10240x16xf32, #tpu.memory_space<vmem_shared>>
        tpu.wait_indirect_dma semaphore(%arg17 : memref<!tpu.dma_semaphore, #tpu.memory_space<semaphore_mem>>) src(%arg9 : memref<256x16xf32, #tpu.memory_space<vmem>>) dst(%dma_wait3A_227 : memref<10240x16xf32, #tpu.memory_space<vmem_shared>>)
        %lt3A = arith.constant 11 : i32
        %lt3A_228 = arith.cmpi slt, %scan3A_170, %lt3A : i32
        %convert_element_type3A_229 = arith.extui %lt3A_228 : i1 to i32
        %cond3A_230 = arith.constant 0 : i32
        %cond3A_231 = arith.cmpi ne, %convert_element_type3A_229, %cond3A_230 : i32
        scf.if %cond3A_231 {
          %add3A_258 = arith.constant 0 : i32
          %add3A_259 = arith.addi %mul3A_172, %add3A_258 : i32
          %add3A_260 = arith.constant 3 : i32
          %add3A_261 = arith.addi %add3A_259, %add3A_260 : i32
          %dma_start3A_262 = arith.constant 0 : i32
          %dma_start3A_263 = tpu.memref_slice %arg7[%add3A_261, %dma_start3A_262] : memref<36x256xi32, #tpu.memory_space<vmem>> -> memref<1x256xi32, #tpu.memory_space<vmem>>
          %dma_start3A_264 = tpu.memref_squeeze %dma_start3A_263 : memref<1x256xi32, #tpu.memory_space<vmem>> -> memref<256xi32, #tpu.memory_space<vmem>>
          %dma_start3A_265 = arith.constant 0 : i32
          %dma_start3A_266 = arith.constant 0 : i32
          %dma_start3A_267 = tpu.memref_slice %arg4[%dma_start3A_265, %dma_start3A_266] : memref<10240x16xf32, #tpu.memory_space<hbm>> -> memref<10240x16xf32, #tpu.memory_space<hbm>>
          tpu.enqueue_indirect_dma source(%dma_start3A_267 : memref<10240x16xf32, #tpu.memory_space<hbm>>) target(%arg9 : memref<256x16xf32, #tpu.memory_space<vmem>>) offsets(%dma_start3A_264 : memref<256xi32, #tpu.memory_space<vmem>>) semaphore(%arg14 : memref<!tpu.dma_semaphore, #tpu.memory_space<semaphore_mem>>)
        } else {
        }
        %add3A_232 = arith.constant 1 : i32
        %add3A_233 = arith.addi %mul3A_172, %add3A_232 : i32
        %dma_wait3A_234 = arith.constant 0 : i32
        %dma_wait3A_235 = tpu.memref_slice %arg8[%add3A_233, %dma_wait3A_234] : memref<36x256xi32, #tpu.memory_space<vmem>> -> memref<1x256xi32, #tpu.memory_space<vmem>>
        %dma_wait3A_236 = tpu.memref_squeeze %dma_wait3A_235 : memref<1x256xi32, #tpu.memory_space<vmem>> -> memref<256xi32, #tpu.memory_space<vmem>>
        %dma_wait3A_237 = arith.constant 0 : i32
        %dma_wait3A_238 = arith.constant 0 : i32
        %dma_wait3A_239 = tpu.memref_slice %arg13[%dma_wait3A_237, %dma_wait3A_238] : memref<10240x16xf32, #tpu.memory_space<vmem_shared>> -> memref<10240x16xf32, #tpu.memory_space<vmem_shared>>
        tpu.wait_indirect_dma semaphore(%arg18 : memref<!tpu.dma_semaphore, #tpu.memory_space<semaphore_mem>>) src(%arg10 : memref<256x16xf32, #tpu.memory_space<vmem>>) dst(%dma_wait3A_239 : memref<10240x16xf32, #tpu.memory_space<vmem_shared>>)
        %lt3A_240 = arith.constant 11 : i32
        %lt3A_241 = arith.cmpi slt, %scan3A_170, %lt3A_240 : i32
        %convert_element_type3A_242 = arith.extui %lt3A_241 : i1 to i32
        %cond3A_243 = arith.constant 0 : i32
        %cond3A_244 = arith.cmpi ne, %convert_element_type3A_242, %cond3A_243 : i32
        scf.if %cond3A_244 {
          %add3A_258 = arith.constant 1 : i32
          %add3A_259 = arith.addi %mul3A_172, %add3A_258 : i32
          %add3A_260 = arith.constant 3 : i32
          %add3A_261 = arith.addi %add3A_259, %add3A_260 : i32
          %dma_start3A_262 = arith.constant 0 : i32
          %dma_start3A_263 = tpu.memref_slice %arg7[%add3A_261, %dma_start3A_262] : memref<36x256xi32, #tpu.memory_space<vmem>> -> memref<1x256xi32, #tpu.memory_space<vmem>>
          %dma_start3A_264 = tpu.memref_squeeze %dma_start3A_263 : memref<1x256xi32, #tpu.memory_space<vmem>> -> memref<256xi32, #tpu.memory_space<vmem>>
          %dma_start3A_265 = arith.constant 0 : i32
          %dma_start3A_266 = arith.constant 0 : i32
          %dma_start3A_267 = tpu.memref_slice %arg4[%dma_start3A_265, %dma_start3A_266] : memref<10240x16xf32, #tpu.memory_space<hbm>> -> memref<10240x16xf32, #tpu.memory_space<hbm>>
          tpu.enqueue_indirect_dma source(%dma_start3A_267 : memref<10240x16xf32, #tpu.memory_space<hbm>>) target(%arg10 : memref<256x16xf32, #tpu.memory_space<vmem>>) offsets(%dma_start3A_264 : memref<256xi32, #tpu.memory_space<vmem>>) semaphore(%arg15 : memref<!tpu.dma_semaphore, #tpu.memory_space<semaphore_mem>>)
        } else {
        }
        %add3A_245 = arith.constant 2 : i32
        %add3A_246 = arith.addi %mul3A_172, %add3A_245 : i32
        %dma_wait3A_247 = arith.constant 0 : i32
        %dma_wait3A_248 = tpu.memref_slice %arg8[%add3A_246, %dma_wait3A_247] : memref<36x256xi32, #tpu.memory_space<vmem>> -> memref<1x256xi32, #tpu.memory_space<vmem>>
        %dma_wait3A_249 = tpu.memref_squeeze %dma_wait3A_248 : memref<1x256xi32, #tpu.memory_space<vmem>> -> memref<256xi32, #tpu.memory_space<vmem>>
        %dma_wait3A_250 = arith.constant 0 : i32
        %dma_wait3A_251 = arith.constant 0 : i32
        %dma_wait3A_252 = tpu.memref_slice %arg13[%dma_wait3A_250, %dma_wait3A_251] : memref<10240x16xf32, #tpu.memory_space<vmem_shared>> -> memref<10240x16xf32, #tpu.memory_space<vmem_shared>>
        tpu.wait_indirect_dma semaphore(%arg19 : memref<!tpu.dma_semaphore, #tpu.memory_space<semaphore_mem>>) src(%arg11 : memref<256x16xf32, #tpu.memory_space<vmem>>) dst(%dma_wait3A_252 : memref<10240x16xf32, #tpu.memory_space<vmem_shared>>)
        %lt3A_253 = arith.constant 11 : i32
        %lt3A_254 = arith.cmpi slt, %scan3A_170, %lt3A_253 : i32
        %convert_element_type3A_255 = arith.extui %lt3A_254 : i1 to i32
        %cond3A_256 = arith.constant 0 : i32
        %cond3A_257 = arith.cmpi ne, %convert_element_type3A_255, %cond3A_256 : i32
        scf.if %cond3A_257 {
          %add3A_258 = arith.constant 2 : i32
          %add3A_259 = arith.addi %mul3A_172, %add3A_258 : i32
          %add3A_260 = arith.constant 3 : i32
          %add3A_261 = arith.addi %add3A_259, %add3A_260 : i32
          %dma_start3A_262 = arith.constant 0 : i32
          %dma_start3A_263 = tpu.memref_slice %arg7[%add3A_261, %dma_start3A_262] : memref<36x256xi32, #tpu.memory_space<vmem>> -> memref<1x256xi32, #tpu.memory_space<vmem>>
          %dma_start3A_264 = tpu.memref_squeeze %dma_start3A_263 : memref<1x256xi32, #tpu.memory_space<vmem>> -> memref<256xi32, #tpu.memory_space<vmem>>
          %dma_start3A_265 = arith.constant 0 : i32
          %dma_start3A_266 = arith.constant 0 : i32
          %dma_start3A_267 = tpu.memref_slice %arg4[%dma_start3A_265, %dma_start3A_266] : memref<10240x16xf32, #tpu.memory_space<hbm>> -> memref<10240x16xf32, #tpu.memory_space<hbm>>
          tpu.enqueue_indirect_dma source(%dma_start3A_267 : memref<10240x16xf32, #tpu.memory_space<hbm>>) target(%arg11 : memref<256x16xf32, #tpu.memory_space<vmem>>) offsets(%dma_start3A_264 : memref<256xi32, #tpu.memory_space<vmem>>) semaphore(%arg16 : memref<!tpu.dma_semaphore, #tpu.memory_space<semaphore_mem>>)
        } else {
        }
      }
      %scan3A_145 = arith.constant 12 : i32
      %add3A_146 = arith.constant 72 : i32
      %add3A_147 = arith.addi %mul3A_84, %add3A_146 : i32
      "tpu.region"() ({
        %run_scoped3A = tpu.sem_alloc : memref<!tpu.dma_semaphore, #tpu.memory_space<semaphore_mem>>
        %dma_start3A_170 = arith.constant 0 : i32
        %dma_start3A_171 = arith.constant 0 : i32
        %dma_start3A_172 = tpu.memref_slice %arg7[%dma_start3A_170, %dma_start3A_171] : memref<36x256xi32, #tpu.memory_space<vmem>> -> memref<4x256xi32, #tpu.memory_space<vmem>>
        %dma_start3A_173 = arith.constant 0 : i32
        %dma_start3A_174 = tpu.memref_slice %arg2[%add3A_147, %dma_start3A_173] : memref<1280x256xi32, #tpu.memory_space<hbm>> -> memref<4x256xi32, #tpu.memory_space<hbm>>
        %dma_start3A_175 = arith.constant 0 : i32
        %dma_start3A_176 = arith.constant 0 : i32
        %dma_start3A_177 = tpu.memref_slice %arg7[%dma_start3A_175, %dma_start3A_176] : memref<36x256xi32, #tpu.memory_space<vmem>> -> memref<4x256xi32, #tpu.memory_space<vmem>>
        %dma_start3A_178 = arith.constant 0 : i32
        %dma_start3A_179 = tpu.memref_slice %arg2[%add3A_147, %dma_start3A_178] : memref<1280x256xi32, #tpu.memory_space<hbm>> -> memref<4x256xi32, #tpu.memory_space<hbm>>
        tpu.enqueue_dma source(%dma_start3A_179 : memref<4x256xi32, #tpu.memory_space<hbm>>) target(%dma_start3A_177 : memref<4x256xi32, #tpu.memory_space<vmem>>) target_semaphore(%run_scoped3A : memref<!tpu.dma_semaphore, #tpu.memory_space<semaphore_mem>>)
        %dma_wait3A = arith.constant 0 : i32
        %dma_wait3A_180 = arith.constant 0 : i32
        %dma_wait3A_181 = tpu.memref_slice %arg7[%dma_wait3A, %dma_wait3A_180] : memref<36x256xi32, #tpu.memory_space<vmem>> -> memref<4x256xi32, #tpu.memory_space<vmem>>
        %dma_wait3A_182 = arith.constant 0 : i32
        %dma_wait3A_183 = tpu.memref_slice %arg2[%add3A_147, %dma_wait3A_182] : memref<1280x256xi32, #tpu.memory_space<hbm>> -> memref<4x256xi32, #tpu.memory_space<hbm>>
        %dma_wait3A_184 = arith.constant 0 : i32
        %dma_wait3A_185 = arith.constant 0 : i32
        %dma_wait3A_186 = tpu.memref_slice %arg7[%dma_wait3A_184, %dma_wait3A_185] : memref<36x256xi32, #tpu.memory_space<vmem>> -> memref<4x256xi32, #tpu.memory_space<vmem>>
        %dma_wait3A_187 = arith.constant 0 : i32
        %dma_wait3A_188 = tpu.memref_slice %arg2[%add3A_147, %dma_wait3A_187] : memref<1280x256xi32, #tpu.memory_space<hbm>> -> memref<4x256xi32, #tpu.memory_space<hbm>>
        tpu.wait_dma2 semaphore(%run_scoped3A : memref<!tpu.dma_semaphore, #tpu.memory_space<semaphore_mem>>) src(%dma_wait3A_188 : memref<4x256xi32, #tpu.memory_space<hbm>>) dst(%dma_wait3A_186 : memref<4x256xi32, #tpu.memory_space<vmem>>)
        tpu.yield
      }) : () -> ()
      %add3A_148 = arith.constant 72 : i32
      %add3A_149 = arith.addi %mul3A_84, %add3A_148 : i32
      "tpu.region"() ({
        %run_scoped3A = tpu.sem_alloc : memref<!tpu.dma_semaphore, #tpu.memory_space<semaphore_mem>>
        %dma_start3A_170 = arith.constant 0 : i32
        %dma_start3A_171 = arith.constant 0 : i32
        %dma_start3A_172 = tpu.memref_slice %arg8[%dma_start3A_170, %dma_start3A_171] : memref<36x256xi32, #tpu.memory_space<vmem>> -> memref<4x256xi32, #tpu.memory_space<vmem>>
        %dma_start3A_173 = arith.constant 0 : i32
        %dma_start3A_174 = tpu.memref_slice %arg3[%add3A_149, %dma_start3A_173] : memref<1280x256xi32, #tpu.memory_space<hbm>> -> memref<4x256xi32, #tpu.memory_space<hbm>>
        %dma_start3A_175 = arith.constant 0 : i32
        %dma_start3A_176 = arith.constant 0 : i32
        %dma_start3A_177 = tpu.memref_slice %arg8[%dma_start3A_175, %dma_start3A_176] : memref<36x256xi32, #tpu.memory_space<vmem>> -> memref<4x256xi32, #tpu.memory_space<vmem>>
        %dma_start3A_178 = arith.constant 0 : i32
        %dma_start3A_179 = tpu.memref_slice %arg3[%add3A_149, %dma_start3A_178] : memref<1280x256xi32, #tpu.memory_space<hbm>> -> memref<4x256xi32, #tpu.memory_space<hbm>>
        tpu.enqueue_dma source(%dma_start3A_179 : memref<4x256xi32, #tpu.memory_space<hbm>>) target(%dma_start3A_177 : memref<4x256xi32, #tpu.memory_space<vmem>>) target_semaphore(%run_scoped3A : memref<!tpu.dma_semaphore, #tpu.memory_space<semaphore_mem>>)
        %dma_wait3A = arith.constant 0 : i32
        %dma_wait3A_180 = arith.constant 0 : i32
        %dma_wait3A_181 = tpu.memref_slice %arg8[%dma_wait3A, %dma_wait3A_180] : memref<36x256xi32, #tpu.memory_space<vmem>> -> memref<4x256xi32, #tpu.memory_space<vmem>>
        %dma_wait3A_182 = arith.constant 0 : i32
        %dma_wait3A_183 = tpu.memref_slice %arg3[%add3A_149, %dma_wait3A_182] : memref<1280x256xi32, #tpu.memory_space<hbm>> -> memref<4x256xi32, #tpu.memory_space<hbm>>
        %dma_wait3A_184 = arith.constant 0 : i32
        %dma_wait3A_185 = arith.constant 0 : i32
        %dma_wait3A_186 = tpu.memref_slice %arg8[%dma_wait3A_184, %dma_wait3A_185] : memref<36x256xi32, #tpu.memory_space<vmem>> -> memref<4x256xi32, #tpu.memory_space<vmem>>
        %dma_wait3A_187 = arith.constant 0 : i32
        %dma_wait3A_188 = tpu.memref_slice %arg3[%add3A_149, %dma_wait3A_187] : memref<1280x256xi32, #tpu.memory_space<hbm>> -> memref<4x256xi32, #tpu.memory_space<hbm>>
        tpu.wait_dma2 semaphore(%run_scoped3A : memref<!tpu.dma_semaphore, #tpu.memory_space<semaphore_mem>>) src(%dma_wait3A_188 : memref<4x256xi32, #tpu.memory_space<hbm>>) dst(%dma_wait3A_186 : memref<4x256xi32, #tpu.memory_space<vmem>>)
        tpu.yield
      }) : () -> ()
      %dma_start3A_150 = arith.constant 0 : i32
      %dma_start3A_151 = arith.constant 0 : i32
      %dma_start3A_152 = tpu.memref_slice %arg7[%dma_start3A_150, %dma_start3A_151] : memref<36x256xi32, #tpu.memory_space<vmem>> -> memref<1x256xi32, #tpu.memory_space<vmem>>
      %dma_start3A_153 = tpu.memref_squeeze %dma_start3A_152 : memref<1x256xi32, #tpu.memory_space<vmem>> -> memref<256xi32, #tpu.memory_space<vmem>>
      %dma_start3A_154 = arith.constant 0 : i32
      %dma_start3A_155 = arith.constant 0 : i32
      %dma_start3A_156 = tpu.memref_slice %arg4[%dma_start3A_154, %dma_start3A_155] : memref<10240x16xf32, #tpu.memory_space<hbm>> -> memref<10240x16xf32, #tpu.memory_space<hbm>>
      tpu.enqueue_indirect_dma source(%dma_start3A_156 : memref<10240x16xf32, #tpu.memory_space<hbm>>) target(%arg9 : memref<256x16xf32, #tpu.memory_space<vmem>>) offsets(%dma_start3A_153 : memref<256xi32, #tpu.memory_space<vmem>>) semaphore(%arg14 : memref<!tpu.dma_semaphore, #tpu.memory_space<semaphore_mem>>)
      %dma_start3A_157 = arith.constant 1 : i32
      %dma_start3A_158 = arith.constant 0 : i32
      %dma_start3A_159 = tpu.memref_slice %arg7[%dma_start3A_157, %dma_start3A_158] : memref<36x256xi32, #tpu.memory_space<vmem>> -> memref<1x256xi32, #tpu.memory_space<vmem>>
      %dma_start3A_160 = tpu.memref_squeeze %dma_start3A_159 : memref<1x256xi32, #tpu.memory_space<vmem>> -> memref<256xi32, #tpu.memory_space<vmem>>
      %dma_start3A_161 = arith.constant 0 : i32
      %dma_start3A_162 = arith.constant 0 : i32
      %dma_start3A_163 = tpu.memref_slice %arg4[%dma_start3A_161, %dma_start3A_162] : memref<10240x16xf32, #tpu.memory_space<hbm>> -> memref<10240x16xf32, #tpu.memory_space<hbm>>
      tpu.enqueue_indirect_dma source(%dma_start3A_163 : memref<10240x16xf32, #tpu.memory_space<hbm>>) target(%arg10 : memref<256x16xf32, #tpu.memory_space<vmem>>) offsets(%dma_start3A_160 : memref<256xi32, #tpu.memory_space<vmem>>) semaphore(%arg15 : memref<!tpu.dma_semaphore, #tpu.memory_space<semaphore_mem>>)
      %scan3A_164 = arith.constant 0 : i32
      %scan3A_165 = arith.constant 0 : i32
      %scan3A_166 = arith.constant 2 : i32
      %scan3A_167 = arith.addi %scan3A_165, %scan3A_166 : i32
      %scan3A_168 = arith.constant 1 : i32
      scf.for %scan3A_170 = %scan3A_165 to %scan3A_167 step %scan3A_168  : i32 {
        %mul3A_171 = arith.constant 2 : i32
        %mul3A_172 = arith.muli %mul3A_171, %scan3A_170 : i32
        %add3A_173 = arith.constant 1 : i32
        %add3A_174 = arith.addi %mul3A_172, %add3A_173 : i32
        %dma_wait3A = arith.constant 0 : i32
        %dma_wait3A_175 = tpu.memref_slice %arg7[%mul3A_172, %dma_wait3A] : memref<36x256xi32, #tpu.memory_space<vmem>> -> memref<1x256xi32, #tpu.memory_space<vmem>>
        %dma_wait3A_176 = tpu.memref_squeeze %dma_wait3A_175 : memref<1x256xi32, #tpu.memory_space<vmem>> -> memref<256xi32, #tpu.memory_space<vmem>>
        %dma_wait3A_177 = arith.constant 0 : i32
        %dma_wait3A_178 = arith.constant 0 : i32
        %dma_wait3A_179 = tpu.memref_slice %arg4[%dma_wait3A_177, %dma_wait3A_178] : memref<10240x16xf32, #tpu.memory_space<hbm>> -> memref<10240x16xf32, #tpu.memory_space<hbm>>
        tpu.wait_indirect_dma semaphore(%arg14 : memref<!tpu.dma_semaphore, #tpu.memory_space<semaphore_mem>>) src(%dma_wait3A_179 : memref<10240x16xf32, #tpu.memory_space<hbm>>) dst(%arg9 : memref<256x16xf32, #tpu.memory_space<vmem>>)
        %dma_start3A_180 = arith.constant 0 : i32
        %dma_start3A_181 = tpu.memref_slice %arg8[%mul3A_172, %dma_start3A_180] : memref<36x256xi32, #tpu.memory_space<vmem>> -> memref<1x256xi32, #tpu.memory_space<vmem>>
        %dma_start3A_182 = tpu.memref_squeeze %dma_start3A_181 : memref<1x256xi32, #tpu.memory_space<vmem>> -> memref<256xi32, #tpu.memory_space<vmem>>
        %dma_start3A_183 = arith.constant 0 : i32
        %dma_start3A_184 = arith.constant 0 : i32
        %dma_start3A_185 = tpu.memref_slice %arg13[%dma_start3A_183, %dma_start3A_184] : memref<10240x16xf32, #tpu.memory_space<vmem_shared>> -> memref<10240x16xf32, #tpu.memory_space<vmem_shared>>
        tpu.enqueue_indirect_dma source(%arg9 : memref<256x16xf32, #tpu.memory_space<vmem>>) target(%dma_start3A_185 : memref<10240x16xf32, #tpu.memory_space<vmem_shared>>) offsets(%dma_start3A_182 : memref<256xi32, #tpu.memory_space<vmem>>) semaphore(%arg17 : memref<!tpu.dma_semaphore, #tpu.memory_space<semaphore_mem>>) {add = true}
        %dma_wait3A_186 = arith.constant 0 : i32
        %dma_wait3A_187 = tpu.memref_slice %arg7[%add3A_174, %dma_wait3A_186] : memref<36x256xi32, #tpu.memory_space<vmem>> -> memref<1x256xi32, #tpu.memory_space<vmem>>
        %dma_wait3A_188 = tpu.memref_squeeze %dma_wait3A_187 : memref<1x256xi32, #tpu.memory_space<vmem>> -> memref<256xi32, #tpu.memory_space<vmem>>
        %dma_wait3A_189 = arith.constant 0 : i32
        %dma_wait3A_190 = arith.constant 0 : i32
        %dma_wait3A_191 = tpu.memref_slice %arg4[%dma_wait3A_189, %dma_wait3A_190] : memref<10240x16xf32, #tpu.memory_space<hbm>> -> memref<10240x16xf32, #tpu.memory_space<hbm>>
        tpu.wait_indirect_dma semaphore(%arg15 : memref<!tpu.dma_semaphore, #tpu.memory_space<semaphore_mem>>) src(%dma_wait3A_191 : memref<10240x16xf32, #tpu.memory_space<hbm>>) dst(%arg10 : memref<256x16xf32, #tpu.memory_space<vmem>>)
        %dma_start3A_192 = arith.constant 0 : i32
        %dma_start3A_193 = tpu.memref_slice %arg8[%add3A_174, %dma_start3A_192] : memref<36x256xi32, #tpu.memory_space<vmem>> -> memref<1x256xi32, #tpu.memory_space<vmem>>
        %dma_start3A_194 = tpu.memref_squeeze %dma_start3A_193 : memref<1x256xi32, #tpu.memory_space<vmem>> -> memref<256xi32, #tpu.memory_space<vmem>>
        %dma_start3A_195 = arith.constant 0 : i32
        %dma_start3A_196 = arith.constant 0 : i32
        %dma_start3A_197 = tpu.memref_slice %arg13[%dma_start3A_195, %dma_start3A_196] : memref<10240x16xf32, #tpu.memory_space<vmem_shared>> -> memref<10240x16xf32, #tpu.memory_space<vmem_shared>>
        tpu.enqueue_indirect_dma source(%arg10 : memref<256x16xf32, #tpu.memory_space<vmem>>) target(%dma_start3A_197 : memref<10240x16xf32, #tpu.memory_space<vmem_shared>>) offsets(%dma_start3A_194 : memref<256xi32, #tpu.memory_space<vmem>>) semaphore(%arg18 : memref<!tpu.dma_semaphore, #tpu.memory_space<semaphore_mem>>) {add = true}
        %dma_wait3A_198 = arith.constant 0 : i32
        %dma_wait3A_199 = tpu.memref_slice %arg8[%mul3A_172, %dma_wait3A_198] : memref<36x256xi32, #tpu.memory_space<vmem>> -> memref<1x256xi32, #tpu.memory_space<vmem>>
        %dma_wait3A_200 = tpu.memref_squeeze %dma_wait3A_199 : memref<1x256xi32, #tpu.memory_space<vmem>> -> memref<256xi32, #tpu.memory_space<vmem>>
        %dma_wait3A_201 = arith.constant 0 : i32
        %dma_wait3A_202 = arith.constant 0 : i32
        %dma_wait3A_203 = tpu.memref_slice %arg13[%dma_wait3A_201, %dma_wait3A_202] : memref<10240x16xf32, #tpu.memory_space<vmem_shared>> -> memref<10240x16xf32, #tpu.memory_space<vmem_shared>>
        tpu.wait_indirect_dma semaphore(%arg17 : memref<!tpu.dma_semaphore, #tpu.memory_space<semaphore_mem>>) src(%arg9 : memref<256x16xf32, #tpu.memory_space<vmem>>) dst(%dma_wait3A_203 : memref<10240x16xf32, #tpu.memory_space<vmem_shared>>)
        %dma_wait3A_204 = arith.constant 0 : i32
        %dma_wait3A_205 = tpu.memref_slice %arg8[%add3A_174, %dma_wait3A_204] : memref<36x256xi32, #tpu.memory_space<vmem>> -> memref<1x256xi32, #tpu.memory_space<vmem>>
        %dma_wait3A_206 = tpu.memref_squeeze %dma_wait3A_205 : memref<1x256xi32, #tpu.memory_space<vmem>> -> memref<256xi32, #tpu.memory_space<vmem>>
        %dma_wait3A_207 = arith.constant 0 : i32
        %dma_wait3A_208 = arith.constant 0 : i32
        %dma_wait3A_209 = tpu.memref_slice %arg13[%dma_wait3A_207, %dma_wait3A_208] : memref<10240x16xf32, #tpu.memory_space<vmem_shared>> -> memref<10240x16xf32, #tpu.memory_space<vmem_shared>>
        tpu.wait_indirect_dma semaphore(%arg18 : memref<!tpu.dma_semaphore, #tpu.memory_space<semaphore_mem>>) src(%arg10 : memref<256x16xf32, #tpu.memory_space<vmem>>) dst(%dma_wait3A_209 : memref<10240x16xf32, #tpu.memory_space<vmem_shared>>)
        %lt3A = arith.constant 1 : i32
        %lt3A_210 = arith.cmpi slt, %scan3A_170, %lt3A : i32
        %convert_element_type3A_211 = arith.extui %lt3A_210 : i1 to i32
        %cond3A_212 = arith.constant 0 : i32
        %cond3A_213 = arith.cmpi ne, %convert_element_type3A_211, %cond3A_212 : i32
        scf.if %cond3A_213 {
          %add3A_214 = arith.constant 2 : i32
          %add3A_215 = arith.addi %mul3A_172, %add3A_214 : i32
          %dma_start3A_216 = arith.constant 0 : i32
          %dma_start3A_217 = tpu.memref_slice %arg7[%add3A_215, %dma_start3A_216] : memref<36x256xi32, #tpu.memory_space<vmem>> -> memref<1x256xi32, #tpu.memory_space<vmem>>
          %dma_start3A_218 = tpu.memref_squeeze %dma_start3A_217 : memref<1x256xi32, #tpu.memory_space<vmem>> -> memref<256xi32, #tpu.memory_space<vmem>>
          %dma_start3A_219 = arith.constant 0 : i32
          %dma_start3A_220 = arith.constant 0 : i32
          %dma_start3A_221 = tpu.memref_slice %arg4[%dma_start3A_219, %dma_start3A_220] : memref<10240x16xf32, #tpu.memory_space<hbm>> -> memref<10240x16xf32, #tpu.memory_space<hbm>>
          tpu.enqueue_indirect_dma source(%dma_start3A_221 : memref<10240x16xf32, #tpu.memory_space<hbm>>) target(%arg9 : memref<256x16xf32, #tpu.memory_space<vmem>>) offsets(%dma_start3A_218 : memref<256xi32, #tpu.memory_space<vmem>>) semaphore(%arg14 : memref<!tpu.dma_semaphore, #tpu.memory_space<semaphore_mem>>)
          %add3A_222 = arith.constant 2 : i32
          %add3A_223 = arith.addi %add3A_174, %add3A_222 : i32
          %dma_start3A_224 = arith.constant 0 : i32
          %dma_start3A_225 = tpu.memref_slice %arg7[%add3A_223, %dma_start3A_224] : memref<36x256xi32, #tpu.memory_space<vmem>> -> memref<1x256xi32, #tpu.memory_space<vmem>>
          %dma_start3A_226 = tpu.memref_squeeze %dma_start3A_225 : memref<1x256xi32, #tpu.memory_space<vmem>> -> memref<256xi32, #tpu.memory_space<vmem>>
          %dma_start3A_227 = arith.constant 0 : i32
          %dma_start3A_228 = arith.constant 0 : i32
          %dma_start3A_229 = tpu.memref_slice %arg4[%dma_start3A_227, %dma_start3A_228] : memref<10240x16xf32, #tpu.memory_space<hbm>> -> memref<10240x16xf32, #tpu.memory_space<hbm>>
          tpu.enqueue_indirect_dma source(%dma_start3A_229 : memref<10240x16xf32, #tpu.memory_space<hbm>>) target(%arg10 : memref<256x16xf32, #tpu.memory_space<vmem>>) offsets(%dma_start3A_226 : memref<256xi32, #tpu.memory_space<vmem>>) semaphore(%arg15 : memref<!tpu.dma_semaphore, #tpu.memory_space<semaphore_mem>>)
        } else {
        }
      }
      %scan3A_169 = arith.constant 2 : i32
    } else {
    }
    %eq3A_21 = arith.constant 1 : i32
    %eq3A_22 = arith.cmpi eq, %arg0, %eq3A_21 : i32
    %convert_element_type3A_23 = arith.extui %eq3A_22 : i1 to i32
    %cond3A_24 = arith.constant 0 : i32
    %cond3A_25 = arith.cmpi ne, %convert_element_type3A_23, %cond3A_24 : i32
    scf.if %cond3A_25 {
      %mul3A_83 = arith.constant 4 : i32
      %mul3A_84 = arith.muli %arg1, %mul3A_83 : i32
      %add3A_85 = arith.constant 1216 : i32
      %add3A_86 = arith.addi %add3A_85, %mul3A_84 : i32
      %add3A_87 = arith.constant 0 : i32
      %add3A_88 = arith.addi %add3A_86, %add3A_87 : i32
      "tpu.region"() ({
        %run_scoped3A = tpu.sem_alloc : memref<!tpu.dma_semaphore, #tpu.memory_space<semaphore_mem>>
        %dma_start3A_110 = arith.constant 0 : i32
        %dma_start3A_111 = arith.constant 0 : i32
        %dma_start3A_112 = tpu.memref_slice %arg7[%dma_start3A_110, %dma_start3A_111] : memref<36x256xi32, #tpu.memory_space<vmem>> -> memref<4x256xi32, #tpu.memory_space<vmem>>
        %dma_start3A_113 = arith.constant 0 : i32
        %dma_start3A_114 = tpu.memref_slice %arg2[%add3A_88, %dma_start3A_113] : memref<1280x256xi32, #tpu.memory_space<hbm>> -> memref<4x256xi32, #tpu.memory_space<hbm>>
        %dma_start3A_115 = arith.constant 0 : i32
        %dma_start3A_116 = arith.constant 0 : i32
        %dma_start3A_117 = tpu.memref_slice %arg7[%dma_start3A_115, %dma_start3A_116] : memref<36x256xi32, #tpu.memory_space<vmem>> -> memref<4x256xi32, #tpu.memory_space<vmem>>
        %dma_start3A_118 = arith.constant 0 : i32
        %dma_start3A_119 = tpu.memref_slice %arg2[%add3A_88, %dma_start3A_118] : memref<1280x256xi32, #tpu.memory_space<hbm>> -> memref<4x256xi32, #tpu.memory_space<hbm>>
        tpu.enqueue_dma source(%dma_start3A_119 : memref<4x256xi32, #tpu.memory_space<hbm>>) target(%dma_start3A_117 : memref<4x256xi32, #tpu.memory_space<vmem>>) target_semaphore(%run_scoped3A : memref<!tpu.dma_semaphore, #tpu.memory_space<semaphore_mem>>)
        %dma_wait3A = arith.constant 0 : i32
        %dma_wait3A_120 = arith.constant 0 : i32
        %dma_wait3A_121 = tpu.memref_slice %arg7[%dma_wait3A, %dma_wait3A_120] : memref<36x256xi32, #tpu.memory_space<vmem>> -> memref<4x256xi32, #tpu.memory_space<vmem>>
        %dma_wait3A_122 = arith.constant 0 : i32
        %dma_wait3A_123 = tpu.memref_slice %arg2[%add3A_88, %dma_wait3A_122] : memref<1280x256xi32, #tpu.memory_space<hbm>> -> memref<4x256xi32, #tpu.memory_space<hbm>>
        %dma_wait3A_124 = arith.constant 0 : i32
        %dma_wait3A_125 = arith.constant 0 : i32
        %dma_wait3A_126 = tpu.memref_slice %arg7[%dma_wait3A_124, %dma_wait3A_125] : memref<36x256xi32, #tpu.memory_space<vmem>> -> memref<4x256xi32, #tpu.memory_space<vmem>>
        %dma_wait3A_127 = arith.constant 0 : i32
        %dma_wait3A_128 = tpu.memref_slice %arg2[%add3A_88, %dma_wait3A_127] : memref<1280x256xi32, #tpu.memory_space<hbm>> -> memref<4x256xi32, #tpu.memory_space<hbm>>
        tpu.wait_dma2 semaphore(%run_scoped3A : memref<!tpu.dma_semaphore, #tpu.memory_space<semaphore_mem>>) src(%dma_wait3A_128 : memref<4x256xi32, #tpu.memory_space<hbm>>) dst(%dma_wait3A_126 : memref<4x256xi32, #tpu.memory_space<vmem>>)
        tpu.yield
      }) : () -> ()
      %add3A_89 = arith.constant 0 : i32
      %add3A_90 = arith.addi %add3A_86, %add3A_89 : i32
      "tpu.region"() ({
        %run_scoped3A = tpu.sem_alloc : memref<!tpu.dma_semaphore, #tpu.memory_space<semaphore_mem>>
        %dma_start3A_110 = arith.constant 0 : i32
        %dma_start3A_111 = arith.constant 0 : i32
        %dma_start3A_112 = tpu.memref_slice %arg8[%dma_start3A_110, %dma_start3A_111] : memref<36x256xi32, #tpu.memory_space<vmem>> -> memref<4x256xi32, #tpu.memory_space<vmem>>
        %dma_start3A_113 = arith.constant 0 : i32
        %dma_start3A_114 = tpu.memref_slice %arg3[%add3A_90, %dma_start3A_113] : memref<1280x256xi32, #tpu.memory_space<hbm>> -> memref<4x256xi32, #tpu.memory_space<hbm>>
        %dma_start3A_115 = arith.constant 0 : i32
        %dma_start3A_116 = arith.constant 0 : i32
        %dma_start3A_117 = tpu.memref_slice %arg8[%dma_start3A_115, %dma_start3A_116] : memref<36x256xi32, #tpu.memory_space<vmem>> -> memref<4x256xi32, #tpu.memory_space<vmem>>
        %dma_start3A_118 = arith.constant 0 : i32
        %dma_start3A_119 = tpu.memref_slice %arg3[%add3A_90, %dma_start3A_118] : memref<1280x256xi32, #tpu.memory_space<hbm>> -> memref<4x256xi32, #tpu.memory_space<hbm>>
        tpu.enqueue_dma source(%dma_start3A_119 : memref<4x256xi32, #tpu.memory_space<hbm>>) target(%dma_start3A_117 : memref<4x256xi32, #tpu.memory_space<vmem>>) target_semaphore(%run_scoped3A : memref<!tpu.dma_semaphore, #tpu.memory_space<semaphore_mem>>)
        %dma_wait3A = arith.constant 0 : i32
        %dma_wait3A_120 = arith.constant 0 : i32
        %dma_wait3A_121 = tpu.memref_slice %arg8[%dma_wait3A, %dma_wait3A_120] : memref<36x256xi32, #tpu.memory_space<vmem>> -> memref<4x256xi32, #tpu.memory_space<vmem>>
        %dma_wait3A_122 = arith.constant 0 : i32
        %dma_wait3A_123 = tpu.memref_slice %arg3[%add3A_90, %dma_wait3A_122] : memref<1280x256xi32, #tpu.memory_space<hbm>> -> memref<4x256xi32, #tpu.memory_space<hbm>>
        %dma_wait3A_124 = arith.constant 0 : i32
        %dma_wait3A_125 = arith.constant 0 : i32
        %dma_wait3A_126 = tpu.memref_slice %arg8[%dma_wait3A_124, %dma_wait3A_125] : memref<36x256xi32, #tpu.memory_space<vmem>> -> memref<4x256xi32, #tpu.memory_space<vmem>>
        %dma_wait3A_127 = arith.constant 0 : i32
        %dma_wait3A_128 = tpu.memref_slice %arg3[%add3A_90, %dma_wait3A_127] : memref<1280x256xi32, #tpu.memory_space<hbm>> -> memref<4x256xi32, #tpu.memory_space<hbm>>
        tpu.wait_dma2 semaphore(%run_scoped3A : memref<!tpu.dma_semaphore, #tpu.memory_space<semaphore_mem>>) src(%dma_wait3A_128 : memref<4x256xi32, #tpu.memory_space<hbm>>) dst(%dma_wait3A_126 : memref<4x256xi32, #tpu.memory_space<vmem>>)
        tpu.yield
      }) : () -> ()
      %dma_start3A = arith.constant 0 : i32
      %dma_start3A_91 = arith.constant 0 : i32
      %dma_start3A_92 = tpu.memref_slice %arg7[%dma_start3A, %dma_start3A_91] : memref<36x256xi32, #tpu.memory_space<vmem>> -> memref<1x256xi32, #tpu.memory_space<vmem>>
      %dma_start3A_93 = tpu.memref_squeeze %dma_start3A_92 : memref<1x256xi32, #tpu.memory_space<vmem>> -> memref<256xi32, #tpu.memory_space<vmem>>
      %dma_start3A_94 = arith.constant 0 : i32
      %dma_start3A_95 = arith.constant 0 : i32
      %dma_start3A_96 = tpu.memref_slice %arg4[%dma_start3A_94, %dma_start3A_95] : memref<10240x16xf32, #tpu.memory_space<hbm>> -> memref<10240x16xf32, #tpu.memory_space<hbm>>
      tpu.enqueue_indirect_dma source(%dma_start3A_96 : memref<10240x16xf32, #tpu.memory_space<hbm>>) target(%arg9 : memref<256x16xf32, #tpu.memory_space<vmem>>) offsets(%dma_start3A_93 : memref<256xi32, #tpu.memory_space<vmem>>) semaphore(%arg14 : memref<!tpu.dma_semaphore, #tpu.memory_space<semaphore_mem>>)
      %dma_start3A_97 = arith.constant 1 : i32
      %dma_start3A_98 = arith.constant 0 : i32
      %dma_start3A_99 = tpu.memref_slice %arg7[%dma_start3A_97, %dma_start3A_98] : memref<36x256xi32, #tpu.memory_space<vmem>> -> memref<1x256xi32, #tpu.memory_space<vmem>>
      %dma_start3A_100 = tpu.memref_squeeze %dma_start3A_99 : memref<1x256xi32, #tpu.memory_space<vmem>> -> memref<256xi32, #tpu.memory_space<vmem>>
      %dma_start3A_101 = arith.constant 0 : i32
      %dma_start3A_102 = arith.constant 0 : i32
      %dma_start3A_103 = tpu.memref_slice %arg4[%dma_start3A_101, %dma_start3A_102] : memref<10240x16xf32, #tpu.memory_space<hbm>> -> memref<10240x16xf32, #tpu.memory_space<hbm>>
      tpu.enqueue_indirect_dma source(%dma_start3A_103 : memref<10240x16xf32, #tpu.memory_space<hbm>>) target(%arg10 : memref<256x16xf32, #tpu.memory_space<vmem>>) offsets(%dma_start3A_100 : memref<256xi32, #tpu.memory_space<vmem>>) semaphore(%arg15 : memref<!tpu.dma_semaphore, #tpu.memory_space<semaphore_mem>>)
      %scan3A_104 = arith.constant 0 : i32
      %scan3A_105 = arith.constant 0 : i32
      %scan3A_106 = arith.constant 2 : i32
      %scan3A_107 = arith.addi %scan3A_105, %scan3A_106 : i32
      %scan3A_108 = arith.constant 1 : i32
      scf.for %scan3A_110 = %scan3A_105 to %scan3A_107 step %scan3A_108  : i32 {
        %mul3A_111 = arith.constant 2 : i32
        %mul3A_112 = arith.muli %mul3A_111, %scan3A_110 : i32
        %add3A_113 = arith.constant 1 : i32
        %add3A_114 = arith.addi %mul3A_112, %add3A_113 : i32
        %dma_wait3A = arith.constant 0 : i32
        %dma_wait3A_115 = tpu.memref_slice %arg7[%mul3A_112, %dma_wait3A] : memref<36x256xi32, #tpu.memory_space<vmem>> -> memref<1x256xi32, #tpu.memory_space<vmem>>
        %dma_wait3A_116 = tpu.memref_squeeze %dma_wait3A_115 : memref<1x256xi32, #tpu.memory_space<vmem>> -> memref<256xi32, #tpu.memory_space<vmem>>
        %dma_wait3A_117 = arith.constant 0 : i32
        %dma_wait3A_118 = arith.constant 0 : i32
        %dma_wait3A_119 = tpu.memref_slice %arg4[%dma_wait3A_117, %dma_wait3A_118] : memref<10240x16xf32, #tpu.memory_space<hbm>> -> memref<10240x16xf32, #tpu.memory_space<hbm>>
        tpu.wait_indirect_dma semaphore(%arg14 : memref<!tpu.dma_semaphore, #tpu.memory_space<semaphore_mem>>) src(%dma_wait3A_119 : memref<10240x16xf32, #tpu.memory_space<hbm>>) dst(%arg9 : memref<256x16xf32, #tpu.memory_space<vmem>>)
        %dma_start3A_120 = arith.constant 0 : i32
        %dma_start3A_121 = tpu.memref_slice %arg8[%mul3A_112, %dma_start3A_120] : memref<36x256xi32, #tpu.memory_space<vmem>> -> memref<1x256xi32, #tpu.memory_space<vmem>>
        %dma_start3A_122 = tpu.memref_squeeze %dma_start3A_121 : memref<1x256xi32, #tpu.memory_space<vmem>> -> memref<256xi32, #tpu.memory_space<vmem>>
        %dma_start3A_123 = arith.constant 0 : i32
        %dma_start3A_124 = arith.constant 0 : i32
        %dma_start3A_125 = tpu.memref_slice %arg13[%dma_start3A_123, %dma_start3A_124] : memref<10240x16xf32, #tpu.memory_space<vmem_shared>> -> memref<10240x16xf32, #tpu.memory_space<vmem_shared>>
        tpu.enqueue_indirect_dma source(%arg9 : memref<256x16xf32, #tpu.memory_space<vmem>>) target(%dma_start3A_125 : memref<10240x16xf32, #tpu.memory_space<vmem_shared>>) offsets(%dma_start3A_122 : memref<256xi32, #tpu.memory_space<vmem>>) semaphore(%arg17 : memref<!tpu.dma_semaphore, #tpu.memory_space<semaphore_mem>>) {add = true}
        %dma_wait3A_126 = arith.constant 0 : i32
        %dma_wait3A_127 = tpu.memref_slice %arg7[%add3A_114, %dma_wait3A_126] : memref<36x256xi32, #tpu.memory_space<vmem>> -> memref<1x256xi32, #tpu.memory_space<vmem>>
        %dma_wait3A_128 = tpu.memref_squeeze %dma_wait3A_127 : memref<1x256xi32, #tpu.memory_space<vmem>> -> memref<256xi32, #tpu.memory_space<vmem>>
        %dma_wait3A_129 = arith.constant 0 : i32
        %dma_wait3A_130 = arith.constant 0 : i32
        %dma_wait3A_131 = tpu.memref_slice %arg4[%dma_wait3A_129, %dma_wait3A_130] : memref<10240x16xf32, #tpu.memory_space<hbm>> -> memref<10240x16xf32, #tpu.memory_space<hbm>>
        tpu.wait_indirect_dma semaphore(%arg15 : memref<!tpu.dma_semaphore, #tpu.memory_space<semaphore_mem>>) src(%dma_wait3A_131 : memref<10240x16xf32, #tpu.memory_space<hbm>>) dst(%arg10 : memref<256x16xf32, #tpu.memory_space<vmem>>)
        %dma_start3A_132 = arith.constant 0 : i32
        %dma_start3A_133 = tpu.memref_slice %arg8[%add3A_114, %dma_start3A_132] : memref<36x256xi32, #tpu.memory_space<vmem>> -> memref<1x256xi32, #tpu.memory_space<vmem>>
        %dma_start3A_134 = tpu.memref_squeeze %dma_start3A_133 : memref<1x256xi32, #tpu.memory_space<vmem>> -> memref<256xi32, #tpu.memory_space<vmem>>
        %dma_start3A_135 = arith.constant 0 : i32
        %dma_start3A_136 = arith.constant 0 : i32
        %dma_start3A_137 = tpu.memref_slice %arg13[%dma_start3A_135, %dma_start3A_136] : memref<10240x16xf32, #tpu.memory_space<vmem_shared>> -> memref<10240x16xf32, #tpu.memory_space<vmem_shared>>
        tpu.enqueue_indirect_dma source(%arg10 : memref<256x16xf32, #tpu.memory_space<vmem>>) target(%dma_start3A_137 : memref<10240x16xf32, #tpu.memory_space<vmem_shared>>) offsets(%dma_start3A_134 : memref<256xi32, #tpu.memory_space<vmem>>) semaphore(%arg18 : memref<!tpu.dma_semaphore, #tpu.memory_space<semaphore_mem>>) {add = true}
        %dma_wait3A_138 = arith.constant 0 : i32
        %dma_wait3A_139 = tpu.memref_slice %arg8[%mul3A_112, %dma_wait3A_138] : memref<36x256xi32, #tpu.memory_space<vmem>> -> memref<1x256xi32, #tpu.memory_space<vmem>>
        %dma_wait3A_140 = tpu.memref_squeeze %dma_wait3A_139 : memref<1x256xi32, #tpu.memory_space<vmem>> -> memref<256xi32, #tpu.memory_space<vmem>>
        %dma_wait3A_141 = arith.constant 0 : i32
        %dma_wait3A_142 = arith.constant 0 : i32
        %dma_wait3A_143 = tpu.memref_slice %arg13[%dma_wait3A_141, %dma_wait3A_142] : memref<10240x16xf32, #tpu.memory_space<vmem_shared>> -> memref<10240x16xf32, #tpu.memory_space<vmem_shared>>
        tpu.wait_indirect_dma semaphore(%arg17 : memref<!tpu.dma_semaphore, #tpu.memory_space<semaphore_mem>>) src(%arg9 : memref<256x16xf32, #tpu.memory_space<vmem>>) dst(%dma_wait3A_143 : memref<10240x16xf32, #tpu.memory_space<vmem_shared>>)
        %dma_wait3A_144 = arith.constant 0 : i32
        %dma_wait3A_145 = tpu.memref_slice %arg8[%add3A_114, %dma_wait3A_144] : memref<36x256xi32, #tpu.memory_space<vmem>> -> memref<1x256xi32, #tpu.memory_space<vmem>>
        %dma_wait3A_146 = tpu.memref_squeeze %dma_wait3A_145 : memref<1x256xi32, #tpu.memory_space<vmem>> -> memref<256xi32, #tpu.memory_space<vmem>>
        %dma_wait3A_147 = arith.constant 0 : i32
        %dma_wait3A_148 = arith.constant 0 : i32
        %dma_wait3A_149 = tpu.memref_slice %arg13[%dma_wait3A_147, %dma_wait3A_148] : memref<10240x16xf32, #tpu.memory_space<vmem_shared>> -> memref<10240x16xf32, #tpu.memory_space<vmem_shared>>
        tpu.wait_indirect_dma semaphore(%arg18 : memref<!tpu.dma_semaphore, #tpu.memory_space<semaphore_mem>>) src(%arg10 : memref<256x16xf32, #tpu.memory_space<vmem>>) dst(%dma_wait3A_149 : memref<10240x16xf32, #tpu.memory_space<vmem_shared>>)
        %lt3A = arith.constant 1 : i32
        %lt3A_150 = arith.cmpi slt, %scan3A_110, %lt3A : i32
        %convert_element_type3A_151 = arith.extui %lt3A_150 : i1 to i32
        %cond3A_152 = arith.constant 0 : i32
        %cond3A_153 = arith.cmpi ne, %convert_element_type3A_151, %cond3A_152 : i32
        scf.if %cond3A_153 {
          %add3A_154 = arith.constant 2 : i32
          %add3A_155 = arith.addi %mul3A_112, %add3A_154 : i32
          %dma_start3A_156 = arith.constant 0 : i32
          %dma_start3A_157 = tpu.memref_slice %arg7[%add3A_155, %dma_start3A_156] : memref<36x256xi32, #tpu.memory_space<vmem>> -> memref<1x256xi32, #tpu.memory_space<vmem>>
          %dma_start3A_158 = tpu.memref_squeeze %dma_start3A_157 : memref<1x256xi32, #tpu.memory_space<vmem>> -> memref<256xi32, #tpu.memory_space<vmem>>
          %dma_start3A_159 = arith.constant 0 : i32
          %dma_start3A_160 = arith.constant 0 : i32
          %dma_start3A_161 = tpu.memref_slice %arg4[%dma_start3A_159, %dma_start3A_160] : memref<10240x16xf32, #tpu.memory_space<hbm>> -> memref<10240x16xf32, #tpu.memory_space<hbm>>
          tpu.enqueue_indirect_dma source(%dma_start3A_161 : memref<10240x16xf32, #tpu.memory_space<hbm>>) target(%arg9 : memref<256x16xf32, #tpu.memory_space<vmem>>) offsets(%dma_start3A_158 : memref<256xi32, #tpu.memory_space<vmem>>) semaphore(%arg14 : memref<!tpu.dma_semaphore, #tpu.memory_space<semaphore_mem>>)
          %add3A_162 = arith.constant 2 : i32
          %add3A_163 = arith.addi %add3A_114, %add3A_162 : i32
          %dma_start3A_164 = arith.constant 0 : i32
          %dma_start3A_165 = tpu.memref_slice %arg7[%add3A_163, %dma_start3A_164] : memref<36x256xi32, #tpu.memory_space<vmem>> -> memref<1x256xi32, #tpu.memory_space<vmem>>
          %dma_start3A_166 = tpu.memref_squeeze %dma_start3A_165 : memref<1x256xi32, #tpu.memory_space<vmem>> -> memref<256xi32, #tpu.memory_space<vmem>>
          %dma_start3A_167 = arith.constant 0 : i32
          %dma_start3A_168 = arith.constant 0 : i32
          %dma_start3A_169 = tpu.memref_slice %arg4[%dma_start3A_167, %dma_start3A_168] : memref<10240x16xf32, #tpu.memory_space<hbm>> -> memref<10240x16xf32, #tpu.memory_space<hbm>>
          tpu.enqueue_indirect_dma source(%dma_start3A_169 : memref<10240x16xf32, #tpu.memory_space<hbm>>) target(%arg10 : memref<256x16xf32, #tpu.memory_space<vmem>>) offsets(%dma_start3A_166 : memref<256xi32, #tpu.memory_space<vmem>>) semaphore(%arg15 : memref<!tpu.dma_semaphore, #tpu.memory_space<semaphore_mem>>)
        } else {
        }
      }
      %scan3A_109 = arith.constant 2 : i32
    } else {
    }
    %barrier3A_26 = arith.constant 0 : index
    tpu.barrier barrier_id(%barrier3A_26)
    %mul3A_27 = arith.constant 640 : i32
    %mul3A_28 = arith.muli %arg1, %mul3A_27 : i32
    %add3A_29 = arith.constant 0 : i32
    %add3A_30 = arith.addi %mul3A_28, %add3A_29 : i32
    "tpu.region"() ({
      %run_scoped3A = tpu.sem_alloc : memref<!tpu.dma_semaphore, #tpu.memory_space<semaphore_mem>>
      %dma_start3A = arith.constant 0 : i32
      %dma_start3A_83 = tpu.memref_slice %arg13[%add3A_30, %dma_start3A] : memref<10240x16xf32, #tpu.memory_space<vmem_shared>> -> memref<160x16xf32, #tpu.memory_space<vmem_shared>>
      %dma_start3A_84 = arith.constant 0 : i32
      %dma_start3A_85 = tpu.memref_slice %arg13[%add3A_30, %dma_start3A_84] : memref<10240x16xf32, #tpu.memory_space<vmem_shared>> -> memref<160x16xf32, #tpu.memory_space<vmem_shared>>
      tpu.enqueue_dma source(%dma_start3A_85 : memref<160x16xf32, #tpu.memory_space<vmem_shared>>) target(%arg12 : memref<160x16xf32, #tpu.memory_space<vmem>>) target_semaphore(%run_scoped3A : memref<!tpu.dma_semaphore, #tpu.memory_space<semaphore_mem>>)
      %dma_wait3A = arith.constant 0 : i32
      %dma_wait3A_86 = tpu.memref_slice %arg13[%add3A_30, %dma_wait3A] : memref<10240x16xf32, #tpu.memory_space<vmem_shared>> -> memref<160x16xf32, #tpu.memory_space<vmem_shared>>
      %dma_wait3A_87 = arith.constant 0 : i32
      %dma_wait3A_88 = tpu.memref_slice %arg13[%add3A_30, %dma_wait3A_87] : memref<10240x16xf32, #tpu.memory_space<vmem_shared>> -> memref<160x16xf32, #tpu.memory_space<vmem_shared>>
      tpu.wait_dma2 semaphore(%run_scoped3A : memref<!tpu.dma_semaphore, #tpu.memory_space<semaphore_mem>>) src(%dma_wait3A_88 : memref<160x16xf32, #tpu.memory_space<vmem_shared>>) dst(%arg12 : memref<160x16xf32, #tpu.memory_space<vmem>>)
      tpu.yield
    }) : () -> ()
    %eq3A_31 = arith.constant 0 : i32
    %eq3A_32 = arith.cmpi eq, %arg0, %eq3A_31 : i32
    %convert_element_type3A_33 = arith.extui %eq3A_32 : i1 to i32
    %cond3A_34 = arith.constant 0 : i32
    %cond3A_35 = arith.cmpi ne, %convert_element_type3A_33, %cond3A_34 : i32
    scf.if %cond3A_35 {
      "tpu.region"() ({
        %run_scoped3A = tpu.sem_alloc : memref<!tpu.dma_semaphore, #tpu.memory_space<semaphore_mem>>
        %dma_start3A = arith.constant 0 : i32
        %dma_start3A_83 = tpu.memref_slice %arg5[%add3A_30, %dma_start3A] : memref<10240x16xf32, #tpu.memory_space<hbm>> -> memref<160x16xf32, #tpu.memory_space<hbm>>
        %dma_start3A_84 = arith.constant 0 : i32
        %dma_start3A_85 = tpu.memref_slice %arg5[%add3A_30, %dma_start3A_84] : memref<10240x16xf32, #tpu.memory_space<hbm>> -> memref<160x16xf32, #tpu.memory_space<hbm>>
        tpu.enqueue_dma source(%arg12 : memref<160x16xf32, #tpu.memory_space<vmem>>) target(%dma_start3A_85 : memref<160x16xf32, #tpu.memory_space<hbm>>) target_semaphore(%run_scoped3A : memref<!tpu.dma_semaphore, #tpu.memory_space<semaphore_mem>>)
        %dma_wait3A = arith.constant 0 : i32
        %dma_wait3A_86 = tpu.memref_slice %arg5[%add3A_30, %dma_wait3A] : memref<10240x16xf32, #tpu.memory_space<hbm>> -> memref<160x16xf32, #tpu.memory_space<hbm>>
        %dma_wait3A_87 = arith.constant 0 : i32
        %dma_wait3A_88 = tpu.memref_slice %arg5[%add3A_30, %dma_wait3A_87] : memref<10240x16xf32, #tpu.memory_space<hbm>> -> memref<160x16xf32, #tpu.memory_space<hbm>>
        tpu.wait_dma2 semaphore(%run_scoped3A : memref<!tpu.dma_semaphore, #tpu.memory_space<semaphore_mem>>) src(%arg12 : memref<160x16xf32, #tpu.memory_space<vmem>>) dst(%dma_wait3A_88 : memref<160x16xf32, #tpu.memory_space<hbm>>)
        tpu.yield
      }) : () -> ()
    } else {
    }
    %eq3A_36 = arith.constant 1 : i32
    %eq3A_37 = arith.cmpi eq, %arg0, %eq3A_36 : i32
    %convert_element_type3A_38 = arith.extui %eq3A_37 : i1 to i32
    %cond3A_39 = arith.constant 0 : i32
    %cond3A_40 = arith.cmpi ne, %convert_element_type3A_38, %cond3A_39 : i32
    scf.if %cond3A_40 {
      "tpu.region"() ({
        %run_scoped3A = tpu.sem_alloc : memref<!tpu.dma_semaphore, #tpu.memory_space<semaphore_mem>>
        %dma_start3A = arith.constant 0 : i32
        %dma_start3A_83 = tpu.memref_slice %arg6[%add3A_30, %dma_start3A] : memref<10240x16xf32, #tpu.memory_space<hbm>> -> memref<160x16xf32, #tpu.memory_space<hbm>>
        %dma_start3A_84 = arith.constant 0 : i32
        %dma_start3A_85 = tpu.memref_slice %arg6[%add3A_30, %dma_start3A_84] : memref<10240x16xf32, #tpu.memory_space<hbm>> -> memref<160x16xf32, #tpu.memory_space<hbm>>
        tpu.enqueue_dma source(%arg12 : memref<160x16xf32, #tpu.memory_space<vmem>>) target(%dma_start3A_85 : memref<160x16xf32, #tpu.memory_space<hbm>>) target_semaphore(%run_scoped3A : memref<!tpu.dma_semaphore, #tpu.memory_space<semaphore_mem>>)
        %dma_wait3A = arith.constant 0 : i32
        %dma_wait3A_86 = tpu.memref_slice %arg6[%add3A_30, %dma_wait3A] : memref<10240x16xf32, #tpu.memory_space<hbm>> -> memref<160x16xf32, #tpu.memory_space<hbm>>
        %dma_wait3A_87 = arith.constant 0 : i32
        %dma_wait3A_88 = tpu.memref_slice %arg6[%add3A_30, %dma_wait3A_87] : memref<10240x16xf32, #tpu.memory_space<hbm>> -> memref<160x16xf32, #tpu.memory_space<hbm>>
        tpu.wait_dma2 semaphore(%run_scoped3A : memref<!tpu.dma_semaphore, #tpu.memory_space<semaphore_mem>>) src(%arg12 : memref<160x16xf32, #tpu.memory_space<vmem>>) dst(%dma_wait3A_88 : memref<160x16xf32, #tpu.memory_space<hbm>>)
        tpu.yield
      }) : () -> ()
    } else {
    }
    %mul3A_41 = arith.constant 640 : i32
    %mul3A_42 = arith.muli %arg1, %mul3A_41 : i32
    %add3A_43 = arith.constant 160 : i32
    %add3A_44 = arith.addi %mul3A_42, %add3A_43 : i32
    "tpu.region"() ({
      %run_scoped3A = tpu.sem_alloc : memref<!tpu.dma_semaphore, #tpu.memory_space<semaphore_mem>>
      %dma_start3A = arith.constant 0 : i32
      %dma_start3A_83 = tpu.memref_slice %arg13[%add3A_44, %dma_start3A] : memref<10240x16xf32, #tpu.memory_space<vmem_shared>> -> memref<160x16xf32, #tpu.memory_space<vmem_shared>>
      %dma_start3A_84 = arith.constant 0 : i32
      %dma_start3A_85 = tpu.memref_slice %arg13[%add3A_44, %dma_start3A_84] : memref<10240x16xf32, #tpu.memory_space<vmem_shared>> -> memref<160x16xf32, #tpu.memory_space<vmem_shared>>
      tpu.enqueue_dma source(%dma_start3A_85 : memref<160x16xf32, #tpu.memory_space<vmem_shared>>) target(%arg12 : memref<160x16xf32, #tpu.memory_space<vmem>>) target_semaphore(%run_scoped3A : memref<!tpu.dma_semaphore, #tpu.memory_space<semaphore_mem>>)
      %dma_wait3A = arith.constant 0 : i32
      %dma_wait3A_86 = tpu.memref_slice %arg13[%add3A_44, %dma_wait3A] : memref<10240x16xf32, #tpu.memory_space<vmem_shared>> -> memref<160x16xf32, #tpu.memory_space<vmem_shared>>
      %dma_wait3A_87 = arith.constant 0 : i32
      %dma_wait3A_88 = tpu.memref_slice %arg13[%add3A_44, %dma_wait3A_87] : memref<10240x16xf32, #tpu.memory_space<vmem_shared>> -> memref<160x16xf32, #tpu.memory_space<vmem_shared>>
      tpu.wait_dma2 semaphore(%run_scoped3A : memref<!tpu.dma_semaphore, #tpu.memory_space<semaphore_mem>>) src(%dma_wait3A_88 : memref<160x16xf32, #tpu.memory_space<vmem_shared>>) dst(%arg12 : memref<160x16xf32, #tpu.memory_space<vmem>>)
      tpu.yield
    }) : () -> ()
    %eq3A_45 = arith.constant 0 : i32
    %eq3A_46 = arith.cmpi eq, %arg0, %eq3A_45 : i32
    %convert_element_type3A_47 = arith.extui %eq3A_46 : i1 to i32
    %cond3A_48 = arith.constant 0 : i32
    %cond3A_49 = arith.cmpi ne, %convert_element_type3A_47, %cond3A_48 : i32
    scf.if %cond3A_49 {
      "tpu.region"() ({
        %run_scoped3A = tpu.sem_alloc : memref<!tpu.dma_semaphore, #tpu.memory_space<semaphore_mem>>
        %dma_start3A = arith.constant 0 : i32
        %dma_start3A_83 = tpu.memref_slice %arg5[%add3A_44, %dma_start3A] : memref<10240x16xf32, #tpu.memory_space<hbm>> -> memref<160x16xf32, #tpu.memory_space<hbm>>
        %dma_start3A_84 = arith.constant 0 : i32
        %dma_start3A_85 = tpu.memref_slice %arg5[%add3A_44, %dma_start3A_84] : memref<10240x16xf32, #tpu.memory_space<hbm>> -> memref<160x16xf32, #tpu.memory_space<hbm>>
        tpu.enqueue_dma source(%arg12 : memref<160x16xf32, #tpu.memory_space<vmem>>) target(%dma_start3A_85 : memref<160x16xf32, #tpu.memory_space<hbm>>) target_semaphore(%run_scoped3A : memref<!tpu.dma_semaphore, #tpu.memory_space<semaphore_mem>>)
        %dma_wait3A = arith.constant 0 : i32
        %dma_wait3A_86 = tpu.memref_slice %arg5[%add3A_44, %dma_wait3A] : memref<10240x16xf32, #tpu.memory_space<hbm>> -> memref<160x16xf32, #tpu.memory_space<hbm>>
        %dma_wait3A_87 = arith.constant 0 : i32
        %dma_wait3A_88 = tpu.memref_slice %arg5[%add3A_44, %dma_wait3A_87] : memref<10240x16xf32, #tpu.memory_space<hbm>> -> memref<160x16xf32, #tpu.memory_space<hbm>>
        tpu.wait_dma2 semaphore(%run_scoped3A : memref<!tpu.dma_semaphore, #tpu.memory_space<semaphore_mem>>) src(%arg12 : memref<160x16xf32, #tpu.memory_space<vmem>>) dst(%dma_wait3A_88 : memref<160x16xf32, #tpu.memory_space<hbm>>)
        tpu.yield
      }) : () -> ()
    } else {
    }
    %eq3A_50 = arith.constant 1 : i32
    %eq3A_51 = arith.cmpi eq, %arg0, %eq3A_50 : i32
    %convert_element_type3A_52 = arith.extui %eq3A_51 : i1 to i32
    %cond3A_53 = arith.constant 0 : i32
    %cond3A_54 = arith.cmpi ne, %convert_element_type3A_52, %cond3A_53 : i32
    scf.if %cond3A_54 {
      "tpu.region"() ({
        %run_scoped3A = tpu.sem_alloc : memref<!tpu.dma_semaphore, #tpu.memory_space<semaphore_mem>>
        %dma_start3A = arith.constant 0 : i32
        %dma_start3A_83 = tpu.memref_slice %arg6[%add3A_44, %dma_start3A] : memref<10240x16xf32, #tpu.memory_space<hbm>> -> memref<160x16xf32, #tpu.memory_space<hbm>>
        %dma_start3A_84 = arith.constant 0 : i32
        %dma_start3A_85 = tpu.memref_slice %arg6[%add3A_44, %dma_start3A_84] : memref<10240x16xf32, #tpu.memory_space<hbm>> -> memref<160x16xf32, #tpu.memory_space<hbm>>
        tpu.enqueue_dma source(%arg12 : memref<160x16xf32, #tpu.memory_space<vmem>>) target(%dma_start3A_85 : memref<160x16xf32, #tpu.memory_space<hbm>>) target_semaphore(%run_scoped3A : memref<!tpu.dma_semaphore, #tpu.memory_space<semaphore_mem>>)
        %dma_wait3A = arith.constant 0 : i32
        %dma_wait3A_86 = tpu.memref_slice %arg6[%add3A_44, %dma_wait3A] : memref<10240x16xf32, #tpu.memory_space<hbm>> -> memref<160x16xf32, #tpu.memory_space<hbm>>
        %dma_wait3A_87 = arith.constant 0 : i32
        %dma_wait3A_88 = tpu.memref_slice %arg6[%add3A_44, %dma_wait3A_87] : memref<10240x16xf32, #tpu.memory_space<hbm>> -> memref<160x16xf32, #tpu.memory_space<hbm>>
        tpu.wait_dma2 semaphore(%run_scoped3A : memref<!tpu.dma_semaphore, #tpu.memory_space<semaphore_mem>>) src(%arg12 : memref<160x16xf32, #tpu.memory_space<vmem>>) dst(%dma_wait3A_88 : memref<160x16xf32, #tpu.memory_space<hbm>>)
        tpu.yield
      }) : () -> ()
    } else {
    }
    %mul3A_55 = arith.constant 640 : i32
    %mul3A_56 = arith.muli %arg1, %mul3A_55 : i32
    %add3A_57 = arith.constant 320 : i32
    %add3A_58 = arith.addi %mul3A_56, %add3A_57 : i32
    "tpu.region"() ({
      %run_scoped3A = tpu.sem_alloc : memref<!tpu.dma_semaphore, #tpu.memory_space<semaphore_mem>>
      %dma_start3A = arith.constant 0 : i32
      %dma_start3A_83 = tpu.memref_slice %arg13[%add3A_58, %dma_start3A] : memref<10240x16xf32, #tpu.memory_space<vmem_shared>> -> memref<160x16xf32, #tpu.memory_space<vmem_shared>>
      %dma_start3A_84 = arith.constant 0 : i32
      %dma_start3A_85 = tpu.memref_slice %arg13[%add3A_58, %dma_start3A_84] : memref<10240x16xf32, #tpu.memory_space<vmem_shared>> -> memref<160x16xf32, #tpu.memory_space<vmem_shared>>
      tpu.enqueue_dma source(%dma_start3A_85 : memref<160x16xf32, #tpu.memory_space<vmem_shared>>) target(%arg12 : memref<160x16xf32, #tpu.memory_space<vmem>>) target_semaphore(%run_scoped3A : memref<!tpu.dma_semaphore, #tpu.memory_space<semaphore_mem>>)
      %dma_wait3A = arith.constant 0 : i32
      %dma_wait3A_86 = tpu.memref_slice %arg13[%add3A_58, %dma_wait3A] : memref<10240x16xf32, #tpu.memory_space<vmem_shared>> -> memref<160x16xf32, #tpu.memory_space<vmem_shared>>
      %dma_wait3A_87 = arith.constant 0 : i32
      %dma_wait3A_88 = tpu.memref_slice %arg13[%add3A_58, %dma_wait3A_87] : memref<10240x16xf32, #tpu.memory_space<vmem_shared>> -> memref<160x16xf32, #tpu.memory_space<vmem_shared>>
      tpu.wait_dma2 semaphore(%run_scoped3A : memref<!tpu.dma_semaphore, #tpu.memory_space<semaphore_mem>>) src(%dma_wait3A_88 : memref<160x16xf32, #tpu.memory_space<vmem_shared>>) dst(%arg12 : memref<160x16xf32, #tpu.memory_space<vmem>>)
      tpu.yield
    }) : () -> ()
    %eq3A_59 = arith.constant 0 : i32
    %eq3A_60 = arith.cmpi eq, %arg0, %eq3A_59 : i32
    %convert_element_type3A_61 = arith.extui %eq3A_60 : i1 to i32
    %cond3A_62 = arith.constant 0 : i32
    %cond3A_63 = arith.cmpi ne, %convert_element_type3A_61, %cond3A_62 : i32
    scf.if %cond3A_63 {
      "tpu.region"() ({
        %run_scoped3A = tpu.sem_alloc : memref<!tpu.dma_semaphore, #tpu.memory_space<semaphore_mem>>
        %dma_start3A = arith.constant 0 : i32
        %dma_start3A_83 = tpu.memref_slice %arg5[%add3A_58, %dma_start3A] : memref<10240x16xf32, #tpu.memory_space<hbm>> -> memref<160x16xf32, #tpu.memory_space<hbm>>
        %dma_start3A_84 = arith.constant 0 : i32
        %dma_start3A_85 = tpu.memref_slice %arg5[%add3A_58, %dma_start3A_84] : memref<10240x16xf32, #tpu.memory_space<hbm>> -> memref<160x16xf32, #tpu.memory_space<hbm>>
        tpu.enqueue_dma source(%arg12 : memref<160x16xf32, #tpu.memory_space<vmem>>) target(%dma_start3A_85 : memref<160x16xf32, #tpu.memory_space<hbm>>) target_semaphore(%run_scoped3A : memref<!tpu.dma_semaphore, #tpu.memory_space<semaphore_mem>>)
        %dma_wait3A = arith.constant 0 : i32
        %dma_wait3A_86 = tpu.memref_slice %arg5[%add3A_58, %dma_wait3A] : memref<10240x16xf32, #tpu.memory_space<hbm>> -> memref<160x16xf32, #tpu.memory_space<hbm>>
        %dma_wait3A_87 = arith.constant 0 : i32
        %dma_wait3A_88 = tpu.memref_slice %arg5[%add3A_58, %dma_wait3A_87] : memref<10240x16xf32, #tpu.memory_space<hbm>> -> memref<160x16xf32, #tpu.memory_space<hbm>>
        tpu.wait_dma2 semaphore(%run_scoped3A : memref<!tpu.dma_semaphore, #tpu.memory_space<semaphore_mem>>) src(%arg12 : memref<160x16xf32, #tpu.memory_space<vmem>>) dst(%dma_wait3A_88 : memref<160x16xf32, #tpu.memory_space<hbm>>)
        tpu.yield
      }) : () -> ()
    } else {
    }
    %eq3A_64 = arith.constant 1 : i32
    %eq3A_65 = arith.cmpi eq, %arg0, %eq3A_64 : i32
    %convert_element_type3A_66 = arith.extui %eq3A_65 : i1 to i32
    %cond3A_67 = arith.constant 0 : i32
    %cond3A_68 = arith.cmpi ne, %convert_element_type3A_66, %cond3A_67 : i32
    scf.if %cond3A_68 {
      "tpu.region"() ({
        %run_scoped3A = tpu.sem_alloc : memref<!tpu.dma_semaphore, #tpu.memory_space<semaphore_mem>>
        %dma_start3A = arith.constant 0 : i32
        %dma_start3A_83 = tpu.memref_slice %arg6[%add3A_58, %dma_start3A] : memref<10240x16xf32, #tpu.memory_space<hbm>> -> memref<160x16xf32, #tpu.memory_space<hbm>>
        %dma_start3A_84 = arith.constant 0 : i32
        %dma_start3A_85 = tpu.memref_slice %arg6[%add3A_58, %dma_start3A_84] : memref<10240x16xf32, #tpu.memory_space<hbm>> -> memref<160x16xf32, #tpu.memory_space<hbm>>
        tpu.enqueue_dma source(%arg12 : memref<160x16xf32, #tpu.memory_space<vmem>>) target(%dma_start3A_85 : memref<160x16xf32, #tpu.memory_space<hbm>>) target_semaphore(%run_scoped3A : memref<!tpu.dma_semaphore, #tpu.memory_space<semaphore_mem>>)
        %dma_wait3A = arith.constant 0 : i32
        %dma_wait3A_86 = tpu.memref_slice %arg6[%add3A_58, %dma_wait3A] : memref<10240x16xf32, #tpu.memory_space<hbm>> -> memref<160x16xf32, #tpu.memory_space<hbm>>
        %dma_wait3A_87 = arith.constant 0 : i32
        %dma_wait3A_88 = tpu.memref_slice %arg6[%add3A_58, %dma_wait3A_87] : memref<10240x16xf32, #tpu.memory_space<hbm>> -> memref<160x16xf32, #tpu.memory_space<hbm>>
        tpu.wait_dma2 semaphore(%run_scoped3A : memref<!tpu.dma_semaphore, #tpu.memory_space<semaphore_mem>>) src(%arg12 : memref<160x16xf32, #tpu.memory_space<vmem>>) dst(%dma_wait3A_88 : memref<160x16xf32, #tpu.memory_space<hbm>>)
        tpu.yield
      }) : () -> ()
    } else {
    }
    %mul3A_69 = arith.constant 640 : i32
    %mul3A_70 = arith.muli %arg1, %mul3A_69 : i32
    %add3A_71 = arith.constant 480 : i32
    %add3A_72 = arith.addi %mul3A_70, %add3A_71 : i32
    "tpu.region"() ({
      %run_scoped3A = tpu.sem_alloc : memref<!tpu.dma_semaphore, #tpu.memory_space<semaphore_mem>>
      %dma_start3A = arith.constant 0 : i32
      %dma_start3A_83 = tpu.memref_slice %arg13[%add3A_72, %dma_start3A] : memref<10240x16xf32, #tpu.memory_space<vmem_shared>> -> memref<160x16xf32, #tpu.memory_space<vmem_shared>>
      %dma_start3A_84 = arith.constant 0 : i32
      %dma_start3A_85 = tpu.memref_slice %arg13[%add3A_72, %dma_start3A_84] : memref<10240x16xf32, #tpu.memory_space<vmem_shared>> -> memref<160x16xf32, #tpu.memory_space<vmem_shared>>
      tpu.enqueue_dma source(%dma_start3A_85 : memref<160x16xf32, #tpu.memory_space<vmem_shared>>) target(%arg12 : memref<160x16xf32, #tpu.memory_space<vmem>>) target_semaphore(%run_scoped3A : memref<!tpu.dma_semaphore, #tpu.memory_space<semaphore_mem>>)
      %dma_wait3A = arith.constant 0 : i32
      %dma_wait3A_86 = tpu.memref_slice %arg13[%add3A_72, %dma_wait3A] : memref<10240x16xf32, #tpu.memory_space<vmem_shared>> -> memref<160x16xf32, #tpu.memory_space<vmem_shared>>
      %dma_wait3A_87 = arith.constant 0 : i32
      %dma_wait3A_88 = tpu.memref_slice %arg13[%add3A_72, %dma_wait3A_87] : memref<10240x16xf32, #tpu.memory_space<vmem_shared>> -> memref<160x16xf32, #tpu.memory_space<vmem_shared>>
      tpu.wait_dma2 semaphore(%run_scoped3A : memref<!tpu.dma_semaphore, #tpu.memory_space<semaphore_mem>>) src(%dma_wait3A_88 : memref<160x16xf32, #tpu.memory_space<vmem_shared>>) dst(%arg12 : memref<160x16xf32, #tpu.memory_space<vmem>>)
      tpu.yield
    }) : () -> ()
    %eq3A_73 = arith.constant 0 : i32
    %eq3A_74 = arith.cmpi eq, %arg0, %eq3A_73 : i32
    %convert_element_type3A_75 = arith.extui %eq3A_74 : i1 to i32
    %cond3A_76 = arith.constant 0 : i32
    %cond3A_77 = arith.cmpi ne, %convert_element_type3A_75, %cond3A_76 : i32
    scf.if %cond3A_77 {
      "tpu.region"() ({
        %run_scoped3A = tpu.sem_alloc : memref<!tpu.dma_semaphore, #tpu.memory_space<semaphore_mem>>
        %dma_start3A = arith.constant 0 : i32
        %dma_start3A_83 = tpu.memref_slice %arg5[%add3A_72, %dma_start3A] : memref<10240x16xf32, #tpu.memory_space<hbm>> -> memref<160x16xf32, #tpu.memory_space<hbm>>
        %dma_start3A_84 = arith.constant 0 : i32
        %dma_start3A_85 = tpu.memref_slice %arg5[%add3A_72, %dma_start3A_84] : memref<10240x16xf32, #tpu.memory_space<hbm>> -> memref<160x16xf32, #tpu.memory_space<hbm>>
        tpu.enqueue_dma source(%arg12 : memref<160x16xf32, #tpu.memory_space<vmem>>) target(%dma_start3A_85 : memref<160x16xf32, #tpu.memory_space<hbm>>) target_semaphore(%run_scoped3A : memref<!tpu.dma_semaphore, #tpu.memory_space<semaphore_mem>>)
        %dma_wait3A = arith.constant 0 : i32
        %dma_wait3A_86 = tpu.memref_slice %arg5[%add3A_72, %dma_wait3A] : memref<10240x16xf32, #tpu.memory_space<hbm>> -> memref<160x16xf32, #tpu.memory_space<hbm>>
        %dma_wait3A_87 = arith.constant 0 : i32
        %dma_wait3A_88 = tpu.memref_slice %arg5[%add3A_72, %dma_wait3A_87] : memref<10240x16xf32, #tpu.memory_space<hbm>> -> memref<160x16xf32, #tpu.memory_space<hbm>>
        tpu.wait_dma2 semaphore(%run_scoped3A : memref<!tpu.dma_semaphore, #tpu.memory_space<semaphore_mem>>) src(%arg12 : memref<160x16xf32, #tpu.memory_space<vmem>>) dst(%dma_wait3A_88 : memref<160x16xf32, #tpu.memory_space<hbm>>)
        tpu.yield
      }) : () -> ()
    } else {
    }
    %eq3A_78 = arith.constant 1 : i32
    %eq3A_79 = arith.cmpi eq, %arg0, %eq3A_78 : i32
    %convert_element_type3A_80 = arith.extui %eq3A_79 : i1 to i32
    %cond3A_81 = arith.constant 0 : i32
    %cond3A_82 = arith.cmpi ne, %convert_element_type3A_80, %cond3A_81 : i32
    scf.if %cond3A_82 {
      "tpu.region"() ({
        %run_scoped3A = tpu.sem_alloc : memref<!tpu.dma_semaphore, #tpu.memory_space<semaphore_mem>>
        %dma_start3A = arith.constant 0 : i32
        %dma_start3A_83 = tpu.memref_slice %arg6[%add3A_72, %dma_start3A] : memref<10240x16xf32, #tpu.memory_space<hbm>> -> memref<160x16xf32, #tpu.memory_space<hbm>>
        %dma_start3A_84 = arith.constant 0 : i32
        %dma_start3A_85 = tpu.memref_slice %arg6[%add3A_72, %dma_start3A_84] : memref<10240x16xf32, #tpu.memory_space<hbm>> -> memref<160x16xf32, #tpu.memory_space<hbm>>
        tpu.enqueue_dma source(%arg12 : memref<160x16xf32, #tpu.memory_space<vmem>>) target(%dma_start3A_85 : memref<160x16xf32, #tpu.memory_space<hbm>>) target_semaphore(%run_scoped3A : memref<!tpu.dma_semaphore, #tpu.memory_space<semaphore_mem>>)
        %dma_wait3A = arith.constant 0 : i32
        %dma_wait3A_86 = tpu.memref_slice %arg6[%add3A_72, %dma_wait3A] : memref<10240x16xf32, #tpu.memory_space<hbm>> -> memref<160x16xf32, #tpu.memory_space<hbm>>
        %dma_wait3A_87 = arith.constant 0 : i32
        %dma_wait3A_88 = tpu.memref_slice %arg6[%add3A_72, %dma_wait3A_87] : memref<10240x16xf32, #tpu.memory_space<hbm>> -> memref<160x16xf32, #tpu.memory_space<hbm>>
        tpu.wait_dma2 semaphore(%run_scoped3A : memref<!tpu.dma_semaphore, #tpu.memory_space<semaphore_mem>>) src(%arg12 : memref<160x16xf32, #tpu.memory_space<vmem>>) dst(%dma_wait3A_88 : memref<160x16xf32, #tpu.memory_space<hbm>>)
        tpu.yield
      }) : () -> ()
    } else {
    }
    return
  }
}

#map = affine_map<(d0, d1) -> (0, 0)>
module attributes {stable_mosaic.version = 14 : i64} {
  func.func @body(%arg0: i32, %arg1: i32, %arg2: memref<1280x256xi32, #tpu.memory_space<hbm>>, %arg3: memref<1280x256xi32, #tpu.memory_space<hbm>>, %arg4: memref<10240x64xf32, #tpu.memory_space<hbm>>, %arg5: memref<10240x64xf32, #tpu.memory_space<hbm>>, %arg6: memref<10240x64xf32, #tpu.memory_space<hbm>>, %arg7: memref<36x256xi32, #tpu.memory_space<vmem>>, %arg8: memref<36x256xi32, #tpu.memory_space<vmem>>, %arg9: memref<256x64xf32, #tpu.memory_space<vmem>>, %arg10: memref<256x64xf32, #tpu.memory_space<vmem>>, %arg11: memref<256x64xf32, #tpu.memory_space<vmem>>, %arg12: memref<160x64xf32, #tpu.memory_space<vmem>>, %arg13: memref<10240x64xf32, #tpu.memory_space<vmem_shared>>, %arg14: memref<!tpu.dma_semaphore, #tpu.memory_space<semaphore_mem>>, %arg15: memref<!tpu.dma_semaphore, #tpu.memory_space<semaphore_mem>>, %arg16: memref<!tpu.dma_semaphore, #tpu.memory_space<semaphore_mem>>, %arg17: memref<!tpu.dma_semaphore, #tpu.memory_space<semaphore_mem>>, %arg18: memref<!tpu.dma_semaphore, #tpu.memory_space<semaphore_mem>>, %arg19: memref<!tpu.dma_semaphore, #tpu.memory_space<semaphore_mem>>) attributes {dimension_semantics = [#tpu.dimension_semantics<core_parallel>, #tpu.dimension_semantics<subcore_parallel>], iteration_bounds = array<i64: 2, 16>, scalar_prefetch = 0 : i64, scratch_operands = 13 : i64, tpu.core_type = #tpu.core_type<sc_vector_subcore>, window_params = [{transform_indices = #map}, {transform_indices = #map}, {transform_indices = #map}, {transform_indices = #map}, {transform_indices = #map}]} {
    %scan3A = arith.constant 0 : i32
    %scan3A_0 = arith.constant 0 : i32
    %scan3A_1 = arith.constant 160 : i32
    %scan3A_2 = arith.addi %scan3A_0, %scan3A_1 : i32
    %scan3A_3 = arith.constant 1 : i32
    scf.for %scan3A_83 = %scan3A_0 to %scan3A_2 step %scan3A_3  : i32 {
      %broadcast_in_dim3A = arith.constant 0.000000e+00 : f32
      %broadcast_in_dim3A_84 = vector.broadcast %broadcast_in_dim3A : f32 to vector<16xf32>
      %swap3A = arith.index_cast %scan3A_83 : i32 to index
      %swap3A_85 = arith.constant 0 : index
      %swap3A_86 = tpu.vector_load %arg12[%swap3A, %swap3A_85] {strides = array<i32>} : memref<160x64xf32, #tpu.memory_space<vmem>>, vector<1x16xf32>,
      %swap3A_87 = vector.shape_cast %swap3A_86 : vector<1x16xf32> to vector<16xf32>
      %swap3A_88 = vector.shape_cast %broadcast_in_dim3A_84 : vector<16xf32> to vector<1x16xf32>
      tpu.vector_store %arg12[%swap3A, %swap3A_85], %swap3A_88 {strides = array<i32>} : memref<160x64xf32, #tpu.memory_space<vmem>>, vector<1x16xf32>,
      %broadcast_in_dim3A_89 = arith.constant 0.000000e+00 : f32
      %broadcast_in_dim3A_90 = vector.broadcast %broadcast_in_dim3A_89 : f32 to vector<16xf32>
      %swap3A_91 = arith.index_cast %scan3A_83 : i32 to index
      %swap3A_92 = arith.constant 16 : index
      %swap3A_93 = tpu.vector_load %arg12[%swap3A_91, %swap3A_92] {strides = array<i32>} : memref<160x64xf32, #tpu.memory_space<vmem>>, vector<1x16xf32>,
      %swap3A_94 = vector.shape_cast %swap3A_93 : vector<1x16xf32> to vector<16xf32>
      %swap3A_95 = vector.shape_cast %broadcast_in_dim3A_90 : vector<16xf32> to vector<1x16xf32>
      tpu.vector_store %arg12[%swap3A_91, %swap3A_92], %swap3A_95 {strides = array<i32>} : memref<160x64xf32, #tpu.memory_space<vmem>>, vector<1x16xf32>,
      %broadcast_in_dim3A_96 = arith.constant 0.000000e+00 : f32
      %broadcast_in_dim3A_97 = vector.broadcast %broadcast_in_dim3A_96 : f32 to vector<16xf32>
      %swap3A_98 = arith.index_cast %scan3A_83 : i32 to index
      %swap3A_99 = arith.constant 32 : index
      %swap3A_100 = tpu.vector_load %arg12[%swap3A_98, %swap3A_99] {strides = array<i32>} : memref<160x64xf32, #tpu.memory_space<vmem>>, vector<1x16xf32>,
      %swap3A_101 = vector.shape_cast %swap3A_100 : vector<1x16xf32> to vector<16xf32>
      %swap3A_102 = vector.shape_cast %broadcast_in_dim3A_97 : vector<16xf32> to vector<1x16xf32>
      tpu.vector_store %arg12[%swap3A_98, %swap3A_99], %swap3A_102 {strides = array<i32>} : memref<160x64xf32, #tpu.memory_space<vmem>>, vector<1x16xf32>,
      %broadcast_in_dim3A_103 = arith.constant 0.000000e+00 : f32
      %broadcast_in_dim3A_104 = vector.broadcast %broadcast_in_dim3A_103 : f32 to vector<16xf32>
      %swap3A_105 = arith.index_cast %scan3A_83 : i32 to index
      %swap3A_106 = arith.constant 48 : index
      %swap3A_107 = tpu.vector_load %arg12[%swap3A_105, %swap3A_106] {strides = array<i32>} : memref<160x64xf32, #tpu.memory_space<vmem>>, vector<1x16xf32>,
      %swap3A_108 = vector.shape_cast %swap3A_107 : vector<1x16xf32> to vector<16xf32>
      %swap3A_109 = vector.shape_cast %broadcast_in_dim3A_104 : vector<16xf32> to vector<1x16xf32>
      tpu.vector_store %arg12[%swap3A_105, %swap3A_106], %swap3A_109 {strides = array<i32>} : memref<160x64xf32, #tpu.memory_space<vmem>>, vector<1x16xf32>,
    }
    %scan3A_4 = arith.constant 160 : i32
    %mul3A = arith.constant 640 : i32
    %mul3A_5 = arith.muli %arg1, %mul3A : i32
    %add3A = arith.constant 0 : i32
    %add3A_6 = arith.addi %mul3A_5, %add3A : i32
    "tpu.region"() ({
      %run_scoped3A = tpu.sem_alloc : memref<!tpu.dma_semaphore, #tpu.memory_space<semaphore_mem>>
      %dma_start3A = arith.constant 0 : i32
      %dma_start3A_83 = tpu.memref_slice %arg13[%add3A_6, %dma_start3A] : memref<10240x64xf32, #tpu.memory_space<vmem_shared>> -> memref<160x64xf32, #tpu.memory_space<vmem_shared>>
      %dma_start3A_84 = arith.constant 0 : i32
      %dma_start3A_85 = tpu.memref_slice %arg13[%add3A_6, %dma_start3A_84] : memref<10240x64xf32, #tpu.memory_space<vmem_shared>> -> memref<160x64xf32, #tpu.memory_space<vmem_shared>>
      tpu.enqueue_dma source(%arg12 : memref<160x64xf32, #tpu.memory_space<vmem>>) target(%dma_start3A_85 : memref<160x64xf32, #tpu.memory_space<vmem_shared>>) target_semaphore(%run_scoped3A : memref<!tpu.dma_semaphore, #tpu.memory_space<semaphore_mem>>)
      %dma_wait3A = arith.constant 0 : i32
      %dma_wait3A_86 = tpu.memref_slice %arg13[%add3A_6, %dma_wait3A] : memref<10240x64xf32, #tpu.memory_space<vmem_shared>> -> memref<160x64xf32, #tpu.memory_space<vmem_shared>>
      %dma_wait3A_87 = arith.constant 0 : i32
      %dma_wait3A_88 = tpu.memref_slice %arg13[%add3A_6, %dma_wait3A_87] : memref<10240x64xf32, #tpu.memory_space<vmem_shared>> -> memref<160x64xf32, #tpu.memory_space<vmem_shared>>
      tpu.wait_dma2 semaphore(%run_scoped3A : memref<!tpu.dma_semaphore, #tpu.memory_space<semaphore_mem>>) src(%arg12 : memref<160x64xf32, #tpu.memory_space<vmem>>) dst(%dma_wait3A_88 : memref<160x64xf32, #tpu.memory_space<vmem_shared>>)
      tpu.yield
    }) : () -> ()
    %mul3A_7 = arith.constant 640 : i32
    %mul3A_8 = arith.muli %arg1, %mul3A_7 : i32
    %add3A_9 = arith.constant 160 : i32
    %add3A_10 = arith.addi %mul3A_8, %add3A_9 : i32
    "tpu.region"() ({
      %run_scoped3A = tpu.sem_alloc : memref<!tpu.dma_semaphore, #tpu.memory_space<semaphore_mem>>
      %dma_start3A = arith.constant 0 : i32
      %dma_start3A_83 = tpu.memref_slice %arg13[%add3A_10, %dma_start3A] : memref<10240x64xf32, #tpu.memory_space<vmem_shared>> -> memref<160x64xf32, #tpu.memory_space<vmem_shared>>
      %dma_start3A_84 = arith.constant 0 : i32
      %dma_start3A_85 = tpu.memref_slice %arg13[%add3A_10, %dma_start3A_84] : memref<10240x64xf32, #tpu.memory_space<vmem_shared>> -> memref<160x64xf32, #tpu.memory_space<vmem_shared>>
      tpu.enqueue_dma source(%arg12 : memref<160x64xf32, #tpu.memory_space<vmem>>) target(%dma_start3A_85 : memref<160x64xf32, #tpu.memory_space<vmem_shared>>) target_semaphore(%run_scoped3A : memref<!tpu.dma_semaphore, #tpu.memory_space<semaphore_mem>>)
      %dma_wait3A = arith.constant 0 : i32
      %dma_wait3A_86 = tpu.memref_slice %arg13[%add3A_10, %dma_wait3A] : memref<10240x64xf32, #tpu.memory_space<vmem_shared>> -> memref<160x64xf32, #tpu.memory_space<vmem_shared>>
      %dma_wait3A_87 = arith.constant 0 : i32
      %dma_wait3A_88 = tpu.memref_slice %arg13[%add3A_10, %dma_wait3A_87] : memref<10240x64xf32, #tpu.memory_space<vmem_shared>> -> memref<160x64xf32, #tpu.memory_space<vmem_shared>>
      tpu.wait_dma2 semaphore(%run_scoped3A : memref<!tpu.dma_semaphore, #tpu.memory_space<semaphore_mem>>) src(%arg12 : memref<160x64xf32, #tpu.memory_space<vmem>>) dst(%dma_wait3A_88 : memref<160x64xf32, #tpu.memory_space<vmem_shared>>)
      tpu.yield
    }) : () -> ()
    %mul3A_11 = arith.constant 640 : i32
    %mul3A_12 = arith.muli %arg1, %mul3A_11 : i32
    %add3A_13 = arith.constant 320 : i32
    %add3A_14 = arith.addi %mul3A_12, %add3A_13 : i32
    "tpu.region"() ({
      %run_scoped3A = tpu.sem_alloc : memref<!tpu.dma_semaphore, #tpu.memory_space<semaphore_mem>>
      %dma_start3A = arith.constant 0 : i32
      %dma_start3A_83 = tpu.memref_slice %arg13[%add3A_14, %dma_start3A] : memref<10240x64xf32, #tpu.memory_space<vmem_shared>> -> memref<160x64xf32, #tpu.memory_space<vmem_shared>>
      %dma_start3A_84 = arith.constant 0 : i32
      %dma_start3A_85 = tpu.memref_slice %arg13[%add3A_14, %dma_start3A_84] : memref<10240x64xf32, #tpu.memory_space<vmem_shared>> -> memref<160x64xf32, #tpu.memory_space<vmem_shared>>
      tpu.enqueue_dma source(%arg12 : memref<160x64xf32, #tpu.memory_space<vmem>>) target(%dma_start3A_85 : memref<160x64xf32, #tpu.memory_space<vmem_shared>>) target_semaphore(%run_scoped3A : memref<!tpu.dma_semaphore, #tpu.memory_space<semaphore_mem>>)
      %dma_wait3A = arith.constant 0 : i32
      %dma_wait3A_86 = tpu.memref_slice %arg13[%add3A_14, %dma_wait3A] : memref<10240x64xf32, #tpu.memory_space<vmem_shared>> -> memref<160x64xf32, #tpu.memory_space<vmem_shared>>
      %dma_wait3A_87 = arith.constant 0 : i32
      %dma_wait3A_88 = tpu.memref_slice %arg13[%add3A_14, %dma_wait3A_87] : memref<10240x64xf32, #tpu.memory_space<vmem_shared>> -> memref<160x64xf32, #tpu.memory_space<vmem_shared>>
      tpu.wait_dma2 semaphore(%run_scoped3A : memref<!tpu.dma_semaphore, #tpu.memory_space<semaphore_mem>>) src(%arg12 : memref<160x64xf32, #tpu.memory_space<vmem>>) dst(%dma_wait3A_88 : memref<160x64xf32, #tpu.memory_space<vmem_shared>>)
      tpu.yield
    }) : () -> ()
    %mul3A_15 = arith.constant 640 : i32
    %mul3A_16 = arith.muli %arg1, %mul3A_15 : i32
    %add3A_17 = arith.constant 480 : i32
    %add3A_18 = arith.addi %mul3A_16, %add3A_17 : i32
    "tpu.region"() ({
      %run_scoped3A = tpu.sem_alloc : memref<!tpu.dma_semaphore, #tpu.memory_space<semaphore_mem>>
      %dma_start3A = arith.constant 0 : i32
      %dma_start3A_83 = tpu.memref_slice %arg13[%add3A_18, %dma_start3A] : memref<10240x64xf32, #tpu.memory_space<vmem_shared>> -> memref<160x64xf32, #tpu.memory_space<vmem_shared>>
      %dma_start3A_84 = arith.constant 0 : i32
      %dma_start3A_85 = tpu.memref_slice %arg13[%add3A_18, %dma_start3A_84] : memref<10240x64xf32, #tpu.memory_space<vmem_shared>> -> memref<160x64xf32, #tpu.memory_space<vmem_shared>>
      tpu.enqueue_dma source(%arg12 : memref<160x64xf32, #tpu.memory_space<vmem>>) target(%dma_start3A_85 : memref<160x64xf32, #tpu.memory_space<vmem_shared>>) target_semaphore(%run_scoped3A : memref<!tpu.dma_semaphore, #tpu.memory_space<semaphore_mem>>)
      %dma_wait3A = arith.constant 0 : i32
      %dma_wait3A_86 = tpu.memref_slice %arg13[%add3A_18, %dma_wait3A] : memref<10240x64xf32, #tpu.memory_space<vmem_shared>> -> memref<160x64xf32, #tpu.memory_space<vmem_shared>>
      %dma_wait3A_87 = arith.constant 0 : i32
      %dma_wait3A_88 = tpu.memref_slice %arg13[%add3A_18, %dma_wait3A_87] : memref<10240x64xf32, #tpu.memory_space<vmem_shared>> -> memref<160x64xf32, #tpu.memory_space<vmem_shared>>
      tpu.wait_dma2 semaphore(%run_scoped3A : memref<!tpu.dma_semaphore, #tpu.memory_space<semaphore_mem>>) src(%arg12 : memref<160x64xf32, #tpu.memory_space<vmem>>) dst(%dma_wait3A_88 : memref<160x64xf32, #tpu.memory_space<vmem_shared>>)
      tpu.yield
    }) : () -> ()
    %barrier3A = arith.constant 0 : index
    tpu.barrier barrier_id(%barrier3A)
    %eq3A = arith.constant 0 : i32
    %eq3A_19 = arith.cmpi eq, %arg0, %eq3A : i32
    %convert_element_type3A = arith.extui %eq3A_19 : i1 to i32
    %cond3A = arith.constant 0 : i32
    %cond3A_20 = arith.cmpi ne, %convert_element_type3A, %cond3A : i32
    scf.if %cond3A_20 {
      %mul3A_83 = arith.constant 76 : i32
      %mul3A_84 = arith.muli %arg1, %mul3A_83 : i32
      %add3A_85 = arith.constant 0 : i32
      %add3A_86 = arith.addi %mul3A_84, %add3A_85 : i32
      "tpu.region"() ({
        %run_scoped3A = tpu.sem_alloc : memref<!tpu.dma_semaphore, #tpu.memory_space<semaphore_mem>>
        %dma_start3A_170 = arith.constant 0 : i32
        %dma_start3A_171 = arith.constant 0 : i32
        %dma_start3A_172 = tpu.memref_slice %arg7[%dma_start3A_170, %dma_start3A_171] : memref<36x256xi32, #tpu.memory_space<vmem>> -> memref<36x256xi32, #tpu.memory_space<vmem>>
        %dma_start3A_173 = arith.constant 0 : i32
        %dma_start3A_174 = tpu.memref_slice %arg2[%add3A_86, %dma_start3A_173] : memref<1280x256xi32, #tpu.memory_space<hbm>> -> memref<36x256xi32, #tpu.memory_space<hbm>>
        %dma_start3A_175 = arith.constant 0 : i32
        %dma_start3A_176 = arith.constant 0 : i32
        %dma_start3A_177 = tpu.memref_slice %arg7[%dma_start3A_175, %dma_start3A_176] : memref<36x256xi32, #tpu.memory_space<vmem>> -> memref<36x256xi32, #tpu.memory_space<vmem>>
        %dma_start3A_178 = arith.constant 0 : i32
        %dma_start3A_179 = tpu.memref_slice %arg2[%add3A_86, %dma_start3A_178] : memref<1280x256xi32, #tpu.memory_space<hbm>> -> memref<36x256xi32, #tpu.memory_space<hbm>>
        tpu.enqueue_dma source(%dma_start3A_179 : memref<36x256xi32, #tpu.memory_space<hbm>>) target(%dma_start3A_177 : memref<36x256xi32, #tpu.memory_space<vmem>>) target_semaphore(%run_scoped3A : memref<!tpu.dma_semaphore, #tpu.memory_space<semaphore_mem>>)
        %dma_wait3A = arith.constant 0 : i32
        %dma_wait3A_180 = arith.constant 0 : i32
        %dma_wait3A_181 = tpu.memref_slice %arg7[%dma_wait3A, %dma_wait3A_180] : memref<36x256xi32, #tpu.memory_space<vmem>> -> memref<36x256xi32, #tpu.memory_space<vmem>>
        %dma_wait3A_182 = arith.constant 0 : i32
        %dma_wait3A_183 = tpu.memref_slice %arg2[%add3A_86, %dma_wait3A_182] : memref<1280x256xi32, #tpu.memory_space<hbm>> -> memref<36x256xi32, #tpu.memory_space<hbm>>
        %dma_wait3A_184 = arith.constant 0 : i32
        %dma_wait3A_185 = arith.constant 0 : i32
        %dma_wait3A_186 = tpu.memref_slice %arg7[%dma_wait3A_184, %dma_wait3A_185] : memref<36x256xi32, #tpu.memory_space<vmem>> -> memref<36x256xi32, #tpu.memory_space<vmem>>
        %dma_wait3A_187 = arith.constant 0 : i32
        %dma_wait3A_188 = tpu.memref_slice %arg2[%add3A_86, %dma_wait3A_187] : memref<1280x256xi32, #tpu.memory_space<hbm>> -> memref<36x256xi32, #tpu.memory_space<hbm>>
        tpu.wait_dma2 semaphore(%run_scoped3A : memref<!tpu.dma_semaphore, #tpu.memory_space<semaphore_mem>>) src(%dma_wait3A_188 : memref<36x256xi32, #tpu.memory_space<hbm>>) dst(%dma_wait3A_186 : memref<36x256xi32, #tpu.memory_space<vmem>>)
        tpu.yield
      }) : () -> ()
      %add3A_87 = arith.constant 0 : i32
      %add3A_88 = arith.addi %mul3A_84, %add3A_87 : i32
      "tpu.region"() ({
        %run_scoped3A = tpu.sem_alloc : memref<!tpu.dma_semaphore, #tpu.memory_space<semaphore_mem>>
        %dma_start3A_170 = arith.constant 0 : i32
        %dma_start3A_171 = arith.constant 0 : i32
        %dma_start3A_172 = tpu.memref_slice %arg8[%dma_start3A_170, %dma_start3A_171] : memref<36x256xi32, #tpu.memory_space<vmem>> -> memref<36x256xi32, #tpu.memory_space<vmem>>
        %dma_start3A_173 = arith.constant 0 : i32
        %dma_start3A_174 = tpu.memref_slice %arg3[%add3A_88, %dma_start3A_173] : memref<1280x256xi32, #tpu.memory_space<hbm>> -> memref<36x256xi32, #tpu.memory_space<hbm>>
        %dma_start3A_175 = arith.constant 0 : i32
        %dma_start3A_176 = arith.constant 0 : i32
        %dma_start3A_177 = tpu.memref_slice %arg8[%dma_start3A_175, %dma_start3A_176] : memref<36x256xi32, #tpu.memory_space<vmem>> -> memref<36x256xi32, #tpu.memory_space<vmem>>
        %dma_start3A_178 = arith.constant 0 : i32
        %dma_start3A_179 = tpu.memref_slice %arg3[%add3A_88, %dma_start3A_178] : memref<1280x256xi32, #tpu.memory_space<hbm>> -> memref<36x256xi32, #tpu.memory_space<hbm>>
        tpu.enqueue_dma source(%dma_start3A_179 : memref<36x256xi32, #tpu.memory_space<hbm>>) target(%dma_start3A_177 : memref<36x256xi32, #tpu.memory_space<vmem>>) target_semaphore(%run_scoped3A : memref<!tpu.dma_semaphore, #tpu.memory_space<semaphore_mem>>)
        %dma_wait3A = arith.constant 0 : i32
        %dma_wait3A_180 = arith.constant 0 : i32
        %dma_wait3A_181 = tpu.memref_slice %arg8[%dma_wait3A, %dma_wait3A_180] : memref<36x256xi32, #tpu.memory_space<vmem>> -> memref<36x256xi32, #tpu.memory_space<vmem>>
        %dma_wait3A_182 = arith.constant 0 : i32
        %dma_wait3A_183 = tpu.memref_slice %arg3[%add3A_88, %dma_wait3A_182] : memref<1280x256xi32, #tpu.memory_space<hbm>> -> memref<36x256xi32, #tpu.memory_space<hbm>>
        %dma_wait3A_184 = arith.constant 0 : i32
        %dma_wait3A_185 = arith.constant 0 : i32
        %dma_wait3A_186 = tpu.memref_slice %arg8[%dma_wait3A_184, %dma_wait3A_185] : memref<36x256xi32, #tpu.memory_space<vmem>> -> memref<36x256xi32, #tpu.memory_space<vmem>>
        %dma_wait3A_187 = arith.constant 0 : i32
        %dma_wait3A_188 = tpu.memref_slice %arg3[%add3A_88, %dma_wait3A_187] : memref<1280x256xi32, #tpu.memory_space<hbm>> -> memref<36x256xi32, #tpu.memory_space<hbm>>
        tpu.wait_dma2 semaphore(%run_scoped3A : memref<!tpu.dma_semaphore, #tpu.memory_space<semaphore_mem>>) src(%dma_wait3A_188 : memref<36x256xi32, #tpu.memory_space<hbm>>) dst(%dma_wait3A_186 : memref<36x256xi32, #tpu.memory_space<vmem>>)
        tpu.yield
      }) : () -> ()
      %dma_start3A = arith.constant 0 : i32
      %dma_start3A_89 = arith.constant 0 : i32
      %dma_start3A_90 = tpu.memref_slice %arg7[%dma_start3A, %dma_start3A_89] : memref<36x256xi32, #tpu.memory_space<vmem>> -> memref<1x256xi32, #tpu.memory_space<vmem>>
      %dma_start3A_91 = tpu.memref_squeeze %dma_start3A_90 : memref<1x256xi32, #tpu.memory_space<vmem>> -> memref<256xi32, #tpu.memory_space<vmem>>
      %dma_start3A_92 = arith.constant 0 : i32
      %dma_start3A_93 = arith.constant 0 : i32
      %dma_start3A_94 = tpu.memref_slice %arg4[%dma_start3A_92, %dma_start3A_93] : memref<10240x64xf32, #tpu.memory_space<hbm>> -> memref<10240x64xf32, #tpu.memory_space<hbm>>
      tpu.enqueue_indirect_dma source(%dma_start3A_94 : memref<10240x64xf32, #tpu.memory_space<hbm>>) target(%arg9 : memref<256x64xf32, #tpu.memory_space<vmem>>) offsets(%dma_start3A_91 : memref<256xi32, #tpu.memory_space<vmem>>) semaphore(%arg14 : memref<!tpu.dma_semaphore, #tpu.memory_space<semaphore_mem>>)
      %dma_start3A_95 = arith.constant 1 : i32
      %dma_start3A_96 = arith.constant 0 : i32
      %dma_start3A_97 = tpu.memref_slice %arg7[%dma_start3A_95, %dma_start3A_96] : memref<36x256xi32, #tpu.memory_space<vmem>> -> memref<1x256xi32, #tpu.memory_space<vmem>>
      %dma_start3A_98 = tpu.memref_squeeze %dma_start3A_97 : memref<1x256xi32, #tpu.memory_space<vmem>> -> memref<256xi32, #tpu.memory_space<vmem>>
      %dma_start3A_99 = arith.constant 0 : i32
      %dma_start3A_100 = arith.constant 0 : i32
      %dma_start3A_101 = tpu.memref_slice %arg4[%dma_start3A_99, %dma_start3A_100] : memref<10240x64xf32, #tpu.memory_space<hbm>> -> memref<10240x64xf32, #tpu.memory_space<hbm>>
      tpu.enqueue_indirect_dma source(%dma_start3A_101 : memref<10240x64xf32, #tpu.memory_space<hbm>>) target(%arg10 : memref<256x64xf32, #tpu.memory_space<vmem>>) offsets(%dma_start3A_98 : memref<256xi32, #tpu.memory_space<vmem>>) semaphore(%arg15 : memref<!tpu.dma_semaphore, #tpu.memory_space<semaphore_mem>>)
      %dma_start3A_102 = arith.constant 2 : i32
      %dma_start3A_103 = arith.constant 0 : i32
      %dma_start3A_104 = tpu.memref_slice %arg7[%dma_start3A_102, %dma_start3A_103] : memref<36x256xi32, #tpu.memory_space<vmem>> -> memref<1x256xi32, #tpu.memory_space<vmem>>
      %dma_start3A_105 = tpu.memref_squeeze %dma_start3A_104 : memref<1x256xi32, #tpu.memory_space<vmem>> -> memref<256xi32, #tpu.memory_space<vmem>>
      %dma_start3A_106 = arith.constant 0 : i32
      %dma_start3A_107 = arith.constant 0 : i32
      %dma_start3A_108 = tpu.memref_slice %arg4[%dma_start3A_106, %dma_start3A_107] : memref<10240x64xf32, #tpu.memory_space<hbm>> -> memref<10240x64xf32, #tpu.memory_space<hbm>>
      tpu.enqueue_indirect_dma source(%dma_start3A_108 : memref<10240x64xf32, #tpu.memory_space<hbm>>) target(%arg11 : memref<256x64xf32, #tpu.memory_space<vmem>>) offsets(%dma_start3A_105 : memref<256xi32, #tpu.memory_space<vmem>>) semaphore(%arg16 : memref<!tpu.dma_semaphore, #tpu.memory_space<semaphore_mem>>)
      %scan3A_109 = arith.constant 0 : i32
      %scan3A_110 = arith.constant 0 : i32
      %scan3A_111 = arith.constant 12 : i32
      %scan3A_112 = arith.addi %scan3A_110, %scan3A_111 : i32
      %scan3A_113 = arith.constant 1 : i32
      scf.for %scan3A_170 = %scan3A_110 to %scan3A_112 step %scan3A_113  : i32 {
        %mul3A_171 = arith.constant 3 : i32
        %mul3A_172 = arith.muli %mul3A_171, %scan3A_170 : i32
        %add3A_173 = arith.constant 0 : i32
        %add3A_174 = arith.addi %mul3A_172, %add3A_173 : i32
        %dma_wait3A = arith.constant 0 : i32
        %dma_wait3A_175 = tpu.memref_slice %arg7[%add3A_174, %dma_wait3A] : memref<36x256xi32, #tpu.memory_space<vmem>> -> memref<1x256xi32, #tpu.memory_space<vmem>>
        %dma_wait3A_176 = tpu.memref_squeeze %dma_wait3A_175 : memref<1x256xi32, #tpu.memory_space<vmem>> -> memref<256xi32, #tpu.memory_space<vmem>>
        %dma_wait3A_177 = arith.constant 0 : i32
        %dma_wait3A_178 = arith.constant 0 : i32
        %dma_wait3A_179 = tpu.memref_slice %arg4[%dma_wait3A_177, %dma_wait3A_178] : memref<10240x64xf32, #tpu.memory_space<hbm>> -> memref<10240x64xf32, #tpu.memory_space<hbm>>
        tpu.wait_indirect_dma semaphore(%arg14 : memref<!tpu.dma_semaphore, #tpu.memory_space<semaphore_mem>>) src(%dma_wait3A_179 : memref<10240x64xf32, #tpu.memory_space<hbm>>) dst(%arg9 : memref<256x64xf32, #tpu.memory_space<vmem>>)
        %add3A_180 = arith.constant 0 : i32
        %add3A_181 = arith.addi %mul3A_172, %add3A_180 : i32
        %dma_start3A_182 = arith.constant 0 : i32
        %dma_start3A_183 = tpu.memref_slice %arg8[%add3A_181, %dma_start3A_182] : memref<36x256xi32, #tpu.memory_space<vmem>> -> memref<1x256xi32, #tpu.memory_space<vmem>>
        %dma_start3A_184 = tpu.memref_squeeze %dma_start3A_183 : memref<1x256xi32, #tpu.memory_space<vmem>> -> memref<256xi32, #tpu.memory_space<vmem>>
        %dma_start3A_185 = arith.constant 0 : i32
        %dma_start3A_186 = arith.constant 0 : i32
        %dma_start3A_187 = tpu.memref_slice %arg13[%dma_start3A_185, %dma_start3A_186] : memref<10240x64xf32, #tpu.memory_space<vmem_shared>> -> memref<10240x64xf32, #tpu.memory_space<vmem_shared>>
        tpu.enqueue_indirect_dma source(%arg9 : memref<256x64xf32, #tpu.memory_space<vmem>>) target(%dma_start3A_187 : memref<10240x64xf32, #tpu.memory_space<vmem_shared>>) offsets(%dma_start3A_184 : memref<256xi32, #tpu.memory_space<vmem>>) semaphore(%arg17 : memref<!tpu.dma_semaphore, #tpu.memory_space<semaphore_mem>>) {add = true}
        %add3A_188 = arith.constant 1 : i32
        %add3A_189 = arith.addi %mul3A_172, %add3A_188 : i32
        %dma_wait3A_190 = arith.constant 0 : i32
        %dma_wait3A_191 = tpu.memref_slice %arg7[%add3A_189, %dma_wait3A_190] : memref<36x256xi32, #tpu.memory_space<vmem>> -> memref<1x256xi32, #tpu.memory_space<vmem>>
        %dma_wait3A_192 = tpu.memref_squeeze %dma_wait3A_191 : memref<1x256xi32, #tpu.memory_space<vmem>> -> memref<256xi32, #tpu.memory_space<vmem>>
        %dma_wait3A_193 = arith.constant 0 : i32
        %dma_wait3A_194 = arith.constant 0 : i32
        %dma_wait3A_195 = tpu.memref_slice %arg4[%dma_wait3A_193, %dma_wait3A_194] : memref<10240x64xf32, #tpu.memory_space<hbm>> -> memref<10240x64xf32, #tpu.memory_space<hbm>>
        tpu.wait_indirect_dma semaphore(%arg15 : memref<!tpu.dma_semaphore, #tpu.memory_space<semaphore_mem>>) src(%dma_wait3A_195 : memref<10240x64xf32, #tpu.memory_space<hbm>>) dst(%arg10 : memref<256x64xf32, #tpu.memory_space<vmem>>)
        %add3A_196 = arith.constant 1 : i32
        %add3A_197 = arith.addi %mul3A_172, %add3A_196 : i32
        %dma_start3A_198 = arith.constant 0 : i32
        %dma_start3A_199 = tpu.memref_slice %arg8[%add3A_197, %dma_start3A_198] : memref<36x256xi32, #tpu.memory_space<vmem>> -> memref<1x256xi32, #tpu.memory_space<vmem>>
        %dma_start3A_200 = tpu.memref_squeeze %dma_start3A_199 : memref<1x256xi32, #tpu.memory_space<vmem>> -> memref<256xi32, #tpu.memory_space<vmem>>
        %dma_start3A_201 = arith.constant 0 : i32
        %dma_start3A_202 = arith.constant 0 : i32
        %dma_start3A_203 = tpu.memref_slice %arg13[%dma_start3A_201, %dma_start3A_202] : memref<10240x64xf32, #tpu.memory_space<vmem_shared>> -> memref<10240x64xf32, #tpu.memory_space<vmem_shared>>
        tpu.enqueue_indirect_dma source(%arg10 : memref<256x64xf32, #tpu.memory_space<vmem>>) target(%dma_start3A_203 : memref<10240x64xf32, #tpu.memory_space<vmem_shared>>) offsets(%dma_start3A_200 : memref<256xi32, #tpu.memory_space<vmem>>) semaphore(%arg18 : memref<!tpu.dma_semaphore, #tpu.memory_space<semaphore_mem>>) {add = true}
        %add3A_204 = arith.constant 2 : i32
        %add3A_205 = arith.addi %mul3A_172, %add3A_204 : i32
        %dma_wait3A_206 = arith.constant 0 : i32
        %dma_wait3A_207 = tpu.memref_slice %arg7[%add3A_205, %dma_wait3A_206] : memref<36x256xi32, #tpu.memory_space<vmem>> -> memref<1x256xi32, #tpu.memory_space<vmem>>
        %dma_wait3A_208 = tpu.memref_squeeze %dma_wait3A_207 : memref<1x256xi32, #tpu.memory_space<vmem>> -> memref<256xi32, #tpu.memory_space<vmem>>
        %dma_wait3A_209 = arith.constant 0 : i32
        %dma_wait3A_210 = arith.constant 0 : i32
        %dma_wait3A_211 = tpu.memref_slice %arg4[%dma_wait3A_209, %dma_wait3A_210] : memref<10240x64xf32, #tpu.memory_space<hbm>> -> memref<10240x64xf32, #tpu.memory_space<hbm>>
        tpu.wait_indirect_dma semaphore(%arg16 : memref<!tpu.dma_semaphore, #tpu.memory_space<semaphore_mem>>) src(%dma_wait3A_211 : memref<10240x64xf32, #tpu.memory_space<hbm>>) dst(%arg11 : memref<256x64xf32, #tpu.memory_space<vmem>>)
        %add3A_212 = arith.constant 2 : i32
        %add3A_213 = arith.addi %mul3A_172, %add3A_212 : i32
        %dma_start3A_214 = arith.constant 0 : i32
        %dma_start3A_215 = tpu.memref_slice %arg8[%add3A_213, %dma_start3A_214] : memref<36x256xi32, #tpu.memory_space<vmem>> -> memref<1x256xi32, #tpu.memory_space<vmem>>
        %dma_start3A_216 = tpu.memref_squeeze %dma_start3A_215 : memref<1x256xi32, #tpu.memory_space<vmem>> -> memref<256xi32, #tpu.memory_space<vmem>>
        %dma_start3A_217 = arith.constant 0 : i32
        %dma_start3A_218 = arith.constant 0 : i32
        %dma_start3A_219 = tpu.memref_slice %arg13[%dma_start3A_217, %dma_start3A_218] : memref<10240x64xf32, #tpu.memory_space<vmem_shared>> -> memref<10240x64xf32, #tpu.memory_space<vmem_shared>>
        tpu.enqueue_indirect_dma source(%arg11 : memref<256x64xf32, #tpu.memory_space<vmem>>) target(%dma_start3A_219 : memref<10240x64xf32, #tpu.memory_space<vmem_shared>>) offsets(%dma_start3A_216 : memref<256xi32, #tpu.memory_space<vmem>>) semaphore(%arg19 : memref<!tpu.dma_semaphore, #tpu.memory_space<semaphore_mem>>) {add = true}
        %add3A_220 = arith.constant 0 : i32
        %add3A_221 = arith.addi %mul3A_172, %add3A_220 : i32
        %dma_wait3A_222 = arith.constant 0 : i32
        %dma_wait3A_223 = tpu.memref_slice %arg8[%add3A_221, %dma_wait3A_222] : memref<36x256xi32, #tpu.memory_space<vmem>> -> memref<1x256xi32, #tpu.memory_space<vmem>>
        %dma_wait3A_224 = tpu.memref_squeeze %dma_wait3A_223 : memref<1x256xi32, #tpu.memory_space<vmem>> -> memref<256xi32, #tpu.memory_space<vmem>>
        %dma_wait3A_225 = arith.constant 0 : i32
        %dma_wait3A_226 = arith.constant 0 : i32
        %dma_wait3A_227 = tpu.memref_slice %arg13[%dma_wait3A_225, %dma_wait3A_226] : memref<10240x64xf32, #tpu.memory_space<vmem_shared>> -> memref<10240x64xf32, #tpu.memory_space<vmem_shared>>
        tpu.wait_indirect_dma semaphore(%arg17 : memref<!tpu.dma_semaphore, #tpu.memory_space<semaphore_mem>>) src(%arg9 : memref<256x64xf32, #tpu.memory_space<vmem>>) dst(%dma_wait3A_227 : memref<10240x64xf32, #tpu.memory_space<vmem_shared>>)
        %lt3A = arith.constant 11 : i32
        %lt3A_228 = arith.cmpi slt, %scan3A_170, %lt3A : i32
        %convert_element_type3A_229 = arith.extui %lt3A_228 : i1 to i32
        %cond3A_230 = arith.constant 0 : i32
        %cond3A_231 = arith.cmpi ne, %convert_element_type3A_229, %cond3A_230 : i32
        scf.if %cond3A_231 {
          %add3A_258 = arith.constant 0 : i32
          %add3A_259 = arith.addi %mul3A_172, %add3A_258 : i32
          %add3A_260 = arith.constant 3 : i32
          %add3A_261 = arith.addi %add3A_259, %add3A_260 : i32
          %dma_start3A_262 = arith.constant 0 : i32
          %dma_start3A_263 = tpu.memref_slice %arg7[%add3A_261, %dma_start3A_262] : memref<36x256xi32, #tpu.memory_space<vmem>> -> memref<1x256xi32, #tpu.memory_space<vmem>>
          %dma_start3A_264 = tpu.memref_squeeze %dma_start3A_263 : memref<1x256xi32, #tpu.memory_space<vmem>> -> memref<256xi32, #tpu.memory_space<vmem>>
          %dma_start3A_265 = arith.constant 0 : i32
          %dma_start3A_266 = arith.constant 0 : i32
          %dma_start3A_267 = tpu.memref_slice %arg4[%dma_start3A_265, %dma_start3A_266] : memref<10240x64xf32, #tpu.memory_space<hbm>> -> memref<10240x64xf32, #tpu.memory_space<hbm>>
          tpu.enqueue_indirect_dma source(%dma_start3A_267 : memref<10240x64xf32, #tpu.memory_space<hbm>>) target(%arg9 : memref<256x64xf32, #tpu.memory_space<vmem>>) offsets(%dma_start3A_264 : memref<256xi32, #tpu.memory_space<vmem>>) semaphore(%arg14 : memref<!tpu.dma_semaphore, #tpu.memory_space<semaphore_mem>>)
        } else {
        }
        %add3A_232 = arith.constant 1 : i32
        %add3A_233 = arith.addi %mul3A_172, %add3A_232 : i32
        %dma_wait3A_234 = arith.constant 0 : i32
        %dma_wait3A_235 = tpu.memref_slice %arg8[%add3A_233, %dma_wait3A_234] : memref<36x256xi32, #tpu.memory_space<vmem>> -> memref<1x256xi32, #tpu.memory_space<vmem>>
        %dma_wait3A_236 = tpu.memref_squeeze %dma_wait3A_235 : memref<1x256xi32, #tpu.memory_space<vmem>> -> memref<256xi32, #tpu.memory_space<vmem>>
        %dma_wait3A_237 = arith.constant 0 : i32
        %dma_wait3A_238 = arith.constant 0 : i32
        %dma_wait3A_239 = tpu.memref_slice %arg13[%dma_wait3A_237, %dma_wait3A_238] : memref<10240x64xf32, #tpu.memory_space<vmem_shared>> -> memref<10240x64xf32, #tpu.memory_space<vmem_shared>>
        tpu.wait_indirect_dma semaphore(%arg18 : memref<!tpu.dma_semaphore, #tpu.memory_space<semaphore_mem>>) src(%arg10 : memref<256x64xf32, #tpu.memory_space<vmem>>) dst(%dma_wait3A_239 : memref<10240x64xf32, #tpu.memory_space<vmem_shared>>)
        %lt3A_240 = arith.constant 11 : i32
        %lt3A_241 = arith.cmpi slt, %scan3A_170, %lt3A_240 : i32
        %convert_element_type3A_242 = arith.extui %lt3A_241 : i1 to i32
        %cond3A_243 = arith.constant 0 : i32
        %cond3A_244 = arith.cmpi ne, %convert_element_type3A_242, %cond3A_243 : i32
        scf.if %cond3A_244 {
          %add3A_258 = arith.constant 1 : i32
          %add3A_259 = arith.addi %mul3A_172, %add3A_258 : i32
          %add3A_260 = arith.constant 3 : i32
          %add3A_261 = arith.addi %add3A_259, %add3A_260 : i32
          %dma_start3A_262 = arith.constant 0 : i32
          %dma_start3A_263 = tpu.memref_slice %arg7[%add3A_261, %dma_start3A_262] : memref<36x256xi32, #tpu.memory_space<vmem>> -> memref<1x256xi32, #tpu.memory_space<vmem>>
          %dma_start3A_264 = tpu.memref_squeeze %dma_start3A_263 : memref<1x256xi32, #tpu.memory_space<vmem>> -> memref<256xi32, #tpu.memory_space<vmem>>
          %dma_start3A_265 = arith.constant 0 : i32
          %dma_start3A_266 = arith.constant 0 : i32
          %dma_start3A_267 = tpu.memref_slice %arg4[%dma_start3A_265, %dma_start3A_266] : memref<10240x64xf32, #tpu.memory_space<hbm>> -> memref<10240x64xf32, #tpu.memory_space<hbm>>
          tpu.enqueue_indirect_dma source(%dma_start3A_267 : memref<10240x64xf32, #tpu.memory_space<hbm>>) target(%arg10 : memref<256x64xf32, #tpu.memory_space<vmem>>) offsets(%dma_start3A_264 : memref<256xi32, #tpu.memory_space<vmem>>) semaphore(%arg15 : memref<!tpu.dma_semaphore, #tpu.memory_space<semaphore_mem>>)
        } else {
        }
        %add3A_245 = arith.constant 2 : i32
        %add3A_246 = arith.addi %mul3A_172, %add3A_245 : i32
        %dma_wait3A_247 = arith.constant 0 : i32
        %dma_wait3A_248 = tpu.memref_slice %arg8[%add3A_246, %dma_wait3A_247] : memref<36x256xi32, #tpu.memory_space<vmem>> -> memref<1x256xi32, #tpu.memory_space<vmem>>
        %dma_wait3A_249 = tpu.memref_squeeze %dma_wait3A_248 : memref<1x256xi32, #tpu.memory_space<vmem>> -> memref<256xi32, #tpu.memory_space<vmem>>
        %dma_wait3A_250 = arith.constant 0 : i32
        %dma_wait3A_251 = arith.constant 0 : i32
        %dma_wait3A_252 = tpu.memref_slice %arg13[%dma_wait3A_250, %dma_wait3A_251] : memref<10240x64xf32, #tpu.memory_space<vmem_shared>> -> memref<10240x64xf32, #tpu.memory_space<vmem_shared>>
        tpu.wait_indirect_dma semaphore(%arg19 : memref<!tpu.dma_semaphore, #tpu.memory_space<semaphore_mem>>) src(%arg11 : memref<256x64xf32, #tpu.memory_space<vmem>>) dst(%dma_wait3A_252 : memref<10240x64xf32, #tpu.memory_space<vmem_shared>>)
        %lt3A_253 = arith.constant 11 : i32
        %lt3A_254 = arith.cmpi slt, %scan3A_170, %lt3A_253 : i32
        %convert_element_type3A_255 = arith.extui %lt3A_254 : i1 to i32
        %cond3A_256 = arith.constant 0 : i32
        %cond3A_257 = arith.cmpi ne, %convert_element_type3A_255, %cond3A_256 : i32
        scf.if %cond3A_257 {
          %add3A_258 = arith.constant 2 : i32
          %add3A_259 = arith.addi %mul3A_172, %add3A_258 : i32
          %add3A_260 = arith.constant 3 : i32
          %add3A_261 = arith.addi %add3A_259, %add3A_260 : i32
          %dma_start3A_262 = arith.constant 0 : i32
          %dma_start3A_263 = tpu.memref_slice %arg7[%add3A_261, %dma_start3A_262] : memref<36x256xi32, #tpu.memory_space<vmem>> -> memref<1x256xi32, #tpu.memory_space<vmem>>
          %dma_start3A_264 = tpu.memref_squeeze %dma_start3A_263 : memref<1x256xi32, #tpu.memory_space<vmem>> -> memref<256xi32, #tpu.memory_space<vmem>>
          %dma_start3A_265 = arith.constant 0 : i32
          %dma_start3A_266 = arith.constant 0 : i32
          %dma_start3A_267 = tpu.memref_slice %arg4[%dma_start3A_265, %dma_start3A_266] : memref<10240x64xf32, #tpu.memory_space<hbm>> -> memref<10240x64xf32, #tpu.memory_space<hbm>>
          tpu.enqueue_indirect_dma source(%dma_start3A_267 : memref<10240x64xf32, #tpu.memory_space<hbm>>) target(%arg11 : memref<256x64xf32, #tpu.memory_space<vmem>>) offsets(%dma_start3A_264 : memref<256xi32, #tpu.memory_space<vmem>>) semaphore(%arg16 : memref<!tpu.dma_semaphore, #tpu.memory_space<semaphore_mem>>)
        } else {
        }
      }
      %scan3A_114 = arith.constant 12 : i32
      %add3A_115 = arith.constant 36 : i32
      %add3A_116 = arith.addi %mul3A_84, %add3A_115 : i32
      "tpu.region"() ({
        %run_scoped3A = tpu.sem_alloc : memref<!tpu.dma_semaphore, #tpu.memory_space<semaphore_mem>>
        %dma_start3A_170 = arith.constant 0 : i32
        %dma_start3A_171 = arith.constant 0 : i32
        %dma_start3A_172 = tpu.memref_slice %arg7[%dma_start3A_170, %dma_start3A_171] : memref<36x256xi32, #tpu.memory_space<vmem>> -> memref<36x256xi32, #tpu.memory_space<vmem>>
        %dma_start3A_173 = arith.constant 0 : i32
        %dma_start3A_174 = tpu.memref_slice %arg2[%add3A_116, %dma_start3A_173] : memref<1280x256xi32, #tpu.memory_space<hbm>> -> memref<36x256xi32, #tpu.memory_space<hbm>>
        %dma_start3A_175 = arith.constant 0 : i32
        %dma_start3A_176 = arith.constant 0 : i32
        %dma_start3A_177 = tpu.memref_slice %arg7[%dma_start3A_175, %dma_start3A_176] : memref<36x256xi32, #tpu.memory_space<vmem>> -> memref<36x256xi32, #tpu.memory_space<vmem>>
        %dma_start3A_178 = arith.constant 0 : i32
        %dma_start3A_179 = tpu.memref_slice %arg2[%add3A_116, %dma_start3A_178] : memref<1280x256xi32, #tpu.memory_space<hbm>> -> memref<36x256xi32, #tpu.memory_space<hbm>>
        tpu.enqueue_dma source(%dma_start3A_179 : memref<36x256xi32, #tpu.memory_space<hbm>>) target(%dma_start3A_177 : memref<36x256xi32, #tpu.memory_space<vmem>>) target_semaphore(%run_scoped3A : memref<!tpu.dma_semaphore, #tpu.memory_space<semaphore_mem>>)
        %dma_wait3A = arith.constant 0 : i32
        %dma_wait3A_180 = arith.constant 0 : i32
        %dma_wait3A_181 = tpu.memref_slice %arg7[%dma_wait3A, %dma_wait3A_180] : memref<36x256xi32, #tpu.memory_space<vmem>> -> memref<36x256xi32, #tpu.memory_space<vmem>>
        %dma_wait3A_182 = arith.constant 0 : i32
        %dma_wait3A_183 = tpu.memref_slice %arg2[%add3A_116, %dma_wait3A_182] : memref<1280x256xi32, #tpu.memory_space<hbm>> -> memref<36x256xi32, #tpu.memory_space<hbm>>
        %dma_wait3A_184 = arith.constant 0 : i32
        %dma_wait3A_185 = arith.constant 0 : i32
        %dma_wait3A_186 = tpu.memref_slice %arg7[%dma_wait3A_184, %dma_wait3A_185] : memref<36x256xi32, #tpu.memory_space<vmem>> -> memref<36x256xi32, #tpu.memory_space<vmem>>
        %dma_wait3A_187 = arith.constant 0 : i32
        %dma_wait3A_188 = tpu.memref_slice %arg2[%add3A_116, %dma_wait3A_187] : memref<1280x256xi32, #tpu.memory_space<hbm>> -> memref<36x256xi32, #tpu.memory_space<hbm>>
        tpu.wait_dma2 semaphore(%run_scoped3A : memref<!tpu.dma_semaphore, #tpu.memory_space<semaphore_mem>>) src(%dma_wait3A_188 : memref<36x256xi32, #tpu.memory_space<hbm>>) dst(%dma_wait3A_186 : memref<36x256xi32, #tpu.memory_space<vmem>>)
        tpu.yield
      }) : () -> ()
      %add3A_117 = arith.constant 36 : i32
      %add3A_118 = arith.addi %mul3A_84, %add3A_117 : i32
      "tpu.region"() ({
        %run_scoped3A = tpu.sem_alloc : memref<!tpu.dma_semaphore, #tpu.memory_space<semaphore_mem>>
        %dma_start3A_170 = arith.constant 0 : i32
        %dma_start3A_171 = arith.constant 0 : i32
        %dma_start3A_172 = tpu.memref_slice %arg8[%dma_start3A_170, %dma_start3A_171] : memref<36x256xi32, #tpu.memory_space<vmem>> -> memref<36x256xi32, #tpu.memory_space<vmem>>
        %dma_start3A_173 = arith.constant 0 : i32
        %dma_start3A_174 = tpu.memref_slice %arg3[%add3A_118, %dma_start3A_173] : memref<1280x256xi32, #tpu.memory_space<hbm>> -> memref<36x256xi32, #tpu.memory_space<hbm>>
        %dma_start3A_175 = arith.constant 0 : i32
        %dma_start3A_176 = arith.constant 0 : i32
        %dma_start3A_177 = tpu.memref_slice %arg8[%dma_start3A_175, %dma_start3A_176] : memref<36x256xi32, #tpu.memory_space<vmem>> -> memref<36x256xi32, #tpu.memory_space<vmem>>
        %dma_start3A_178 = arith.constant 0 : i32
        %dma_start3A_179 = tpu.memref_slice %arg3[%add3A_118, %dma_start3A_178] : memref<1280x256xi32, #tpu.memory_space<hbm>> -> memref<36x256xi32, #tpu.memory_space<hbm>>
        tpu.enqueue_dma source(%dma_start3A_179 : memref<36x256xi32, #tpu.memory_space<hbm>>) target(%dma_start3A_177 : memref<36x256xi32, #tpu.memory_space<vmem>>) target_semaphore(%run_scoped3A : memref<!tpu.dma_semaphore, #tpu.memory_space<semaphore_mem>>)
        %dma_wait3A = arith.constant 0 : i32
        %dma_wait3A_180 = arith.constant 0 : i32
        %dma_wait3A_181 = tpu.memref_slice %arg8[%dma_wait3A, %dma_wait3A_180] : memref<36x256xi32, #tpu.memory_space<vmem>> -> memref<36x256xi32, #tpu.memory_space<vmem>>
        %dma_wait3A_182 = arith.constant 0 : i32
        %dma_wait3A_183 = tpu.memref_slice %arg3[%add3A_118, %dma_wait3A_182] : memref<1280x256xi32, #tpu.memory_space<hbm>> -> memref<36x256xi32, #tpu.memory_space<hbm>>
        %dma_wait3A_184 = arith.constant 0 : i32
        %dma_wait3A_185 = arith.constant 0 : i32
        %dma_wait3A_186 = tpu.memref_slice %arg8[%dma_wait3A_184, %dma_wait3A_185] : memref<36x256xi32, #tpu.memory_space<vmem>> -> memref<36x256xi32, #tpu.memory_space<vmem>>
        %dma_wait3A_187 = arith.constant 0 : i32
        %dma_wait3A_188 = tpu.memref_slice %arg3[%add3A_118, %dma_wait3A_187] : memref<1280x256xi32, #tpu.memory_space<hbm>> -> memref<36x256xi32, #tpu.memory_space<hbm>>
        tpu.wait_dma2 semaphore(%run_scoped3A : memref<!tpu.dma_semaphore, #tpu.memory_space<semaphore_mem>>) src(%dma_wait3A_188 : memref<36x256xi32, #tpu.memory_space<hbm>>) dst(%dma_wait3A_186 : memref<36x256xi32, #tpu.memory_space<vmem>>)
        tpu.yield
      }) : () -> ()
      %dma_start3A_119 = arith.constant 0 : i32
      %dma_start3A_120 = arith.constant 0 : i32
      %dma_start3A_121 = tpu.memref_slice %arg7[%dma_start3A_119, %dma_start3A_120] : memref<36x256xi32, #tpu.memory_space<vmem>> -> memref<1x256xi32, #tpu.memory_space<vmem>>
      %dma_start3A_122 = tpu.memref_squeeze %dma_start3A_121 : memref<1x256xi32, #tpu.memory_space<vmem>> -> memref<256xi32, #tpu.memory_space<vmem>>
      %dma_start3A_123 = arith.constant 0 : i32
      %dma_start3A_124 = arith.constant 0 : i32
      %dma_start3A_125 = tpu.memref_slice %arg4[%dma_start3A_123, %dma_start3A_124] : memref<10240x64xf32, #tpu.memory_space<hbm>> -> memref<10240x64xf32, #tpu.memory_space<hbm>>
      tpu.enqueue_indirect_dma source(%dma_start3A_125 : memref<10240x64xf32, #tpu.memory_space<hbm>>) target(%arg9 : memref<256x64xf32, #tpu.memory_space<vmem>>) offsets(%dma_start3A_122 : memref<256xi32, #tpu.memory_space<vmem>>) semaphore(%arg14 : memref<!tpu.dma_semaphore, #tpu.memory_space<semaphore_mem>>)
      %dma_start3A_126 = arith.constant 1 : i32
      %dma_start3A_127 = arith.constant 0 : i32
      %dma_start3A_128 = tpu.memref_slice %arg7[%dma_start3A_126, %dma_start3A_127] : memref<36x256xi32, #tpu.memory_space<vmem>> -> memref<1x256xi32, #tpu.memory_space<vmem>>
      %dma_start3A_129 = tpu.memref_squeeze %dma_start3A_128 : memref<1x256xi32, #tpu.memory_space<vmem>> -> memref<256xi32, #tpu.memory_space<vmem>>
      %dma_start3A_130 = arith.constant 0 : i32
      %dma_start3A_131 = arith.constant 0 : i32
      %dma_start3A_132 = tpu.memref_slice %arg4[%dma_start3A_130, %dma_start3A_131] : memref<10240x64xf32, #tpu.memory_space<hbm>> -> memref<10240x64xf32, #tpu.memory_space<hbm>>
      tpu.enqueue_indirect_dma source(%dma_start3A_132 : memref<10240x64xf32, #tpu.memory_space<hbm>>) target(%arg10 : memref<256x64xf32, #tpu.memory_space<vmem>>) offsets(%dma_start3A_129 : memref<256xi32, #tpu.memory_space<vmem>>) semaphore(%arg15 : memref<!tpu.dma_semaphore, #tpu.memory_space<semaphore_mem>>)
      %dma_start3A_133 = arith.constant 2 : i32
      %dma_start3A_134 = arith.constant 0 : i32
      %dma_start3A_135 = tpu.memref_slice %arg7[%dma_start3A_133, %dma_start3A_134] : memref<36x256xi32, #tpu.memory_space<vmem>> -> memref<1x256xi32, #tpu.memory_space<vmem>>
      %dma_start3A_136 = tpu.memref_squeeze %dma_start3A_135 : memref<1x256xi32, #tpu.memory_space<vmem>> -> memref<256xi32, #tpu.memory_space<vmem>>
      %dma_start3A_137 = arith.constant 0 : i32
      %dma_start3A_138 = arith.constant 0 : i32
      %dma_start3A_139 = tpu.memref_slice %arg4[%dma_start3A_137, %dma_start3A_138] : memref<10240x64xf32, #tpu.memory_space<hbm>> -> memref<10240x64xf32, #tpu.memory_space<hbm>>
      tpu.enqueue_indirect_dma source(%dma_start3A_139 : memref<10240x64xf32, #tpu.memory_space<hbm>>) target(%arg11 : memref<256x64xf32, #tpu.memory_space<vmem>>) offsets(%dma_start3A_136 : memref<256xi32, #tpu.memory_space<vmem>>) semaphore(%arg16 : memref<!tpu.dma_semaphore, #tpu.memory_space<semaphore_mem>>)
      %scan3A_140 = arith.constant 0 : i32
      %scan3A_141 = arith.constant 0 : i32
      %scan3A_142 = arith.constant 12 : i32
      %scan3A_143 = arith.addi %scan3A_141, %scan3A_142 : i32
      %scan3A_144 = arith.constant 1 : i32
      scf.for %scan3A_170 = %scan3A_141 to %scan3A_143 step %scan3A_144  : i32 {
        %mul3A_171 = arith.constant 3 : i32
        %mul3A_172 = arith.muli %mul3A_171, %scan3A_170 : i32
        %add3A_173 = arith.constant 0 : i32
        %add3A_174 = arith.addi %mul3A_172, %add3A_173 : i32
        %dma_wait3A = arith.constant 0 : i32
        %dma_wait3A_175 = tpu.memref_slice %arg7[%add3A_174, %dma_wait3A] : memref<36x256xi32, #tpu.memory_space<vmem>> -> memref<1x256xi32, #tpu.memory_space<vmem>>
        %dma_wait3A_176 = tpu.memref_squeeze %dma_wait3A_175 : memref<1x256xi32, #tpu.memory_space<vmem>> -> memref<256xi32, #tpu.memory_space<vmem>>
        %dma_wait3A_177 = arith.constant 0 : i32
        %dma_wait3A_178 = arith.constant 0 : i32
        %dma_wait3A_179 = tpu.memref_slice %arg4[%dma_wait3A_177, %dma_wait3A_178] : memref<10240x64xf32, #tpu.memory_space<hbm>> -> memref<10240x64xf32, #tpu.memory_space<hbm>>
        tpu.wait_indirect_dma semaphore(%arg14 : memref<!tpu.dma_semaphore, #tpu.memory_space<semaphore_mem>>) src(%dma_wait3A_179 : memref<10240x64xf32, #tpu.memory_space<hbm>>) dst(%arg9 : memref<256x64xf32, #tpu.memory_space<vmem>>)
        %add3A_180 = arith.constant 0 : i32
        %add3A_181 = arith.addi %mul3A_172, %add3A_180 : i32
        %dma_start3A_182 = arith.constant 0 : i32
        %dma_start3A_183 = tpu.memref_slice %arg8[%add3A_181, %dma_start3A_182] : memref<36x256xi32, #tpu.memory_space<vmem>> -> memref<1x256xi32, #tpu.memory_space<vmem>>
        %dma_start3A_184 = tpu.memref_squeeze %dma_start3A_183 : memref<1x256xi32, #tpu.memory_space<vmem>> -> memref<256xi32, #tpu.memory_space<vmem>>
        %dma_start3A_185 = arith.constant 0 : i32
        %dma_start3A_186 = arith.constant 0 : i32
        %dma_start3A_187 = tpu.memref_slice %arg13[%dma_start3A_185, %dma_start3A_186] : memref<10240x64xf32, #tpu.memory_space<vmem_shared>> -> memref<10240x64xf32, #tpu.memory_space<vmem_shared>>
        tpu.enqueue_indirect_dma source(%arg9 : memref<256x64xf32, #tpu.memory_space<vmem>>) target(%dma_start3A_187 : memref<10240x64xf32, #tpu.memory_space<vmem_shared>>) offsets(%dma_start3A_184 : memref<256xi32, #tpu.memory_space<vmem>>) semaphore(%arg17 : memref<!tpu.dma_semaphore, #tpu.memory_space<semaphore_mem>>) {add = true}
        %add3A_188 = arith.constant 1 : i32
        %add3A_189 = arith.addi %mul3A_172, %add3A_188 : i32
        %dma_wait3A_190 = arith.constant 0 : i32
        %dma_wait3A_191 = tpu.memref_slice %arg7[%add3A_189, %dma_wait3A_190] : memref<36x256xi32, #tpu.memory_space<vmem>> -> memref<1x256xi32, #tpu.memory_space<vmem>>
        %dma_wait3A_192 = tpu.memref_squeeze %dma_wait3A_191 : memref<1x256xi32, #tpu.memory_space<vmem>> -> memref<256xi32, #tpu.memory_space<vmem>>
        %dma_wait3A_193 = arith.constant 0 : i32
        %dma_wait3A_194 = arith.constant 0 : i32
        %dma_wait3A_195 = tpu.memref_slice %arg4[%dma_wait3A_193, %dma_wait3A_194] : memref<10240x64xf32, #tpu.memory_space<hbm>> -> memref<10240x64xf32, #tpu.memory_space<hbm>>
        tpu.wait_indirect_dma semaphore(%arg15 : memref<!tpu.dma_semaphore, #tpu.memory_space<semaphore_mem>>) src(%dma_wait3A_195 : memref<10240x64xf32, #tpu.memory_space<hbm>>) dst(%arg10 : memref<256x64xf32, #tpu.memory_space<vmem>>)
        %add3A_196 = arith.constant 1 : i32
        %add3A_197 = arith.addi %mul3A_172, %add3A_196 : i32
        %dma_start3A_198 = arith.constant 0 : i32
        %dma_start3A_199 = tpu.memref_slice %arg8[%add3A_197, %dma_start3A_198] : memref<36x256xi32, #tpu.memory_space<vmem>> -> memref<1x256xi32, #tpu.memory_space<vmem>>
        %dma_start3A_200 = tpu.memref_squeeze %dma_start3A_199 : memref<1x256xi32, #tpu.memory_space<vmem>> -> memref<256xi32, #tpu.memory_space<vmem>>
        %dma_start3A_201 = arith.constant 0 : i32
        %dma_start3A_202 = arith.constant 0 : i32
        %dma_start3A_203 = tpu.memref_slice %arg13[%dma_start3A_201, %dma_start3A_202] : memref<10240x64xf32, #tpu.memory_space<vmem_shared>> -> memref<10240x64xf32, #tpu.memory_space<vmem_shared>>
        tpu.enqueue_indirect_dma source(%arg10 : memref<256x64xf32, #tpu.memory_space<vmem>>) target(%dma_start3A_203 : memref<10240x64xf32, #tpu.memory_space<vmem_shared>>) offsets(%dma_start3A_200 : memref<256xi32, #tpu.memory_space<vmem>>) semaphore(%arg18 : memref<!tpu.dma_semaphore, #tpu.memory_space<semaphore_mem>>) {add = true}
        %add3A_204 = arith.constant 2 : i32
        %add3A_205 = arith.addi %mul3A_172, %add3A_204 : i32
        %dma_wait3A_206 = arith.constant 0 : i32
        %dma_wait3A_207 = tpu.memref_slice %arg7[%add3A_205, %dma_wait3A_206] : memref<36x256xi32, #tpu.memory_space<vmem>> -> memref<1x256xi32, #tpu.memory_space<vmem>>
        %dma_wait3A_208 = tpu.memref_squeeze %dma_wait3A_207 : memref<1x256xi32, #tpu.memory_space<vmem>> -> memref<256xi32, #tpu.memory_space<vmem>>
        %dma_wait3A_209 = arith.constant 0 : i32
        %dma_wait3A_210 = arith.constant 0 : i32
        %dma_wait3A_211 = tpu.memref_slice %arg4[%dma_wait3A_209, %dma_wait3A_210] : memref<10240x64xf32, #tpu.memory_space<hbm>> -> memref<10240x64xf32, #tpu.memory_space<hbm>>
        tpu.wait_indirect_dma semaphore(%arg16 : memref<!tpu.dma_semaphore, #tpu.memory_space<semaphore_mem>>) src(%dma_wait3A_211 : memref<10240x64xf32, #tpu.memory_space<hbm>>) dst(%arg11 : memref<256x64xf32, #tpu.memory_space<vmem>>)
        %add3A_212 = arith.constant 2 : i32
        %add3A_213 = arith.addi %mul3A_172, %add3A_212 : i32
        %dma_start3A_214 = arith.constant 0 : i32
        %dma_start3A_215 = tpu.memref_slice %arg8[%add3A_213, %dma_start3A_214] : memref<36x256xi32, #tpu.memory_space<vmem>> -> memref<1x256xi32, #tpu.memory_space<vmem>>
        %dma_start3A_216 = tpu.memref_squeeze %dma_start3A_215 : memref<1x256xi32, #tpu.memory_space<vmem>> -> memref<256xi32, #tpu.memory_space<vmem>>
        %dma_start3A_217 = arith.constant 0 : i32
        %dma_start3A_218 = arith.constant 0 : i32
        %dma_start3A_219 = tpu.memref_slice %arg13[%dma_start3A_217, %dma_start3A_218] : memref<10240x64xf32, #tpu.memory_space<vmem_shared>> -> memref<10240x64xf32, #tpu.memory_space<vmem_shared>>
        tpu.enqueue_indirect_dma source(%arg11 : memref<256x64xf32, #tpu.memory_space<vmem>>) target(%dma_start3A_219 : memref<10240x64xf32, #tpu.memory_space<vmem_shared>>) offsets(%dma_start3A_216 : memref<256xi32, #tpu.memory_space<vmem>>) semaphore(%arg19 : memref<!tpu.dma_semaphore, #tpu.memory_space<semaphore_mem>>) {add = true}
        %add3A_220 = arith.constant 0 : i32
        %add3A_221 = arith.addi %mul3A_172, %add3A_220 : i32
        %dma_wait3A_222 = arith.constant 0 : i32
        %dma_wait3A_223 = tpu.memref_slice %arg8[%add3A_221, %dma_wait3A_222] : memref<36x256xi32, #tpu.memory_space<vmem>> -> memref<1x256xi32, #tpu.memory_space<vmem>>
        %dma_wait3A_224 = tpu.memref_squeeze %dma_wait3A_223 : memref<1x256xi32, #tpu.memory_space<vmem>> -> memref<256xi32, #tpu.memory_space<vmem>>
        %dma_wait3A_225 = arith.constant 0 : i32
        %dma_wait3A_226 = arith.constant 0 : i32
        %dma_wait3A_227 = tpu.memref_slice %arg13[%dma_wait3A_225, %dma_wait3A_226] : memref<10240x64xf32, #tpu.memory_space<vmem_shared>> -> memref<10240x64xf32, #tpu.memory_space<vmem_shared>>
        tpu.wait_indirect_dma semaphore(%arg17 : memref<!tpu.dma_semaphore, #tpu.memory_space<semaphore_mem>>) src(%arg9 : memref<256x64xf32, #tpu.memory_space<vmem>>) dst(%dma_wait3A_227 : memref<10240x64xf32, #tpu.memory_space<vmem_shared>>)
        %lt3A = arith.constant 11 : i32
        %lt3A_228 = arith.cmpi slt, %scan3A_170, %lt3A : i32
        %convert_element_type3A_229 = arith.extui %lt3A_228 : i1 to i32
        %cond3A_230 = arith.constant 0 : i32
        %cond3A_231 = arith.cmpi ne, %convert_element_type3A_229, %cond3A_230 : i32
        scf.if %cond3A_231 {
          %add3A_258 = arith.constant 0 : i32
          %add3A_259 = arith.addi %mul3A_172, %add3A_258 : i32
          %add3A_260 = arith.constant 3 : i32
          %add3A_261 = arith.addi %add3A_259, %add3A_260 : i32
          %dma_start3A_262 = arith.constant 0 : i32
          %dma_start3A_263 = tpu.memref_slice %arg7[%add3A_261, %dma_start3A_262] : memref<36x256xi32, #tpu.memory_space<vmem>> -> memref<1x256xi32, #tpu.memory_space<vmem>>
          %dma_start3A_264 = tpu.memref_squeeze %dma_start3A_263 : memref<1x256xi32, #tpu.memory_space<vmem>> -> memref<256xi32, #tpu.memory_space<vmem>>
          %dma_start3A_265 = arith.constant 0 : i32
          %dma_start3A_266 = arith.constant 0 : i32
          %dma_start3A_267 = tpu.memref_slice %arg4[%dma_start3A_265, %dma_start3A_266] : memref<10240x64xf32, #tpu.memory_space<hbm>> -> memref<10240x64xf32, #tpu.memory_space<hbm>>
          tpu.enqueue_indirect_dma source(%dma_start3A_267 : memref<10240x64xf32, #tpu.memory_space<hbm>>) target(%arg9 : memref<256x64xf32, #tpu.memory_space<vmem>>) offsets(%dma_start3A_264 : memref<256xi32, #tpu.memory_space<vmem>>) semaphore(%arg14 : memref<!tpu.dma_semaphore, #tpu.memory_space<semaphore_mem>>)
        } else {
        }
        %add3A_232 = arith.constant 1 : i32
        %add3A_233 = arith.addi %mul3A_172, %add3A_232 : i32
        %dma_wait3A_234 = arith.constant 0 : i32
        %dma_wait3A_235 = tpu.memref_slice %arg8[%add3A_233, %dma_wait3A_234] : memref<36x256xi32, #tpu.memory_space<vmem>> -> memref<1x256xi32, #tpu.memory_space<vmem>>
        %dma_wait3A_236 = tpu.memref_squeeze %dma_wait3A_235 : memref<1x256xi32, #tpu.memory_space<vmem>> -> memref<256xi32, #tpu.memory_space<vmem>>
        %dma_wait3A_237 = arith.constant 0 : i32
        %dma_wait3A_238 = arith.constant 0 : i32
        %dma_wait3A_239 = tpu.memref_slice %arg13[%dma_wait3A_237, %dma_wait3A_238] : memref<10240x64xf32, #tpu.memory_space<vmem_shared>> -> memref<10240x64xf32, #tpu.memory_space<vmem_shared>>
        tpu.wait_indirect_dma semaphore(%arg18 : memref<!tpu.dma_semaphore, #tpu.memory_space<semaphore_mem>>) src(%arg10 : memref<256x64xf32, #tpu.memory_space<vmem>>) dst(%dma_wait3A_239 : memref<10240x64xf32, #tpu.memory_space<vmem_shared>>)
        %lt3A_240 = arith.constant 11 : i32
        %lt3A_241 = arith.cmpi slt, %scan3A_170, %lt3A_240 : i32
        %convert_element_type3A_242 = arith.extui %lt3A_241 : i1 to i32
        %cond3A_243 = arith.constant 0 : i32
        %cond3A_244 = arith.cmpi ne, %convert_element_type3A_242, %cond3A_243 : i32
        scf.if %cond3A_244 {
          %add3A_258 = arith.constant 1 : i32
          %add3A_259 = arith.addi %mul3A_172, %add3A_258 : i32
          %add3A_260 = arith.constant 3 : i32
          %add3A_261 = arith.addi %add3A_259, %add3A_260 : i32
          %dma_start3A_262 = arith.constant 0 : i32
          %dma_start3A_263 = tpu.memref_slice %arg7[%add3A_261, %dma_start3A_262] : memref<36x256xi32, #tpu.memory_space<vmem>> -> memref<1x256xi32, #tpu.memory_space<vmem>>
          %dma_start3A_264 = tpu.memref_squeeze %dma_start3A_263 : memref<1x256xi32, #tpu.memory_space<vmem>> -> memref<256xi32, #tpu.memory_space<vmem>>
          %dma_start3A_265 = arith.constant 0 : i32
          %dma_start3A_266 = arith.constant 0 : i32
          %dma_start3A_267 = tpu.memref_slice %arg4[%dma_start3A_265, %dma_start3A_266] : memref<10240x64xf32, #tpu.memory_space<hbm>> -> memref<10240x64xf32, #tpu.memory_space<hbm>>
          tpu.enqueue_indirect_dma source(%dma_start3A_267 : memref<10240x64xf32, #tpu.memory_space<hbm>>) target(%arg10 : memref<256x64xf32, #tpu.memory_space<vmem>>) offsets(%dma_start3A_264 : memref<256xi32, #tpu.memory_space<vmem>>) semaphore(%arg15 : memref<!tpu.dma_semaphore, #tpu.memory_space<semaphore_mem>>)
        } else {
        }
        %add3A_245 = arith.constant 2 : i32
        %add3A_246 = arith.addi %mul3A_172, %add3A_245 : i32
        %dma_wait3A_247 = arith.constant 0 : i32
        %dma_wait3A_248 = tpu.memref_slice %arg8[%add3A_246, %dma_wait3A_247] : memref<36x256xi32, #tpu.memory_space<vmem>> -> memref<1x256xi32, #tpu.memory_space<vmem>>
        %dma_wait3A_249 = tpu.memref_squeeze %dma_wait3A_248 : memref<1x256xi32, #tpu.memory_space<vmem>> -> memref<256xi32, #tpu.memory_space<vmem>>
        %dma_wait3A_250 = arith.constant 0 : i32
        %dma_wait3A_251 = arith.constant 0 : i32
        %dma_wait3A_252 = tpu.memref_slice %arg13[%dma_wait3A_250, %dma_wait3A_251] : memref<10240x64xf32, #tpu.memory_space<vmem_shared>> -> memref<10240x64xf32, #tpu.memory_space<vmem_shared>>
        tpu.wait_indirect_dma semaphore(%arg19 : memref<!tpu.dma_semaphore, #tpu.memory_space<semaphore_mem>>) src(%arg11 : memref<256x64xf32, #tpu.memory_space<vmem>>) dst(%dma_wait3A_252 : memref<10240x64xf32, #tpu.memory_space<vmem_shared>>)
        %lt3A_253 = arith.constant 11 : i32
        %lt3A_254 = arith.cmpi slt, %scan3A_170, %lt3A_253 : i32
        %convert_element_type3A_255 = arith.extui %lt3A_254 : i1 to i32
        %cond3A_256 = arith.constant 0 : i32
        %cond3A_257 = arith.cmpi ne, %convert_element_type3A_255, %cond3A_256 : i32
        scf.if %cond3A_257 {
          %add3A_258 = arith.constant 2 : i32
          %add3A_259 = arith.addi %mul3A_172, %add3A_258 : i32
          %add3A_260 = arith.constant 3 : i32
          %add3A_261 = arith.addi %add3A_259, %add3A_260 : i32
          %dma_start3A_262 = arith.constant 0 : i32
          %dma_start3A_263 = tpu.memref_slice %arg7[%add3A_261, %dma_start3A_262] : memref<36x256xi32, #tpu.memory_space<vmem>> -> memref<1x256xi32, #tpu.memory_space<vmem>>
          %dma_start3A_264 = tpu.memref_squeeze %dma_start3A_263 : memref<1x256xi32, #tpu.memory_space<vmem>> -> memref<256xi32, #tpu.memory_space<vmem>>
          %dma_start3A_265 = arith.constant 0 : i32
          %dma_start3A_266 = arith.constant 0 : i32
          %dma_start3A_267 = tpu.memref_slice %arg4[%dma_start3A_265, %dma_start3A_266] : memref<10240x64xf32, #tpu.memory_space<hbm>> -> memref<10240x64xf32, #tpu.memory_space<hbm>>
          tpu.enqueue_indirect_dma source(%dma_start3A_267 : memref<10240x64xf32, #tpu.memory_space<hbm>>) target(%arg11 : memref<256x64xf32, #tpu.memory_space<vmem>>) offsets(%dma_start3A_264 : memref<256xi32, #tpu.memory_space<vmem>>) semaphore(%arg16 : memref<!tpu.dma_semaphore, #tpu.memory_space<semaphore_mem>>)
        } else {
        }
      }
      %scan3A_145 = arith.constant 12 : i32
      %add3A_146 = arith.constant 72 : i32
      %add3A_147 = arith.addi %mul3A_84, %add3A_146 : i32
      "tpu.region"() ({
        %run_scoped3A = tpu.sem_alloc : memref<!tpu.dma_semaphore, #tpu.memory_space<semaphore_mem>>
        %dma_start3A_170 = arith.constant 0 : i32
        %dma_start3A_171 = arith.constant 0 : i32
        %dma_start3A_172 = tpu.memref_slice %arg7[%dma_start3A_170, %dma_start3A_171] : memref<36x256xi32, #tpu.memory_space<vmem>> -> memref<4x256xi32, #tpu.memory_space<vmem>>
        %dma_start3A_173 = arith.constant 0 : i32
        %dma_start3A_174 = tpu.memref_slice %arg2[%add3A_147, %dma_start3A_173] : memref<1280x256xi32, #tpu.memory_space<hbm>> -> memref<4x256xi32, #tpu.memory_space<hbm>>
        %dma_start3A_175 = arith.constant 0 : i32
        %dma_start3A_176 = arith.constant 0 : i32
        %dma_start3A_177 = tpu.memref_slice %arg7[%dma_start3A_175, %dma_start3A_176] : memref<36x256xi32, #tpu.memory_space<vmem>> -> memref<4x256xi32, #tpu.memory_space<vmem>>
        %dma_start3A_178 = arith.constant 0 : i32
        %dma_start3A_179 = tpu.memref_slice %arg2[%add3A_147, %dma_start3A_178] : memref<1280x256xi32, #tpu.memory_space<hbm>> -> memref<4x256xi32, #tpu.memory_space<hbm>>
        tpu.enqueue_dma source(%dma_start3A_179 : memref<4x256xi32, #tpu.memory_space<hbm>>) target(%dma_start3A_177 : memref<4x256xi32, #tpu.memory_space<vmem>>) target_semaphore(%run_scoped3A : memref<!tpu.dma_semaphore, #tpu.memory_space<semaphore_mem>>)
        %dma_wait3A = arith.constant 0 : i32
        %dma_wait3A_180 = arith.constant 0 : i32
        %dma_wait3A_181 = tpu.memref_slice %arg7[%dma_wait3A, %dma_wait3A_180] : memref<36x256xi32, #tpu.memory_space<vmem>> -> memref<4x256xi32, #tpu.memory_space<vmem>>
        %dma_wait3A_182 = arith.constant 0 : i32
        %dma_wait3A_183 = tpu.memref_slice %arg2[%add3A_147, %dma_wait3A_182] : memref<1280x256xi32, #tpu.memory_space<hbm>> -> memref<4x256xi32, #tpu.memory_space<hbm>>
        %dma_wait3A_184 = arith.constant 0 : i32
        %dma_wait3A_185 = arith.constant 0 : i32
        %dma_wait3A_186 = tpu.memref_slice %arg7[%dma_wait3A_184, %dma_wait3A_185] : memref<36x256xi32, #tpu.memory_space<vmem>> -> memref<4x256xi32, #tpu.memory_space<vmem>>
        %dma_wait3A_187 = arith.constant 0 : i32
        %dma_wait3A_188 = tpu.memref_slice %arg2[%add3A_147, %dma_wait3A_187] : memref<1280x256xi32, #tpu.memory_space<hbm>> -> memref<4x256xi32, #tpu.memory_space<hbm>>
        tpu.wait_dma2 semaphore(%run_scoped3A : memref<!tpu.dma_semaphore, #tpu.memory_space<semaphore_mem>>) src(%dma_wait3A_188 : memref<4x256xi32, #tpu.memory_space<hbm>>) dst(%dma_wait3A_186 : memref<4x256xi32, #tpu.memory_space<vmem>>)
        tpu.yield
      }) : () -> ()
      %add3A_148 = arith.constant 72 : i32
      %add3A_149 = arith.addi %mul3A_84, %add3A_148 : i32
      "tpu.region"() ({
        %run_scoped3A = tpu.sem_alloc : memref<!tpu.dma_semaphore, #tpu.memory_space<semaphore_mem>>
        %dma_start3A_170 = arith.constant 0 : i32
        %dma_start3A_171 = arith.constant 0 : i32
        %dma_start3A_172 = tpu.memref_slice %arg8[%dma_start3A_170, %dma_start3A_171] : memref<36x256xi32, #tpu.memory_space<vmem>> -> memref<4x256xi32, #tpu.memory_space<vmem>>
        %dma_start3A_173 = arith.constant 0 : i32
        %dma_start3A_174 = tpu.memref_slice %arg3[%add3A_149, %dma_start3A_173] : memref<1280x256xi32, #tpu.memory_space<hbm>> -> memref<4x256xi32, #tpu.memory_space<hbm>>
        %dma_start3A_175 = arith.constant 0 : i32
        %dma_start3A_176 = arith.constant 0 : i32
        %dma_start3A_177 = tpu.memref_slice %arg8[%dma_start3A_175, %dma_start3A_176] : memref<36x256xi32, #tpu.memory_space<vmem>> -> memref<4x256xi32, #tpu.memory_space<vmem>>
        %dma_start3A_178 = arith.constant 0 : i32
        %dma_start3A_179 = tpu.memref_slice %arg3[%add3A_149, %dma_start3A_178] : memref<1280x256xi32, #tpu.memory_space<hbm>> -> memref<4x256xi32, #tpu.memory_space<hbm>>
        tpu.enqueue_dma source(%dma_start3A_179 : memref<4x256xi32, #tpu.memory_space<hbm>>) target(%dma_start3A_177 : memref<4x256xi32, #tpu.memory_space<vmem>>) target_semaphore(%run_scoped3A : memref<!tpu.dma_semaphore, #tpu.memory_space<semaphore_mem>>)
        %dma_wait3A = arith.constant 0 : i32
        %dma_wait3A_180 = arith.constant 0 : i32
        %dma_wait3A_181 = tpu.memref_slice %arg8[%dma_wait3A, %dma_wait3A_180] : memref<36x256xi32, #tpu.memory_space<vmem>> -> memref<4x256xi32, #tpu.memory_space<vmem>>
        %dma_wait3A_182 = arith.constant 0 : i32
        %dma_wait3A_183 = tpu.memref_slice %arg3[%add3A_149, %dma_wait3A_182] : memref<1280x256xi32, #tpu.memory_space<hbm>> -> memref<4x256xi32, #tpu.memory_space<hbm>>
        %dma_wait3A_184 = arith.constant 0 : i32
        %dma_wait3A_185 = arith.constant 0 : i32
        %dma_wait3A_186 = tpu.memref_slice %arg8[%dma_wait3A_184, %dma_wait3A_185] : memref<36x256xi32, #tpu.memory_space<vmem>> -> memref<4x256xi32, #tpu.memory_space<vmem>>
        %dma_wait3A_187 = arith.constant 0 : i32
        %dma_wait3A_188 = tpu.memref_slice %arg3[%add3A_149, %dma_wait3A_187] : memref<1280x256xi32, #tpu.memory_space<hbm>> -> memref<4x256xi32, #tpu.memory_space<hbm>>
        tpu.wait_dma2 semaphore(%run_scoped3A : memref<!tpu.dma_semaphore, #tpu.memory_space<semaphore_mem>>) src(%dma_wait3A_188 : memref<4x256xi32, #tpu.memory_space<hbm>>) dst(%dma_wait3A_186 : memref<4x256xi32, #tpu.memory_space<vmem>>)
        tpu.yield
      }) : () -> ()
      %dma_start3A_150 = arith.constant 0 : i32
      %dma_start3A_151 = arith.constant 0 : i32
      %dma_start3A_152 = tpu.memref_slice %arg7[%dma_start3A_150, %dma_start3A_151] : memref<36x256xi32, #tpu.memory_space<vmem>> -> memref<1x256xi32, #tpu.memory_space<vmem>>
      %dma_start3A_153 = tpu.memref_squeeze %dma_start3A_152 : memref<1x256xi32, #tpu.memory_space<vmem>> -> memref<256xi32, #tpu.memory_space<vmem>>
      %dma_start3A_154 = arith.constant 0 : i32
      %dma_start3A_155 = arith.constant 0 : i32
      %dma_start3A_156 = tpu.memref_slice %arg4[%dma_start3A_154, %dma_start3A_155] : memref<10240x64xf32, #tpu.memory_space<hbm>> -> memref<10240x64xf32, #tpu.memory_space<hbm>>
      tpu.enqueue_indirect_dma source(%dma_start3A_156 : memref<10240x64xf32, #tpu.memory_space<hbm>>) target(%arg9 : memref<256x64xf32, #tpu.memory_space<vmem>>) offsets(%dma_start3A_153 : memref<256xi32, #tpu.memory_space<vmem>>) semaphore(%arg14 : memref<!tpu.dma_semaphore, #tpu.memory_space<semaphore_mem>>)
      %dma_start3A_157 = arith.constant 1 : i32
      %dma_start3A_158 = arith.constant 0 : i32
      %dma_start3A_159 = tpu.memref_slice %arg7[%dma_start3A_157, %dma_start3A_158] : memref<36x256xi32, #tpu.memory_space<vmem>> -> memref<1x256xi32, #tpu.memory_space<vmem>>
      %dma_start3A_160 = tpu.memref_squeeze %dma_start3A_159 : memref<1x256xi32, #tpu.memory_space<vmem>> -> memref<256xi32, #tpu.memory_space<vmem>>
      %dma_start3A_161 = arith.constant 0 : i32
      %dma_start3A_162 = arith.constant 0 : i32
      %dma_start3A_163 = tpu.memref_slice %arg4[%dma_start3A_161, %dma_start3A_162] : memref<10240x64xf32, #tpu.memory_space<hbm>> -> memref<10240x64xf32, #tpu.memory_space<hbm>>
      tpu.enqueue_indirect_dma source(%dma_start3A_163 : memref<10240x64xf32, #tpu.memory_space<hbm>>) target(%arg10 : memref<256x64xf32, #tpu.memory_space<vmem>>) offsets(%dma_start3A_160 : memref<256xi32, #tpu.memory_space<vmem>>) semaphore(%arg15 : memref<!tpu.dma_semaphore, #tpu.memory_space<semaphore_mem>>)
      %scan3A_164 = arith.constant 0 : i32
      %scan3A_165 = arith.constant 0 : i32
      %scan3A_166 = arith.constant 2 : i32
      %scan3A_167 = arith.addi %scan3A_165, %scan3A_166 : i32
      %scan3A_168 = arith.constant 1 : i32
      scf.for %scan3A_170 = %scan3A_165 to %scan3A_167 step %scan3A_168  : i32 {
        %mul3A_171 = arith.constant 2 : i32
        %mul3A_172 = arith.muli %mul3A_171, %scan3A_170 : i32
        %add3A_173 = arith.constant 1 : i32
        %add3A_174 = arith.addi %mul3A_172, %add3A_173 : i32
        %dma_wait3A = arith.constant 0 : i32
        %dma_wait3A_175 = tpu.memref_slice %arg7[%mul3A_172, %dma_wait3A] : memref<36x256xi32, #tpu.memory_space<vmem>> -> memref<1x256xi32, #tpu.memory_space<vmem>>
        %dma_wait3A_176 = tpu.memref_squeeze %dma_wait3A_175 : memref<1x256xi32, #tpu.memory_space<vmem>> -> memref<256xi32, #tpu.memory_space<vmem>>
        %dma_wait3A_177 = arith.constant 0 : i32
        %dma_wait3A_178 = arith.constant 0 : i32
        %dma_wait3A_179 = tpu.memref_slice %arg4[%dma_wait3A_177, %dma_wait3A_178] : memref<10240x64xf32, #tpu.memory_space<hbm>> -> memref<10240x64xf32, #tpu.memory_space<hbm>>
        tpu.wait_indirect_dma semaphore(%arg14 : memref<!tpu.dma_semaphore, #tpu.memory_space<semaphore_mem>>) src(%dma_wait3A_179 : memref<10240x64xf32, #tpu.memory_space<hbm>>) dst(%arg9 : memref<256x64xf32, #tpu.memory_space<vmem>>)
        %dma_start3A_180 = arith.constant 0 : i32
        %dma_start3A_181 = tpu.memref_slice %arg8[%mul3A_172, %dma_start3A_180] : memref<36x256xi32, #tpu.memory_space<vmem>> -> memref<1x256xi32, #tpu.memory_space<vmem>>
        %dma_start3A_182 = tpu.memref_squeeze %dma_start3A_181 : memref<1x256xi32, #tpu.memory_space<vmem>> -> memref<256xi32, #tpu.memory_space<vmem>>
        %dma_start3A_183 = arith.constant 0 : i32
        %dma_start3A_184 = arith.constant 0 : i32
        %dma_start3A_185 = tpu.memref_slice %arg13[%dma_start3A_183, %dma_start3A_184] : memref<10240x64xf32, #tpu.memory_space<vmem_shared>> -> memref<10240x64xf32, #tpu.memory_space<vmem_shared>>
        tpu.enqueue_indirect_dma source(%arg9 : memref<256x64xf32, #tpu.memory_space<vmem>>) target(%dma_start3A_185 : memref<10240x64xf32, #tpu.memory_space<vmem_shared>>) offsets(%dma_start3A_182 : memref<256xi32, #tpu.memory_space<vmem>>) semaphore(%arg17 : memref<!tpu.dma_semaphore, #tpu.memory_space<semaphore_mem>>) {add = true}
        %dma_wait3A_186 = arith.constant 0 : i32
        %dma_wait3A_187 = tpu.memref_slice %arg7[%add3A_174, %dma_wait3A_186] : memref<36x256xi32, #tpu.memory_space<vmem>> -> memref<1x256xi32, #tpu.memory_space<vmem>>
        %dma_wait3A_188 = tpu.memref_squeeze %dma_wait3A_187 : memref<1x256xi32, #tpu.memory_space<vmem>> -> memref<256xi32, #tpu.memory_space<vmem>>
        %dma_wait3A_189 = arith.constant 0 : i32
        %dma_wait3A_190 = arith.constant 0 : i32
        %dma_wait3A_191 = tpu.memref_slice %arg4[%dma_wait3A_189, %dma_wait3A_190] : memref<10240x64xf32, #tpu.memory_space<hbm>> -> memref<10240x64xf32, #tpu.memory_space<hbm>>
        tpu.wait_indirect_dma semaphore(%arg15 : memref<!tpu.dma_semaphore, #tpu.memory_space<semaphore_mem>>) src(%dma_wait3A_191 : memref<10240x64xf32, #tpu.memory_space<hbm>>) dst(%arg10 : memref<256x64xf32, #tpu.memory_space<vmem>>)
        %dma_start3A_192 = arith.constant 0 : i32
        %dma_start3A_193 = tpu.memref_slice %arg8[%add3A_174, %dma_start3A_192] : memref<36x256xi32, #tpu.memory_space<vmem>> -> memref<1x256xi32, #tpu.memory_space<vmem>>
        %dma_start3A_194 = tpu.memref_squeeze %dma_start3A_193 : memref<1x256xi32, #tpu.memory_space<vmem>> -> memref<256xi32, #tpu.memory_space<vmem>>
        %dma_start3A_195 = arith.constant 0 : i32
        %dma_start3A_196 = arith.constant 0 : i32
        %dma_start3A_197 = tpu.memref_slice %arg13[%dma_start3A_195, %dma_start3A_196] : memref<10240x64xf32, #tpu.memory_space<vmem_shared>> -> memref<10240x64xf32, #tpu.memory_space<vmem_shared>>
        tpu.enqueue_indirect_dma source(%arg10 : memref<256x64xf32, #tpu.memory_space<vmem>>) target(%dma_start3A_197 : memref<10240x64xf32, #tpu.memory_space<vmem_shared>>) offsets(%dma_start3A_194 : memref<256xi32, #tpu.memory_space<vmem>>) semaphore(%arg18 : memref<!tpu.dma_semaphore, #tpu.memory_space<semaphore_mem>>) {add = true}
        %dma_wait3A_198 = arith.constant 0 : i32
        %dma_wait3A_199 = tpu.memref_slice %arg8[%mul3A_172, %dma_wait3A_198] : memref<36x256xi32, #tpu.memory_space<vmem>> -> memref<1x256xi32, #tpu.memory_space<vmem>>
        %dma_wait3A_200 = tpu.memref_squeeze %dma_wait3A_199 : memref<1x256xi32, #tpu.memory_space<vmem>> -> memref<256xi32, #tpu.memory_space<vmem>>
        %dma_wait3A_201 = arith.constant 0 : i32
        %dma_wait3A_202 = arith.constant 0 : i32
        %dma_wait3A_203 = tpu.memref_slice %arg13[%dma_wait3A_201, %dma_wait3A_202] : memref<10240x64xf32, #tpu.memory_space<vmem_shared>> -> memref<10240x64xf32, #tpu.memory_space<vmem_shared>>
        tpu.wait_indirect_dma semaphore(%arg17 : memref<!tpu.dma_semaphore, #tpu.memory_space<semaphore_mem>>) src(%arg9 : memref<256x64xf32, #tpu.memory_space<vmem>>) dst(%dma_wait3A_203 : memref<10240x64xf32, #tpu.memory_space<vmem_shared>>)
        %dma_wait3A_204 = arith.constant 0 : i32
        %dma_wait3A_205 = tpu.memref_slice %arg8[%add3A_174, %dma_wait3A_204] : memref<36x256xi32, #tpu.memory_space<vmem>> -> memref<1x256xi32, #tpu.memory_space<vmem>>
        %dma_wait3A_206 = tpu.memref_squeeze %dma_wait3A_205 : memref<1x256xi32, #tpu.memory_space<vmem>> -> memref<256xi32, #tpu.memory_space<vmem>>
        %dma_wait3A_207 = arith.constant 0 : i32
        %dma_wait3A_208 = arith.constant 0 : i32
        %dma_wait3A_209 = tpu.memref_slice %arg13[%dma_wait3A_207, %dma_wait3A_208] : memref<10240x64xf32, #tpu.memory_space<vmem_shared>> -> memref<10240x64xf32, #tpu.memory_space<vmem_shared>>
        tpu.wait_indirect_dma semaphore(%arg18 : memref<!tpu.dma_semaphore, #tpu.memory_space<semaphore_mem>>) src(%arg10 : memref<256x64xf32, #tpu.memory_space<vmem>>) dst(%dma_wait3A_209 : memref<10240x64xf32, #tpu.memory_space<vmem_shared>>)
        %lt3A = arith.constant 1 : i32
        %lt3A_210 = arith.cmpi slt, %scan3A_170, %lt3A : i32
        %convert_element_type3A_211 = arith.extui %lt3A_210 : i1 to i32
        %cond3A_212 = arith.constant 0 : i32
        %cond3A_213 = arith.cmpi ne, %convert_element_type3A_211, %cond3A_212 : i32
        scf.if %cond3A_213 {
          %add3A_214 = arith.constant 2 : i32
          %add3A_215 = arith.addi %mul3A_172, %add3A_214 : i32
          %dma_start3A_216 = arith.constant 0 : i32
          %dma_start3A_217 = tpu.memref_slice %arg7[%add3A_215, %dma_start3A_216] : memref<36x256xi32, #tpu.memory_space<vmem>> -> memref<1x256xi32, #tpu.memory_space<vmem>>
          %dma_start3A_218 = tpu.memref_squeeze %dma_start3A_217 : memref<1x256xi32, #tpu.memory_space<vmem>> -> memref<256xi32, #tpu.memory_space<vmem>>
          %dma_start3A_219 = arith.constant 0 : i32
          %dma_start3A_220 = arith.constant 0 : i32
          %dma_start3A_221 = tpu.memref_slice %arg4[%dma_start3A_219, %dma_start3A_220] : memref<10240x64xf32, #tpu.memory_space<hbm>> -> memref<10240x64xf32, #tpu.memory_space<hbm>>
          tpu.enqueue_indirect_dma source(%dma_start3A_221 : memref<10240x64xf32, #tpu.memory_space<hbm>>) target(%arg9 : memref<256x64xf32, #tpu.memory_space<vmem>>) offsets(%dma_start3A_218 : memref<256xi32, #tpu.memory_space<vmem>>) semaphore(%arg14 : memref<!tpu.dma_semaphore, #tpu.memory_space<semaphore_mem>>)
          %add3A_222 = arith.constant 2 : i32
          %add3A_223 = arith.addi %add3A_174, %add3A_222 : i32
          %dma_start3A_224 = arith.constant 0 : i32
          %dma_start3A_225 = tpu.memref_slice %arg7[%add3A_223, %dma_start3A_224] : memref<36x256xi32, #tpu.memory_space<vmem>> -> memref<1x256xi32, #tpu.memory_space<vmem>>
          %dma_start3A_226 = tpu.memref_squeeze %dma_start3A_225 : memref<1x256xi32, #tpu.memory_space<vmem>> -> memref<256xi32, #tpu.memory_space<vmem>>
          %dma_start3A_227 = arith.constant 0 : i32
          %dma_start3A_228 = arith.constant 0 : i32
          %dma_start3A_229 = tpu.memref_slice %arg4[%dma_start3A_227, %dma_start3A_228] : memref<10240x64xf32, #tpu.memory_space<hbm>> -> memref<10240x64xf32, #tpu.memory_space<hbm>>
          tpu.enqueue_indirect_dma source(%dma_start3A_229 : memref<10240x64xf32, #tpu.memory_space<hbm>>) target(%arg10 : memref<256x64xf32, #tpu.memory_space<vmem>>) offsets(%dma_start3A_226 : memref<256xi32, #tpu.memory_space<vmem>>) semaphore(%arg15 : memref<!tpu.dma_semaphore, #tpu.memory_space<semaphore_mem>>)
        } else {
        }
      }
      %scan3A_169 = arith.constant 2 : i32
    } else {
    }
    %eq3A_21 = arith.constant 1 : i32
    %eq3A_22 = arith.cmpi eq, %arg0, %eq3A_21 : i32
    %convert_element_type3A_23 = arith.extui %eq3A_22 : i1 to i32
    %cond3A_24 = arith.constant 0 : i32
    %cond3A_25 = arith.cmpi ne, %convert_element_type3A_23, %cond3A_24 : i32
    scf.if %cond3A_25 {
      %mul3A_83 = arith.constant 4 : i32
      %mul3A_84 = arith.muli %arg1, %mul3A_83 : i32
      %add3A_85 = arith.constant 1216 : i32
      %add3A_86 = arith.addi %add3A_85, %mul3A_84 : i32
      %add3A_87 = arith.constant 0 : i32
      %add3A_88 = arith.addi %add3A_86, %add3A_87 : i32
      "tpu.region"() ({
        %run_scoped3A = tpu.sem_alloc : memref<!tpu.dma_semaphore, #tpu.memory_space<semaphore_mem>>
        %dma_start3A_110 = arith.constant 0 : i32
        %dma_start3A_111 = arith.constant 0 : i32
        %dma_start3A_112 = tpu.memref_slice %arg7[%dma_start3A_110, %dma_start3A_111] : memref<36x256xi32, #tpu.memory_space<vmem>> -> memref<4x256xi32, #tpu.memory_space<vmem>>
        %dma_start3A_113 = arith.constant 0 : i32
        %dma_start3A_114 = tpu.memref_slice %arg2[%add3A_88, %dma_start3A_113] : memref<1280x256xi32, #tpu.memory_space<hbm>> -> memref<4x256xi32, #tpu.memory_space<hbm>>
        %dma_start3A_115 = arith.constant 0 : i32
        %dma_start3A_116 = arith.constant 0 : i32
        %dma_start3A_117 = tpu.memref_slice %arg7[%dma_start3A_115, %dma_start3A_116] : memref<36x256xi32, #tpu.memory_space<vmem>> -> memref<4x256xi32, #tpu.memory_space<vmem>>
        %dma_start3A_118 = arith.constant 0 : i32
        %dma_start3A_119 = tpu.memref_slice %arg2[%add3A_88, %dma_start3A_118] : memref<1280x256xi32, #tpu.memory_space<hbm>> -> memref<4x256xi32, #tpu.memory_space<hbm>>
        tpu.enqueue_dma source(%dma_start3A_119 : memref<4x256xi32, #tpu.memory_space<hbm>>) target(%dma_start3A_117 : memref<4x256xi32, #tpu.memory_space<vmem>>) target_semaphore(%run_scoped3A : memref<!tpu.dma_semaphore, #tpu.memory_space<semaphore_mem>>)
        %dma_wait3A = arith.constant 0 : i32
        %dma_wait3A_120 = arith.constant 0 : i32
        %dma_wait3A_121 = tpu.memref_slice %arg7[%dma_wait3A, %dma_wait3A_120] : memref<36x256xi32, #tpu.memory_space<vmem>> -> memref<4x256xi32, #tpu.memory_space<vmem>>
        %dma_wait3A_122 = arith.constant 0 : i32
        %dma_wait3A_123 = tpu.memref_slice %arg2[%add3A_88, %dma_wait3A_122] : memref<1280x256xi32, #tpu.memory_space<hbm>> -> memref<4x256xi32, #tpu.memory_space<hbm>>
        %dma_wait3A_124 = arith.constant 0 : i32
        %dma_wait3A_125 = arith.constant 0 : i32
        %dma_wait3A_126 = tpu.memref_slice %arg7[%dma_wait3A_124, %dma_wait3A_125] : memref<36x256xi32, #tpu.memory_space<vmem>> -> memref<4x256xi32, #tpu.memory_space<vmem>>
        %dma_wait3A_127 = arith.constant 0 : i32
        %dma_wait3A_128 = tpu.memref_slice %arg2[%add3A_88, %dma_wait3A_127] : memref<1280x256xi32, #tpu.memory_space<hbm>> -> memref<4x256xi32, #tpu.memory_space<hbm>>
        tpu.wait_dma2 semaphore(%run_scoped3A : memref<!tpu.dma_semaphore, #tpu.memory_space<semaphore_mem>>) src(%dma_wait3A_128 : memref<4x256xi32, #tpu.memory_space<hbm>>) dst(%dma_wait3A_126 : memref<4x256xi32, #tpu.memory_space<vmem>>)
        tpu.yield
      }) : () -> ()
      %add3A_89 = arith.constant 0 : i32
      %add3A_90 = arith.addi %add3A_86, %add3A_89 : i32
      "tpu.region"() ({
        %run_scoped3A = tpu.sem_alloc : memref<!tpu.dma_semaphore, #tpu.memory_space<semaphore_mem>>
        %dma_start3A_110 = arith.constant 0 : i32
        %dma_start3A_111 = arith.constant 0 : i32
        %dma_start3A_112 = tpu.memref_slice %arg8[%dma_start3A_110, %dma_start3A_111] : memref<36x256xi32, #tpu.memory_space<vmem>> -> memref<4x256xi32, #tpu.memory_space<vmem>>
        %dma_start3A_113 = arith.constant 0 : i32
        %dma_start3A_114 = tpu.memref_slice %arg3[%add3A_90, %dma_start3A_113] : memref<1280x256xi32, #tpu.memory_space<hbm>> -> memref<4x256xi32, #tpu.memory_space<hbm>>
        %dma_start3A_115 = arith.constant 0 : i32
        %dma_start3A_116 = arith.constant 0 : i32
        %dma_start3A_117 = tpu.memref_slice %arg8[%dma_start3A_115, %dma_start3A_116] : memref<36x256xi32, #tpu.memory_space<vmem>> -> memref<4x256xi32, #tpu.memory_space<vmem>>
        %dma_start3A_118 = arith.constant 0 : i32
        %dma_start3A_119 = tpu.memref_slice %arg3[%add3A_90, %dma_start3A_118] : memref<1280x256xi32, #tpu.memory_space<hbm>> -> memref<4x256xi32, #tpu.memory_space<hbm>>
        tpu.enqueue_dma source(%dma_start3A_119 : memref<4x256xi32, #tpu.memory_space<hbm>>) target(%dma_start3A_117 : memref<4x256xi32, #tpu.memory_space<vmem>>) target_semaphore(%run_scoped3A : memref<!tpu.dma_semaphore, #tpu.memory_space<semaphore_mem>>)
        %dma_wait3A = arith.constant 0 : i32
        %dma_wait3A_120 = arith.constant 0 : i32
        %dma_wait3A_121 = tpu.memref_slice %arg8[%dma_wait3A, %dma_wait3A_120] : memref<36x256xi32, #tpu.memory_space<vmem>> -> memref<4x256xi32, #tpu.memory_space<vmem>>
        %dma_wait3A_122 = arith.constant 0 : i32
        %dma_wait3A_123 = tpu.memref_slice %arg3[%add3A_90, %dma_wait3A_122] : memref<1280x256xi32, #tpu.memory_space<hbm>> -> memref<4x256xi32, #tpu.memory_space<hbm>>
        %dma_wait3A_124 = arith.constant 0 : i32
        %dma_wait3A_125 = arith.constant 0 : i32
        %dma_wait3A_126 = tpu.memref_slice %arg8[%dma_wait3A_124, %dma_wait3A_125] : memref<36x256xi32, #tpu.memory_space<vmem>> -> memref<4x256xi32, #tpu.memory_space<vmem>>
        %dma_wait3A_127 = arith.constant 0 : i32
        %dma_wait3A_128 = tpu.memref_slice %arg3[%add3A_90, %dma_wait3A_127] : memref<1280x256xi32, #tpu.memory_space<hbm>> -> memref<4x256xi32, #tpu.memory_space<hbm>>
        tpu.wait_dma2 semaphore(%run_scoped3A : memref<!tpu.dma_semaphore, #tpu.memory_space<semaphore_mem>>) src(%dma_wait3A_128 : memref<4x256xi32, #tpu.memory_space<hbm>>) dst(%dma_wait3A_126 : memref<4x256xi32, #tpu.memory_space<vmem>>)
        tpu.yield
      }) : () -> ()
      %dma_start3A = arith.constant 0 : i32
      %dma_start3A_91 = arith.constant 0 : i32
      %dma_start3A_92 = tpu.memref_slice %arg7[%dma_start3A, %dma_start3A_91] : memref<36x256xi32, #tpu.memory_space<vmem>> -> memref<1x256xi32, #tpu.memory_space<vmem>>
      %dma_start3A_93 = tpu.memref_squeeze %dma_start3A_92 : memref<1x256xi32, #tpu.memory_space<vmem>> -> memref<256xi32, #tpu.memory_space<vmem>>
      %dma_start3A_94 = arith.constant 0 : i32
      %dma_start3A_95 = arith.constant 0 : i32
      %dma_start3A_96 = tpu.memref_slice %arg4[%dma_start3A_94, %dma_start3A_95] : memref<10240x64xf32, #tpu.memory_space<hbm>> -> memref<10240x64xf32, #tpu.memory_space<hbm>>
      tpu.enqueue_indirect_dma source(%dma_start3A_96 : memref<10240x64xf32, #tpu.memory_space<hbm>>) target(%arg9 : memref<256x64xf32, #tpu.memory_space<vmem>>) offsets(%dma_start3A_93 : memref<256xi32, #tpu.memory_space<vmem>>) semaphore(%arg14 : memref<!tpu.dma_semaphore, #tpu.memory_space<semaphore_mem>>)
      %dma_start3A_97 = arith.constant 1 : i32
      %dma_start3A_98 = arith.constant 0 : i32
      %dma_start3A_99 = tpu.memref_slice %arg7[%dma_start3A_97, %dma_start3A_98] : memref<36x256xi32, #tpu.memory_space<vmem>> -> memref<1x256xi32, #tpu.memory_space<vmem>>
      %dma_start3A_100 = tpu.memref_squeeze %dma_start3A_99 : memref<1x256xi32, #tpu.memory_space<vmem>> -> memref<256xi32, #tpu.memory_space<vmem>>
      %dma_start3A_101 = arith.constant 0 : i32
      %dma_start3A_102 = arith.constant 0 : i32
      %dma_start3A_103 = tpu.memref_slice %arg4[%dma_start3A_101, %dma_start3A_102] : memref<10240x64xf32, #tpu.memory_space<hbm>> -> memref<10240x64xf32, #tpu.memory_space<hbm>>
      tpu.enqueue_indirect_dma source(%dma_start3A_103 : memref<10240x64xf32, #tpu.memory_space<hbm>>) target(%arg10 : memref<256x64xf32, #tpu.memory_space<vmem>>) offsets(%dma_start3A_100 : memref<256xi32, #tpu.memory_space<vmem>>) semaphore(%arg15 : memref<!tpu.dma_semaphore, #tpu.memory_space<semaphore_mem>>)
      %scan3A_104 = arith.constant 0 : i32
      %scan3A_105 = arith.constant 0 : i32
      %scan3A_106 = arith.constant 2 : i32
      %scan3A_107 = arith.addi %scan3A_105, %scan3A_106 : i32
      %scan3A_108 = arith.constant 1 : i32
      scf.for %scan3A_110 = %scan3A_105 to %scan3A_107 step %scan3A_108  : i32 {
        %mul3A_111 = arith.constant 2 : i32
        %mul3A_112 = arith.muli %mul3A_111, %scan3A_110 : i32
        %add3A_113 = arith.constant 1 : i32
        %add3A_114 = arith.addi %mul3A_112, %add3A_113 : i32
        %dma_wait3A = arith.constant 0 : i32
        %dma_wait3A_115 = tpu.memref_slice %arg7[%mul3A_112, %dma_wait3A] : memref<36x256xi32, #tpu.memory_space<vmem>> -> memref<1x256xi32, #tpu.memory_space<vmem>>
        %dma_wait3A_116 = tpu.memref_squeeze %dma_wait3A_115 : memref<1x256xi32, #tpu.memory_space<vmem>> -> memref<256xi32, #tpu.memory_space<vmem>>
        %dma_wait3A_117 = arith.constant 0 : i32
        %dma_wait3A_118 = arith.constant 0 : i32
        %dma_wait3A_119 = tpu.memref_slice %arg4[%dma_wait3A_117, %dma_wait3A_118] : memref<10240x64xf32, #tpu.memory_space<hbm>> -> memref<10240x64xf32, #tpu.memory_space<hbm>>
        tpu.wait_indirect_dma semaphore(%arg14 : memref<!tpu.dma_semaphore, #tpu.memory_space<semaphore_mem>>) src(%dma_wait3A_119 : memref<10240x64xf32, #tpu.memory_space<hbm>>) dst(%arg9 : memref<256x64xf32, #tpu.memory_space<vmem>>)
        %dma_start3A_120 = arith.constant 0 : i32
        %dma_start3A_121 = tpu.memref_slice %arg8[%mul3A_112, %dma_start3A_120] : memref<36x256xi32, #tpu.memory_space<vmem>> -> memref<1x256xi32, #tpu.memory_space<vmem>>
        %dma_start3A_122 = tpu.memref_squeeze %dma_start3A_121 : memref<1x256xi32, #tpu.memory_space<vmem>> -> memref<256xi32, #tpu.memory_space<vmem>>
        %dma_start3A_123 = arith.constant 0 : i32
        %dma_start3A_124 = arith.constant 0 : i32
        %dma_start3A_125 = tpu.memref_slice %arg13[%dma_start3A_123, %dma_start3A_124] : memref<10240x64xf32, #tpu.memory_space<vmem_shared>> -> memref<10240x64xf32, #tpu.memory_space<vmem_shared>>
        tpu.enqueue_indirect_dma source(%arg9 : memref<256x64xf32, #tpu.memory_space<vmem>>) target(%dma_start3A_125 : memref<10240x64xf32, #tpu.memory_space<vmem_shared>>) offsets(%dma_start3A_122 : memref<256xi32, #tpu.memory_space<vmem>>) semaphore(%arg17 : memref<!tpu.dma_semaphore, #tpu.memory_space<semaphore_mem>>) {add = true}
        %dma_wait3A_126 = arith.constant 0 : i32
        %dma_wait3A_127 = tpu.memref_slice %arg7[%add3A_114, %dma_wait3A_126] : memref<36x256xi32, #tpu.memory_space<vmem>> -> memref<1x256xi32, #tpu.memory_space<vmem>>
        %dma_wait3A_128 = tpu.memref_squeeze %dma_wait3A_127 : memref<1x256xi32, #tpu.memory_space<vmem>> -> memref<256xi32, #tpu.memory_space<vmem>>
        %dma_wait3A_129 = arith.constant 0 : i32
        %dma_wait3A_130 = arith.constant 0 : i32
        %dma_wait3A_131 = tpu.memref_slice %arg4[%dma_wait3A_129, %dma_wait3A_130] : memref<10240x64xf32, #tpu.memory_space<hbm>> -> memref<10240x64xf32, #tpu.memory_space<hbm>>
        tpu.wait_indirect_dma semaphore(%arg15 : memref<!tpu.dma_semaphore, #tpu.memory_space<semaphore_mem>>) src(%dma_wait3A_131 : memref<10240x64xf32, #tpu.memory_space<hbm>>) dst(%arg10 : memref<256x64xf32, #tpu.memory_space<vmem>>)
        %dma_start3A_132 = arith.constant 0 : i32
        %dma_start3A_133 = tpu.memref_slice %arg8[%add3A_114, %dma_start3A_132] : memref<36x256xi32, #tpu.memory_space<vmem>> -> memref<1x256xi32, #tpu.memory_space<vmem>>
        %dma_start3A_134 = tpu.memref_squeeze %dma_start3A_133 : memref<1x256xi32, #tpu.memory_space<vmem>> -> memref<256xi32, #tpu.memory_space<vmem>>
        %dma_start3A_135 = arith.constant 0 : i32
        %dma_start3A_136 = arith.constant 0 : i32
        %dma_start3A_137 = tpu.memref_slice %arg13[%dma_start3A_135, %dma_start3A_136] : memref<10240x64xf32, #tpu.memory_space<vmem_shared>> -> memref<10240x64xf32, #tpu.memory_space<vmem_shared>>
        tpu.enqueue_indirect_dma source(%arg10 : memref<256x64xf32, #tpu.memory_space<vmem>>) target(%dma_start3A_137 : memref<10240x64xf32, #tpu.memory_space<vmem_shared>>) offsets(%dma_start3A_134 : memref<256xi32, #tpu.memory_space<vmem>>) semaphore(%arg18 : memref<!tpu.dma_semaphore, #tpu.memory_space<semaphore_mem>>) {add = true}
        %dma_wait3A_138 = arith.constant 0 : i32
        %dma_wait3A_139 = tpu.memref_slice %arg8[%mul3A_112, %dma_wait3A_138] : memref<36x256xi32, #tpu.memory_space<vmem>> -> memref<1x256xi32, #tpu.memory_space<vmem>>
        %dma_wait3A_140 = tpu.memref_squeeze %dma_wait3A_139 : memref<1x256xi32, #tpu.memory_space<vmem>> -> memref<256xi32, #tpu.memory_space<vmem>>
        %dma_wait3A_141 = arith.constant 0 : i32
        %dma_wait3A_142 = arith.constant 0 : i32
        %dma_wait3A_143 = tpu.memref_slice %arg13[%dma_wait3A_141, %dma_wait3A_142] : memref<10240x64xf32, #tpu.memory_space<vmem_shared>> -> memref<10240x64xf32, #tpu.memory_space<vmem_shared>>
        tpu.wait_indirect_dma semaphore(%arg17 : memref<!tpu.dma_semaphore, #tpu.memory_space<semaphore_mem>>) src(%arg9 : memref<256x64xf32, #tpu.memory_space<vmem>>) dst(%dma_wait3A_143 : memref<10240x64xf32, #tpu.memory_space<vmem_shared>>)
        %dma_wait3A_144 = arith.constant 0 : i32
        %dma_wait3A_145 = tpu.memref_slice %arg8[%add3A_114, %dma_wait3A_144] : memref<36x256xi32, #tpu.memory_space<vmem>> -> memref<1x256xi32, #tpu.memory_space<vmem>>
        %dma_wait3A_146 = tpu.memref_squeeze %dma_wait3A_145 : memref<1x256xi32, #tpu.memory_space<vmem>> -> memref<256xi32, #tpu.memory_space<vmem>>
        %dma_wait3A_147 = arith.constant 0 : i32
        %dma_wait3A_148 = arith.constant 0 : i32
        %dma_wait3A_149 = tpu.memref_slice %arg13[%dma_wait3A_147, %dma_wait3A_148] : memref<10240x64xf32, #tpu.memory_space<vmem_shared>> -> memref<10240x64xf32, #tpu.memory_space<vmem_shared>>
        tpu.wait_indirect_dma semaphore(%arg18 : memref<!tpu.dma_semaphore, #tpu.memory_space<semaphore_mem>>) src(%arg10 : memref<256x64xf32, #tpu.memory_space<vmem>>) dst(%dma_wait3A_149 : memref<10240x64xf32, #tpu.memory_space<vmem_shared>>)
        %lt3A = arith.constant 1 : i32
        %lt3A_150 = arith.cmpi slt, %scan3A_110, %lt3A : i32
        %convert_element_type3A_151 = arith.extui %lt3A_150 : i1 to i32
        %cond3A_152 = arith.constant 0 : i32
        %cond3A_153 = arith.cmpi ne, %convert_element_type3A_151, %cond3A_152 : i32
        scf.if %cond3A_153 {
          %add3A_154 = arith.constant 2 : i32
          %add3A_155 = arith.addi %mul3A_112, %add3A_154 : i32
          %dma_start3A_156 = arith.constant 0 : i32
          %dma_start3A_157 = tpu.memref_slice %arg7[%add3A_155, %dma_start3A_156] : memref<36x256xi32, #tpu.memory_space<vmem>> -> memref<1x256xi32, #tpu.memory_space<vmem>>
          %dma_start3A_158 = tpu.memref_squeeze %dma_start3A_157 : memref<1x256xi32, #tpu.memory_space<vmem>> -> memref<256xi32, #tpu.memory_space<vmem>>
          %dma_start3A_159 = arith.constant 0 : i32
          %dma_start3A_160 = arith.constant 0 : i32
          %dma_start3A_161 = tpu.memref_slice %arg4[%dma_start3A_159, %dma_start3A_160] : memref<10240x64xf32, #tpu.memory_space<hbm>> -> memref<10240x64xf32, #tpu.memory_space<hbm>>
          tpu.enqueue_indirect_dma source(%dma_start3A_161 : memref<10240x64xf32, #tpu.memory_space<hbm>>) target(%arg9 : memref<256x64xf32, #tpu.memory_space<vmem>>) offsets(%dma_start3A_158 : memref<256xi32, #tpu.memory_space<vmem>>) semaphore(%arg14 : memref<!tpu.dma_semaphore, #tpu.memory_space<semaphore_mem>>)
          %add3A_162 = arith.constant 2 : i32
          %add3A_163 = arith.addi %add3A_114, %add3A_162 : i32
          %dma_start3A_164 = arith.constant 0 : i32
          %dma_start3A_165 = tpu.memref_slice %arg7[%add3A_163, %dma_start3A_164] : memref<36x256xi32, #tpu.memory_space<vmem>> -> memref<1x256xi32, #tpu.memory_space<vmem>>
          %dma_start3A_166 = tpu.memref_squeeze %dma_start3A_165 : memref<1x256xi32, #tpu.memory_space<vmem>> -> memref<256xi32, #tpu.memory_space<vmem>>
          %dma_start3A_167 = arith.constant 0 : i32
          %dma_start3A_168 = arith.constant 0 : i32
          %dma_start3A_169 = tpu.memref_slice %arg4[%dma_start3A_167, %dma_start3A_168] : memref<10240x64xf32, #tpu.memory_space<hbm>> -> memref<10240x64xf32, #tpu.memory_space<hbm>>
          tpu.enqueue_indirect_dma source(%dma_start3A_169 : memref<10240x64xf32, #tpu.memory_space<hbm>>) target(%arg10 : memref<256x64xf32, #tpu.memory_space<vmem>>) offsets(%dma_start3A_166 : memref<256xi32, #tpu.memory_space<vmem>>) semaphore(%arg15 : memref<!tpu.dma_semaphore, #tpu.memory_space<semaphore_mem>>)
        } else {
        }
      }
      %scan3A_109 = arith.constant 2 : i32
    } else {
    }
    %barrier3A_26 = arith.constant 0 : index
    tpu.barrier barrier_id(%barrier3A_26)
    %mul3A_27 = arith.constant 640 : i32
    %mul3A_28 = arith.muli %arg1, %mul3A_27 : i32
    %add3A_29 = arith.constant 0 : i32
    %add3A_30 = arith.addi %mul3A_28, %add3A_29 : i32
    "tpu.region"() ({
      %run_scoped3A = tpu.sem_alloc : memref<!tpu.dma_semaphore, #tpu.memory_space<semaphore_mem>>
      %dma_start3A = arith.constant 0 : i32
      %dma_start3A_83 = tpu.memref_slice %arg13[%add3A_30, %dma_start3A] : memref<10240x64xf32, #tpu.memory_space<vmem_shared>> -> memref<160x64xf32, #tpu.memory_space<vmem_shared>>
      %dma_start3A_84 = arith.constant 0 : i32
      %dma_start3A_85 = tpu.memref_slice %arg13[%add3A_30, %dma_start3A_84] : memref<10240x64xf32, #tpu.memory_space<vmem_shared>> -> memref<160x64xf32, #tpu.memory_space<vmem_shared>>
      tpu.enqueue_dma source(%dma_start3A_85 : memref<160x64xf32, #tpu.memory_space<vmem_shared>>) target(%arg12 : memref<160x64xf32, #tpu.memory_space<vmem>>) target_semaphore(%run_scoped3A : memref<!tpu.dma_semaphore, #tpu.memory_space<semaphore_mem>>)
      %dma_wait3A = arith.constant 0 : i32
      %dma_wait3A_86 = tpu.memref_slice %arg13[%add3A_30, %dma_wait3A] : memref<10240x64xf32, #tpu.memory_space<vmem_shared>> -> memref<160x64xf32, #tpu.memory_space<vmem_shared>>
      %dma_wait3A_87 = arith.constant 0 : i32
      %dma_wait3A_88 = tpu.memref_slice %arg13[%add3A_30, %dma_wait3A_87] : memref<10240x64xf32, #tpu.memory_space<vmem_shared>> -> memref<160x64xf32, #tpu.memory_space<vmem_shared>>
      tpu.wait_dma2 semaphore(%run_scoped3A : memref<!tpu.dma_semaphore, #tpu.memory_space<semaphore_mem>>) src(%dma_wait3A_88 : memref<160x64xf32, #tpu.memory_space<vmem_shared>>) dst(%arg12 : memref<160x64xf32, #tpu.memory_space<vmem>>)
      tpu.yield
    }) : () -> ()
    %eq3A_31 = arith.constant 0 : i32
    %eq3A_32 = arith.cmpi eq, %arg0, %eq3A_31 : i32
    %convert_element_type3A_33 = arith.extui %eq3A_32 : i1 to i32
    %cond3A_34 = arith.constant 0 : i32
    %cond3A_35 = arith.cmpi ne, %convert_element_type3A_33, %cond3A_34 : i32
    scf.if %cond3A_35 {
      "tpu.region"() ({
        %run_scoped3A = tpu.sem_alloc : memref<!tpu.dma_semaphore, #tpu.memory_space<semaphore_mem>>
        %dma_start3A = arith.constant 0 : i32
        %dma_start3A_83 = tpu.memref_slice %arg5[%add3A_30, %dma_start3A] : memref<10240x64xf32, #tpu.memory_space<hbm>> -> memref<160x64xf32, #tpu.memory_space<hbm>>
        %dma_start3A_84 = arith.constant 0 : i32
        %dma_start3A_85 = tpu.memref_slice %arg5[%add3A_30, %dma_start3A_84] : memref<10240x64xf32, #tpu.memory_space<hbm>> -> memref<160x64xf32, #tpu.memory_space<hbm>>
        tpu.enqueue_dma source(%arg12 : memref<160x64xf32, #tpu.memory_space<vmem>>) target(%dma_start3A_85 : memref<160x64xf32, #tpu.memory_space<hbm>>) target_semaphore(%run_scoped3A : memref<!tpu.dma_semaphore, #tpu.memory_space<semaphore_mem>>)
        %dma_wait3A = arith.constant 0 : i32
        %dma_wait3A_86 = tpu.memref_slice %arg5[%add3A_30, %dma_wait3A] : memref<10240x64xf32, #tpu.memory_space<hbm>> -> memref<160x64xf32, #tpu.memory_space<hbm>>
        %dma_wait3A_87 = arith.constant 0 : i32
        %dma_wait3A_88 = tpu.memref_slice %arg5[%add3A_30, %dma_wait3A_87] : memref<10240x64xf32, #tpu.memory_space<hbm>> -> memref<160x64xf32, #tpu.memory_space<hbm>>
        tpu.wait_dma2 semaphore(%run_scoped3A : memref<!tpu.dma_semaphore, #tpu.memory_space<semaphore_mem>>) src(%arg12 : memref<160x64xf32, #tpu.memory_space<vmem>>) dst(%dma_wait3A_88 : memref<160x64xf32, #tpu.memory_space<hbm>>)
        tpu.yield
      }) : () -> ()
    } else {
    }
    %eq3A_36 = arith.constant 1 : i32
    %eq3A_37 = arith.cmpi eq, %arg0, %eq3A_36 : i32
    %convert_element_type3A_38 = arith.extui %eq3A_37 : i1 to i32
    %cond3A_39 = arith.constant 0 : i32
    %cond3A_40 = arith.cmpi ne, %convert_element_type3A_38, %cond3A_39 : i32
    scf.if %cond3A_40 {
      "tpu.region"() ({
        %run_scoped3A = tpu.sem_alloc : memref<!tpu.dma_semaphore, #tpu.memory_space<semaphore_mem>>
        %dma_start3A = arith.constant 0 : i32
        %dma_start3A_83 = tpu.memref_slice %arg6[%add3A_30, %dma_start3A] : memref<10240x64xf32, #tpu.memory_space<hbm>> -> memref<160x64xf32, #tpu.memory_space<hbm>>
        %dma_start3A_84 = arith.constant 0 : i32
        %dma_start3A_85 = tpu.memref_slice %arg6[%add3A_30, %dma_start3A_84] : memref<10240x64xf32, #tpu.memory_space<hbm>> -> memref<160x64xf32, #tpu.memory_space<hbm>>
        tpu.enqueue_dma source(%arg12 : memref<160x64xf32, #tpu.memory_space<vmem>>) target(%dma_start3A_85 : memref<160x64xf32, #tpu.memory_space<hbm>>) target_semaphore(%run_scoped3A : memref<!tpu.dma_semaphore, #tpu.memory_space<semaphore_mem>>)
        %dma_wait3A = arith.constant 0 : i32
        %dma_wait3A_86 = tpu.memref_slice %arg6[%add3A_30, %dma_wait3A] : memref<10240x64xf32, #tpu.memory_space<hbm>> -> memref<160x64xf32, #tpu.memory_space<hbm>>
        %dma_wait3A_87 = arith.constant 0 : i32
        %dma_wait3A_88 = tpu.memref_slice %arg6[%add3A_30, %dma_wait3A_87] : memref<10240x64xf32, #tpu.memory_space<hbm>> -> memref<160x64xf32, #tpu.memory_space<hbm>>
        tpu.wait_dma2 semaphore(%run_scoped3A : memref<!tpu.dma_semaphore, #tpu.memory_space<semaphore_mem>>) src(%arg12 : memref<160x64xf32, #tpu.memory_space<vmem>>) dst(%dma_wait3A_88 : memref<160x64xf32, #tpu.memory_space<hbm>>)
        tpu.yield
      }) : () -> ()
    } else {
    }
    %mul3A_41 = arith.constant 640 : i32
    %mul3A_42 = arith.muli %arg1, %mul3A_41 : i32
    %add3A_43 = arith.constant 160 : i32
    %add3A_44 = arith.addi %mul3A_42, %add3A_43 : i32
    "tpu.region"() ({
      %run_scoped3A = tpu.sem_alloc : memref<!tpu.dma_semaphore, #tpu.memory_space<semaphore_mem>>
      %dma_start3A = arith.constant 0 : i32
      %dma_start3A_83 = tpu.memref_slice %arg13[%add3A_44, %dma_start3A] : memref<10240x64xf32, #tpu.memory_space<vmem_shared>> -> memref<160x64xf32, #tpu.memory_space<vmem_shared>>
      %dma_start3A_84 = arith.constant 0 : i32
      %dma_start3A_85 = tpu.memref_slice %arg13[%add3A_44, %dma_start3A_84] : memref<10240x64xf32, #tpu.memory_space<vmem_shared>> -> memref<160x64xf32, #tpu.memory_space<vmem_shared>>
      tpu.enqueue_dma source(%dma_start3A_85 : memref<160x64xf32, #tpu.memory_space<vmem_shared>>) target(%arg12 : memref<160x64xf32, #tpu.memory_space<vmem>>) target_semaphore(%run_scoped3A : memref<!tpu.dma_semaphore, #tpu.memory_space<semaphore_mem>>)
      %dma_wait3A = arith.constant 0 : i32
      %dma_wait3A_86 = tpu.memref_slice %arg13[%add3A_44, %dma_wait3A] : memref<10240x64xf32, #tpu.memory_space<vmem_shared>> -> memref<160x64xf32, #tpu.memory_space<vmem_shared>>
      %dma_wait3A_87 = arith.constant 0 : i32
      %dma_wait3A_88 = tpu.memref_slice %arg13[%add3A_44, %dma_wait3A_87] : memref<10240x64xf32, #tpu.memory_space<vmem_shared>> -> memref<160x64xf32, #tpu.memory_space<vmem_shared>>
      tpu.wait_dma2 semaphore(%run_scoped3A : memref<!tpu.dma_semaphore, #tpu.memory_space<semaphore_mem>>) src(%dma_wait3A_88 : memref<160x64xf32, #tpu.memory_space<vmem_shared>>) dst(%arg12 : memref<160x64xf32, #tpu.memory_space<vmem>>)
      tpu.yield
    }) : () -> ()
    %eq3A_45 = arith.constant 0 : i32
    %eq3A_46 = arith.cmpi eq, %arg0, %eq3A_45 : i32
    %convert_element_type3A_47 = arith.extui %eq3A_46 : i1 to i32
    %cond3A_48 = arith.constant 0 : i32
    %cond3A_49 = arith.cmpi ne, %convert_element_type3A_47, %cond3A_48 : i32
    scf.if %cond3A_49 {
      "tpu.region"() ({
        %run_scoped3A = tpu.sem_alloc : memref<!tpu.dma_semaphore, #tpu.memory_space<semaphore_mem>>
        %dma_start3A = arith.constant 0 : i32
        %dma_start3A_83 = tpu.memref_slice %arg5[%add3A_44, %dma_start3A] : memref<10240x64xf32, #tpu.memory_space<hbm>> -> memref<160x64xf32, #tpu.memory_space<hbm>>
        %dma_start3A_84 = arith.constant 0 : i32
        %dma_start3A_85 = tpu.memref_slice %arg5[%add3A_44, %dma_start3A_84] : memref<10240x64xf32, #tpu.memory_space<hbm>> -> memref<160x64xf32, #tpu.memory_space<hbm>>
        tpu.enqueue_dma source(%arg12 : memref<160x64xf32, #tpu.memory_space<vmem>>) target(%dma_start3A_85 : memref<160x64xf32, #tpu.memory_space<hbm>>) target_semaphore(%run_scoped3A : memref<!tpu.dma_semaphore, #tpu.memory_space<semaphore_mem>>)
        %dma_wait3A = arith.constant 0 : i32
        %dma_wait3A_86 = tpu.memref_slice %arg5[%add3A_44, %dma_wait3A] : memref<10240x64xf32, #tpu.memory_space<hbm>> -> memref<160x64xf32, #tpu.memory_space<hbm>>
        %dma_wait3A_87 = arith.constant 0 : i32
        %dma_wait3A_88 = tpu.memref_slice %arg5[%add3A_44, %dma_wait3A_87] : memref<10240x64xf32, #tpu.memory_space<hbm>> -> memref<160x64xf32, #tpu.memory_space<hbm>>
        tpu.wait_dma2 semaphore(%run_scoped3A : memref<!tpu.dma_semaphore, #tpu.memory_space<semaphore_mem>>) src(%arg12 : memref<160x64xf32, #tpu.memory_space<vmem>>) dst(%dma_wait3A_88 : memref<160x64xf32, #tpu.memory_space<hbm>>)
        tpu.yield
      }) : () -> ()
    } else {
    }
    %eq3A_50 = arith.constant 1 : i32
    %eq3A_51 = arith.cmpi eq, %arg0, %eq3A_50 : i32
    %convert_element_type3A_52 = arith.extui %eq3A_51 : i1 to i32
    %cond3A_53 = arith.constant 0 : i32
    %cond3A_54 = arith.cmpi ne, %convert_element_type3A_52, %cond3A_53 : i32
    scf.if %cond3A_54 {
      "tpu.region"() ({
        %run_scoped3A = tpu.sem_alloc : memref<!tpu.dma_semaphore, #tpu.memory_space<semaphore_mem>>
        %dma_start3A = arith.constant 0 : i32
        %dma_start3A_83 = tpu.memref_slice %arg6[%add3A_44, %dma_start3A] : memref<10240x64xf32, #tpu.memory_space<hbm>> -> memref<160x64xf32, #tpu.memory_space<hbm>>
        %dma_start3A_84 = arith.constant 0 : i32
        %dma_start3A_85 = tpu.memref_slice %arg6[%add3A_44, %dma_start3A_84] : memref<10240x64xf32, #tpu.memory_space<hbm>> -> memref<160x64xf32, #tpu.memory_space<hbm>>
        tpu.enqueue_dma source(%arg12 : memref<160x64xf32, #tpu.memory_space<vmem>>) target(%dma_start3A_85 : memref<160x64xf32, #tpu.memory_space<hbm>>) target_semaphore(%run_scoped3A : memref<!tpu.dma_semaphore, #tpu.memory_space<semaphore_mem>>)
        %dma_wait3A = arith.constant 0 : i32
        %dma_wait3A_86 = tpu.memref_slice %arg6[%add3A_44, %dma_wait3A] : memref<10240x64xf32, #tpu.memory_space<hbm>> -> memref<160x64xf32, #tpu.memory_space<hbm>>
        %dma_wait3A_87 = arith.constant 0 : i32
        %dma_wait3A_88 = tpu.memref_slice %arg6[%add3A_44, %dma_wait3A_87] : memref<10240x64xf32, #tpu.memory_space<hbm>> -> memref<160x64xf32, #tpu.memory_space<hbm>>
        tpu.wait_dma2 semaphore(%run_scoped3A : memref<!tpu.dma_semaphore, #tpu.memory_space<semaphore_mem>>) src(%arg12 : memref<160x64xf32, #tpu.memory_space<vmem>>) dst(%dma_wait3A_88 : memref<160x64xf32, #tpu.memory_space<hbm>>)
        tpu.yield
      }) : () -> ()
    } else {
    }
    %mul3A_55 = arith.constant 640 : i32
    %mul3A_56 = arith.muli %arg1, %mul3A_55 : i32
    %add3A_57 = arith.constant 320 : i32
    %add3A_58 = arith.addi %mul3A_56, %add3A_57 : i32
    "tpu.region"() ({
      %run_scoped3A = tpu.sem_alloc : memref<!tpu.dma_semaphore, #tpu.memory_space<semaphore_mem>>
      %dma_start3A = arith.constant 0 : i32
      %dma_start3A_83 = tpu.memref_slice %arg13[%add3A_58, %dma_start3A] : memref<10240x64xf32, #tpu.memory_space<vmem_shared>> -> memref<160x64xf32, #tpu.memory_space<vmem_shared>>
      %dma_start3A_84 = arith.constant 0 : i32
      %dma_start3A_85 = tpu.memref_slice %arg13[%add3A_58, %dma_start3A_84] : memref<10240x64xf32, #tpu.memory_space<vmem_shared>> -> memref<160x64xf32, #tpu.memory_space<vmem_shared>>
      tpu.enqueue_dma source(%dma_start3A_85 : memref<160x64xf32, #tpu.memory_space<vmem_shared>>) target(%arg12 : memref<160x64xf32, #tpu.memory_space<vmem>>) target_semaphore(%run_scoped3A : memref<!tpu.dma_semaphore, #tpu.memory_space<semaphore_mem>>)
      %dma_wait3A = arith.constant 0 : i32
      %dma_wait3A_86 = tpu.memref_slice %arg13[%add3A_58, %dma_wait3A] : memref<10240x64xf32, #tpu.memory_space<vmem_shared>> -> memref<160x64xf32, #tpu.memory_space<vmem_shared>>
      %dma_wait3A_87 = arith.constant 0 : i32
      %dma_wait3A_88 = tpu.memref_slice %arg13[%add3A_58, %dma_wait3A_87] : memref<10240x64xf32, #tpu.memory_space<vmem_shared>> -> memref<160x64xf32, #tpu.memory_space<vmem_shared>>
      tpu.wait_dma2 semaphore(%run_scoped3A : memref<!tpu.dma_semaphore, #tpu.memory_space<semaphore_mem>>) src(%dma_wait3A_88 : memref<160x64xf32, #tpu.memory_space<vmem_shared>>) dst(%arg12 : memref<160x64xf32, #tpu.memory_space<vmem>>)
      tpu.yield
    }) : () -> ()
    %eq3A_59 = arith.constant 0 : i32
    %eq3A_60 = arith.cmpi eq, %arg0, %eq3A_59 : i32
    %convert_element_type3A_61 = arith.extui %eq3A_60 : i1 to i32
    %cond3A_62 = arith.constant 0 : i32
    %cond3A_63 = arith.cmpi ne, %convert_element_type3A_61, %cond3A_62 : i32
    scf.if %cond3A_63 {
      "tpu.region"() ({
        %run_scoped3A = tpu.sem_alloc : memref<!tpu.dma_semaphore, #tpu.memory_space<semaphore_mem>>
        %dma_start3A = arith.constant 0 : i32
        %dma_start3A_83 = tpu.memref_slice %arg5[%add3A_58, %dma_start3A] : memref<10240x64xf32, #tpu.memory_space<hbm>> -> memref<160x64xf32, #tpu.memory_space<hbm>>
        %dma_start3A_84 = arith.constant 0 : i32
        %dma_start3A_85 = tpu.memref_slice %arg5[%add3A_58, %dma_start3A_84] : memref<10240x64xf32, #tpu.memory_space<hbm>> -> memref<160x64xf32, #tpu.memory_space<hbm>>
        tpu.enqueue_dma source(%arg12 : memref<160x64xf32, #tpu.memory_space<vmem>>) target(%dma_start3A_85 : memref<160x64xf32, #tpu.memory_space<hbm>>) target_semaphore(%run_scoped3A : memref<!tpu.dma_semaphore, #tpu.memory_space<semaphore_mem>>)
        %dma_wait3A = arith.constant 0 : i32
        %dma_wait3A_86 = tpu.memref_slice %arg5[%add3A_58, %dma_wait3A] : memref<10240x64xf32, #tpu.memory_space<hbm>> -> memref<160x64xf32, #tpu.memory_space<hbm>>
        %dma_wait3A_87 = arith.constant 0 : i32
        %dma_wait3A_88 = tpu.memref_slice %arg5[%add3A_58, %dma_wait3A_87] : memref<10240x64xf32, #tpu.memory_space<hbm>> -> memref<160x64xf32, #tpu.memory_space<hbm>>
        tpu.wait_dma2 semaphore(%run_scoped3A : memref<!tpu.dma_semaphore, #tpu.memory_space<semaphore_mem>>) src(%arg12 : memref<160x64xf32, #tpu.memory_space<vmem>>) dst(%dma_wait3A_88 : memref<160x64xf32, #tpu.memory_space<hbm>>)
        tpu.yield
      }) : () -> ()
    } else {
    }
    %eq3A_64 = arith.constant 1 : i32
    %eq3A_65 = arith.cmpi eq, %arg0, %eq3A_64 : i32
    %convert_element_type3A_66 = arith.extui %eq3A_65 : i1 to i32
    %cond3A_67 = arith.constant 0 : i32
    %cond3A_68 = arith.cmpi ne, %convert_element_type3A_66, %cond3A_67 : i32
    scf.if %cond3A_68 {
      "tpu.region"() ({
        %run_scoped3A = tpu.sem_alloc : memref<!tpu.dma_semaphore, #tpu.memory_space<semaphore_mem>>
        %dma_start3A = arith.constant 0 : i32
        %dma_start3A_83 = tpu.memref_slice %arg6[%add3A_58, %dma_start3A] : memref<10240x64xf32, #tpu.memory_space<hbm>> -> memref<160x64xf32, #tpu.memory_space<hbm>>
        %dma_start3A_84 = arith.constant 0 : i32
        %dma_start3A_85 = tpu.memref_slice %arg6[%add3A_58, %dma_start3A_84] : memref<10240x64xf32, #tpu.memory_space<hbm>> -> memref<160x64xf32, #tpu.memory_space<hbm>>
        tpu.enqueue_dma source(%arg12 : memref<160x64xf32, #tpu.memory_space<vmem>>) target(%dma_start3A_85 : memref<160x64xf32, #tpu.memory_space<hbm>>) target_semaphore(%run_scoped3A : memref<!tpu.dma_semaphore, #tpu.memory_space<semaphore_mem>>)
        %dma_wait3A = arith.constant 0 : i32
        %dma_wait3A_86 = tpu.memref_slice %arg6[%add3A_58, %dma_wait3A] : memref<10240x64xf32, #tpu.memory_space<hbm>> -> memref<160x64xf32, #tpu.memory_space<hbm>>
        %dma_wait3A_87 = arith.constant 0 : i32
        %dma_wait3A_88 = tpu.memref_slice %arg6[%add3A_58, %dma_wait3A_87] : memref<10240x64xf32, #tpu.memory_space<hbm>> -> memref<160x64xf32, #tpu.memory_space<hbm>>
        tpu.wait_dma2 semaphore(%run_scoped3A : memref<!tpu.dma_semaphore, #tpu.memory_space<semaphore_mem>>) src(%arg12 : memref<160x64xf32, #tpu.memory_space<vmem>>) dst(%dma_wait3A_88 : memref<160x64xf32, #tpu.memory_space<hbm>>)
        tpu.yield
      }) : () -> ()
    } else {
    }
    %mul3A_69 = arith.constant 640 : i32
    %mul3A_70 = arith.muli %arg1, %mul3A_69 : i32
    %add3A_71 = arith.constant 480 : i32
    %add3A_72 = arith.addi %mul3A_70, %add3A_71 : i32
    "tpu.region"() ({
      %run_scoped3A = tpu.sem_alloc : memref<!tpu.dma_semaphore, #tpu.memory_space<semaphore_mem>>
      %dma_start3A = arith.constant 0 : i32
      %dma_start3A_83 = tpu.memref_slice %arg13[%add3A_72, %dma_start3A] : memref<10240x64xf32, #tpu.memory_space<vmem_shared>> -> memref<160x64xf32, #tpu.memory_space<vmem_shared>>
      %dma_start3A_84 = arith.constant 0 : i32
      %dma_start3A_85 = tpu.memref_slice %arg13[%add3A_72, %dma_start3A_84] : memref<10240x64xf32, #tpu.memory_space<vmem_shared>> -> memref<160x64xf32, #tpu.memory_space<vmem_shared>>
      tpu.enqueue_dma source(%dma_start3A_85 : memref<160x64xf32, #tpu.memory_space<vmem_shared>>) target(%arg12 : memref<160x64xf32, #tpu.memory_space<vmem>>) target_semaphore(%run_scoped3A : memref<!tpu.dma_semaphore, #tpu.memory_space<semaphore_mem>>)
      %dma_wait3A = arith.constant 0 : i32
      %dma_wait3A_86 = tpu.memref_slice %arg13[%add3A_72, %dma_wait3A] : memref<10240x64xf32, #tpu.memory_space<vmem_shared>> -> memref<160x64xf32, #tpu.memory_space<vmem_shared>>
      %dma_wait3A_87 = arith.constant 0 : i32
      %dma_wait3A_88 = tpu.memref_slice %arg13[%add3A_72, %dma_wait3A_87] : memref<10240x64xf32, #tpu.memory_space<vmem_shared>> -> memref<160x64xf32, #tpu.memory_space<vmem_shared>>
      tpu.wait_dma2 semaphore(%run_scoped3A : memref<!tpu.dma_semaphore, #tpu.memory_space<semaphore_mem>>) src(%dma_wait3A_88 : memref<160x64xf32, #tpu.memory_space<vmem_shared>>) dst(%arg12 : memref<160x64xf32, #tpu.memory_space<vmem>>)
      tpu.yield
    }) : () -> ()
    %eq3A_73 = arith.constant 0 : i32
    %eq3A_74 = arith.cmpi eq, %arg0, %eq3A_73 : i32
    %convert_element_type3A_75 = arith.extui %eq3A_74 : i1 to i32
    %cond3A_76 = arith.constant 0 : i32
    %cond3A_77 = arith.cmpi ne, %convert_element_type3A_75, %cond3A_76 : i32
    scf.if %cond3A_77 {
      "tpu.region"() ({
        %run_scoped3A = tpu.sem_alloc : memref<!tpu.dma_semaphore, #tpu.memory_space<semaphore_mem>>
        %dma_start3A = arith.constant 0 : i32
        %dma_start3A_83 = tpu.memref_slice %arg5[%add3A_72, %dma_start3A] : memref<10240x64xf32, #tpu.memory_space<hbm>> -> memref<160x64xf32, #tpu.memory_space<hbm>>
        %dma_start3A_84 = arith.constant 0 : i32
        %dma_start3A_85 = tpu.memref_slice %arg5[%add3A_72, %dma_start3A_84] : memref<10240x64xf32, #tpu.memory_space<hbm>> -> memref<160x64xf32, #tpu.memory_space<hbm>>
        tpu.enqueue_dma source(%arg12 : memref<160x64xf32, #tpu.memory_space<vmem>>) target(%dma_start3A_85 : memref<160x64xf32, #tpu.memory_space<hbm>>) target_semaphore(%run_scoped3A : memref<!tpu.dma_semaphore, #tpu.memory_space<semaphore_mem>>)
        %dma_wait3A = arith.constant 0 : i32
        %dma_wait3A_86 = tpu.memref_slice %arg5[%add3A_72, %dma_wait3A] : memref<10240x64xf32, #tpu.memory_space<hbm>> -> memref<160x64xf32, #tpu.memory_space<hbm>>
        %dma_wait3A_87 = arith.constant 0 : i32
        %dma_wait3A_88 = tpu.memref_slice %arg5[%add3A_72, %dma_wait3A_87] : memref<10240x64xf32, #tpu.memory_space<hbm>> -> memref<160x64xf32, #tpu.memory_space<hbm>>
        tpu.wait_dma2 semaphore(%run_scoped3A : memref<!tpu.dma_semaphore, #tpu.memory_space<semaphore_mem>>) src(%arg12 : memref<160x64xf32, #tpu.memory_space<vmem>>) dst(%dma_wait3A_88 : memref<160x64xf32, #tpu.memory_space<hbm>>)
        tpu.yield
      }) : () -> ()
    } else {
    }
    %eq3A_78 = arith.constant 1 : i32
    %eq3A_79 = arith.cmpi eq, %arg0, %eq3A_78 : i32
    %convert_element_type3A_80 = arith.extui %eq3A_79 : i1 to i32
    %cond3A_81 = arith.constant 0 : i32
    %cond3A_82 = arith.cmpi ne, %convert_element_type3A_80, %cond3A_81 : i32
    scf.if %cond3A_82 {
      "tpu.region"() ({
        %run_scoped3A = tpu.sem_alloc : memref<!tpu.dma_semaphore, #tpu.memory_space<semaphore_mem>>
        %dma_start3A = arith.constant 0 : i32
        %dma_start3A_83 = tpu.memref_slice %arg6[%add3A_72, %dma_start3A] : memref<10240x64xf32, #tpu.memory_space<hbm>> -> memref<160x64xf32, #tpu.memory_space<hbm>>
        %dma_start3A_84 = arith.constant 0 : i32
        %dma_start3A_85 = tpu.memref_slice %arg6[%add3A_72, %dma_start3A_84] : memref<10240x64xf32, #tpu.memory_space<hbm>> -> memref<160x64xf32, #tpu.memory_space<hbm>>
        tpu.enqueue_dma source(%arg12 : memref<160x64xf32, #tpu.memory_space<vmem>>) target(%dma_start3A_85 : memref<160x64xf32, #tpu.memory_space<hbm>>) target_semaphore(%run_scoped3A : memref<!tpu.dma_semaphore, #tpu.memory_space<semaphore_mem>>)
        %dma_wait3A = arith.constant 0 : i32
        %dma_wait3A_86 = tpu.memref_slice %arg6[%add3A_72, %dma_wait3A] : memref<10240x64xf32, #tpu.memory_space<hbm>> -> memref<160x64xf32, #tpu.memory_space<hbm>>
        %dma_wait3A_87 = arith.constant 0 : i32
        %dma_wait3A_88 = tpu.memref_slice %arg6[%add3A_72, %dma_wait3A_87] : memref<10240x64xf32, #tpu.memory_space<hbm>> -> memref<160x64xf32, #tpu.memory_space<hbm>>
        tpu.wait_dma2 semaphore(%run_scoped3A : memref<!tpu.dma_semaphore, #tpu.memory_space<semaphore_mem>>) src(%arg12 : memref<160x64xf32, #tpu.memory_space<vmem>>) dst(%dma_wait3A_88 : memref<160x64xf32, #tpu.memory_space<hbm>>)
        tpu.yield
      }) : () -> ()
    } else {
    }
    return
  }
}

#map = affine_map<(d0, d1) -> (0, 0)>
module attributes {stable_mosaic.version = 14 : i64} {
  func.func @body(%arg0: i32, %arg1: i32, %arg2: memref<1280x256xi32, #tpu.memory_space<hbm>>, %arg3: memref<1280x256xi32, #tpu.memory_space<hbm>>, %arg4: memref<10240x32xf32, #tpu.memory_space<hbm>>, %arg5: memref<10240x32xf32, #tpu.memory_space<hbm>>, %arg6: memref<10240x32xf32, #tpu.memory_space<hbm>>, %arg7: memref<36x256xi32, #tpu.memory_space<vmem>>, %arg8: memref<36x256xi32, #tpu.memory_space<vmem>>, %arg9: memref<256x32xf32, #tpu.memory_space<vmem>>, %arg10: memref<256x32xf32, #tpu.memory_space<vmem>>, %arg11: memref<256x32xf32, #tpu.memory_space<vmem>>, %arg12: memref<160x32xf32, #tpu.memory_space<vmem>>, %arg13: memref<10240x32xf32, #tpu.memory_space<vmem_shared>>, %arg14: memref<!tpu.dma_semaphore, #tpu.memory_space<semaphore_mem>>, %arg15: memref<!tpu.dma_semaphore, #tpu.memory_space<semaphore_mem>>, %arg16: memref<!tpu.dma_semaphore, #tpu.memory_space<semaphore_mem>>, %arg17: memref<!tpu.dma_semaphore, #tpu.memory_space<semaphore_mem>>, %arg18: memref<!tpu.dma_semaphore, #tpu.memory_space<semaphore_mem>>, %arg19: memref<!tpu.dma_semaphore, #tpu.memory_space<semaphore_mem>>) attributes {dimension_semantics = [#tpu.dimension_semantics<core_parallel>, #tpu.dimension_semantics<subcore_parallel>], iteration_bounds = array<i64: 2, 16>, scalar_prefetch = 0 : i64, scratch_operands = 13 : i64, tpu.core_type = #tpu.core_type<sc_vector_subcore>, window_params = [{transform_indices = #map}, {transform_indices = #map}, {transform_indices = #map}, {transform_indices = #map}, {transform_indices = #map}]} {
    %scan3A = arith.constant 0 : i32
    %scan3A_0 = arith.constant 0 : i32
    %scan3A_1 = arith.constant 160 : i32
    %scan3A_2 = arith.addi %scan3A_0, %scan3A_1 : i32
    %scan3A_3 = arith.constant 1 : i32
    scf.for %scan3A_83 = %scan3A_0 to %scan3A_2 step %scan3A_3  : i32 {
      %broadcast_in_dim3A = arith.constant 0.000000e+00 : f32
      %broadcast_in_dim3A_84 = vector.broadcast %broadcast_in_dim3A : f32 to vector<16xf32>
      %swap3A = arith.index_cast %scan3A_83 : i32 to index
      %swap3A_85 = arith.constant 0 : index
      %swap3A_86 = tpu.vector_load %arg12[%swap3A, %swap3A_85] {strides = array<i32>} : memref<160x32xf32, #tpu.memory_space<vmem>>, vector<1x16xf32>,
      %swap3A_87 = vector.shape_cast %swap3A_86 : vector<1x16xf32> to vector<16xf32>
      %swap3A_88 = vector.shape_cast %broadcast_in_dim3A_84 : vector<16xf32> to vector<1x16xf32>
      tpu.vector_store %arg12[%swap3A, %swap3A_85], %swap3A_88 {strides = array<i32>} : memref<160x32xf32, #tpu.memory_space<vmem>>, vector<1x16xf32>,
      %broadcast_in_dim3A_89 = arith.constant 0.000000e+00 : f32
      %broadcast_in_dim3A_90 = vector.broadcast %broadcast_in_dim3A_89 : f32 to vector<16xf32>
      %swap3A_91 = arith.index_cast %scan3A_83 : i32 to index
      %swap3A_92 = arith.constant 16 : index
      %swap3A_93 = tpu.vector_load %arg12[%swap3A_91, %swap3A_92] {strides = array<i32>} : memref<160x32xf32, #tpu.memory_space<vmem>>, vector<1x16xf32>,
      %swap3A_94 = vector.shape_cast %swap3A_93 : vector<1x16xf32> to vector<16xf32>
      %swap3A_95 = vector.shape_cast %broadcast_in_dim3A_90 : vector<16xf32> to vector<1x16xf32>
      tpu.vector_store %arg12[%swap3A_91, %swap3A_92], %swap3A_95 {strides = array<i32>} : memref<160x32xf32, #tpu.memory_space<vmem>>, vector<1x16xf32>,
    }
    %scan3A_4 = arith.constant 160 : i32
    %mul3A = arith.constant 640 : i32
    %mul3A_5 = arith.muli %arg1, %mul3A : i32
    %add3A = arith.constant 0 : i32
    %add3A_6 = arith.addi %mul3A_5, %add3A : i32
    "tpu.region"() ({
      %run_scoped3A = tpu.sem_alloc : memref<!tpu.dma_semaphore, #tpu.memory_space<semaphore_mem>>
      %dma_start3A = arith.constant 0 : i32
      %dma_start3A_83 = tpu.memref_slice %arg13[%add3A_6, %dma_start3A] : memref<10240x32xf32, #tpu.memory_space<vmem_shared>> -> memref<160x32xf32, #tpu.memory_space<vmem_shared>>
      %dma_start3A_84 = arith.constant 0 : i32
      %dma_start3A_85 = tpu.memref_slice %arg13[%add3A_6, %dma_start3A_84] : memref<10240x32xf32, #tpu.memory_space<vmem_shared>> -> memref<160x32xf32, #tpu.memory_space<vmem_shared>>
      tpu.enqueue_dma source(%arg12 : memref<160x32xf32, #tpu.memory_space<vmem>>) target(%dma_start3A_85 : memref<160x32xf32, #tpu.memory_space<vmem_shared>>) target_semaphore(%run_scoped3A : memref<!tpu.dma_semaphore, #tpu.memory_space<semaphore_mem>>)
      %dma_wait3A = arith.constant 0 : i32
      %dma_wait3A_86 = tpu.memref_slice %arg13[%add3A_6, %dma_wait3A] : memref<10240x32xf32, #tpu.memory_space<vmem_shared>> -> memref<160x32xf32, #tpu.memory_space<vmem_shared>>
      %dma_wait3A_87 = arith.constant 0 : i32
      %dma_wait3A_88 = tpu.memref_slice %arg13[%add3A_6, %dma_wait3A_87] : memref<10240x32xf32, #tpu.memory_space<vmem_shared>> -> memref<160x32xf32, #tpu.memory_space<vmem_shared>>
      tpu.wait_dma2 semaphore(%run_scoped3A : memref<!tpu.dma_semaphore, #tpu.memory_space<semaphore_mem>>) src(%arg12 : memref<160x32xf32, #tpu.memory_space<vmem>>) dst(%dma_wait3A_88 : memref<160x32xf32, #tpu.memory_space<vmem_shared>>)
      tpu.yield
    }) : () -> ()
    %mul3A_7 = arith.constant 640 : i32
    %mul3A_8 = arith.muli %arg1, %mul3A_7 : i32
    %add3A_9 = arith.constant 160 : i32
    %add3A_10 = arith.addi %mul3A_8, %add3A_9 : i32
    "tpu.region"() ({
      %run_scoped3A = tpu.sem_alloc : memref<!tpu.dma_semaphore, #tpu.memory_space<semaphore_mem>>
      %dma_start3A = arith.constant 0 : i32
      %dma_start3A_83 = tpu.memref_slice %arg13[%add3A_10, %dma_start3A] : memref<10240x32xf32, #tpu.memory_space<vmem_shared>> -> memref<160x32xf32, #tpu.memory_space<vmem_shared>>
      %dma_start3A_84 = arith.constant 0 : i32
      %dma_start3A_85 = tpu.memref_slice %arg13[%add3A_10, %dma_start3A_84] : memref<10240x32xf32, #tpu.memory_space<vmem_shared>> -> memref<160x32xf32, #tpu.memory_space<vmem_shared>>
      tpu.enqueue_dma source(%arg12 : memref<160x32xf32, #tpu.memory_space<vmem>>) target(%dma_start3A_85 : memref<160x32xf32, #tpu.memory_space<vmem_shared>>) target_semaphore(%run_scoped3A : memref<!tpu.dma_semaphore, #tpu.memory_space<semaphore_mem>>)
      %dma_wait3A = arith.constant 0 : i32
      %dma_wait3A_86 = tpu.memref_slice %arg13[%add3A_10, %dma_wait3A] : memref<10240x32xf32, #tpu.memory_space<vmem_shared>> -> memref<160x32xf32, #tpu.memory_space<vmem_shared>>
      %dma_wait3A_87 = arith.constant 0 : i32
      %dma_wait3A_88 = tpu.memref_slice %arg13[%add3A_10, %dma_wait3A_87] : memref<10240x32xf32, #tpu.memory_space<vmem_shared>> -> memref<160x32xf32, #tpu.memory_space<vmem_shared>>
      tpu.wait_dma2 semaphore(%run_scoped3A : memref<!tpu.dma_semaphore, #tpu.memory_space<semaphore_mem>>) src(%arg12 : memref<160x32xf32, #tpu.memory_space<vmem>>) dst(%dma_wait3A_88 : memref<160x32xf32, #tpu.memory_space<vmem_shared>>)
      tpu.yield
    }) : () -> ()
    %mul3A_11 = arith.constant 640 : i32
    %mul3A_12 = arith.muli %arg1, %mul3A_11 : i32
    %add3A_13 = arith.constant 320 : i32
    %add3A_14 = arith.addi %mul3A_12, %add3A_13 : i32
    "tpu.region"() ({
      %run_scoped3A = tpu.sem_alloc : memref<!tpu.dma_semaphore, #tpu.memory_space<semaphore_mem>>
      %dma_start3A = arith.constant 0 : i32
      %dma_start3A_83 = tpu.memref_slice %arg13[%add3A_14, %dma_start3A] : memref<10240x32xf32, #tpu.memory_space<vmem_shared>> -> memref<160x32xf32, #tpu.memory_space<vmem_shared>>
      %dma_start3A_84 = arith.constant 0 : i32
      %dma_start3A_85 = tpu.memref_slice %arg13[%add3A_14, %dma_start3A_84] : memref<10240x32xf32, #tpu.memory_space<vmem_shared>> -> memref<160x32xf32, #tpu.memory_space<vmem_shared>>
      tpu.enqueue_dma source(%arg12 : memref<160x32xf32, #tpu.memory_space<vmem>>) target(%dma_start3A_85 : memref<160x32xf32, #tpu.memory_space<vmem_shared>>) target_semaphore(%run_scoped3A : memref<!tpu.dma_semaphore, #tpu.memory_space<semaphore_mem>>)
      %dma_wait3A = arith.constant 0 : i32
      %dma_wait3A_86 = tpu.memref_slice %arg13[%add3A_14, %dma_wait3A] : memref<10240x32xf32, #tpu.memory_space<vmem_shared>> -> memref<160x32xf32, #tpu.memory_space<vmem_shared>>
      %dma_wait3A_87 = arith.constant 0 : i32
      %dma_wait3A_88 = tpu.memref_slice %arg13[%add3A_14, %dma_wait3A_87] : memref<10240x32xf32, #tpu.memory_space<vmem_shared>> -> memref<160x32xf32, #tpu.memory_space<vmem_shared>>
      tpu.wait_dma2 semaphore(%run_scoped3A : memref<!tpu.dma_semaphore, #tpu.memory_space<semaphore_mem>>) src(%arg12 : memref<160x32xf32, #tpu.memory_space<vmem>>) dst(%dma_wait3A_88 : memref<160x32xf32, #tpu.memory_space<vmem_shared>>)
      tpu.yield
    }) : () -> ()
    %mul3A_15 = arith.constant 640 : i32
    %mul3A_16 = arith.muli %arg1, %mul3A_15 : i32
    %add3A_17 = arith.constant 480 : i32
    %add3A_18 = arith.addi %mul3A_16, %add3A_17 : i32
    "tpu.region"() ({
      %run_scoped3A = tpu.sem_alloc : memref<!tpu.dma_semaphore, #tpu.memory_space<semaphore_mem>>
      %dma_start3A = arith.constant 0 : i32
      %dma_start3A_83 = tpu.memref_slice %arg13[%add3A_18, %dma_start3A] : memref<10240x32xf32, #tpu.memory_space<vmem_shared>> -> memref<160x32xf32, #tpu.memory_space<vmem_shared>>
      %dma_start3A_84 = arith.constant 0 : i32
      %dma_start3A_85 = tpu.memref_slice %arg13[%add3A_18, %dma_start3A_84] : memref<10240x32xf32, #tpu.memory_space<vmem_shared>> -> memref<160x32xf32, #tpu.memory_space<vmem_shared>>
      tpu.enqueue_dma source(%arg12 : memref<160x32xf32, #tpu.memory_space<vmem>>) target(%dma_start3A_85 : memref<160x32xf32, #tpu.memory_space<vmem_shared>>) target_semaphore(%run_scoped3A : memref<!tpu.dma_semaphore, #tpu.memory_space<semaphore_mem>>)
      %dma_wait3A = arith.constant 0 : i32
      %dma_wait3A_86 = tpu.memref_slice %arg13[%add3A_18, %dma_wait3A] : memref<10240x32xf32, #tpu.memory_space<vmem_shared>> -> memref<160x32xf32, #tpu.memory_space<vmem_shared>>
      %dma_wait3A_87 = arith.constant 0 : i32
      %dma_wait3A_88 = tpu.memref_slice %arg13[%add3A_18, %dma_wait3A_87] : memref<10240x32xf32, #tpu.memory_space<vmem_shared>> -> memref<160x32xf32, #tpu.memory_space<vmem_shared>>
      tpu.wait_dma2 semaphore(%run_scoped3A : memref<!tpu.dma_semaphore, #tpu.memory_space<semaphore_mem>>) src(%arg12 : memref<160x32xf32, #tpu.memory_space<vmem>>) dst(%dma_wait3A_88 : memref<160x32xf32, #tpu.memory_space<vmem_shared>>)
      tpu.yield
    }) : () -> ()
    %barrier3A = arith.constant 0 : index
    tpu.barrier barrier_id(%barrier3A)
    %eq3A = arith.constant 0 : i32
    %eq3A_19 = arith.cmpi eq, %arg0, %eq3A : i32
    %convert_element_type3A = arith.extui %eq3A_19 : i1 to i32
    %cond3A = arith.constant 0 : i32
    %cond3A_20 = arith.cmpi ne, %convert_element_type3A, %cond3A : i32
    scf.if %cond3A_20 {
      %mul3A_83 = arith.constant 76 : i32
      %mul3A_84 = arith.muli %arg1, %mul3A_83 : i32
      %add3A_85 = arith.constant 0 : i32
      %add3A_86 = arith.addi %mul3A_84, %add3A_85 : i32
      "tpu.region"() ({
        %run_scoped3A = tpu.sem_alloc : memref<!tpu.dma_semaphore, #tpu.memory_space<semaphore_mem>>
        %dma_start3A_170 = arith.constant 0 : i32
        %dma_start3A_171 = arith.constant 0 : i32
        %dma_start3A_172 = tpu.memref_slice %arg7[%dma_start3A_170, %dma_start3A_171] : memref<36x256xi32, #tpu.memory_space<vmem>> -> memref<36x256xi32, #tpu.memory_space<vmem>>
        %dma_start3A_173 = arith.constant 0 : i32
        %dma_start3A_174 = tpu.memref_slice %arg2[%add3A_86, %dma_start3A_173] : memref<1280x256xi32, #tpu.memory_space<hbm>> -> memref<36x256xi32, #tpu.memory_space<hbm>>
        %dma_start3A_175 = arith.constant 0 : i32
        %dma_start3A_176 = arith.constant 0 : i32
        %dma_start3A_177 = tpu.memref_slice %arg7[%dma_start3A_175, %dma_start3A_176] : memref<36x256xi32, #tpu.memory_space<vmem>> -> memref<36x256xi32, #tpu.memory_space<vmem>>
        %dma_start3A_178 = arith.constant 0 : i32
        %dma_start3A_179 = tpu.memref_slice %arg2[%add3A_86, %dma_start3A_178] : memref<1280x256xi32, #tpu.memory_space<hbm>> -> memref<36x256xi32, #tpu.memory_space<hbm>>
        tpu.enqueue_dma source(%dma_start3A_179 : memref<36x256xi32, #tpu.memory_space<hbm>>) target(%dma_start3A_177 : memref<36x256xi32, #tpu.memory_space<vmem>>) target_semaphore(%run_scoped3A : memref<!tpu.dma_semaphore, #tpu.memory_space<semaphore_mem>>)
        %dma_wait3A = arith.constant 0 : i32
        %dma_wait3A_180 = arith.constant 0 : i32
        %dma_wait3A_181 = tpu.memref_slice %arg7[%dma_wait3A, %dma_wait3A_180] : memref<36x256xi32, #tpu.memory_space<vmem>> -> memref<36x256xi32, #tpu.memory_space<vmem>>
        %dma_wait3A_182 = arith.constant 0 : i32
        %dma_wait3A_183 = tpu.memref_slice %arg2[%add3A_86, %dma_wait3A_182] : memref<1280x256xi32, #tpu.memory_space<hbm>> -> memref<36x256xi32, #tpu.memory_space<hbm>>
        %dma_wait3A_184 = arith.constant 0 : i32
        %dma_wait3A_185 = arith.constant 0 : i32
        %dma_wait3A_186 = tpu.memref_slice %arg7[%dma_wait3A_184, %dma_wait3A_185] : memref<36x256xi32, #tpu.memory_space<vmem>> -> memref<36x256xi32, #tpu.memory_space<vmem>>
        %dma_wait3A_187 = arith.constant 0 : i32
        %dma_wait3A_188 = tpu.memref_slice %arg2[%add3A_86, %dma_wait3A_187] : memref<1280x256xi32, #tpu.memory_space<hbm>> -> memref<36x256xi32, #tpu.memory_space<hbm>>
        tpu.wait_dma2 semaphore(%run_scoped3A : memref<!tpu.dma_semaphore, #tpu.memory_space<semaphore_mem>>) src(%dma_wait3A_188 : memref<36x256xi32, #tpu.memory_space<hbm>>) dst(%dma_wait3A_186 : memref<36x256xi32, #tpu.memory_space<vmem>>)
        tpu.yield
      }) : () -> ()
      %add3A_87 = arith.constant 0 : i32
      %add3A_88 = arith.addi %mul3A_84, %add3A_87 : i32
      "tpu.region"() ({
        %run_scoped3A = tpu.sem_alloc : memref<!tpu.dma_semaphore, #tpu.memory_space<semaphore_mem>>
        %dma_start3A_170 = arith.constant 0 : i32
        %dma_start3A_171 = arith.constant 0 : i32
        %dma_start3A_172 = tpu.memref_slice %arg8[%dma_start3A_170, %dma_start3A_171] : memref<36x256xi32, #tpu.memory_space<vmem>> -> memref<36x256xi32, #tpu.memory_space<vmem>>
        %dma_start3A_173 = arith.constant 0 : i32
        %dma_start3A_174 = tpu.memref_slice %arg3[%add3A_88, %dma_start3A_173] : memref<1280x256xi32, #tpu.memory_space<hbm>> -> memref<36x256xi32, #tpu.memory_space<hbm>>
        %dma_start3A_175 = arith.constant 0 : i32
        %dma_start3A_176 = arith.constant 0 : i32
        %dma_start3A_177 = tpu.memref_slice %arg8[%dma_start3A_175, %dma_start3A_176] : memref<36x256xi32, #tpu.memory_space<vmem>> -> memref<36x256xi32, #tpu.memory_space<vmem>>
        %dma_start3A_178 = arith.constant 0 : i32
        %dma_start3A_179 = tpu.memref_slice %arg3[%add3A_88, %dma_start3A_178] : memref<1280x256xi32, #tpu.memory_space<hbm>> -> memref<36x256xi32, #tpu.memory_space<hbm>>
        tpu.enqueue_dma source(%dma_start3A_179 : memref<36x256xi32, #tpu.memory_space<hbm>>) target(%dma_start3A_177 : memref<36x256xi32, #tpu.memory_space<vmem>>) target_semaphore(%run_scoped3A : memref<!tpu.dma_semaphore, #tpu.memory_space<semaphore_mem>>)
        %dma_wait3A = arith.constant 0 : i32
        %dma_wait3A_180 = arith.constant 0 : i32
        %dma_wait3A_181 = tpu.memref_slice %arg8[%dma_wait3A, %dma_wait3A_180] : memref<36x256xi32, #tpu.memory_space<vmem>> -> memref<36x256xi32, #tpu.memory_space<vmem>>
        %dma_wait3A_182 = arith.constant 0 : i32
        %dma_wait3A_183 = tpu.memref_slice %arg3[%add3A_88, %dma_wait3A_182] : memref<1280x256xi32, #tpu.memory_space<hbm>> -> memref<36x256xi32, #tpu.memory_space<hbm>>
        %dma_wait3A_184 = arith.constant 0 : i32
        %dma_wait3A_185 = arith.constant 0 : i32
        %dma_wait3A_186 = tpu.memref_slice %arg8[%dma_wait3A_184, %dma_wait3A_185] : memref<36x256xi32, #tpu.memory_space<vmem>> -> memref<36x256xi32, #tpu.memory_space<vmem>>
        %dma_wait3A_187 = arith.constant 0 : i32
        %dma_wait3A_188 = tpu.memref_slice %arg3[%add3A_88, %dma_wait3A_187] : memref<1280x256xi32, #tpu.memory_space<hbm>> -> memref<36x256xi32, #tpu.memory_space<hbm>>
        tpu.wait_dma2 semaphore(%run_scoped3A : memref<!tpu.dma_semaphore, #tpu.memory_space<semaphore_mem>>) src(%dma_wait3A_188 : memref<36x256xi32, #tpu.memory_space<hbm>>) dst(%dma_wait3A_186 : memref<36x256xi32, #tpu.memory_space<vmem>>)
        tpu.yield
      }) : () -> ()
      %dma_start3A = arith.constant 0 : i32
      %dma_start3A_89 = arith.constant 0 : i32
      %dma_start3A_90 = tpu.memref_slice %arg7[%dma_start3A, %dma_start3A_89] : memref<36x256xi32, #tpu.memory_space<vmem>> -> memref<1x256xi32, #tpu.memory_space<vmem>>
      %dma_start3A_91 = tpu.memref_squeeze %dma_start3A_90 : memref<1x256xi32, #tpu.memory_space<vmem>> -> memref<256xi32, #tpu.memory_space<vmem>>
      %dma_start3A_92 = arith.constant 0 : i32
      %dma_start3A_93 = arith.constant 0 : i32
      %dma_start3A_94 = tpu.memref_slice %arg4[%dma_start3A_92, %dma_start3A_93] : memref<10240x32xf32, #tpu.memory_space<hbm>> -> memref<10240x32xf32, #tpu.memory_space<hbm>>
      tpu.enqueue_indirect_dma source(%dma_start3A_94 : memref<10240x32xf32, #tpu.memory_space<hbm>>) target(%arg9 : memref<256x32xf32, #tpu.memory_space<vmem>>) offsets(%dma_start3A_91 : memref<256xi32, #tpu.memory_space<vmem>>) semaphore(%arg14 : memref<!tpu.dma_semaphore, #tpu.memory_space<semaphore_mem>>)
      %dma_start3A_95 = arith.constant 1 : i32
      %dma_start3A_96 = arith.constant 0 : i32
      %dma_start3A_97 = tpu.memref_slice %arg7[%dma_start3A_95, %dma_start3A_96] : memref<36x256xi32, #tpu.memory_space<vmem>> -> memref<1x256xi32, #tpu.memory_space<vmem>>
      %dma_start3A_98 = tpu.memref_squeeze %dma_start3A_97 : memref<1x256xi32, #tpu.memory_space<vmem>> -> memref<256xi32, #tpu.memory_space<vmem>>
      %dma_start3A_99 = arith.constant 0 : i32
      %dma_start3A_100 = arith.constant 0 : i32
      %dma_start3A_101 = tpu.memref_slice %arg4[%dma_start3A_99, %dma_start3A_100] : memref<10240x32xf32, #tpu.memory_space<hbm>> -> memref<10240x32xf32, #tpu.memory_space<hbm>>
      tpu.enqueue_indirect_dma source(%dma_start3A_101 : memref<10240x32xf32, #tpu.memory_space<hbm>>) target(%arg10 : memref<256x32xf32, #tpu.memory_space<vmem>>) offsets(%dma_start3A_98 : memref<256xi32, #tpu.memory_space<vmem>>) semaphore(%arg15 : memref<!tpu.dma_semaphore, #tpu.memory_space<semaphore_mem>>)
      %dma_start3A_102 = arith.constant 2 : i32
      %dma_start3A_103 = arith.constant 0 : i32
      %dma_start3A_104 = tpu.memref_slice %arg7[%dma_start3A_102, %dma_start3A_103] : memref<36x256xi32, #tpu.memory_space<vmem>> -> memref<1x256xi32, #tpu.memory_space<vmem>>
      %dma_start3A_105 = tpu.memref_squeeze %dma_start3A_104 : memref<1x256xi32, #tpu.memory_space<vmem>> -> memref<256xi32, #tpu.memory_space<vmem>>
      %dma_start3A_106 = arith.constant 0 : i32
      %dma_start3A_107 = arith.constant 0 : i32
      %dma_start3A_108 = tpu.memref_slice %arg4[%dma_start3A_106, %dma_start3A_107] : memref<10240x32xf32, #tpu.memory_space<hbm>> -> memref<10240x32xf32, #tpu.memory_space<hbm>>
      tpu.enqueue_indirect_dma source(%dma_start3A_108 : memref<10240x32xf32, #tpu.memory_space<hbm>>) target(%arg11 : memref<256x32xf32, #tpu.memory_space<vmem>>) offsets(%dma_start3A_105 : memref<256xi32, #tpu.memory_space<vmem>>) semaphore(%arg16 : memref<!tpu.dma_semaphore, #tpu.memory_space<semaphore_mem>>)
      %scan3A_109 = arith.constant 0 : i32
      %scan3A_110 = arith.constant 0 : i32
      %scan3A_111 = arith.constant 12 : i32
      %scan3A_112 = arith.addi %scan3A_110, %scan3A_111 : i32
      %scan3A_113 = arith.constant 1 : i32
      scf.for %scan3A_170 = %scan3A_110 to %scan3A_112 step %scan3A_113  : i32 {
        %mul3A_171 = arith.constant 3 : i32
        %mul3A_172 = arith.muli %mul3A_171, %scan3A_170 : i32
        %add3A_173 = arith.constant 0 : i32
        %add3A_174 = arith.addi %mul3A_172, %add3A_173 : i32
        %dma_wait3A = arith.constant 0 : i32
        %dma_wait3A_175 = tpu.memref_slice %arg7[%add3A_174, %dma_wait3A] : memref<36x256xi32, #tpu.memory_space<vmem>> -> memref<1x256xi32, #tpu.memory_space<vmem>>
        %dma_wait3A_176 = tpu.memref_squeeze %dma_wait3A_175 : memref<1x256xi32, #tpu.memory_space<vmem>> -> memref<256xi32, #tpu.memory_space<vmem>>
        %dma_wait3A_177 = arith.constant 0 : i32
        %dma_wait3A_178 = arith.constant 0 : i32
        %dma_wait3A_179 = tpu.memref_slice %arg4[%dma_wait3A_177, %dma_wait3A_178] : memref<10240x32xf32, #tpu.memory_space<hbm>> -> memref<10240x32xf32, #tpu.memory_space<hbm>>
        tpu.wait_indirect_dma semaphore(%arg14 : memref<!tpu.dma_semaphore, #tpu.memory_space<semaphore_mem>>) src(%dma_wait3A_179 : memref<10240x32xf32, #tpu.memory_space<hbm>>) dst(%arg9 : memref<256x32xf32, #tpu.memory_space<vmem>>)
        %add3A_180 = arith.constant 0 : i32
        %add3A_181 = arith.addi %mul3A_172, %add3A_180 : i32
        %dma_start3A_182 = arith.constant 0 : i32
        %dma_start3A_183 = tpu.memref_slice %arg8[%add3A_181, %dma_start3A_182] : memref<36x256xi32, #tpu.memory_space<vmem>> -> memref<1x256xi32, #tpu.memory_space<vmem>>
        %dma_start3A_184 = tpu.memref_squeeze %dma_start3A_183 : memref<1x256xi32, #tpu.memory_space<vmem>> -> memref<256xi32, #tpu.memory_space<vmem>>
        %dma_start3A_185 = arith.constant 0 : i32
        %dma_start3A_186 = arith.constant 0 : i32
        %dma_start3A_187 = tpu.memref_slice %arg13[%dma_start3A_185, %dma_start3A_186] : memref<10240x32xf32, #tpu.memory_space<vmem_shared>> -> memref<10240x32xf32, #tpu.memory_space<vmem_shared>>
        tpu.enqueue_indirect_dma source(%arg9 : memref<256x32xf32, #tpu.memory_space<vmem>>) target(%dma_start3A_187 : memref<10240x32xf32, #tpu.memory_space<vmem_shared>>) offsets(%dma_start3A_184 : memref<256xi32, #tpu.memory_space<vmem>>) semaphore(%arg17 : memref<!tpu.dma_semaphore, #tpu.memory_space<semaphore_mem>>) {add = true}
        %add3A_188 = arith.constant 1 : i32
        %add3A_189 = arith.addi %mul3A_172, %add3A_188 : i32
        %dma_wait3A_190 = arith.constant 0 : i32
        %dma_wait3A_191 = tpu.memref_slice %arg7[%add3A_189, %dma_wait3A_190] : memref<36x256xi32, #tpu.memory_space<vmem>> -> memref<1x256xi32, #tpu.memory_space<vmem>>
        %dma_wait3A_192 = tpu.memref_squeeze %dma_wait3A_191 : memref<1x256xi32, #tpu.memory_space<vmem>> -> memref<256xi32, #tpu.memory_space<vmem>>
        %dma_wait3A_193 = arith.constant 0 : i32
        %dma_wait3A_194 = arith.constant 0 : i32
        %dma_wait3A_195 = tpu.memref_slice %arg4[%dma_wait3A_193, %dma_wait3A_194] : memref<10240x32xf32, #tpu.memory_space<hbm>> -> memref<10240x32xf32, #tpu.memory_space<hbm>>
        tpu.wait_indirect_dma semaphore(%arg15 : memref<!tpu.dma_semaphore, #tpu.memory_space<semaphore_mem>>) src(%dma_wait3A_195 : memref<10240x32xf32, #tpu.memory_space<hbm>>) dst(%arg10 : memref<256x32xf32, #tpu.memory_space<vmem>>)
        %add3A_196 = arith.constant 1 : i32
        %add3A_197 = arith.addi %mul3A_172, %add3A_196 : i32
        %dma_start3A_198 = arith.constant 0 : i32
        %dma_start3A_199 = tpu.memref_slice %arg8[%add3A_197, %dma_start3A_198] : memref<36x256xi32, #tpu.memory_space<vmem>> -> memref<1x256xi32, #tpu.memory_space<vmem>>
        %dma_start3A_200 = tpu.memref_squeeze %dma_start3A_199 : memref<1x256xi32, #tpu.memory_space<vmem>> -> memref<256xi32, #tpu.memory_space<vmem>>
        %dma_start3A_201 = arith.constant 0 : i32
        %dma_start3A_202 = arith.constant 0 : i32
        %dma_start3A_203 = tpu.memref_slice %arg13[%dma_start3A_201, %dma_start3A_202] : memref<10240x32xf32, #tpu.memory_space<vmem_shared>> -> memref<10240x32xf32, #tpu.memory_space<vmem_shared>>
        tpu.enqueue_indirect_dma source(%arg10 : memref<256x32xf32, #tpu.memory_space<vmem>>) target(%dma_start3A_203 : memref<10240x32xf32, #tpu.memory_space<vmem_shared>>) offsets(%dma_start3A_200 : memref<256xi32, #tpu.memory_space<vmem>>) semaphore(%arg18 : memref<!tpu.dma_semaphore, #tpu.memory_space<semaphore_mem>>) {add = true}
        %add3A_204 = arith.constant 2 : i32
        %add3A_205 = arith.addi %mul3A_172, %add3A_204 : i32
        %dma_wait3A_206 = arith.constant 0 : i32
        %dma_wait3A_207 = tpu.memref_slice %arg7[%add3A_205, %dma_wait3A_206] : memref<36x256xi32, #tpu.memory_space<vmem>> -> memref<1x256xi32, #tpu.memory_space<vmem>>
        %dma_wait3A_208 = tpu.memref_squeeze %dma_wait3A_207 : memref<1x256xi32, #tpu.memory_space<vmem>> -> memref<256xi32, #tpu.memory_space<vmem>>
        %dma_wait3A_209 = arith.constant 0 : i32
        %dma_wait3A_210 = arith.constant 0 : i32
        %dma_wait3A_211 = tpu.memref_slice %arg4[%dma_wait3A_209, %dma_wait3A_210] : memref<10240x32xf32, #tpu.memory_space<hbm>> -> memref<10240x32xf32, #tpu.memory_space<hbm>>
        tpu.wait_indirect_dma semaphore(%arg16 : memref<!tpu.dma_semaphore, #tpu.memory_space<semaphore_mem>>) src(%dma_wait3A_211 : memref<10240x32xf32, #tpu.memory_space<hbm>>) dst(%arg11 : memref<256x32xf32, #tpu.memory_space<vmem>>)
        %add3A_212 = arith.constant 2 : i32
        %add3A_213 = arith.addi %mul3A_172, %add3A_212 : i32
        %dma_start3A_214 = arith.constant 0 : i32
        %dma_start3A_215 = tpu.memref_slice %arg8[%add3A_213, %dma_start3A_214] : memref<36x256xi32, #tpu.memory_space<vmem>> -> memref<1x256xi32, #tpu.memory_space<vmem>>
        %dma_start3A_216 = tpu.memref_squeeze %dma_start3A_215 : memref<1x256xi32, #tpu.memory_space<vmem>> -> memref<256xi32, #tpu.memory_space<vmem>>
        %dma_start3A_217 = arith.constant 0 : i32
        %dma_start3A_218 = arith.constant 0 : i32
        %dma_start3A_219 = tpu.memref_slice %arg13[%dma_start3A_217, %dma_start3A_218] : memref<10240x32xf32, #tpu.memory_space<vmem_shared>> -> memref<10240x32xf32, #tpu.memory_space<vmem_shared>>
        tpu.enqueue_indirect_dma source(%arg11 : memref<256x32xf32, #tpu.memory_space<vmem>>) target(%dma_start3A_219 : memref<10240x32xf32, #tpu.memory_space<vmem_shared>>) offsets(%dma_start3A_216 : memref<256xi32, #tpu.memory_space<vmem>>) semaphore(%arg19 : memref<!tpu.dma_semaphore, #tpu.memory_space<semaphore_mem>>) {add = true}
        %add3A_220 = arith.constant 0 : i32
        %add3A_221 = arith.addi %mul3A_172, %add3A_220 : i32
        %dma_wait3A_222 = arith.constant 0 : i32
        %dma_wait3A_223 = tpu.memref_slice %arg8[%add3A_221, %dma_wait3A_222] : memref<36x256xi32, #tpu.memory_space<vmem>> -> memref<1x256xi32, #tpu.memory_space<vmem>>
        %dma_wait3A_224 = tpu.memref_squeeze %dma_wait3A_223 : memref<1x256xi32, #tpu.memory_space<vmem>> -> memref<256xi32, #tpu.memory_space<vmem>>
        %dma_wait3A_225 = arith.constant 0 : i32
        %dma_wait3A_226 = arith.constant 0 : i32
        %dma_wait3A_227 = tpu.memref_slice %arg13[%dma_wait3A_225, %dma_wait3A_226] : memref<10240x32xf32, #tpu.memory_space<vmem_shared>> -> memref<10240x32xf32, #tpu.memory_space<vmem_shared>>
        tpu.wait_indirect_dma semaphore(%arg17 : memref<!tpu.dma_semaphore, #tpu.memory_space<semaphore_mem>>) src(%arg9 : memref<256x32xf32, #tpu.memory_space<vmem>>) dst(%dma_wait3A_227 : memref<10240x32xf32, #tpu.memory_space<vmem_shared>>)
        %lt3A = arith.constant 11 : i32
        %lt3A_228 = arith.cmpi slt, %scan3A_170, %lt3A : i32
        %convert_element_type3A_229 = arith.extui %lt3A_228 : i1 to i32
        %cond3A_230 = arith.constant 0 : i32
        %cond3A_231 = arith.cmpi ne, %convert_element_type3A_229, %cond3A_230 : i32
        scf.if %cond3A_231 {
          %add3A_258 = arith.constant 0 : i32
          %add3A_259 = arith.addi %mul3A_172, %add3A_258 : i32
          %add3A_260 = arith.constant 3 : i32
          %add3A_261 = arith.addi %add3A_259, %add3A_260 : i32
          %dma_start3A_262 = arith.constant 0 : i32
          %dma_start3A_263 = tpu.memref_slice %arg7[%add3A_261, %dma_start3A_262] : memref<36x256xi32, #tpu.memory_space<vmem>> -> memref<1x256xi32, #tpu.memory_space<vmem>>
          %dma_start3A_264 = tpu.memref_squeeze %dma_start3A_263 : memref<1x256xi32, #tpu.memory_space<vmem>> -> memref<256xi32, #tpu.memory_space<vmem>>
          %dma_start3A_265 = arith.constant 0 : i32
          %dma_start3A_266 = arith.constant 0 : i32
          %dma_start3A_267 = tpu.memref_slice %arg4[%dma_start3A_265, %dma_start3A_266] : memref<10240x32xf32, #tpu.memory_space<hbm>> -> memref<10240x32xf32, #tpu.memory_space<hbm>>
          tpu.enqueue_indirect_dma source(%dma_start3A_267 : memref<10240x32xf32, #tpu.memory_space<hbm>>) target(%arg9 : memref<256x32xf32, #tpu.memory_space<vmem>>) offsets(%dma_start3A_264 : memref<256xi32, #tpu.memory_space<vmem>>) semaphore(%arg14 : memref<!tpu.dma_semaphore, #tpu.memory_space<semaphore_mem>>)
        } else {
        }
        %add3A_232 = arith.constant 1 : i32
        %add3A_233 = arith.addi %mul3A_172, %add3A_232 : i32
        %dma_wait3A_234 = arith.constant 0 : i32
        %dma_wait3A_235 = tpu.memref_slice %arg8[%add3A_233, %dma_wait3A_234] : memref<36x256xi32, #tpu.memory_space<vmem>> -> memref<1x256xi32, #tpu.memory_space<vmem>>
        %dma_wait3A_236 = tpu.memref_squeeze %dma_wait3A_235 : memref<1x256xi32, #tpu.memory_space<vmem>> -> memref<256xi32, #tpu.memory_space<vmem>>
        %dma_wait3A_237 = arith.constant 0 : i32
        %dma_wait3A_238 = arith.constant 0 : i32
        %dma_wait3A_239 = tpu.memref_slice %arg13[%dma_wait3A_237, %dma_wait3A_238] : memref<10240x32xf32, #tpu.memory_space<vmem_shared>> -> memref<10240x32xf32, #tpu.memory_space<vmem_shared>>
        tpu.wait_indirect_dma semaphore(%arg18 : memref<!tpu.dma_semaphore, #tpu.memory_space<semaphore_mem>>) src(%arg10 : memref<256x32xf32, #tpu.memory_space<vmem>>) dst(%dma_wait3A_239 : memref<10240x32xf32, #tpu.memory_space<vmem_shared>>)
        %lt3A_240 = arith.constant 11 : i32
        %lt3A_241 = arith.cmpi slt, %scan3A_170, %lt3A_240 : i32
        %convert_element_type3A_242 = arith.extui %lt3A_241 : i1 to i32
        %cond3A_243 = arith.constant 0 : i32
        %cond3A_244 = arith.cmpi ne, %convert_element_type3A_242, %cond3A_243 : i32
        scf.if %cond3A_244 {
          %add3A_258 = arith.constant 1 : i32
          %add3A_259 = arith.addi %mul3A_172, %add3A_258 : i32
          %add3A_260 = arith.constant 3 : i32
          %add3A_261 = arith.addi %add3A_259, %add3A_260 : i32
          %dma_start3A_262 = arith.constant 0 : i32
          %dma_start3A_263 = tpu.memref_slice %arg7[%add3A_261, %dma_start3A_262] : memref<36x256xi32, #tpu.memory_space<vmem>> -> memref<1x256xi32, #tpu.memory_space<vmem>>
          %dma_start3A_264 = tpu.memref_squeeze %dma_start3A_263 : memref<1x256xi32, #tpu.memory_space<vmem>> -> memref<256xi32, #tpu.memory_space<vmem>>
          %dma_start3A_265 = arith.constant 0 : i32
          %dma_start3A_266 = arith.constant 0 : i32
          %dma_start3A_267 = tpu.memref_slice %arg4[%dma_start3A_265, %dma_start3A_266] : memref<10240x32xf32, #tpu.memory_space<hbm>> -> memref<10240x32xf32, #tpu.memory_space<hbm>>
          tpu.enqueue_indirect_dma source(%dma_start3A_267 : memref<10240x32xf32, #tpu.memory_space<hbm>>) target(%arg10 : memref<256x32xf32, #tpu.memory_space<vmem>>) offsets(%dma_start3A_264 : memref<256xi32, #tpu.memory_space<vmem>>) semaphore(%arg15 : memref<!tpu.dma_semaphore, #tpu.memory_space<semaphore_mem>>)
        } else {
        }
        %add3A_245 = arith.constant 2 : i32
        %add3A_246 = arith.addi %mul3A_172, %add3A_245 : i32
        %dma_wait3A_247 = arith.constant 0 : i32
        %dma_wait3A_248 = tpu.memref_slice %arg8[%add3A_246, %dma_wait3A_247] : memref<36x256xi32, #tpu.memory_space<vmem>> -> memref<1x256xi32, #tpu.memory_space<vmem>>
        %dma_wait3A_249 = tpu.memref_squeeze %dma_wait3A_248 : memref<1x256xi32, #tpu.memory_space<vmem>> -> memref<256xi32, #tpu.memory_space<vmem>>
        %dma_wait3A_250 = arith.constant 0 : i32
        %dma_wait3A_251 = arith.constant 0 : i32
        %dma_wait3A_252 = tpu.memref_slice %arg13[%dma_wait3A_250, %dma_wait3A_251] : memref<10240x32xf32, #tpu.memory_space<vmem_shared>> -> memref<10240x32xf32, #tpu.memory_space<vmem_shared>>
        tpu.wait_indirect_dma semaphore(%arg19 : memref<!tpu.dma_semaphore, #tpu.memory_space<semaphore_mem>>) src(%arg11 : memref<256x32xf32, #tpu.memory_space<vmem>>) dst(%dma_wait3A_252 : memref<10240x32xf32, #tpu.memory_space<vmem_shared>>)
        %lt3A_253 = arith.constant 11 : i32
        %lt3A_254 = arith.cmpi slt, %scan3A_170, %lt3A_253 : i32
        %convert_element_type3A_255 = arith.extui %lt3A_254 : i1 to i32
        %cond3A_256 = arith.constant 0 : i32
        %cond3A_257 = arith.cmpi ne, %convert_element_type3A_255, %cond3A_256 : i32
        scf.if %cond3A_257 {
          %add3A_258 = arith.constant 2 : i32
          %add3A_259 = arith.addi %mul3A_172, %add3A_258 : i32
          %add3A_260 = arith.constant 3 : i32
          %add3A_261 = arith.addi %add3A_259, %add3A_260 : i32
          %dma_start3A_262 = arith.constant 0 : i32
          %dma_start3A_263 = tpu.memref_slice %arg7[%add3A_261, %dma_start3A_262] : memref<36x256xi32, #tpu.memory_space<vmem>> -> memref<1x256xi32, #tpu.memory_space<vmem>>
          %dma_start3A_264 = tpu.memref_squeeze %dma_start3A_263 : memref<1x256xi32, #tpu.memory_space<vmem>> -> memref<256xi32, #tpu.memory_space<vmem>>
          %dma_start3A_265 = arith.constant 0 : i32
          %dma_start3A_266 = arith.constant 0 : i32
          %dma_start3A_267 = tpu.memref_slice %arg4[%dma_start3A_265, %dma_start3A_266] : memref<10240x32xf32, #tpu.memory_space<hbm>> -> memref<10240x32xf32, #tpu.memory_space<hbm>>
          tpu.enqueue_indirect_dma source(%dma_start3A_267 : memref<10240x32xf32, #tpu.memory_space<hbm>>) target(%arg11 : memref<256x32xf32, #tpu.memory_space<vmem>>) offsets(%dma_start3A_264 : memref<256xi32, #tpu.memory_space<vmem>>) semaphore(%arg16 : memref<!tpu.dma_semaphore, #tpu.memory_space<semaphore_mem>>)
        } else {
        }
      }
      %scan3A_114 = arith.constant 12 : i32
      %add3A_115 = arith.constant 36 : i32
      %add3A_116 = arith.addi %mul3A_84, %add3A_115 : i32
      "tpu.region"() ({
        %run_scoped3A = tpu.sem_alloc : memref<!tpu.dma_semaphore, #tpu.memory_space<semaphore_mem>>
        %dma_start3A_170 = arith.constant 0 : i32
        %dma_start3A_171 = arith.constant 0 : i32
        %dma_start3A_172 = tpu.memref_slice %arg7[%dma_start3A_170, %dma_start3A_171] : memref<36x256xi32, #tpu.memory_space<vmem>> -> memref<36x256xi32, #tpu.memory_space<vmem>>
        %dma_start3A_173 = arith.constant 0 : i32
        %dma_start3A_174 = tpu.memref_slice %arg2[%add3A_116, %dma_start3A_173] : memref<1280x256xi32, #tpu.memory_space<hbm>> -> memref<36x256xi32, #tpu.memory_space<hbm>>
        %dma_start3A_175 = arith.constant 0 : i32
        %dma_start3A_176 = arith.constant 0 : i32
        %dma_start3A_177 = tpu.memref_slice %arg7[%dma_start3A_175, %dma_start3A_176] : memref<36x256xi32, #tpu.memory_space<vmem>> -> memref<36x256xi32, #tpu.memory_space<vmem>>
        %dma_start3A_178 = arith.constant 0 : i32
        %dma_start3A_179 = tpu.memref_slice %arg2[%add3A_116, %dma_start3A_178] : memref<1280x256xi32, #tpu.memory_space<hbm>> -> memref<36x256xi32, #tpu.memory_space<hbm>>
        tpu.enqueue_dma source(%dma_start3A_179 : memref<36x256xi32, #tpu.memory_space<hbm>>) target(%dma_start3A_177 : memref<36x256xi32, #tpu.memory_space<vmem>>) target_semaphore(%run_scoped3A : memref<!tpu.dma_semaphore, #tpu.memory_space<semaphore_mem>>)
        %dma_wait3A = arith.constant 0 : i32
        %dma_wait3A_180 = arith.constant 0 : i32
        %dma_wait3A_181 = tpu.memref_slice %arg7[%dma_wait3A, %dma_wait3A_180] : memref<36x256xi32, #tpu.memory_space<vmem>> -> memref<36x256xi32, #tpu.memory_space<vmem>>
        %dma_wait3A_182 = arith.constant 0 : i32
        %dma_wait3A_183 = tpu.memref_slice %arg2[%add3A_116, %dma_wait3A_182] : memref<1280x256xi32, #tpu.memory_space<hbm>> -> memref<36x256xi32, #tpu.memory_space<hbm>>
        %dma_wait3A_184 = arith.constant 0 : i32
        %dma_wait3A_185 = arith.constant 0 : i32
        %dma_wait3A_186 = tpu.memref_slice %arg7[%dma_wait3A_184, %dma_wait3A_185] : memref<36x256xi32, #tpu.memory_space<vmem>> -> memref<36x256xi32, #tpu.memory_space<vmem>>
        %dma_wait3A_187 = arith.constant 0 : i32
        %dma_wait3A_188 = tpu.memref_slice %arg2[%add3A_116, %dma_wait3A_187] : memref<1280x256xi32, #tpu.memory_space<hbm>> -> memref<36x256xi32, #tpu.memory_space<hbm>>
        tpu.wait_dma2 semaphore(%run_scoped3A : memref<!tpu.dma_semaphore, #tpu.memory_space<semaphore_mem>>) src(%dma_wait3A_188 : memref<36x256xi32, #tpu.memory_space<hbm>>) dst(%dma_wait3A_186 : memref<36x256xi32, #tpu.memory_space<vmem>>)
        tpu.yield
      }) : () -> ()
      %add3A_117 = arith.constant 36 : i32
      %add3A_118 = arith.addi %mul3A_84, %add3A_117 : i32
      "tpu.region"() ({
        %run_scoped3A = tpu.sem_alloc : memref<!tpu.dma_semaphore, #tpu.memory_space<semaphore_mem>>
        %dma_start3A_170 = arith.constant 0 : i32
        %dma_start3A_171 = arith.constant 0 : i32
        %dma_start3A_172 = tpu.memref_slice %arg8[%dma_start3A_170, %dma_start3A_171] : memref<36x256xi32, #tpu.memory_space<vmem>> -> memref<36x256xi32, #tpu.memory_space<vmem>>
        %dma_start3A_173 = arith.constant 0 : i32
        %dma_start3A_174 = tpu.memref_slice %arg3[%add3A_118, %dma_start3A_173] : memref<1280x256xi32, #tpu.memory_space<hbm>> -> memref<36x256xi32, #tpu.memory_space<hbm>>
        %dma_start3A_175 = arith.constant 0 : i32
        %dma_start3A_176 = arith.constant 0 : i32
        %dma_start3A_177 = tpu.memref_slice %arg8[%dma_start3A_175, %dma_start3A_176] : memref<36x256xi32, #tpu.memory_space<vmem>> -> memref<36x256xi32, #tpu.memory_space<vmem>>
        %dma_start3A_178 = arith.constant 0 : i32
        %dma_start3A_179 = tpu.memref_slice %arg3[%add3A_118, %dma_start3A_178] : memref<1280x256xi32, #tpu.memory_space<hbm>> -> memref<36x256xi32, #tpu.memory_space<hbm>>
        tpu.enqueue_dma source(%dma_start3A_179 : memref<36x256xi32, #tpu.memory_space<hbm>>) target(%dma_start3A_177 : memref<36x256xi32, #tpu.memory_space<vmem>>) target_semaphore(%run_scoped3A : memref<!tpu.dma_semaphore, #tpu.memory_space<semaphore_mem>>)
        %dma_wait3A = arith.constant 0 : i32
        %dma_wait3A_180 = arith.constant 0 : i32
        %dma_wait3A_181 = tpu.memref_slice %arg8[%dma_wait3A, %dma_wait3A_180] : memref<36x256xi32, #tpu.memory_space<vmem>> -> memref<36x256xi32, #tpu.memory_space<vmem>>
        %dma_wait3A_182 = arith.constant 0 : i32
        %dma_wait3A_183 = tpu.memref_slice %arg3[%add3A_118, %dma_wait3A_182] : memref<1280x256xi32, #tpu.memory_space<hbm>> -> memref<36x256xi32, #tpu.memory_space<hbm>>
        %dma_wait3A_184 = arith.constant 0 : i32
        %dma_wait3A_185 = arith.constant 0 : i32
        %dma_wait3A_186 = tpu.memref_slice %arg8[%dma_wait3A_184, %dma_wait3A_185] : memref<36x256xi32, #tpu.memory_space<vmem>> -> memref<36x256xi32, #tpu.memory_space<vmem>>
        %dma_wait3A_187 = arith.constant 0 : i32
        %dma_wait3A_188 = tpu.memref_slice %arg3[%add3A_118, %dma_wait3A_187] : memref<1280x256xi32, #tpu.memory_space<hbm>> -> memref<36x256xi32, #tpu.memory_space<hbm>>
        tpu.wait_dma2 semaphore(%run_scoped3A : memref<!tpu.dma_semaphore, #tpu.memory_space<semaphore_mem>>) src(%dma_wait3A_188 : memref<36x256xi32, #tpu.memory_space<hbm>>) dst(%dma_wait3A_186 : memref<36x256xi32, #tpu.memory_space<vmem>>)
        tpu.yield
      }) : () -> ()
      %dma_start3A_119 = arith.constant 0 : i32
      %dma_start3A_120 = arith.constant 0 : i32
      %dma_start3A_121 = tpu.memref_slice %arg7[%dma_start3A_119, %dma_start3A_120] : memref<36x256xi32, #tpu.memory_space<vmem>> -> memref<1x256xi32, #tpu.memory_space<vmem>>
      %dma_start3A_122 = tpu.memref_squeeze %dma_start3A_121 : memref<1x256xi32, #tpu.memory_space<vmem>> -> memref<256xi32, #tpu.memory_space<vmem>>
      %dma_start3A_123 = arith.constant 0 : i32
      %dma_start3A_124 = arith.constant 0 : i32
      %dma_start3A_125 = tpu.memref_slice %arg4[%dma_start3A_123, %dma_start3A_124] : memref<10240x32xf32, #tpu.memory_space<hbm>> -> memref<10240x32xf32, #tpu.memory_space<hbm>>
      tpu.enqueue_indirect_dma source(%dma_start3A_125 : memref<10240x32xf32, #tpu.memory_space<hbm>>) target(%arg9 : memref<256x32xf32, #tpu.memory_space<vmem>>) offsets(%dma_start3A_122 : memref<256xi32, #tpu.memory_space<vmem>>) semaphore(%arg14 : memref<!tpu.dma_semaphore, #tpu.memory_space<semaphore_mem>>)
      %dma_start3A_126 = arith.constant 1 : i32
      %dma_start3A_127 = arith.constant 0 : i32
      %dma_start3A_128 = tpu.memref_slice %arg7[%dma_start3A_126, %dma_start3A_127] : memref<36x256xi32, #tpu.memory_space<vmem>> -> memref<1x256xi32, #tpu.memory_space<vmem>>
      %dma_start3A_129 = tpu.memref_squeeze %dma_start3A_128 : memref<1x256xi32, #tpu.memory_space<vmem>> -> memref<256xi32, #tpu.memory_space<vmem>>
      %dma_start3A_130 = arith.constant 0 : i32
      %dma_start3A_131 = arith.constant 0 : i32
      %dma_start3A_132 = tpu.memref_slice %arg4[%dma_start3A_130, %dma_start3A_131] : memref<10240x32xf32, #tpu.memory_space<hbm>> -> memref<10240x32xf32, #tpu.memory_space<hbm>>
      tpu.enqueue_indirect_dma source(%dma_start3A_132 : memref<10240x32xf32, #tpu.memory_space<hbm>>) target(%arg10 : memref<256x32xf32, #tpu.memory_space<vmem>>) offsets(%dma_start3A_129 : memref<256xi32, #tpu.memory_space<vmem>>) semaphore(%arg15 : memref<!tpu.dma_semaphore, #tpu.memory_space<semaphore_mem>>)
      %dma_start3A_133 = arith.constant 2 : i32
      %dma_start3A_134 = arith.constant 0 : i32
      %dma_start3A_135 = tpu.memref_slice %arg7[%dma_start3A_133, %dma_start3A_134] : memref<36x256xi32, #tpu.memory_space<vmem>> -> memref<1x256xi32, #tpu.memory_space<vmem>>
      %dma_start3A_136 = tpu.memref_squeeze %dma_start3A_135 : memref<1x256xi32, #tpu.memory_space<vmem>> -> memref<256xi32, #tpu.memory_space<vmem>>
      %dma_start3A_137 = arith.constant 0 : i32
      %dma_start3A_138 = arith.constant 0 : i32
      %dma_start3A_139 = tpu.memref_slice %arg4[%dma_start3A_137, %dma_start3A_138] : memref<10240x32xf32, #tpu.memory_space<hbm>> -> memref<10240x32xf32, #tpu.memory_space<hbm>>
      tpu.enqueue_indirect_dma source(%dma_start3A_139 : memref<10240x32xf32, #tpu.memory_space<hbm>>) target(%arg11 : memref<256x32xf32, #tpu.memory_space<vmem>>) offsets(%dma_start3A_136 : memref<256xi32, #tpu.memory_space<vmem>>) semaphore(%arg16 : memref<!tpu.dma_semaphore, #tpu.memory_space<semaphore_mem>>)
      %scan3A_140 = arith.constant 0 : i32
      %scan3A_141 = arith.constant 0 : i32
      %scan3A_142 = arith.constant 12 : i32
      %scan3A_143 = arith.addi %scan3A_141, %scan3A_142 : i32
      %scan3A_144 = arith.constant 1 : i32
      scf.for %scan3A_170 = %scan3A_141 to %scan3A_143 step %scan3A_144  : i32 {
        %mul3A_171 = arith.constant 3 : i32
        %mul3A_172 = arith.muli %mul3A_171, %scan3A_170 : i32
        %add3A_173 = arith.constant 0 : i32
        %add3A_174 = arith.addi %mul3A_172, %add3A_173 : i32
        %dma_wait3A = arith.constant 0 : i32
        %dma_wait3A_175 = tpu.memref_slice %arg7[%add3A_174, %dma_wait3A] : memref<36x256xi32, #tpu.memory_space<vmem>> -> memref<1x256xi32, #tpu.memory_space<vmem>>
        %dma_wait3A_176 = tpu.memref_squeeze %dma_wait3A_175 : memref<1x256xi32, #tpu.memory_space<vmem>> -> memref<256xi32, #tpu.memory_space<vmem>>
        %dma_wait3A_177 = arith.constant 0 : i32
        %dma_wait3A_178 = arith.constant 0 : i32
        %dma_wait3A_179 = tpu.memref_slice %arg4[%dma_wait3A_177, %dma_wait3A_178] : memref<10240x32xf32, #tpu.memory_space<hbm>> -> memref<10240x32xf32, #tpu.memory_space<hbm>>
        tpu.wait_indirect_dma semaphore(%arg14 : memref<!tpu.dma_semaphore, #tpu.memory_space<semaphore_mem>>) src(%dma_wait3A_179 : memref<10240x32xf32, #tpu.memory_space<hbm>>) dst(%arg9 : memref<256x32xf32, #tpu.memory_space<vmem>>)
        %add3A_180 = arith.constant 0 : i32
        %add3A_181 = arith.addi %mul3A_172, %add3A_180 : i32
        %dma_start3A_182 = arith.constant 0 : i32
        %dma_start3A_183 = tpu.memref_slice %arg8[%add3A_181, %dma_start3A_182] : memref<36x256xi32, #tpu.memory_space<vmem>> -> memref<1x256xi32, #tpu.memory_space<vmem>>
        %dma_start3A_184 = tpu.memref_squeeze %dma_start3A_183 : memref<1x256xi32, #tpu.memory_space<vmem>> -> memref<256xi32, #tpu.memory_space<vmem>>
        %dma_start3A_185 = arith.constant 0 : i32
        %dma_start3A_186 = arith.constant 0 : i32
        %dma_start3A_187 = tpu.memref_slice %arg13[%dma_start3A_185, %dma_start3A_186] : memref<10240x32xf32, #tpu.memory_space<vmem_shared>> -> memref<10240x32xf32, #tpu.memory_space<vmem_shared>>
        tpu.enqueue_indirect_dma source(%arg9 : memref<256x32xf32, #tpu.memory_space<vmem>>) target(%dma_start3A_187 : memref<10240x32xf32, #tpu.memory_space<vmem_shared>>) offsets(%dma_start3A_184 : memref<256xi32, #tpu.memory_space<vmem>>) semaphore(%arg17 : memref<!tpu.dma_semaphore, #tpu.memory_space<semaphore_mem>>) {add = true}
        %add3A_188 = arith.constant 1 : i32
        %add3A_189 = arith.addi %mul3A_172, %add3A_188 : i32
        %dma_wait3A_190 = arith.constant 0 : i32
        %dma_wait3A_191 = tpu.memref_slice %arg7[%add3A_189, %dma_wait3A_190] : memref<36x256xi32, #tpu.memory_space<vmem>> -> memref<1x256xi32, #tpu.memory_space<vmem>>
        %dma_wait3A_192 = tpu.memref_squeeze %dma_wait3A_191 : memref<1x256xi32, #tpu.memory_space<vmem>> -> memref<256xi32, #tpu.memory_space<vmem>>
        %dma_wait3A_193 = arith.constant 0 : i32
        %dma_wait3A_194 = arith.constant 0 : i32
        %dma_wait3A_195 = tpu.memref_slice %arg4[%dma_wait3A_193, %dma_wait3A_194] : memref<10240x32xf32, #tpu.memory_space<hbm>> -> memref<10240x32xf32, #tpu.memory_space<hbm>>
        tpu.wait_indirect_dma semaphore(%arg15 : memref<!tpu.dma_semaphore, #tpu.memory_space<semaphore_mem>>) src(%dma_wait3A_195 : memref<10240x32xf32, #tpu.memory_space<hbm>>) dst(%arg10 : memref<256x32xf32, #tpu.memory_space<vmem>>)
        %add3A_196 = arith.constant 1 : i32
        %add3A_197 = arith.addi %mul3A_172, %add3A_196 : i32
        %dma_start3A_198 = arith.constant 0 : i32
        %dma_start3A_199 = tpu.memref_slice %arg8[%add3A_197, %dma_start3A_198] : memref<36x256xi32, #tpu.memory_space<vmem>> -> memref<1x256xi32, #tpu.memory_space<vmem>>
        %dma_start3A_200 = tpu.memref_squeeze %dma_start3A_199 : memref<1x256xi32, #tpu.memory_space<vmem>> -> memref<256xi32, #tpu.memory_space<vmem>>
        %dma_start3A_201 = arith.constant 0 : i32
        %dma_start3A_202 = arith.constant 0 : i32
        %dma_start3A_203 = tpu.memref_slice %arg13[%dma_start3A_201, %dma_start3A_202] : memref<10240x32xf32, #tpu.memory_space<vmem_shared>> -> memref<10240x32xf32, #tpu.memory_space<vmem_shared>>
        tpu.enqueue_indirect_dma source(%arg10 : memref<256x32xf32, #tpu.memory_space<vmem>>) target(%dma_start3A_203 : memref<10240x32xf32, #tpu.memory_space<vmem_shared>>) offsets(%dma_start3A_200 : memref<256xi32, #tpu.memory_space<vmem>>) semaphore(%arg18 : memref<!tpu.dma_semaphore, #tpu.memory_space<semaphore_mem>>) {add = true}
        %add3A_204 = arith.constant 2 : i32
        %add3A_205 = arith.addi %mul3A_172, %add3A_204 : i32
        %dma_wait3A_206 = arith.constant 0 : i32
        %dma_wait3A_207 = tpu.memref_slice %arg7[%add3A_205, %dma_wait3A_206] : memref<36x256xi32, #tpu.memory_space<vmem>> -> memref<1x256xi32, #tpu.memory_space<vmem>>
        %dma_wait3A_208 = tpu.memref_squeeze %dma_wait3A_207 : memref<1x256xi32, #tpu.memory_space<vmem>> -> memref<256xi32, #tpu.memory_space<vmem>>
        %dma_wait3A_209 = arith.constant 0 : i32
        %dma_wait3A_210 = arith.constant 0 : i32
        %dma_wait3A_211 = tpu.memref_slice %arg4[%dma_wait3A_209, %dma_wait3A_210] : memref<10240x32xf32, #tpu.memory_space<hbm>> -> memref<10240x32xf32, #tpu.memory_space<hbm>>
        tpu.wait_indirect_dma semaphore(%arg16 : memref<!tpu.dma_semaphore, #tpu.memory_space<semaphore_mem>>) src(%dma_wait3A_211 : memref<10240x32xf32, #tpu.memory_space<hbm>>) dst(%arg11 : memref<256x32xf32, #tpu.memory_space<vmem>>)
        %add3A_212 = arith.constant 2 : i32
        %add3A_213 = arith.addi %mul3A_172, %add3A_212 : i32
        %dma_start3A_214 = arith.constant 0 : i32
        %dma_start3A_215 = tpu.memref_slice %arg8[%add3A_213, %dma_start3A_214] : memref<36x256xi32, #tpu.memory_space<vmem>> -> memref<1x256xi32, #tpu.memory_space<vmem>>
        %dma_start3A_216 = tpu.memref_squeeze %dma_start3A_215 : memref<1x256xi32, #tpu.memory_space<vmem>> -> memref<256xi32, #tpu.memory_space<vmem>>
        %dma_start3A_217 = arith.constant 0 : i32
        %dma_start3A_218 = arith.constant 0 : i32
        %dma_start3A_219 = tpu.memref_slice %arg13[%dma_start3A_217, %dma_start3A_218] : memref<10240x32xf32, #tpu.memory_space<vmem_shared>> -> memref<10240x32xf32, #tpu.memory_space<vmem_shared>>
        tpu.enqueue_indirect_dma source(%arg11 : memref<256x32xf32, #tpu.memory_space<vmem>>) target(%dma_start3A_219 : memref<10240x32xf32, #tpu.memory_space<vmem_shared>>) offsets(%dma_start3A_216 : memref<256xi32, #tpu.memory_space<vmem>>) semaphore(%arg19 : memref<!tpu.dma_semaphore, #tpu.memory_space<semaphore_mem>>) {add = true}
        %add3A_220 = arith.constant 0 : i32
        %add3A_221 = arith.addi %mul3A_172, %add3A_220 : i32
        %dma_wait3A_222 = arith.constant 0 : i32
        %dma_wait3A_223 = tpu.memref_slice %arg8[%add3A_221, %dma_wait3A_222] : memref<36x256xi32, #tpu.memory_space<vmem>> -> memref<1x256xi32, #tpu.memory_space<vmem>>
        %dma_wait3A_224 = tpu.memref_squeeze %dma_wait3A_223 : memref<1x256xi32, #tpu.memory_space<vmem>> -> memref<256xi32, #tpu.memory_space<vmem>>
        %dma_wait3A_225 = arith.constant 0 : i32
        %dma_wait3A_226 = arith.constant 0 : i32
        %dma_wait3A_227 = tpu.memref_slice %arg13[%dma_wait3A_225, %dma_wait3A_226] : memref<10240x32xf32, #tpu.memory_space<vmem_shared>> -> memref<10240x32xf32, #tpu.memory_space<vmem_shared>>
        tpu.wait_indirect_dma semaphore(%arg17 : memref<!tpu.dma_semaphore, #tpu.memory_space<semaphore_mem>>) src(%arg9 : memref<256x32xf32, #tpu.memory_space<vmem>>) dst(%dma_wait3A_227 : memref<10240x32xf32, #tpu.memory_space<vmem_shared>>)
        %lt3A = arith.constant 11 : i32
        %lt3A_228 = arith.cmpi slt, %scan3A_170, %lt3A : i32
        %convert_element_type3A_229 = arith.extui %lt3A_228 : i1 to i32
        %cond3A_230 = arith.constant 0 : i32
        %cond3A_231 = arith.cmpi ne, %convert_element_type3A_229, %cond3A_230 : i32
        scf.if %cond3A_231 {
          %add3A_258 = arith.constant 0 : i32
          %add3A_259 = arith.addi %mul3A_172, %add3A_258 : i32
          %add3A_260 = arith.constant 3 : i32
          %add3A_261 = arith.addi %add3A_259, %add3A_260 : i32
          %dma_start3A_262 = arith.constant 0 : i32
          %dma_start3A_263 = tpu.memref_slice %arg7[%add3A_261, %dma_start3A_262] : memref<36x256xi32, #tpu.memory_space<vmem>> -> memref<1x256xi32, #tpu.memory_space<vmem>>
          %dma_start3A_264 = tpu.memref_squeeze %dma_start3A_263 : memref<1x256xi32, #tpu.memory_space<vmem>> -> memref<256xi32, #tpu.memory_space<vmem>>
          %dma_start3A_265 = arith.constant 0 : i32
          %dma_start3A_266 = arith.constant 0 : i32
          %dma_start3A_267 = tpu.memref_slice %arg4[%dma_start3A_265, %dma_start3A_266] : memref<10240x32xf32, #tpu.memory_space<hbm>> -> memref<10240x32xf32, #tpu.memory_space<hbm>>
          tpu.enqueue_indirect_dma source(%dma_start3A_267 : memref<10240x32xf32, #tpu.memory_space<hbm>>) target(%arg9 : memref<256x32xf32, #tpu.memory_space<vmem>>) offsets(%dma_start3A_264 : memref<256xi32, #tpu.memory_space<vmem>>) semaphore(%arg14 : memref<!tpu.dma_semaphore, #tpu.memory_space<semaphore_mem>>)
        } else {
        }
        %add3A_232 = arith.constant 1 : i32
        %add3A_233 = arith.addi %mul3A_172, %add3A_232 : i32
        %dma_wait3A_234 = arith.constant 0 : i32
        %dma_wait3A_235 = tpu.memref_slice %arg8[%add3A_233, %dma_wait3A_234] : memref<36x256xi32, #tpu.memory_space<vmem>> -> memref<1x256xi32, #tpu.memory_space<vmem>>
        %dma_wait3A_236 = tpu.memref_squeeze %dma_wait3A_235 : memref<1x256xi32, #tpu.memory_space<vmem>> -> memref<256xi32, #tpu.memory_space<vmem>>
        %dma_wait3A_237 = arith.constant 0 : i32
        %dma_wait3A_238 = arith.constant 0 : i32
        %dma_wait3A_239 = tpu.memref_slice %arg13[%dma_wait3A_237, %dma_wait3A_238] : memref<10240x32xf32, #tpu.memory_space<vmem_shared>> -> memref<10240x32xf32, #tpu.memory_space<vmem_shared>>
        tpu.wait_indirect_dma semaphore(%arg18 : memref<!tpu.dma_semaphore, #tpu.memory_space<semaphore_mem>>) src(%arg10 : memref<256x32xf32, #tpu.memory_space<vmem>>) dst(%dma_wait3A_239 : memref<10240x32xf32, #tpu.memory_space<vmem_shared>>)
        %lt3A_240 = arith.constant 11 : i32
        %lt3A_241 = arith.cmpi slt, %scan3A_170, %lt3A_240 : i32
        %convert_element_type3A_242 = arith.extui %lt3A_241 : i1 to i32
        %cond3A_243 = arith.constant 0 : i32
        %cond3A_244 = arith.cmpi ne, %convert_element_type3A_242, %cond3A_243 : i32
        scf.if %cond3A_244 {
          %add3A_258 = arith.constant 1 : i32
          %add3A_259 = arith.addi %mul3A_172, %add3A_258 : i32
          %add3A_260 = arith.constant 3 : i32
          %add3A_261 = arith.addi %add3A_259, %add3A_260 : i32
          %dma_start3A_262 = arith.constant 0 : i32
          %dma_start3A_263 = tpu.memref_slice %arg7[%add3A_261, %dma_start3A_262] : memref<36x256xi32, #tpu.memory_space<vmem>> -> memref<1x256xi32, #tpu.memory_space<vmem>>
          %dma_start3A_264 = tpu.memref_squeeze %dma_start3A_263 : memref<1x256xi32, #tpu.memory_space<vmem>> -> memref<256xi32, #tpu.memory_space<vmem>>
          %dma_start3A_265 = arith.constant 0 : i32
          %dma_start3A_266 = arith.constant 0 : i32
          %dma_start3A_267 = tpu.memref_slice %arg4[%dma_start3A_265, %dma_start3A_266] : memref<10240x32xf32, #tpu.memory_space<hbm>> -> memref<10240x32xf32, #tpu.memory_space<hbm>>
          tpu.enqueue_indirect_dma source(%dma_start3A_267 : memref<10240x32xf32, #tpu.memory_space<hbm>>) target(%arg10 : memref<256x32xf32, #tpu.memory_space<vmem>>) offsets(%dma_start3A_264 : memref<256xi32, #tpu.memory_space<vmem>>) semaphore(%arg15 : memref<!tpu.dma_semaphore, #tpu.memory_space<semaphore_mem>>)
        } else {
        }
        %add3A_245 = arith.constant 2 : i32
        %add3A_246 = arith.addi %mul3A_172, %add3A_245 : i32
        %dma_wait3A_247 = arith.constant 0 : i32
        %dma_wait3A_248 = tpu.memref_slice %arg8[%add3A_246, %dma_wait3A_247] : memref<36x256xi32, #tpu.memory_space<vmem>> -> memref<1x256xi32, #tpu.memory_space<vmem>>
        %dma_wait3A_249 = tpu.memref_squeeze %dma_wait3A_248 : memref<1x256xi32, #tpu.memory_space<vmem>> -> memref<256xi32, #tpu.memory_space<vmem>>
        %dma_wait3A_250 = arith.constant 0 : i32
        %dma_wait3A_251 = arith.constant 0 : i32
        %dma_wait3A_252 = tpu.memref_slice %arg13[%dma_wait3A_250, %dma_wait3A_251] : memref<10240x32xf32, #tpu.memory_space<vmem_shared>> -> memref<10240x32xf32, #tpu.memory_space<vmem_shared>>
        tpu.wait_indirect_dma semaphore(%arg19 : memref<!tpu.dma_semaphore, #tpu.memory_space<semaphore_mem>>) src(%arg11 : memref<256x32xf32, #tpu.memory_space<vmem>>) dst(%dma_wait3A_252 : memref<10240x32xf32, #tpu.memory_space<vmem_shared>>)
        %lt3A_253 = arith.constant 11 : i32
        %lt3A_254 = arith.cmpi slt, %scan3A_170, %lt3A_253 : i32
        %convert_element_type3A_255 = arith.extui %lt3A_254 : i1 to i32
        %cond3A_256 = arith.constant 0 : i32
        %cond3A_257 = arith.cmpi ne, %convert_element_type3A_255, %cond3A_256 : i32
        scf.if %cond3A_257 {
          %add3A_258 = arith.constant 2 : i32
          %add3A_259 = arith.addi %mul3A_172, %add3A_258 : i32
          %add3A_260 = arith.constant 3 : i32
          %add3A_261 = arith.addi %add3A_259, %add3A_260 : i32
          %dma_start3A_262 = arith.constant 0 : i32
          %dma_start3A_263 = tpu.memref_slice %arg7[%add3A_261, %dma_start3A_262] : memref<36x256xi32, #tpu.memory_space<vmem>> -> memref<1x256xi32, #tpu.memory_space<vmem>>
          %dma_start3A_264 = tpu.memref_squeeze %dma_start3A_263 : memref<1x256xi32, #tpu.memory_space<vmem>> -> memref<256xi32, #tpu.memory_space<vmem>>
          %dma_start3A_265 = arith.constant 0 : i32
          %dma_start3A_266 = arith.constant 0 : i32
          %dma_start3A_267 = tpu.memref_slice %arg4[%dma_start3A_265, %dma_start3A_266] : memref<10240x32xf32, #tpu.memory_space<hbm>> -> memref<10240x32xf32, #tpu.memory_space<hbm>>
          tpu.enqueue_indirect_dma source(%dma_start3A_267 : memref<10240x32xf32, #tpu.memory_space<hbm>>) target(%arg11 : memref<256x32xf32, #tpu.memory_space<vmem>>) offsets(%dma_start3A_264 : memref<256xi32, #tpu.memory_space<vmem>>) semaphore(%arg16 : memref<!tpu.dma_semaphore, #tpu.memory_space<semaphore_mem>>)
        } else {
        }
      }
      %scan3A_145 = arith.constant 12 : i32
      %add3A_146 = arith.constant 72 : i32
      %add3A_147 = arith.addi %mul3A_84, %add3A_146 : i32
      "tpu.region"() ({
        %run_scoped3A = tpu.sem_alloc : memref<!tpu.dma_semaphore, #tpu.memory_space<semaphore_mem>>
        %dma_start3A_170 = arith.constant 0 : i32
        %dma_start3A_171 = arith.constant 0 : i32
        %dma_start3A_172 = tpu.memref_slice %arg7[%dma_start3A_170, %dma_start3A_171] : memref<36x256xi32, #tpu.memory_space<vmem>> -> memref<4x256xi32, #tpu.memory_space<vmem>>
        %dma_start3A_173 = arith.constant 0 : i32
        %dma_start3A_174 = tpu.memref_slice %arg2[%add3A_147, %dma_start3A_173] : memref<1280x256xi32, #tpu.memory_space<hbm>> -> memref<4x256xi32, #tpu.memory_space<hbm>>
        %dma_start3A_175 = arith.constant 0 : i32
        %dma_start3A_176 = arith.constant 0 : i32
        %dma_start3A_177 = tpu.memref_slice %arg7[%dma_start3A_175, %dma_start3A_176] : memref<36x256xi32, #tpu.memory_space<vmem>> -> memref<4x256xi32, #tpu.memory_space<vmem>>
        %dma_start3A_178 = arith.constant 0 : i32
        %dma_start3A_179 = tpu.memref_slice %arg2[%add3A_147, %dma_start3A_178] : memref<1280x256xi32, #tpu.memory_space<hbm>> -> memref<4x256xi32, #tpu.memory_space<hbm>>
        tpu.enqueue_dma source(%dma_start3A_179 : memref<4x256xi32, #tpu.memory_space<hbm>>) target(%dma_start3A_177 : memref<4x256xi32, #tpu.memory_space<vmem>>) target_semaphore(%run_scoped3A : memref<!tpu.dma_semaphore, #tpu.memory_space<semaphore_mem>>)
        %dma_wait3A = arith.constant 0 : i32
        %dma_wait3A_180 = arith.constant 0 : i32
        %dma_wait3A_181 = tpu.memref_slice %arg7[%dma_wait3A, %dma_wait3A_180] : memref<36x256xi32, #tpu.memory_space<vmem>> -> memref<4x256xi32, #tpu.memory_space<vmem>>
        %dma_wait3A_182 = arith.constant 0 : i32
        %dma_wait3A_183 = tpu.memref_slice %arg2[%add3A_147, %dma_wait3A_182] : memref<1280x256xi32, #tpu.memory_space<hbm>> -> memref<4x256xi32, #tpu.memory_space<hbm>>
        %dma_wait3A_184 = arith.constant 0 : i32
        %dma_wait3A_185 = arith.constant 0 : i32
        %dma_wait3A_186 = tpu.memref_slice %arg7[%dma_wait3A_184, %dma_wait3A_185] : memref<36x256xi32, #tpu.memory_space<vmem>> -> memref<4x256xi32, #tpu.memory_space<vmem>>
        %dma_wait3A_187 = arith.constant 0 : i32
        %dma_wait3A_188 = tpu.memref_slice %arg2[%add3A_147, %dma_wait3A_187] : memref<1280x256xi32, #tpu.memory_space<hbm>> -> memref<4x256xi32, #tpu.memory_space<hbm>>
        tpu.wait_dma2 semaphore(%run_scoped3A : memref<!tpu.dma_semaphore, #tpu.memory_space<semaphore_mem>>) src(%dma_wait3A_188 : memref<4x256xi32, #tpu.memory_space<hbm>>) dst(%dma_wait3A_186 : memref<4x256xi32, #tpu.memory_space<vmem>>)
        tpu.yield
      }) : () -> ()
      %add3A_148 = arith.constant 72 : i32
      %add3A_149 = arith.addi %mul3A_84, %add3A_148 : i32
      "tpu.region"() ({
        %run_scoped3A = tpu.sem_alloc : memref<!tpu.dma_semaphore, #tpu.memory_space<semaphore_mem>>
        %dma_start3A_170 = arith.constant 0 : i32
        %dma_start3A_171 = arith.constant 0 : i32
        %dma_start3A_172 = tpu.memref_slice %arg8[%dma_start3A_170, %dma_start3A_171] : memref<36x256xi32, #tpu.memory_space<vmem>> -> memref<4x256xi32, #tpu.memory_space<vmem>>
        %dma_start3A_173 = arith.constant 0 : i32
        %dma_start3A_174 = tpu.memref_slice %arg3[%add3A_149, %dma_start3A_173] : memref<1280x256xi32, #tpu.memory_space<hbm>> -> memref<4x256xi32, #tpu.memory_space<hbm>>
        %dma_start3A_175 = arith.constant 0 : i32
        %dma_start3A_176 = arith.constant 0 : i32
        %dma_start3A_177 = tpu.memref_slice %arg8[%dma_start3A_175, %dma_start3A_176] : memref<36x256xi32, #tpu.memory_space<vmem>> -> memref<4x256xi32, #tpu.memory_space<vmem>>
        %dma_start3A_178 = arith.constant 0 : i32
        %dma_start3A_179 = tpu.memref_slice %arg3[%add3A_149, %dma_start3A_178] : memref<1280x256xi32, #tpu.memory_space<hbm>> -> memref<4x256xi32, #tpu.memory_space<hbm>>
        tpu.enqueue_dma source(%dma_start3A_179 : memref<4x256xi32, #tpu.memory_space<hbm>>) target(%dma_start3A_177 : memref<4x256xi32, #tpu.memory_space<vmem>>) target_semaphore(%run_scoped3A : memref<!tpu.dma_semaphore, #tpu.memory_space<semaphore_mem>>)
        %dma_wait3A = arith.constant 0 : i32
        %dma_wait3A_180 = arith.constant 0 : i32
        %dma_wait3A_181 = tpu.memref_slice %arg8[%dma_wait3A, %dma_wait3A_180] : memref<36x256xi32, #tpu.memory_space<vmem>> -> memref<4x256xi32, #tpu.memory_space<vmem>>
        %dma_wait3A_182 = arith.constant 0 : i32
        %dma_wait3A_183 = tpu.memref_slice %arg3[%add3A_149, %dma_wait3A_182] : memref<1280x256xi32, #tpu.memory_space<hbm>> -> memref<4x256xi32, #tpu.memory_space<hbm>>
        %dma_wait3A_184 = arith.constant 0 : i32
        %dma_wait3A_185 = arith.constant 0 : i32
        %dma_wait3A_186 = tpu.memref_slice %arg8[%dma_wait3A_184, %dma_wait3A_185] : memref<36x256xi32, #tpu.memory_space<vmem>> -> memref<4x256xi32, #tpu.memory_space<vmem>>
        %dma_wait3A_187 = arith.constant 0 : i32
        %dma_wait3A_188 = tpu.memref_slice %arg3[%add3A_149, %dma_wait3A_187] : memref<1280x256xi32, #tpu.memory_space<hbm>> -> memref<4x256xi32, #tpu.memory_space<hbm>>
        tpu.wait_dma2 semaphore(%run_scoped3A : memref<!tpu.dma_semaphore, #tpu.memory_space<semaphore_mem>>) src(%dma_wait3A_188 : memref<4x256xi32, #tpu.memory_space<hbm>>) dst(%dma_wait3A_186 : memref<4x256xi32, #tpu.memory_space<vmem>>)
        tpu.yield
      }) : () -> ()
      %dma_start3A_150 = arith.constant 0 : i32
      %dma_start3A_151 = arith.constant 0 : i32
      %dma_start3A_152 = tpu.memref_slice %arg7[%dma_start3A_150, %dma_start3A_151] : memref<36x256xi32, #tpu.memory_space<vmem>> -> memref<1x256xi32, #tpu.memory_space<vmem>>
      %dma_start3A_153 = tpu.memref_squeeze %dma_start3A_152 : memref<1x256xi32, #tpu.memory_space<vmem>> -> memref<256xi32, #tpu.memory_space<vmem>>
      %dma_start3A_154 = arith.constant 0 : i32
      %dma_start3A_155 = arith.constant 0 : i32
      %dma_start3A_156 = tpu.memref_slice %arg4[%dma_start3A_154, %dma_start3A_155] : memref<10240x32xf32, #tpu.memory_space<hbm>> -> memref<10240x32xf32, #tpu.memory_space<hbm>>
      tpu.enqueue_indirect_dma source(%dma_start3A_156 : memref<10240x32xf32, #tpu.memory_space<hbm>>) target(%arg9 : memref<256x32xf32, #tpu.memory_space<vmem>>) offsets(%dma_start3A_153 : memref<256xi32, #tpu.memory_space<vmem>>) semaphore(%arg14 : memref<!tpu.dma_semaphore, #tpu.memory_space<semaphore_mem>>)
      %dma_start3A_157 = arith.constant 1 : i32
      %dma_start3A_158 = arith.constant 0 : i32
      %dma_start3A_159 = tpu.memref_slice %arg7[%dma_start3A_157, %dma_start3A_158] : memref<36x256xi32, #tpu.memory_space<vmem>> -> memref<1x256xi32, #tpu.memory_space<vmem>>
      %dma_start3A_160 = tpu.memref_squeeze %dma_start3A_159 : memref<1x256xi32, #tpu.memory_space<vmem>> -> memref<256xi32, #tpu.memory_space<vmem>>
      %dma_start3A_161 = arith.constant 0 : i32
      %dma_start3A_162 = arith.constant 0 : i32
      %dma_start3A_163 = tpu.memref_slice %arg4[%dma_start3A_161, %dma_start3A_162] : memref<10240x32xf32, #tpu.memory_space<hbm>> -> memref<10240x32xf32, #tpu.memory_space<hbm>>
      tpu.enqueue_indirect_dma source(%dma_start3A_163 : memref<10240x32xf32, #tpu.memory_space<hbm>>) target(%arg10 : memref<256x32xf32, #tpu.memory_space<vmem>>) offsets(%dma_start3A_160 : memref<256xi32, #tpu.memory_space<vmem>>) semaphore(%arg15 : memref<!tpu.dma_semaphore, #tpu.memory_space<semaphore_mem>>)
      %scan3A_164 = arith.constant 0 : i32
      %scan3A_165 = arith.constant 0 : i32
      %scan3A_166 = arith.constant 2 : i32
      %scan3A_167 = arith.addi %scan3A_165, %scan3A_166 : i32
      %scan3A_168 = arith.constant 1 : i32
      scf.for %scan3A_170 = %scan3A_165 to %scan3A_167 step %scan3A_168  : i32 {
        %mul3A_171 = arith.constant 2 : i32
        %mul3A_172 = arith.muli %mul3A_171, %scan3A_170 : i32
        %add3A_173 = arith.constant 1 : i32
        %add3A_174 = arith.addi %mul3A_172, %add3A_173 : i32
        %dma_wait3A = arith.constant 0 : i32
        %dma_wait3A_175 = tpu.memref_slice %arg7[%mul3A_172, %dma_wait3A] : memref<36x256xi32, #tpu.memory_space<vmem>> -> memref<1x256xi32, #tpu.memory_space<vmem>>
        %dma_wait3A_176 = tpu.memref_squeeze %dma_wait3A_175 : memref<1x256xi32, #tpu.memory_space<vmem>> -> memref<256xi32, #tpu.memory_space<vmem>>
        %dma_wait3A_177 = arith.constant 0 : i32
        %dma_wait3A_178 = arith.constant 0 : i32
        %dma_wait3A_179 = tpu.memref_slice %arg4[%dma_wait3A_177, %dma_wait3A_178] : memref<10240x32xf32, #tpu.memory_space<hbm>> -> memref<10240x32xf32, #tpu.memory_space<hbm>>
        tpu.wait_indirect_dma semaphore(%arg14 : memref<!tpu.dma_semaphore, #tpu.memory_space<semaphore_mem>>) src(%dma_wait3A_179 : memref<10240x32xf32, #tpu.memory_space<hbm>>) dst(%arg9 : memref<256x32xf32, #tpu.memory_space<vmem>>)
        %dma_start3A_180 = arith.constant 0 : i32
        %dma_start3A_181 = tpu.memref_slice %arg8[%mul3A_172, %dma_start3A_180] : memref<36x256xi32, #tpu.memory_space<vmem>> -> memref<1x256xi32, #tpu.memory_space<vmem>>
        %dma_start3A_182 = tpu.memref_squeeze %dma_start3A_181 : memref<1x256xi32, #tpu.memory_space<vmem>> -> memref<256xi32, #tpu.memory_space<vmem>>
        %dma_start3A_183 = arith.constant 0 : i32
        %dma_start3A_184 = arith.constant 0 : i32
        %dma_start3A_185 = tpu.memref_slice %arg13[%dma_start3A_183, %dma_start3A_184] : memref<10240x32xf32, #tpu.memory_space<vmem_shared>> -> memref<10240x32xf32, #tpu.memory_space<vmem_shared>>
        tpu.enqueue_indirect_dma source(%arg9 : memref<256x32xf32, #tpu.memory_space<vmem>>) target(%dma_start3A_185 : memref<10240x32xf32, #tpu.memory_space<vmem_shared>>) offsets(%dma_start3A_182 : memref<256xi32, #tpu.memory_space<vmem>>) semaphore(%arg17 : memref<!tpu.dma_semaphore, #tpu.memory_space<semaphore_mem>>) {add = true}
        %dma_wait3A_186 = arith.constant 0 : i32
        %dma_wait3A_187 = tpu.memref_slice %arg7[%add3A_174, %dma_wait3A_186] : memref<36x256xi32, #tpu.memory_space<vmem>> -> memref<1x256xi32, #tpu.memory_space<vmem>>
        %dma_wait3A_188 = tpu.memref_squeeze %dma_wait3A_187 : memref<1x256xi32, #tpu.memory_space<vmem>> -> memref<256xi32, #tpu.memory_space<vmem>>
        %dma_wait3A_189 = arith.constant 0 : i32
        %dma_wait3A_190 = arith.constant 0 : i32
        %dma_wait3A_191 = tpu.memref_slice %arg4[%dma_wait3A_189, %dma_wait3A_190] : memref<10240x32xf32, #tpu.memory_space<hbm>> -> memref<10240x32xf32, #tpu.memory_space<hbm>>
        tpu.wait_indirect_dma semaphore(%arg15 : memref<!tpu.dma_semaphore, #tpu.memory_space<semaphore_mem>>) src(%dma_wait3A_191 : memref<10240x32xf32, #tpu.memory_space<hbm>>) dst(%arg10 : memref<256x32xf32, #tpu.memory_space<vmem>>)
        %dma_start3A_192 = arith.constant 0 : i32
        %dma_start3A_193 = tpu.memref_slice %arg8[%add3A_174, %dma_start3A_192] : memref<36x256xi32, #tpu.memory_space<vmem>> -> memref<1x256xi32, #tpu.memory_space<vmem>>
        %dma_start3A_194 = tpu.memref_squeeze %dma_start3A_193 : memref<1x256xi32, #tpu.memory_space<vmem>> -> memref<256xi32, #tpu.memory_space<vmem>>
        %dma_start3A_195 = arith.constant 0 : i32
        %dma_start3A_196 = arith.constant 0 : i32
        %dma_start3A_197 = tpu.memref_slice %arg13[%dma_start3A_195, %dma_start3A_196] : memref<10240x32xf32, #tpu.memory_space<vmem_shared>> -> memref<10240x32xf32, #tpu.memory_space<vmem_shared>>
        tpu.enqueue_indirect_dma source(%arg10 : memref<256x32xf32, #tpu.memory_space<vmem>>) target(%dma_start3A_197 : memref<10240x32xf32, #tpu.memory_space<vmem_shared>>) offsets(%dma_start3A_194 : memref<256xi32, #tpu.memory_space<vmem>>) semaphore(%arg18 : memref<!tpu.dma_semaphore, #tpu.memory_space<semaphore_mem>>) {add = true}
        %dma_wait3A_198 = arith.constant 0 : i32
        %dma_wait3A_199 = tpu.memref_slice %arg8[%mul3A_172, %dma_wait3A_198] : memref<36x256xi32, #tpu.memory_space<vmem>> -> memref<1x256xi32, #tpu.memory_space<vmem>>
        %dma_wait3A_200 = tpu.memref_squeeze %dma_wait3A_199 : memref<1x256xi32, #tpu.memory_space<vmem>> -> memref<256xi32, #tpu.memory_space<vmem>>
        %dma_wait3A_201 = arith.constant 0 : i32
        %dma_wait3A_202 = arith.constant 0 : i32
        %dma_wait3A_203 = tpu.memref_slice %arg13[%dma_wait3A_201, %dma_wait3A_202] : memref<10240x32xf32, #tpu.memory_space<vmem_shared>> -> memref<10240x32xf32, #tpu.memory_space<vmem_shared>>
        tpu.wait_indirect_dma semaphore(%arg17 : memref<!tpu.dma_semaphore, #tpu.memory_space<semaphore_mem>>) src(%arg9 : memref<256x32xf32, #tpu.memory_space<vmem>>) dst(%dma_wait3A_203 : memref<10240x32xf32, #tpu.memory_space<vmem_shared>>)
        %dma_wait3A_204 = arith.constant 0 : i32
        %dma_wait3A_205 = tpu.memref_slice %arg8[%add3A_174, %dma_wait3A_204] : memref<36x256xi32, #tpu.memory_space<vmem>> -> memref<1x256xi32, #tpu.memory_space<vmem>>
        %dma_wait3A_206 = tpu.memref_squeeze %dma_wait3A_205 : memref<1x256xi32, #tpu.memory_space<vmem>> -> memref<256xi32, #tpu.memory_space<vmem>>
        %dma_wait3A_207 = arith.constant 0 : i32
        %dma_wait3A_208 = arith.constant 0 : i32
        %dma_wait3A_209 = tpu.memref_slice %arg13[%dma_wait3A_207, %dma_wait3A_208] : memref<10240x32xf32, #tpu.memory_space<vmem_shared>> -> memref<10240x32xf32, #tpu.memory_space<vmem_shared>>
        tpu.wait_indirect_dma semaphore(%arg18 : memref<!tpu.dma_semaphore, #tpu.memory_space<semaphore_mem>>) src(%arg10 : memref<256x32xf32, #tpu.memory_space<vmem>>) dst(%dma_wait3A_209 : memref<10240x32xf32, #tpu.memory_space<vmem_shared>>)
        %lt3A = arith.constant 1 : i32
        %lt3A_210 = arith.cmpi slt, %scan3A_170, %lt3A : i32
        %convert_element_type3A_211 = arith.extui %lt3A_210 : i1 to i32
        %cond3A_212 = arith.constant 0 : i32
        %cond3A_213 = arith.cmpi ne, %convert_element_type3A_211, %cond3A_212 : i32
        scf.if %cond3A_213 {
          %add3A_214 = arith.constant 2 : i32
          %add3A_215 = arith.addi %mul3A_172, %add3A_214 : i32
          %dma_start3A_216 = arith.constant 0 : i32
          %dma_start3A_217 = tpu.memref_slice %arg7[%add3A_215, %dma_start3A_216] : memref<36x256xi32, #tpu.memory_space<vmem>> -> memref<1x256xi32, #tpu.memory_space<vmem>>
          %dma_start3A_218 = tpu.memref_squeeze %dma_start3A_217 : memref<1x256xi32, #tpu.memory_space<vmem>> -> memref<256xi32, #tpu.memory_space<vmem>>
          %dma_start3A_219 = arith.constant 0 : i32
          %dma_start3A_220 = arith.constant 0 : i32
          %dma_start3A_221 = tpu.memref_slice %arg4[%dma_start3A_219, %dma_start3A_220] : memref<10240x32xf32, #tpu.memory_space<hbm>> -> memref<10240x32xf32, #tpu.memory_space<hbm>>
          tpu.enqueue_indirect_dma source(%dma_start3A_221 : memref<10240x32xf32, #tpu.memory_space<hbm>>) target(%arg9 : memref<256x32xf32, #tpu.memory_space<vmem>>) offsets(%dma_start3A_218 : memref<256xi32, #tpu.memory_space<vmem>>) semaphore(%arg14 : memref<!tpu.dma_semaphore, #tpu.memory_space<semaphore_mem>>)
          %add3A_222 = arith.constant 2 : i32
          %add3A_223 = arith.addi %add3A_174, %add3A_222 : i32
          %dma_start3A_224 = arith.constant 0 : i32
          %dma_start3A_225 = tpu.memref_slice %arg7[%add3A_223, %dma_start3A_224] : memref<36x256xi32, #tpu.memory_space<vmem>> -> memref<1x256xi32, #tpu.memory_space<vmem>>
          %dma_start3A_226 = tpu.memref_squeeze %dma_start3A_225 : memref<1x256xi32, #tpu.memory_space<vmem>> -> memref<256xi32, #tpu.memory_space<vmem>>
          %dma_start3A_227 = arith.constant 0 : i32
          %dma_start3A_228 = arith.constant 0 : i32
          %dma_start3A_229 = tpu.memref_slice %arg4[%dma_start3A_227, %dma_start3A_228] : memref<10240x32xf32, #tpu.memory_space<hbm>> -> memref<10240x32xf32, #tpu.memory_space<hbm>>
          tpu.enqueue_indirect_dma source(%dma_start3A_229 : memref<10240x32xf32, #tpu.memory_space<hbm>>) target(%arg10 : memref<256x32xf32, #tpu.memory_space<vmem>>) offsets(%dma_start3A_226 : memref<256xi32, #tpu.memory_space<vmem>>) semaphore(%arg15 : memref<!tpu.dma_semaphore, #tpu.memory_space<semaphore_mem>>)
        } else {
        }
      }
      %scan3A_169 = arith.constant 2 : i32
    } else {
    }
    %eq3A_21 = arith.constant 1 : i32
    %eq3A_22 = arith.cmpi eq, %arg0, %eq3A_21 : i32
    %convert_element_type3A_23 = arith.extui %eq3A_22 : i1 to i32
    %cond3A_24 = arith.constant 0 : i32
    %cond3A_25 = arith.cmpi ne, %convert_element_type3A_23, %cond3A_24 : i32
    scf.if %cond3A_25 {
      %mul3A_83 = arith.constant 4 : i32
      %mul3A_84 = arith.muli %arg1, %mul3A_83 : i32
      %add3A_85 = arith.constant 1216 : i32
      %add3A_86 = arith.addi %add3A_85, %mul3A_84 : i32
      %add3A_87 = arith.constant 0 : i32
      %add3A_88 = arith.addi %add3A_86, %add3A_87 : i32
      "tpu.region"() ({
        %run_scoped3A = tpu.sem_alloc : memref<!tpu.dma_semaphore, #tpu.memory_space<semaphore_mem>>
        %dma_start3A_110 = arith.constant 0 : i32
        %dma_start3A_111 = arith.constant 0 : i32
        %dma_start3A_112 = tpu.memref_slice %arg7[%dma_start3A_110, %dma_start3A_111] : memref<36x256xi32, #tpu.memory_space<vmem>> -> memref<4x256xi32, #tpu.memory_space<vmem>>
        %dma_start3A_113 = arith.constant 0 : i32
        %dma_start3A_114 = tpu.memref_slice %arg2[%add3A_88, %dma_start3A_113] : memref<1280x256xi32, #tpu.memory_space<hbm>> -> memref<4x256xi32, #tpu.memory_space<hbm>>
        %dma_start3A_115 = arith.constant 0 : i32
        %dma_start3A_116 = arith.constant 0 : i32
        %dma_start3A_117 = tpu.memref_slice %arg7[%dma_start3A_115, %dma_start3A_116] : memref<36x256xi32, #tpu.memory_space<vmem>> -> memref<4x256xi32, #tpu.memory_space<vmem>>
        %dma_start3A_118 = arith.constant 0 : i32
        %dma_start3A_119 = tpu.memref_slice %arg2[%add3A_88, %dma_start3A_118] : memref<1280x256xi32, #tpu.memory_space<hbm>> -> memref<4x256xi32, #tpu.memory_space<hbm>>
        tpu.enqueue_dma source(%dma_start3A_119 : memref<4x256xi32, #tpu.memory_space<hbm>>) target(%dma_start3A_117 : memref<4x256xi32, #tpu.memory_space<vmem>>) target_semaphore(%run_scoped3A : memref<!tpu.dma_semaphore, #tpu.memory_space<semaphore_mem>>)
        %dma_wait3A = arith.constant 0 : i32
        %dma_wait3A_120 = arith.constant 0 : i32
        %dma_wait3A_121 = tpu.memref_slice %arg7[%dma_wait3A, %dma_wait3A_120] : memref<36x256xi32, #tpu.memory_space<vmem>> -> memref<4x256xi32, #tpu.memory_space<vmem>>
        %dma_wait3A_122 = arith.constant 0 : i32
        %dma_wait3A_123 = tpu.memref_slice %arg2[%add3A_88, %dma_wait3A_122] : memref<1280x256xi32, #tpu.memory_space<hbm>> -> memref<4x256xi32, #tpu.memory_space<hbm>>
        %dma_wait3A_124 = arith.constant 0 : i32
        %dma_wait3A_125 = arith.constant 0 : i32
        %dma_wait3A_126 = tpu.memref_slice %arg7[%dma_wait3A_124, %dma_wait3A_125] : memref<36x256xi32, #tpu.memory_space<vmem>> -> memref<4x256xi32, #tpu.memory_space<vmem>>
        %dma_wait3A_127 = arith.constant 0 : i32
        %dma_wait3A_128 = tpu.memref_slice %arg2[%add3A_88, %dma_wait3A_127] : memref<1280x256xi32, #tpu.memory_space<hbm>> -> memref<4x256xi32, #tpu.memory_space<hbm>>
        tpu.wait_dma2 semaphore(%run_scoped3A : memref<!tpu.dma_semaphore, #tpu.memory_space<semaphore_mem>>) src(%dma_wait3A_128 : memref<4x256xi32, #tpu.memory_space<hbm>>) dst(%dma_wait3A_126 : memref<4x256xi32, #tpu.memory_space<vmem>>)
        tpu.yield
      }) : () -> ()
      %add3A_89 = arith.constant 0 : i32
      %add3A_90 = arith.addi %add3A_86, %add3A_89 : i32
      "tpu.region"() ({
        %run_scoped3A = tpu.sem_alloc : memref<!tpu.dma_semaphore, #tpu.memory_space<semaphore_mem>>
        %dma_start3A_110 = arith.constant 0 : i32
        %dma_start3A_111 = arith.constant 0 : i32
        %dma_start3A_112 = tpu.memref_slice %arg8[%dma_start3A_110, %dma_start3A_111] : memref<36x256xi32, #tpu.memory_space<vmem>> -> memref<4x256xi32, #tpu.memory_space<vmem>>
        %dma_start3A_113 = arith.constant 0 : i32
        %dma_start3A_114 = tpu.memref_slice %arg3[%add3A_90, %dma_start3A_113] : memref<1280x256xi32, #tpu.memory_space<hbm>> -> memref<4x256xi32, #tpu.memory_space<hbm>>
        %dma_start3A_115 = arith.constant 0 : i32
        %dma_start3A_116 = arith.constant 0 : i32
        %dma_start3A_117 = tpu.memref_slice %arg8[%dma_start3A_115, %dma_start3A_116] : memref<36x256xi32, #tpu.memory_space<vmem>> -> memref<4x256xi32, #tpu.memory_space<vmem>>
        %dma_start3A_118 = arith.constant 0 : i32
        %dma_start3A_119 = tpu.memref_slice %arg3[%add3A_90, %dma_start3A_118] : memref<1280x256xi32, #tpu.memory_space<hbm>> -> memref<4x256xi32, #tpu.memory_space<hbm>>
        tpu.enqueue_dma source(%dma_start3A_119 : memref<4x256xi32, #tpu.memory_space<hbm>>) target(%dma_start3A_117 : memref<4x256xi32, #tpu.memory_space<vmem>>) target_semaphore(%run_scoped3A : memref<!tpu.dma_semaphore, #tpu.memory_space<semaphore_mem>>)
        %dma_wait3A = arith.constant 0 : i32
        %dma_wait3A_120 = arith.constant 0 : i32
        %dma_wait3A_121 = tpu.memref_slice %arg8[%dma_wait3A, %dma_wait3A_120] : memref<36x256xi32, #tpu.memory_space<vmem>> -> memref<4x256xi32, #tpu.memory_space<vmem>>
        %dma_wait3A_122 = arith.constant 0 : i32
        %dma_wait3A_123 = tpu.memref_slice %arg3[%add3A_90, %dma_wait3A_122] : memref<1280x256xi32, #tpu.memory_space<hbm>> -> memref<4x256xi32, #tpu.memory_space<hbm>>
        %dma_wait3A_124 = arith.constant 0 : i32
        %dma_wait3A_125 = arith.constant 0 : i32
        %dma_wait3A_126 = tpu.memref_slice %arg8[%dma_wait3A_124, %dma_wait3A_125] : memref<36x256xi32, #tpu.memory_space<vmem>> -> memref<4x256xi32, #tpu.memory_space<vmem>>
        %dma_wait3A_127 = arith.constant 0 : i32
        %dma_wait3A_128 = tpu.memref_slice %arg3[%add3A_90, %dma_wait3A_127] : memref<1280x256xi32, #tpu.memory_space<hbm>> -> memref<4x256xi32, #tpu.memory_space<hbm>>
        tpu.wait_dma2 semaphore(%run_scoped3A : memref<!tpu.dma_semaphore, #tpu.memory_space<semaphore_mem>>) src(%dma_wait3A_128 : memref<4x256xi32, #tpu.memory_space<hbm>>) dst(%dma_wait3A_126 : memref<4x256xi32, #tpu.memory_space<vmem>>)
        tpu.yield
      }) : () -> ()
      %dma_start3A = arith.constant 0 : i32
      %dma_start3A_91 = arith.constant 0 : i32
      %dma_start3A_92 = tpu.memref_slice %arg7[%dma_start3A, %dma_start3A_91] : memref<36x256xi32, #tpu.memory_space<vmem>> -> memref<1x256xi32, #tpu.memory_space<vmem>>
      %dma_start3A_93 = tpu.memref_squeeze %dma_start3A_92 : memref<1x256xi32, #tpu.memory_space<vmem>> -> memref<256xi32, #tpu.memory_space<vmem>>
      %dma_start3A_94 = arith.constant 0 : i32
      %dma_start3A_95 = arith.constant 0 : i32
      %dma_start3A_96 = tpu.memref_slice %arg4[%dma_start3A_94, %dma_start3A_95] : memref<10240x32xf32, #tpu.memory_space<hbm>> -> memref<10240x32xf32, #tpu.memory_space<hbm>>
      tpu.enqueue_indirect_dma source(%dma_start3A_96 : memref<10240x32xf32, #tpu.memory_space<hbm>>) target(%arg9 : memref<256x32xf32, #tpu.memory_space<vmem>>) offsets(%dma_start3A_93 : memref<256xi32, #tpu.memory_space<vmem>>) semaphore(%arg14 : memref<!tpu.dma_semaphore, #tpu.memory_space<semaphore_mem>>)
      %dma_start3A_97 = arith.constant 1 : i32
      %dma_start3A_98 = arith.constant 0 : i32
      %dma_start3A_99 = tpu.memref_slice %arg7[%dma_start3A_97, %dma_start3A_98] : memref<36x256xi32, #tpu.memory_space<vmem>> -> memref<1x256xi32, #tpu.memory_space<vmem>>
      %dma_start3A_100 = tpu.memref_squeeze %dma_start3A_99 : memref<1x256xi32, #tpu.memory_space<vmem>> -> memref<256xi32, #tpu.memory_space<vmem>>
      %dma_start3A_101 = arith.constant 0 : i32
      %dma_start3A_102 = arith.constant 0 : i32
      %dma_start3A_103 = tpu.memref_slice %arg4[%dma_start3A_101, %dma_start3A_102] : memref<10240x32xf32, #tpu.memory_space<hbm>> -> memref<10240x32xf32, #tpu.memory_space<hbm>>
      tpu.enqueue_indirect_dma source(%dma_start3A_103 : memref<10240x32xf32, #tpu.memory_space<hbm>>) target(%arg10 : memref<256x32xf32, #tpu.memory_space<vmem>>) offsets(%dma_start3A_100 : memref<256xi32, #tpu.memory_space<vmem>>) semaphore(%arg15 : memref<!tpu.dma_semaphore, #tpu.memory_space<semaphore_mem>>)
      %scan3A_104 = arith.constant 0 : i32
      %scan3A_105 = arith.constant 0 : i32
      %scan3A_106 = arith.constant 2 : i32
      %scan3A_107 = arith.addi %scan3A_105, %scan3A_106 : i32
      %scan3A_108 = arith.constant 1 : i32
      scf.for %scan3A_110 = %scan3A_105 to %scan3A_107 step %scan3A_108  : i32 {
        %mul3A_111 = arith.constant 2 : i32
        %mul3A_112 = arith.muli %mul3A_111, %scan3A_110 : i32
        %add3A_113 = arith.constant 1 : i32
        %add3A_114 = arith.addi %mul3A_112, %add3A_113 : i32
        %dma_wait3A = arith.constant 0 : i32
        %dma_wait3A_115 = tpu.memref_slice %arg7[%mul3A_112, %dma_wait3A] : memref<36x256xi32, #tpu.memory_space<vmem>> -> memref<1x256xi32, #tpu.memory_space<vmem>>
        %dma_wait3A_116 = tpu.memref_squeeze %dma_wait3A_115 : memref<1x256xi32, #tpu.memory_space<vmem>> -> memref<256xi32, #tpu.memory_space<vmem>>
        %dma_wait3A_117 = arith.constant 0 : i32
        %dma_wait3A_118 = arith.constant 0 : i32
        %dma_wait3A_119 = tpu.memref_slice %arg4[%dma_wait3A_117, %dma_wait3A_118] : memref<10240x32xf32, #tpu.memory_space<hbm>> -> memref<10240x32xf32, #tpu.memory_space<hbm>>
        tpu.wait_indirect_dma semaphore(%arg14 : memref<!tpu.dma_semaphore, #tpu.memory_space<semaphore_mem>>) src(%dma_wait3A_119 : memref<10240x32xf32, #tpu.memory_space<hbm>>) dst(%arg9 : memref<256x32xf32, #tpu.memory_space<vmem>>)
        %dma_start3A_120 = arith.constant 0 : i32
        %dma_start3A_121 = tpu.memref_slice %arg8[%mul3A_112, %dma_start3A_120] : memref<36x256xi32, #tpu.memory_space<vmem>> -> memref<1x256xi32, #tpu.memory_space<vmem>>
        %dma_start3A_122 = tpu.memref_squeeze %dma_start3A_121 : memref<1x256xi32, #tpu.memory_space<vmem>> -> memref<256xi32, #tpu.memory_space<vmem>>
        %dma_start3A_123 = arith.constant 0 : i32
        %dma_start3A_124 = arith.constant 0 : i32
        %dma_start3A_125 = tpu.memref_slice %arg13[%dma_start3A_123, %dma_start3A_124] : memref<10240x32xf32, #tpu.memory_space<vmem_shared>> -> memref<10240x32xf32, #tpu.memory_space<vmem_shared>>
        tpu.enqueue_indirect_dma source(%arg9 : memref<256x32xf32, #tpu.memory_space<vmem>>) target(%dma_start3A_125 : memref<10240x32xf32, #tpu.memory_space<vmem_shared>>) offsets(%dma_start3A_122 : memref<256xi32, #tpu.memory_space<vmem>>) semaphore(%arg17 : memref<!tpu.dma_semaphore, #tpu.memory_space<semaphore_mem>>) {add = true}
        %dma_wait3A_126 = arith.constant 0 : i32
        %dma_wait3A_127 = tpu.memref_slice %arg7[%add3A_114, %dma_wait3A_126] : memref<36x256xi32, #tpu.memory_space<vmem>> -> memref<1x256xi32, #tpu.memory_space<vmem>>
        %dma_wait3A_128 = tpu.memref_squeeze %dma_wait3A_127 : memref<1x256xi32, #tpu.memory_space<vmem>> -> memref<256xi32, #tpu.memory_space<vmem>>
        %dma_wait3A_129 = arith.constant 0 : i32
        %dma_wait3A_130 = arith.constant 0 : i32
        %dma_wait3A_131 = tpu.memref_slice %arg4[%dma_wait3A_129, %dma_wait3A_130] : memref<10240x32xf32, #tpu.memory_space<hbm>> -> memref<10240x32xf32, #tpu.memory_space<hbm>>
        tpu.wait_indirect_dma semaphore(%arg15 : memref<!tpu.dma_semaphore, #tpu.memory_space<semaphore_mem>>) src(%dma_wait3A_131 : memref<10240x32xf32, #tpu.memory_space<hbm>>) dst(%arg10 : memref<256x32xf32, #tpu.memory_space<vmem>>)
        %dma_start3A_132 = arith.constant 0 : i32
        %dma_start3A_133 = tpu.memref_slice %arg8[%add3A_114, %dma_start3A_132] : memref<36x256xi32, #tpu.memory_space<vmem>> -> memref<1x256xi32, #tpu.memory_space<vmem>>
        %dma_start3A_134 = tpu.memref_squeeze %dma_start3A_133 : memref<1x256xi32, #tpu.memory_space<vmem>> -> memref<256xi32, #tpu.memory_space<vmem>>
        %dma_start3A_135 = arith.constant 0 : i32
        %dma_start3A_136 = arith.constant 0 : i32
        %dma_start3A_137 = tpu.memref_slice %arg13[%dma_start3A_135, %dma_start3A_136] : memref<10240x32xf32, #tpu.memory_space<vmem_shared>> -> memref<10240x32xf32, #tpu.memory_space<vmem_shared>>
        tpu.enqueue_indirect_dma source(%arg10 : memref<256x32xf32, #tpu.memory_space<vmem>>) target(%dma_start3A_137 : memref<10240x32xf32, #tpu.memory_space<vmem_shared>>) offsets(%dma_start3A_134 : memref<256xi32, #tpu.memory_space<vmem>>) semaphore(%arg18 : memref<!tpu.dma_semaphore, #tpu.memory_space<semaphore_mem>>) {add = true}
        %dma_wait3A_138 = arith.constant 0 : i32
        %dma_wait3A_139 = tpu.memref_slice %arg8[%mul3A_112, %dma_wait3A_138] : memref<36x256xi32, #tpu.memory_space<vmem>> -> memref<1x256xi32, #tpu.memory_space<vmem>>
        %dma_wait3A_140 = tpu.memref_squeeze %dma_wait3A_139 : memref<1x256xi32, #tpu.memory_space<vmem>> -> memref<256xi32, #tpu.memory_space<vmem>>
        %dma_wait3A_141 = arith.constant 0 : i32
        %dma_wait3A_142 = arith.constant 0 : i32
        %dma_wait3A_143 = tpu.memref_slice %arg13[%dma_wait3A_141, %dma_wait3A_142] : memref<10240x32xf32, #tpu.memory_space<vmem_shared>> -> memref<10240x32xf32, #tpu.memory_space<vmem_shared>>
        tpu.wait_indirect_dma semaphore(%arg17 : memref<!tpu.dma_semaphore, #tpu.memory_space<semaphore_mem>>) src(%arg9 : memref<256x32xf32, #tpu.memory_space<vmem>>) dst(%dma_wait3A_143 : memref<10240x32xf32, #tpu.memory_space<vmem_shared>>)
        %dma_wait3A_144 = arith.constant 0 : i32
        %dma_wait3A_145 = tpu.memref_slice %arg8[%add3A_114, %dma_wait3A_144] : memref<36x256xi32, #tpu.memory_space<vmem>> -> memref<1x256xi32, #tpu.memory_space<vmem>>
        %dma_wait3A_146 = tpu.memref_squeeze %dma_wait3A_145 : memref<1x256xi32, #tpu.memory_space<vmem>> -> memref<256xi32, #tpu.memory_space<vmem>>
        %dma_wait3A_147 = arith.constant 0 : i32
        %dma_wait3A_148 = arith.constant 0 : i32
        %dma_wait3A_149 = tpu.memref_slice %arg13[%dma_wait3A_147, %dma_wait3A_148] : memref<10240x32xf32, #tpu.memory_space<vmem_shared>> -> memref<10240x32xf32, #tpu.memory_space<vmem_shared>>
        tpu.wait_indirect_dma semaphore(%arg18 : memref<!tpu.dma_semaphore, #tpu.memory_space<semaphore_mem>>) src(%arg10 : memref<256x32xf32, #tpu.memory_space<vmem>>) dst(%dma_wait3A_149 : memref<10240x32xf32, #tpu.memory_space<vmem_shared>>)
        %lt3A = arith.constant 1 : i32
        %lt3A_150 = arith.cmpi slt, %scan3A_110, %lt3A : i32
        %convert_element_type3A_151 = arith.extui %lt3A_150 : i1 to i32
        %cond3A_152 = arith.constant 0 : i32
        %cond3A_153 = arith.cmpi ne, %convert_element_type3A_151, %cond3A_152 : i32
        scf.if %cond3A_153 {
          %add3A_154 = arith.constant 2 : i32
          %add3A_155 = arith.addi %mul3A_112, %add3A_154 : i32
          %dma_start3A_156 = arith.constant 0 : i32
          %dma_start3A_157 = tpu.memref_slice %arg7[%add3A_155, %dma_start3A_156] : memref<36x256xi32, #tpu.memory_space<vmem>> -> memref<1x256xi32, #tpu.memory_space<vmem>>
          %dma_start3A_158 = tpu.memref_squeeze %dma_start3A_157 : memref<1x256xi32, #tpu.memory_space<vmem>> -> memref<256xi32, #tpu.memory_space<vmem>>
          %dma_start3A_159 = arith.constant 0 : i32
          %dma_start3A_160 = arith.constant 0 : i32
          %dma_start3A_161 = tpu.memref_slice %arg4[%dma_start3A_159, %dma_start3A_160] : memref<10240x32xf32, #tpu.memory_space<hbm>> -> memref<10240x32xf32, #tpu.memory_space<hbm>>
          tpu.enqueue_indirect_dma source(%dma_start3A_161 : memref<10240x32xf32, #tpu.memory_space<hbm>>) target(%arg9 : memref<256x32xf32, #tpu.memory_space<vmem>>) offsets(%dma_start3A_158 : memref<256xi32, #tpu.memory_space<vmem>>) semaphore(%arg14 : memref<!tpu.dma_semaphore, #tpu.memory_space<semaphore_mem>>)
          %add3A_162 = arith.constant 2 : i32
          %add3A_163 = arith.addi %add3A_114, %add3A_162 : i32
          %dma_start3A_164 = arith.constant 0 : i32
          %dma_start3A_165 = tpu.memref_slice %arg7[%add3A_163, %dma_start3A_164] : memref<36x256xi32, #tpu.memory_space<vmem>> -> memref<1x256xi32, #tpu.memory_space<vmem>>
          %dma_start3A_166 = tpu.memref_squeeze %dma_start3A_165 : memref<1x256xi32, #tpu.memory_space<vmem>> -> memref<256xi32, #tpu.memory_space<vmem>>
          %dma_start3A_167 = arith.constant 0 : i32
          %dma_start3A_168 = arith.constant 0 : i32
          %dma_start3A_169 = tpu.memref_slice %arg4[%dma_start3A_167, %dma_start3A_168] : memref<10240x32xf32, #tpu.memory_space<hbm>> -> memref<10240x32xf32, #tpu.memory_space<hbm>>
          tpu.enqueue_indirect_dma source(%dma_start3A_169 : memref<10240x32xf32, #tpu.memory_space<hbm>>) target(%arg10 : memref<256x32xf32, #tpu.memory_space<vmem>>) offsets(%dma_start3A_166 : memref<256xi32, #tpu.memory_space<vmem>>) semaphore(%arg15 : memref<!tpu.dma_semaphore, #tpu.memory_space<semaphore_mem>>)
        } else {
        }
      }
      %scan3A_109 = arith.constant 2 : i32
    } else {
    }
    %barrier3A_26 = arith.constant 0 : index
    tpu.barrier barrier_id(%barrier3A_26)
    %mul3A_27 = arith.constant 640 : i32
    %mul3A_28 = arith.muli %arg1, %mul3A_27 : i32
    %add3A_29 = arith.constant 0 : i32
    %add3A_30 = arith.addi %mul3A_28, %add3A_29 : i32
    "tpu.region"() ({
      %run_scoped3A = tpu.sem_alloc : memref<!tpu.dma_semaphore, #tpu.memory_space<semaphore_mem>>
      %dma_start3A = arith.constant 0 : i32
      %dma_start3A_83 = tpu.memref_slice %arg13[%add3A_30, %dma_start3A] : memref<10240x32xf32, #tpu.memory_space<vmem_shared>> -> memref<160x32xf32, #tpu.memory_space<vmem_shared>>
      %dma_start3A_84 = arith.constant 0 : i32
      %dma_start3A_85 = tpu.memref_slice %arg13[%add3A_30, %dma_start3A_84] : memref<10240x32xf32, #tpu.memory_space<vmem_shared>> -> memref<160x32xf32, #tpu.memory_space<vmem_shared>>
      tpu.enqueue_dma source(%dma_start3A_85 : memref<160x32xf32, #tpu.memory_space<vmem_shared>>) target(%arg12 : memref<160x32xf32, #tpu.memory_space<vmem>>) target_semaphore(%run_scoped3A : memref<!tpu.dma_semaphore, #tpu.memory_space<semaphore_mem>>)
      %dma_wait3A = arith.constant 0 : i32
      %dma_wait3A_86 = tpu.memref_slice %arg13[%add3A_30, %dma_wait3A] : memref<10240x32xf32, #tpu.memory_space<vmem_shared>> -> memref<160x32xf32, #tpu.memory_space<vmem_shared>>
      %dma_wait3A_87 = arith.constant 0 : i32
      %dma_wait3A_88 = tpu.memref_slice %arg13[%add3A_30, %dma_wait3A_87] : memref<10240x32xf32, #tpu.memory_space<vmem_shared>> -> memref<160x32xf32, #tpu.memory_space<vmem_shared>>
      tpu.wait_dma2 semaphore(%run_scoped3A : memref<!tpu.dma_semaphore, #tpu.memory_space<semaphore_mem>>) src(%dma_wait3A_88 : memref<160x32xf32, #tpu.memory_space<vmem_shared>>) dst(%arg12 : memref<160x32xf32, #tpu.memory_space<vmem>>)
      tpu.yield
    }) : () -> ()
    %eq3A_31 = arith.constant 0 : i32
    %eq3A_32 = arith.cmpi eq, %arg0, %eq3A_31 : i32
    %convert_element_type3A_33 = arith.extui %eq3A_32 : i1 to i32
    %cond3A_34 = arith.constant 0 : i32
    %cond3A_35 = arith.cmpi ne, %convert_element_type3A_33, %cond3A_34 : i32
    scf.if %cond3A_35 {
      "tpu.region"() ({
        %run_scoped3A = tpu.sem_alloc : memref<!tpu.dma_semaphore, #tpu.memory_space<semaphore_mem>>
        %dma_start3A = arith.constant 0 : i32
        %dma_start3A_83 = tpu.memref_slice %arg5[%add3A_30, %dma_start3A] : memref<10240x32xf32, #tpu.memory_space<hbm>> -> memref<160x32xf32, #tpu.memory_space<hbm>>
        %dma_start3A_84 = arith.constant 0 : i32
        %dma_start3A_85 = tpu.memref_slice %arg5[%add3A_30, %dma_start3A_84] : memref<10240x32xf32, #tpu.memory_space<hbm>> -> memref<160x32xf32, #tpu.memory_space<hbm>>
        tpu.enqueue_dma source(%arg12 : memref<160x32xf32, #tpu.memory_space<vmem>>) target(%dma_start3A_85 : memref<160x32xf32, #tpu.memory_space<hbm>>) target_semaphore(%run_scoped3A : memref<!tpu.dma_semaphore, #tpu.memory_space<semaphore_mem>>)
        %dma_wait3A = arith.constant 0 : i32
        %dma_wait3A_86 = tpu.memref_slice %arg5[%add3A_30, %dma_wait3A] : memref<10240x32xf32, #tpu.memory_space<hbm>> -> memref<160x32xf32, #tpu.memory_space<hbm>>
        %dma_wait3A_87 = arith.constant 0 : i32
        %dma_wait3A_88 = tpu.memref_slice %arg5[%add3A_30, %dma_wait3A_87] : memref<10240x32xf32, #tpu.memory_space<hbm>> -> memref<160x32xf32, #tpu.memory_space<hbm>>
        tpu.wait_dma2 semaphore(%run_scoped3A : memref<!tpu.dma_semaphore, #tpu.memory_space<semaphore_mem>>) src(%arg12 : memref<160x32xf32, #tpu.memory_space<vmem>>) dst(%dma_wait3A_88 : memref<160x32xf32, #tpu.memory_space<hbm>>)
        tpu.yield
      }) : () -> ()
    } else {
    }
    %eq3A_36 = arith.constant 1 : i32
    %eq3A_37 = arith.cmpi eq, %arg0, %eq3A_36 : i32
    %convert_element_type3A_38 = arith.extui %eq3A_37 : i1 to i32
    %cond3A_39 = arith.constant 0 : i32
    %cond3A_40 = arith.cmpi ne, %convert_element_type3A_38, %cond3A_39 : i32
    scf.if %cond3A_40 {
      "tpu.region"() ({
        %run_scoped3A = tpu.sem_alloc : memref<!tpu.dma_semaphore, #tpu.memory_space<semaphore_mem>>
        %dma_start3A = arith.constant 0 : i32
        %dma_start3A_83 = tpu.memref_slice %arg6[%add3A_30, %dma_start3A] : memref<10240x32xf32, #tpu.memory_space<hbm>> -> memref<160x32xf32, #tpu.memory_space<hbm>>
        %dma_start3A_84 = arith.constant 0 : i32
        %dma_start3A_85 = tpu.memref_slice %arg6[%add3A_30, %dma_start3A_84] : memref<10240x32xf32, #tpu.memory_space<hbm>> -> memref<160x32xf32, #tpu.memory_space<hbm>>
        tpu.enqueue_dma source(%arg12 : memref<160x32xf32, #tpu.memory_space<vmem>>) target(%dma_start3A_85 : memref<160x32xf32, #tpu.memory_space<hbm>>) target_semaphore(%run_scoped3A : memref<!tpu.dma_semaphore, #tpu.memory_space<semaphore_mem>>)
        %dma_wait3A = arith.constant 0 : i32
        %dma_wait3A_86 = tpu.memref_slice %arg6[%add3A_30, %dma_wait3A] : memref<10240x32xf32, #tpu.memory_space<hbm>> -> memref<160x32xf32, #tpu.memory_space<hbm>>
        %dma_wait3A_87 = arith.constant 0 : i32
        %dma_wait3A_88 = tpu.memref_slice %arg6[%add3A_30, %dma_wait3A_87] : memref<10240x32xf32, #tpu.memory_space<hbm>> -> memref<160x32xf32, #tpu.memory_space<hbm>>
        tpu.wait_dma2 semaphore(%run_scoped3A : memref<!tpu.dma_semaphore, #tpu.memory_space<semaphore_mem>>) src(%arg12 : memref<160x32xf32, #tpu.memory_space<vmem>>) dst(%dma_wait3A_88 : memref<160x32xf32, #tpu.memory_space<hbm>>)
        tpu.yield
      }) : () -> ()
    } else {
    }
    %mul3A_41 = arith.constant 640 : i32
    %mul3A_42 = arith.muli %arg1, %mul3A_41 : i32
    %add3A_43 = arith.constant 160 : i32
    %add3A_44 = arith.addi %mul3A_42, %add3A_43 : i32
    "tpu.region"() ({
      %run_scoped3A = tpu.sem_alloc : memref<!tpu.dma_semaphore, #tpu.memory_space<semaphore_mem>>
      %dma_start3A = arith.constant 0 : i32
      %dma_start3A_83 = tpu.memref_slice %arg13[%add3A_44, %dma_start3A] : memref<10240x32xf32, #tpu.memory_space<vmem_shared>> -> memref<160x32xf32, #tpu.memory_space<vmem_shared>>
      %dma_start3A_84 = arith.constant 0 : i32
      %dma_start3A_85 = tpu.memref_slice %arg13[%add3A_44, %dma_start3A_84] : memref<10240x32xf32, #tpu.memory_space<vmem_shared>> -> memref<160x32xf32, #tpu.memory_space<vmem_shared>>
      tpu.enqueue_dma source(%dma_start3A_85 : memref<160x32xf32, #tpu.memory_space<vmem_shared>>) target(%arg12 : memref<160x32xf32, #tpu.memory_space<vmem>>) target_semaphore(%run_scoped3A : memref<!tpu.dma_semaphore, #tpu.memory_space<semaphore_mem>>)
      %dma_wait3A = arith.constant 0 : i32
      %dma_wait3A_86 = tpu.memref_slice %arg13[%add3A_44, %dma_wait3A] : memref<10240x32xf32, #tpu.memory_space<vmem_shared>> -> memref<160x32xf32, #tpu.memory_space<vmem_shared>>
      %dma_wait3A_87 = arith.constant 0 : i32
      %dma_wait3A_88 = tpu.memref_slice %arg13[%add3A_44, %dma_wait3A_87] : memref<10240x32xf32, #tpu.memory_space<vmem_shared>> -> memref<160x32xf32, #tpu.memory_space<vmem_shared>>
      tpu.wait_dma2 semaphore(%run_scoped3A : memref<!tpu.dma_semaphore, #tpu.memory_space<semaphore_mem>>) src(%dma_wait3A_88 : memref<160x32xf32, #tpu.memory_space<vmem_shared>>) dst(%arg12 : memref<160x32xf32, #tpu.memory_space<vmem>>)
      tpu.yield
    }) : () -> ()
    %eq3A_45 = arith.constant 0 : i32
    %eq3A_46 = arith.cmpi eq, %arg0, %eq3A_45 : i32
    %convert_element_type3A_47 = arith.extui %eq3A_46 : i1 to i32
    %cond3A_48 = arith.constant 0 : i32
    %cond3A_49 = arith.cmpi ne, %convert_element_type3A_47, %cond3A_48 : i32
    scf.if %cond3A_49 {
      "tpu.region"() ({
        %run_scoped3A = tpu.sem_alloc : memref<!tpu.dma_semaphore, #tpu.memory_space<semaphore_mem>>
        %dma_start3A = arith.constant 0 : i32
        %dma_start3A_83 = tpu.memref_slice %arg5[%add3A_44, %dma_start3A] : memref<10240x32xf32, #tpu.memory_space<hbm>> -> memref<160x32xf32, #tpu.memory_space<hbm>>
        %dma_start3A_84 = arith.constant 0 : i32
        %dma_start3A_85 = tpu.memref_slice %arg5[%add3A_44, %dma_start3A_84] : memref<10240x32xf32, #tpu.memory_space<hbm>> -> memref<160x32xf32, #tpu.memory_space<hbm>>
        tpu.enqueue_dma source(%arg12 : memref<160x32xf32, #tpu.memory_space<vmem>>) target(%dma_start3A_85 : memref<160x32xf32, #tpu.memory_space<hbm>>) target_semaphore(%run_scoped3A : memref<!tpu.dma_semaphore, #tpu.memory_space<semaphore_mem>>)
        %dma_wait3A = arith.constant 0 : i32
        %dma_wait3A_86 = tpu.memref_slice %arg5[%add3A_44, %dma_wait3A] : memref<10240x32xf32, #tpu.memory_space<hbm>> -> memref<160x32xf32, #tpu.memory_space<hbm>>
        %dma_wait3A_87 = arith.constant 0 : i32
        %dma_wait3A_88 = tpu.memref_slice %arg5[%add3A_44, %dma_wait3A_87] : memref<10240x32xf32, #tpu.memory_space<hbm>> -> memref<160x32xf32, #tpu.memory_space<hbm>>
        tpu.wait_dma2 semaphore(%run_scoped3A : memref<!tpu.dma_semaphore, #tpu.memory_space<semaphore_mem>>) src(%arg12 : memref<160x32xf32, #tpu.memory_space<vmem>>) dst(%dma_wait3A_88 : memref<160x32xf32, #tpu.memory_space<hbm>>)
        tpu.yield
      }) : () -> ()
    } else {
    }
    %eq3A_50 = arith.constant 1 : i32
    %eq3A_51 = arith.cmpi eq, %arg0, %eq3A_50 : i32
    %convert_element_type3A_52 = arith.extui %eq3A_51 : i1 to i32
    %cond3A_53 = arith.constant 0 : i32
    %cond3A_54 = arith.cmpi ne, %convert_element_type3A_52, %cond3A_53 : i32
    scf.if %cond3A_54 {
      "tpu.region"() ({
        %run_scoped3A = tpu.sem_alloc : memref<!tpu.dma_semaphore, #tpu.memory_space<semaphore_mem>>
        %dma_start3A = arith.constant 0 : i32
        %dma_start3A_83 = tpu.memref_slice %arg6[%add3A_44, %dma_start3A] : memref<10240x32xf32, #tpu.memory_space<hbm>> -> memref<160x32xf32, #tpu.memory_space<hbm>>
        %dma_start3A_84 = arith.constant 0 : i32
        %dma_start3A_85 = tpu.memref_slice %arg6[%add3A_44, %dma_start3A_84] : memref<10240x32xf32, #tpu.memory_space<hbm>> -> memref<160x32xf32, #tpu.memory_space<hbm>>
        tpu.enqueue_dma source(%arg12 : memref<160x32xf32, #tpu.memory_space<vmem>>) target(%dma_start3A_85 : memref<160x32xf32, #tpu.memory_space<hbm>>) target_semaphore(%run_scoped3A : memref<!tpu.dma_semaphore, #tpu.memory_space<semaphore_mem>>)
        %dma_wait3A = arith.constant 0 : i32
        %dma_wait3A_86 = tpu.memref_slice %arg6[%add3A_44, %dma_wait3A] : memref<10240x32xf32, #tpu.memory_space<hbm>> -> memref<160x32xf32, #tpu.memory_space<hbm>>
        %dma_wait3A_87 = arith.constant 0 : i32
        %dma_wait3A_88 = tpu.memref_slice %arg6[%add3A_44, %dma_wait3A_87] : memref<10240x32xf32, #tpu.memory_space<hbm>> -> memref<160x32xf32, #tpu.memory_space<hbm>>
        tpu.wait_dma2 semaphore(%run_scoped3A : memref<!tpu.dma_semaphore, #tpu.memory_space<semaphore_mem>>) src(%arg12 : memref<160x32xf32, #tpu.memory_space<vmem>>) dst(%dma_wait3A_88 : memref<160x32xf32, #tpu.memory_space<hbm>>)
        tpu.yield
      }) : () -> ()
    } else {
    }
    %mul3A_55 = arith.constant 640 : i32
    %mul3A_56 = arith.muli %arg1, %mul3A_55 : i32
    %add3A_57 = arith.constant 320 : i32
    %add3A_58 = arith.addi %mul3A_56, %add3A_57 : i32
    "tpu.region"() ({
      %run_scoped3A = tpu.sem_alloc : memref<!tpu.dma_semaphore, #tpu.memory_space<semaphore_mem>>
      %dma_start3A = arith.constant 0 : i32
      %dma_start3A_83 = tpu.memref_slice %arg13[%add3A_58, %dma_start3A] : memref<10240x32xf32, #tpu.memory_space<vmem_shared>> -> memref<160x32xf32, #tpu.memory_space<vmem_shared>>
      %dma_start3A_84 = arith.constant 0 : i32
      %dma_start3A_85 = tpu.memref_slice %arg13[%add3A_58, %dma_start3A_84] : memref<10240x32xf32, #tpu.memory_space<vmem_shared>> -> memref<160x32xf32, #tpu.memory_space<vmem_shared>>
      tpu.enqueue_dma source(%dma_start3A_85 : memref<160x32xf32, #tpu.memory_space<vmem_shared>>) target(%arg12 : memref<160x32xf32, #tpu.memory_space<vmem>>) target_semaphore(%run_scoped3A : memref<!tpu.dma_semaphore, #tpu.memory_space<semaphore_mem>>)
      %dma_wait3A = arith.constant 0 : i32
      %dma_wait3A_86 = tpu.memref_slice %arg13[%add3A_58, %dma_wait3A] : memref<10240x32xf32, #tpu.memory_space<vmem_shared>> -> memref<160x32xf32, #tpu.memory_space<vmem_shared>>
      %dma_wait3A_87 = arith.constant 0 : i32
      %dma_wait3A_88 = tpu.memref_slice %arg13[%add3A_58, %dma_wait3A_87] : memref<10240x32xf32, #tpu.memory_space<vmem_shared>> -> memref<160x32xf32, #tpu.memory_space<vmem_shared>>
      tpu.wait_dma2 semaphore(%run_scoped3A : memref<!tpu.dma_semaphore, #tpu.memory_space<semaphore_mem>>) src(%dma_wait3A_88 : memref<160x32xf32, #tpu.memory_space<vmem_shared>>) dst(%arg12 : memref<160x32xf32, #tpu.memory_space<vmem>>)
      tpu.yield
    }) : () -> ()
    %eq3A_59 = arith.constant 0 : i32
    %eq3A_60 = arith.cmpi eq, %arg0, %eq3A_59 : i32
    %convert_element_type3A_61 = arith.extui %eq3A_60 : i1 to i32
    %cond3A_62 = arith.constant 0 : i32
    %cond3A_63 = arith.cmpi ne, %convert_element_type3A_61, %cond3A_62 : i32
    scf.if %cond3A_63 {
      "tpu.region"() ({
        %run_scoped3A = tpu.sem_alloc : memref<!tpu.dma_semaphore, #tpu.memory_space<semaphore_mem>>
        %dma_start3A = arith.constant 0 : i32
        %dma_start3A_83 = tpu.memref_slice %arg5[%add3A_58, %dma_start3A] : memref<10240x32xf32, #tpu.memory_space<hbm>> -> memref<160x32xf32, #tpu.memory_space<hbm>>
        %dma_start3A_84 = arith.constant 0 : i32
        %dma_start3A_85 = tpu.memref_slice %arg5[%add3A_58, %dma_start3A_84] : memref<10240x32xf32, #tpu.memory_space<hbm>> -> memref<160x32xf32, #tpu.memory_space<hbm>>
        tpu.enqueue_dma source(%arg12 : memref<160x32xf32, #tpu.memory_space<vmem>>) target(%dma_start3A_85 : memref<160x32xf32, #tpu.memory_space<hbm>>) target_semaphore(%run_scoped3A : memref<!tpu.dma_semaphore, #tpu.memory_space<semaphore_mem>>)
        %dma_wait3A = arith.constant 0 : i32
        %dma_wait3A_86 = tpu.memref_slice %arg5[%add3A_58, %dma_wait3A] : memref<10240x32xf32, #tpu.memory_space<hbm>> -> memref<160x32xf32, #tpu.memory_space<hbm>>
        %dma_wait3A_87 = arith.constant 0 : i32
        %dma_wait3A_88 = tpu.memref_slice %arg5[%add3A_58, %dma_wait3A_87] : memref<10240x32xf32, #tpu.memory_space<hbm>> -> memref<160x32xf32, #tpu.memory_space<hbm>>
        tpu.wait_dma2 semaphore(%run_scoped3A : memref<!tpu.dma_semaphore, #tpu.memory_space<semaphore_mem>>) src(%arg12 : memref<160x32xf32, #tpu.memory_space<vmem>>) dst(%dma_wait3A_88 : memref<160x32xf32, #tpu.memory_space<hbm>>)
        tpu.yield
      }) : () -> ()
    } else {
    }
    %eq3A_64 = arith.constant 1 : i32
    %eq3A_65 = arith.cmpi eq, %arg0, %eq3A_64 : i32
    %convert_element_type3A_66 = arith.extui %eq3A_65 : i1 to i32
    %cond3A_67 = arith.constant 0 : i32
    %cond3A_68 = arith.cmpi ne, %convert_element_type3A_66, %cond3A_67 : i32
    scf.if %cond3A_68 {
      "tpu.region"() ({
        %run_scoped3A = tpu.sem_alloc : memref<!tpu.dma_semaphore, #tpu.memory_space<semaphore_mem>>
        %dma_start3A = arith.constant 0 : i32
        %dma_start3A_83 = tpu.memref_slice %arg6[%add3A_58, %dma_start3A] : memref<10240x32xf32, #tpu.memory_space<hbm>> -> memref<160x32xf32, #tpu.memory_space<hbm>>
        %dma_start3A_84 = arith.constant 0 : i32
        %dma_start3A_85 = tpu.memref_slice %arg6[%add3A_58, %dma_start3A_84] : memref<10240x32xf32, #tpu.memory_space<hbm>> -> memref<160x32xf32, #tpu.memory_space<hbm>>
        tpu.enqueue_dma source(%arg12 : memref<160x32xf32, #tpu.memory_space<vmem>>) target(%dma_start3A_85 : memref<160x32xf32, #tpu.memory_space<hbm>>) target_semaphore(%run_scoped3A : memref<!tpu.dma_semaphore, #tpu.memory_space<semaphore_mem>>)
        %dma_wait3A = arith.constant 0 : i32
        %dma_wait3A_86 = tpu.memref_slice %arg6[%add3A_58, %dma_wait3A] : memref<10240x32xf32, #tpu.memory_space<hbm>> -> memref<160x32xf32, #tpu.memory_space<hbm>>
        %dma_wait3A_87 = arith.constant 0 : i32
        %dma_wait3A_88 = tpu.memref_slice %arg6[%add3A_58, %dma_wait3A_87] : memref<10240x32xf32, #tpu.memory_space<hbm>> -> memref<160x32xf32, #tpu.memory_space<hbm>>
        tpu.wait_dma2 semaphore(%run_scoped3A : memref<!tpu.dma_semaphore, #tpu.memory_space<semaphore_mem>>) src(%arg12 : memref<160x32xf32, #tpu.memory_space<vmem>>) dst(%dma_wait3A_88 : memref<160x32xf32, #tpu.memory_space<hbm>>)
        tpu.yield
      }) : () -> ()
    } else {
    }
    %mul3A_69 = arith.constant 640 : i32
    %mul3A_70 = arith.muli %arg1, %mul3A_69 : i32
    %add3A_71 = arith.constant 480 : i32
    %add3A_72 = arith.addi %mul3A_70, %add3A_71 : i32
    "tpu.region"() ({
      %run_scoped3A = tpu.sem_alloc : memref<!tpu.dma_semaphore, #tpu.memory_space<semaphore_mem>>
      %dma_start3A = arith.constant 0 : i32
      %dma_start3A_83 = tpu.memref_slice %arg13[%add3A_72, %dma_start3A] : memref<10240x32xf32, #tpu.memory_space<vmem_shared>> -> memref<160x32xf32, #tpu.memory_space<vmem_shared>>
      %dma_start3A_84 = arith.constant 0 : i32
      %dma_start3A_85 = tpu.memref_slice %arg13[%add3A_72, %dma_start3A_84] : memref<10240x32xf32, #tpu.memory_space<vmem_shared>> -> memref<160x32xf32, #tpu.memory_space<vmem_shared>>
      tpu.enqueue_dma source(%dma_start3A_85 : memref<160x32xf32, #tpu.memory_space<vmem_shared>>) target(%arg12 : memref<160x32xf32, #tpu.memory_space<vmem>>) target_semaphore(%run_scoped3A : memref<!tpu.dma_semaphore, #tpu.memory_space<semaphore_mem>>)
      %dma_wait3A = arith.constant 0 : i32
      %dma_wait3A_86 = tpu.memref_slice %arg13[%add3A_72, %dma_wait3A] : memref<10240x32xf32, #tpu.memory_space<vmem_shared>> -> memref<160x32xf32, #tpu.memory_space<vmem_shared>>
      %dma_wait3A_87 = arith.constant 0 : i32
      %dma_wait3A_88 = tpu.memref_slice %arg13[%add3A_72, %dma_wait3A_87] : memref<10240x32xf32, #tpu.memory_space<vmem_shared>> -> memref<160x32xf32, #tpu.memory_space<vmem_shared>>
      tpu.wait_dma2 semaphore(%run_scoped3A : memref<!tpu.dma_semaphore, #tpu.memory_space<semaphore_mem>>) src(%dma_wait3A_88 : memref<160x32xf32, #tpu.memory_space<vmem_shared>>) dst(%arg12 : memref<160x32xf32, #tpu.memory_space<vmem>>)
      tpu.yield
    }) : () -> ()
    %eq3A_73 = arith.constant 0 : i32
    %eq3A_74 = arith.cmpi eq, %arg0, %eq3A_73 : i32
    %convert_element_type3A_75 = arith.extui %eq3A_74 : i1 to i32
    %cond3A_76 = arith.constant 0 : i32
    %cond3A_77 = arith.cmpi ne, %convert_element_type3A_75, %cond3A_76 : i32
    scf.if %cond3A_77 {
      "tpu.region"() ({
        %run_scoped3A = tpu.sem_alloc : memref<!tpu.dma_semaphore, #tpu.memory_space<semaphore_mem>>
        %dma_start3A = arith.constant 0 : i32
        %dma_start3A_83 = tpu.memref_slice %arg5[%add3A_72, %dma_start3A] : memref<10240x32xf32, #tpu.memory_space<hbm>> -> memref<160x32xf32, #tpu.memory_space<hbm>>
        %dma_start3A_84 = arith.constant 0 : i32
        %dma_start3A_85 = tpu.memref_slice %arg5[%add3A_72, %dma_start3A_84] : memref<10240x32xf32, #tpu.memory_space<hbm>> -> memref<160x32xf32, #tpu.memory_space<hbm>>
        tpu.enqueue_dma source(%arg12 : memref<160x32xf32, #tpu.memory_space<vmem>>) target(%dma_start3A_85 : memref<160x32xf32, #tpu.memory_space<hbm>>) target_semaphore(%run_scoped3A : memref<!tpu.dma_semaphore, #tpu.memory_space<semaphore_mem>>)
        %dma_wait3A = arith.constant 0 : i32
        %dma_wait3A_86 = tpu.memref_slice %arg5[%add3A_72, %dma_wait3A] : memref<10240x32xf32, #tpu.memory_space<hbm>> -> memref<160x32xf32, #tpu.memory_space<hbm>>
        %dma_wait3A_87 = arith.constant 0 : i32
        %dma_wait3A_88 = tpu.memref_slice %arg5[%add3A_72, %dma_wait3A_87] : memref<10240x32xf32, #tpu.memory_space<hbm>> -> memref<160x32xf32, #tpu.memory_space<hbm>>
        tpu.wait_dma2 semaphore(%run_scoped3A : memref<!tpu.dma_semaphore, #tpu.memory_space<semaphore_mem>>) src(%arg12 : memref<160x32xf32, #tpu.memory_space<vmem>>) dst(%dma_wait3A_88 : memref<160x32xf32, #tpu.memory_space<hbm>>)
        tpu.yield
      }) : () -> ()
    } else {
    }
    %eq3A_78 = arith.constant 1 : i32
    %eq3A_79 = arith.cmpi eq, %arg0, %eq3A_78 : i32
    %convert_element_type3A_80 = arith.extui %eq3A_79 : i1 to i32
    %cond3A_81 = arith.constant 0 : i32
    %cond3A_82 = arith.cmpi ne, %convert_element_type3A_80, %cond3A_81 : i32
    scf.if %cond3A_82 {
      "tpu.region"() ({
        %run_scoped3A = tpu.sem_alloc : memref<!tpu.dma_semaphore, #tpu.memory_space<semaphore_mem>>
        %dma_start3A = arith.constant 0 : i32
        %dma_start3A_83 = tpu.memref_slice %arg6[%add3A_72, %dma_start3A] : memref<10240x32xf32, #tpu.memory_space<hbm>> -> memref<160x32xf32, #tpu.memory_space<hbm>>
        %dma_start3A_84 = arith.constant 0 : i32
        %dma_start3A_85 = tpu.memref_slice %arg6[%add3A_72, %dma_start3A_84] : memref<10240x32xf32, #tpu.memory_space<hbm>> -> memref<160x32xf32, #tpu.memory_space<hbm>>
        tpu.enqueue_dma source(%arg12 : memref<160x32xf32, #tpu.memory_space<vmem>>) target(%dma_start3A_85 : memref<160x32xf32, #tpu.memory_space<hbm>>) target_semaphore(%run_scoped3A : memref<!tpu.dma_semaphore, #tpu.memory_space<semaphore_mem>>)
        %dma_wait3A = arith.constant 0 : i32
        %dma_wait3A_86 = tpu.memref_slice %arg6[%add3A_72, %dma_wait3A] : memref<10240x32xf32, #tpu.memory_space<hbm>> -> memref<160x32xf32, #tpu.memory_space<hbm>>
        %dma_wait3A_87 = arith.constant 0 : i32
        %dma_wait3A_88 = tpu.memref_slice %arg6[%add3A_72, %dma_wait3A_87] : memref<10240x32xf32, #tpu.memory_space<hbm>> -> memref<160x32xf32, #tpu.memory_space<hbm>>
        tpu.wait_dma2 semaphore(%run_scoped3A : memref<!tpu.dma_semaphore, #tpu.memory_space<semaphore_mem>>) src(%arg12 : memref<160x32xf32, #tpu.memory_space<vmem>>) dst(%dma_wait3A_88 : memref<160x32xf32, #tpu.memory_space<hbm>>)
        tpu.yield
      }) : () -> ()
    } else {
    }
    return
  }
}

module attributes {stable_mosaic.version = 14 : i64} {
  func.func @body(%arg0: i32, %arg1: memref<5120x16xf32, #tpu.memory_space<vmem>>, %arg2: memref<5120x16xf32, #tpu.memory_space<vmem>>, %arg3: memref<5120x128xf32, #tpu.memory_space<vmem>>, %arg4: memref<128x64xf32, #tpu.memory_space<vmem>>, %arg5: memref<5120x64xf32, #tpu.memory_space<vmem>>, %arg6: memref<5120x1xf32, #tpu.memory_space<vmem>>) attributes {dimension_semantics = [#tpu.dimension_semantics<arbitrary>], iteration_bounds = array<i64: 2>, scalar_prefetch = 0 : i64, scratch_operands = 0 : i64, tpu.core_type = #tpu.core_type<tc>, window_params = [{transform_indices = @transform_0, window_bounds = array<i64: 5120, 16>}, {transform_indices = @transform_1, window_bounds = array<i64: 5120, 16>}, {transform_indices = @transform_2, window_bounds = array<i64: 5120, 128>}, {pipeline_mode = #tpu.pipeline_mode<synchronous>, transform_indices = @transform_3, window_bounds = array<i64: 128, 64>}, {transform_indices = @transform_4, window_bounds = array<i64: 5120, 64>}, {transform_indices = @transform_5, window_bounds = array<i64: 5120, 1>}]} {
    %get3A = arith.constant 0 : index
    %get3A_0 = arith.constant 0 : index
    %get3A_1 = vector.load %arg1[%get3A, %get3A_0] : memref<5120x16xf32, #tpu.memory_space<vmem>>, vector<5120x1xf32>
    %get3A_2 = arith.constant 0 : index
    %get3A_3 = arith.constant 0 : index
    %get3A_4 = vector.load %arg2[%get3A_2, %get3A_3] : memref<5120x16xf32, #tpu.memory_space<vmem>>, vector<5120x1xf32>
    %add3A = arith.addf %get3A_1, %get3A_4 : vector<5120x1xf32>
    %add3A_5 = arith.constant 1.000000e+00 : f32
    %add3A_6 = vector.broadcast %add3A_5 : f32 to vector<5120x1xf32>
    %add3A_7 = arith.addf %add3A, %add3A_6 : vector<5120x1xf32>
    %gt3A = arith.constant 0.000000e+00 : f32
    %gt3A_8 = vector.broadcast %gt3A : f32 to vector<5120x1xf32>
    %gt3A_9 = arith.cmpf ogt, %add3A_7, %gt3A_8 : vector<5120x1xf32>
    %rsqrt3A = math.rsqrt %add3A_7 : vector<5120x1xf32>
    %jit3A = arith.constant 0.000000e+00 : f32
    %broadcast_in_dim3A = vector.broadcast %jit3A : f32 to vector<5120x1xf32>
    %select_n3A = arith.select %gt3A_9, %rsqrt3A, %broadcast_in_dim3A : vector<5120x1xi1>, vector<5120x1xf32>
    %get3A_10 = arith.constant 0 : index
    %get3A_11 = arith.constant 0 : index
    %get3A_12 = vector.load %arg3[%get3A_10, %get3A_11] : memref<5120x128xf32, #tpu.memory_space<vmem>>, vector<5120x128xf32>
    %get3A_13 = arith.constant 0 : index
    %get3A_14 = arith.constant 0 : index
    %get3A_15 = vector.load %arg4[%get3A_13, %get3A_14] : memref<128x64xf32, #tpu.memory_space<vmem>>, vector<128x64xf32>
    %dot_general3A = arith.constant dense<0.000000e+00> : vector<5120x64xf32>
    %dot_general3A_16 = tpu.matmul %get3A_12, %get3A_15, %dot_general3A {dimension_numbers = #tpu.dot_dimension_numbers<[1], [0], [0], [1], [0, 0, 1, 1], [], []>, transpose_lhs_hint = false} : vector<5120x128xf32>, vector<128x64xf32>, vector<5120x64xf32> -> vector<5120x64xf32>
    %mul3A = vector.broadcast %select_n3A : vector<5120x1xf32> to vector<5120x64xf32>
    %mul3A_17 = arith.mulf %dot_general3A_16, %mul3A : vector<5120x64xf32>
    %swap3A = arith.constant 0 : index
    %swap3A_18 = arith.constant 0 : index
    %swap3A_19 = vector.load %arg5[%swap3A, %swap3A_18] : memref<5120x64xf32, #tpu.memory_space<vmem>>, vector<5120x64xf32>
    tpu.vector_store %arg5[%swap3A, %swap3A_18], %mul3A_17 {strides = array<i32>} : memref<5120x64xf32, #tpu.memory_space<vmem>>, vector<5120x64xf32>,
    %swap3A_20 = arith.constant 0 : index
    %swap3A_21 = arith.constant 0 : index
    %swap3A_22 = vector.load %arg6[%swap3A_20, %swap3A_21] : memref<5120x1xf32, #tpu.memory_space<vmem>>, vector<5120x1xf32>
    tpu.vector_store %arg6[%swap3A_20, %swap3A_21], %select_n3A {strides = array<i32>} : memref<5120x1xf32, #tpu.memory_space<vmem>>, vector<5120x1xf32>,
    return
  }
  func.func @transform_0(%arg0: i32) -> (i32, i32) {
    %c0_i32 = arith.constant 0 : i32
    %c0_i32_0 = arith.constant 0 : i32
    return %arg0, %c0_i32 : i32, i32
  }
  func.func @transform_1(%arg0: i32) -> (i32, i32) {
    %c0_i32 = arith.constant 0 : i32
    %c0_i32_0 = arith.constant 0 : i32
    return %arg0, %c0_i32 : i32, i32
  }
  func.func @transform_2(%arg0: i32) -> (i32, i32) {
    %c0_i32 = arith.constant 0 : i32
    %c0_i32_0 = arith.constant 0 : i32
    return %arg0, %c0_i32 : i32, i32
  }
  func.func @transform_3(%arg0: i32) -> (i32, i32) {
    %c0_i32 = arith.constant 0 : i32
    %c0_i32_0 = arith.constant 0 : i32
    %c0_i32_1 = arith.constant 0 : i32
    return %c0_i32, %c0_i32_0 : i32, i32
  }
  func.func @transform_4(%arg0: i32) -> (i32, i32) {
    %c0_i32 = arith.constant 0 : i32
    %c0_i32_0 = arith.constant 0 : i32
    return %arg0, %c0_i32 : i32, i32
  }
  func.func @transform_5(%arg0: i32) -> (i32, i32) {
    %c0_i32 = arith.constant 0 : i32
    %c0_i32_0 = arith.constant 0 : i32
    return %arg0, %c0_i32 : i32, i32
  }
}

module attributes {stable_mosaic.version = 14 : i64} {
  func.func @body(%arg0: i32, %arg1: memref<5120x64xf32, #tpu.memory_space<vmem>>, %arg2: memref<5120x64xf32, #tpu.memory_space<vmem>>, %arg3: memref<5120x64xf32, #tpu.memory_space<vmem>>, %arg4: memref<5120x1xf32, #tpu.memory_space<vmem>>, %arg5: memref<1x64xf32, #tpu.memory_space<vmem>>, %arg6: memref<64x32xf32, #tpu.memory_space<vmem>>, %arg7: memref<5120x32xf32, #tpu.memory_space<vmem>>) attributes {dimension_semantics = [#tpu.dimension_semantics<arbitrary>], iteration_bounds = array<i64: 2>, scalar_prefetch = 0 : i64, scratch_operands = 0 : i64, tpu.core_type = #tpu.core_type<tc>, window_params = [{transform_indices = @transform_0, window_bounds = array<i64: 5120, 64>}, {transform_indices = @transform_1, window_bounds = array<i64: 5120, 64>}, {transform_indices = @transform_2, window_bounds = array<i64: 5120, 64>}, {transform_indices = @transform_3, window_bounds = array<i64: 5120, 1>}, {pipeline_mode = #tpu.pipeline_mode<synchronous>, transform_indices = @transform_4, window_bounds = array<i64: 1, 64>}, {pipeline_mode = #tpu.pipeline_mode<synchronous>, transform_indices = @transform_5, window_bounds = array<i64: 64, 32>}, {transform_indices = @transform_6, window_bounds = array<i64: 5120, 32>}]} {
    %get3A = arith.constant 0 : index
    %get3A_0 = arith.constant 0 : index
    %get3A_1 = vector.load %arg1[%get3A, %get3A_0] : memref<5120x64xf32, #tpu.memory_space<vmem>>, vector<5120x64xf32>
    %get3A_2 = arith.constant 0 : index
    %get3A_3 = arith.constant 0 : index
    %get3A_4 = vector.load %arg2[%get3A_2, %get3A_3] : memref<5120x64xf32, #tpu.memory_space<vmem>>, vector<5120x64xf32>
    %add3A = arith.addf %get3A_1, %get3A_4 : vector<5120x64xf32>
    %get3A_5 = arith.constant 0 : index
    %get3A_6 = arith.constant 0 : index
    %get3A_7 = vector.load %arg3[%get3A_5, %get3A_6] : memref<5120x64xf32, #tpu.memory_space<vmem>>, vector<5120x64xf32>
    %add3A_8 = arith.addf %add3A, %get3A_7 : vector<5120x64xf32>
    %get3A_9 = arith.constant 0 : index
    %get3A_10 = arith.constant 0 : index
    %get3A_11 = vector.load %arg4[%get3A_9, %get3A_10] : memref<5120x1xf32, #tpu.memory_space<vmem>>, vector<5120x1xf32>
    %mul3A = vector.broadcast %get3A_11 : vector<5120x1xf32> to vector<5120x64xf32>
    %mul3A_12 = arith.mulf %mul3A, %add3A_8 : vector<5120x64xf32>
    %get3A_13 = arith.constant 0 : index
    %get3A_14 = arith.constant 0 : index
    %get3A_15 = vector.load %arg5[%get3A_13, %get3A_14] : memref<1x64xf32, #tpu.memory_space<vmem>>, vector<1x64xf32>
    %add3A_16 = vector.broadcast %get3A_15 : vector<1x64xf32> to vector<5120x64xf32>
    %add3A_17 = arith.addf %mul3A_12, %add3A_16 : vector<5120x64xf32>
    %max3A = arith.constant 0.000000e+00 : f32
    %max3A_18 = vector.broadcast %max3A : f32 to vector<5120x64xf32>
    %max3A_19 = arith.maximumf %add3A_17, %max3A_18 : vector<5120x64xf32>
    %mul3A_20 = vector.broadcast %get3A_11 : vector<5120x1xf32> to vector<5120x64xf32>
    %mul3A_21 = arith.mulf %mul3A_20, %max3A_19 : vector<5120x64xf32>
    %get3A_22 = arith.constant 0 : index
    %get3A_23 = arith.constant 0 : index
    %get3A_24 = vector.load %arg6[%get3A_22, %get3A_23] : memref<64x32xf32, #tpu.memory_space<vmem>>, vector<64x32xf32>
    %dot_general3A = arith.constant dense<0.000000e+00> : vector<5120x32xf32>
    %dot_general3A_25 = tpu.matmul %mul3A_21, %get3A_24, %dot_general3A {dimension_numbers = #tpu.dot_dimension_numbers<[1], [0], [0], [1], [0, 0, 1, 1], [], []>, transpose_lhs_hint = false} : vector<5120x64xf32>, vector<64x32xf32>, vector<5120x32xf32> -> vector<5120x32xf32>
    %swap3A = arith.constant 0 : index
    %swap3A_26 = arith.constant 0 : index
    %swap3A_27 = vector.load %arg7[%swap3A, %swap3A_26] : memref<5120x32xf32, #tpu.memory_space<vmem>>, vector<5120x32xf32>
    tpu.vector_store %arg7[%swap3A, %swap3A_26], %dot_general3A_25 {strides = array<i32>} : memref<5120x32xf32, #tpu.memory_space<vmem>>, vector<5120x32xf32>,
    return
  }
  func.func @transform_0(%arg0: i32) -> (i32, i32) {
    %c0_i32 = arith.constant 0 : i32
    %c0_i32_0 = arith.constant 0 : i32
    return %arg0, %c0_i32 : i32, i32
  }
  func.func @transform_1(%arg0: i32) -> (i32, i32) {
    %c0_i32 = arith.constant 0 : i32
    %c0_i32_0 = arith.constant 0 : i32
    return %arg0, %c0_i32 : i32, i32
  }
  func.func @transform_2(%arg0: i32) -> (i32, i32) {
    %c0_i32 = arith.constant 0 : i32
    %c0_i32_0 = arith.constant 0 : i32
    return %arg0, %c0_i32 : i32, i32
  }
  func.func @transform_3(%arg0: i32) -> (i32, i32) {
    %c0_i32 = arith.constant 0 : i32
    %c0_i32_0 = arith.constant 0 : i32
    return %arg0, %c0_i32 : i32, i32
  }
  func.func @transform_4(%arg0: i32) -> (i32, i32) {
    %c0_i32 = arith.constant 0 : i32
    %c0_i32_0 = arith.constant 0 : i32
    %c0_i32_1 = arith.constant 0 : i32
    return %c0_i32, %c0_i32_0 : i32, i32
  }
  func.func @transform_5(%arg0: i32) -> (i32, i32) {
    %c0_i32 = arith.constant 0 : i32
    %c0_i32_0 = arith.constant 0 : i32
    %c0_i32_1 = arith.constant 0 : i32
    return %c0_i32, %c0_i32_0 : i32, i32
  }
  func.func @transform_6(%arg0: i32) -> (i32, i32) {
    %c0_i32 = arith.constant 0 : i32
    %c0_i32_0 = arith.constant 0 : i32
    return %arg0, %c0_i32 : i32, i32
  }
}

module attributes {stable_mosaic.version = 14 : i64} {
  func.func @body(%arg0: i32, %arg1: memref<5120x32xf32, #tpu.memory_space<vmem>>, %arg2: memref<5120x32xf32, #tpu.memory_space<vmem>>, %arg3: memref<5120x32xf32, #tpu.memory_space<vmem>>, %arg4: memref<5120x1xf32, #tpu.memory_space<vmem>>, %arg5: memref<1x32xf32, #tpu.memory_space<vmem>>, %arg6: memref<32x16xf32, #tpu.memory_space<vmem>>, %arg7: memref<5120x16xf32, #tpu.memory_space<vmem>>) attributes {dimension_semantics = [#tpu.dimension_semantics<arbitrary>], iteration_bounds = array<i64: 2>, scalar_prefetch = 0 : i64, scratch_operands = 0 : i64, tpu.core_type = #tpu.core_type<tc>, window_params = [{transform_indices = @transform_0, window_bounds = array<i64: 5120, 32>}, {transform_indices = @transform_1, window_bounds = array<i64: 5120, 32>}, {transform_indices = @transform_2, window_bounds = array<i64: 5120, 32>}, {transform_indices = @transform_3, window_bounds = array<i64: 5120, 1>}, {pipeline_mode = #tpu.pipeline_mode<synchronous>, transform_indices = @transform_4, window_bounds = array<i64: 1, 32>}, {pipeline_mode = #tpu.pipeline_mode<synchronous>, transform_indices = @transform_5, window_bounds = array<i64: 32, 16>}, {transform_indices = @transform_6, window_bounds = array<i64: 5120, 16>}]} {
    %get3A = arith.constant 0 : index
    %get3A_0 = arith.constant 0 : index
    %get3A_1 = vector.load %arg1[%get3A, %get3A_0] : memref<5120x32xf32, #tpu.memory_space<vmem>>, vector<5120x32xf32>
    %get3A_2 = arith.constant 0 : index
    %get3A_3 = arith.constant 0 : index
    %get3A_4 = vector.load %arg2[%get3A_2, %get3A_3] : memref<5120x32xf32, #tpu.memory_space<vmem>>, vector<5120x32xf32>
    %add3A = arith.addf %get3A_1, %get3A_4 : vector<5120x32xf32>
    %get3A_5 = arith.constant 0 : index
    %get3A_6 = arith.constant 0 : index
    %get3A_7 = vector.load %arg3[%get3A_5, %get3A_6] : memref<5120x32xf32, #tpu.memory_space<vmem>>, vector<5120x32xf32>
    %add3A_8 = arith.addf %add3A, %get3A_7 : vector<5120x32xf32>
    %get3A_9 = arith.constant 0 : index
    %get3A_10 = arith.constant 0 : index
    %get3A_11 = vector.load %arg4[%get3A_9, %get3A_10] : memref<5120x1xf32, #tpu.memory_space<vmem>>, vector<5120x1xf32>
    %mul3A = vector.broadcast %get3A_11 : vector<5120x1xf32> to vector<5120x32xf32>
    %mul3A_12 = arith.mulf %mul3A, %add3A_8 : vector<5120x32xf32>
    %get3A_13 = arith.constant 0 : index
    %get3A_14 = arith.constant 0 : index
    %get3A_15 = vector.load %arg5[%get3A_13, %get3A_14] : memref<1x32xf32, #tpu.memory_space<vmem>>, vector<1x32xf32>
    %add3A_16 = vector.broadcast %get3A_15 : vector<1x32xf32> to vector<5120x32xf32>
    %add3A_17 = arith.addf %mul3A_12, %add3A_16 : vector<5120x32xf32>
    %max3A = arith.constant 0.000000e+00 : f32
    %max3A_18 = vector.broadcast %max3A : f32 to vector<5120x32xf32>
    %max3A_19 = arith.maximumf %add3A_17, %max3A_18 : vector<5120x32xf32>
    %mul3A_20 = vector.broadcast %get3A_11 : vector<5120x1xf32> to vector<5120x32xf32>
    %mul3A_21 = arith.mulf %mul3A_20, %max3A_19 : vector<5120x32xf32>
    %get3A_22 = arith.constant 0 : index
    %get3A_23 = arith.constant 0 : index
    %get3A_24 = vector.load %arg6[%get3A_22, %get3A_23] : memref<32x16xf32, #tpu.memory_space<vmem>>, vector<32x16xf32>
    %dot_general3A = arith.constant dense<0.000000e+00> : vector<5120x16xf32>
    %dot_general3A_25 = tpu.matmul %mul3A_21, %get3A_24, %dot_general3A {dimension_numbers = #tpu.dot_dimension_numbers<[1], [0], [0], [1], [0, 0, 1, 1], [], []>, transpose_lhs_hint = false} : vector<5120x32xf32>, vector<32x16xf32>, vector<5120x16xf32> -> vector<5120x16xf32>
    %swap3A = arith.constant 0 : index
    %swap3A_26 = arith.constant 0 : index
    %swap3A_27 = vector.load %arg7[%swap3A, %swap3A_26] : memref<5120x16xf32, #tpu.memory_space<vmem>>, vector<5120x16xf32>
    tpu.vector_store %arg7[%swap3A, %swap3A_26], %dot_general3A_25 {strides = array<i32>} : memref<5120x16xf32, #tpu.memory_space<vmem>>, vector<5120x16xf32>,
    return
  }
  func.func @transform_0(%arg0: i32) -> (i32, i32) {
    %c0_i32 = arith.constant 0 : i32
    %c0_i32_0 = arith.constant 0 : i32
    return %arg0, %c0_i32 : i32, i32
  }
  func.func @transform_1(%arg0: i32) -> (i32, i32) {
    %c0_i32 = arith.constant 0 : i32
    %c0_i32_0 = arith.constant 0 : i32
    return %arg0, %c0_i32 : i32, i32
  }
  func.func @transform_2(%arg0: i32) -> (i32, i32) {
    %c0_i32 = arith.constant 0 : i32
    %c0_i32_0 = arith.constant 0 : i32
    return %arg0, %c0_i32 : i32, i32
  }
  func.func @transform_3(%arg0: i32) -> (i32, i32) {
    %c0_i32 = arith.constant 0 : i32
    %c0_i32_0 = arith.constant 0 : i32
    return %arg0, %c0_i32 : i32, i32
  }
  func.func @transform_4(%arg0: i32) -> (i32, i32) {
    %c0_i32 = arith.constant 0 : i32
    %c0_i32_0 = arith.constant 0 : i32
    %c0_i32_1 = arith.constant 0 : i32
    return %c0_i32, %c0_i32_0 : i32, i32
  }
  func.func @transform_5(%arg0: i32) -> (i32, i32) {
    %c0_i32 = arith.constant 0 : i32
    %c0_i32_0 = arith.constant 0 : i32
    %c0_i32_1 = arith.constant 0 : i32
    return %c0_i32, %c0_i32_0 : i32, i32
  }
  func.func @transform_6(%arg0: i32) -> (i32, i32) {
    %c0_i32 = arith.constant 0 : i32
    %c0_i32_0 = arith.constant 0 : i32
    return %arg0, %c0_i32 : i32, i32
  }
}

module attributes {stable_mosaic.version = 14 : i64} {
  func.func @body(%arg0: i32, %arg1: memref<5120x16xf32, #tpu.memory_space<vmem>>, %arg2: memref<5120x16xf32, #tpu.memory_space<vmem>>, %arg3: memref<5120x16xf32, #tpu.memory_space<vmem>>, %arg4: memref<5120x1xf32, #tpu.memory_space<vmem>>, %arg5: memref<1x4xf32, #tpu.memory_space<vmem>>, %arg6: memref<5120x4xf32, #tpu.memory_space<vmem>>) attributes {dimension_semantics = [#tpu.dimension_semantics<arbitrary>], iteration_bounds = array<i64: 2>, scalar_prefetch = 0 : i64, scratch_operands = 0 : i64, tpu.core_type = #tpu.core_type<tc>, window_params = [{transform_indices = @transform_0, window_bounds = array<i64: 5120, 16>}, {transform_indices = @transform_1, window_bounds = array<i64: 5120, 16>}, {transform_indices = @transform_2, window_bounds = array<i64: 5120, 16>}, {transform_indices = @transform_3, window_bounds = array<i64: 5120, 1>}, {pipeline_mode = #tpu.pipeline_mode<synchronous>, transform_indices = @transform_4, window_bounds = array<i64: 1, 4>}, {transform_indices = @transform_5, window_bounds = array<i64: 5120, 4>}]} {
    %get3A = arith.constant 0 : index
    %get3A_0 = arith.constant 0 : index
    %get3A_1 = vector.load %arg1[%get3A, %get3A_0] : memref<5120x16xf32, #tpu.memory_space<vmem>>, vector<5120x16xf32>
    %get3A_2 = arith.constant 0 : index
    %get3A_3 = arith.constant 0 : index
    %get3A_4 = vector.load %arg2[%get3A_2, %get3A_3] : memref<5120x16xf32, #tpu.memory_space<vmem>>, vector<5120x16xf32>
    %add3A = arith.addf %get3A_1, %get3A_4 : vector<5120x16xf32>
    %get3A_5 = arith.constant 0 : index
    %get3A_6 = arith.constant 0 : index
    %get3A_7 = vector.load %arg3[%get3A_5, %get3A_6] : memref<5120x16xf32, #tpu.memory_space<vmem>>, vector<5120x16xf32>
    %add3A_8 = arith.addf %add3A, %get3A_7 : vector<5120x16xf32>
    %get3A_9 = arith.constant 0 : index
    %get3A_10 = arith.constant 0 : index
    %get3A_11 = vector.load %arg4[%get3A_9, %get3A_10] : memref<5120x1xf32, #tpu.memory_space<vmem>>, vector<5120x1xf32>
    %mul3A = vector.broadcast %get3A_11 : vector<5120x1xf32> to vector<5120x16xf32>
    %mul3A_12 = arith.mulf %mul3A, %add3A_8 : vector<5120x16xf32>
    %slice3A = vector.extract_strided_slice %mul3A_12 {offsets = [0, 0], sizes = [5120, 4], strides = [1, 1]} : vector<5120x16xf32> to vector<5120x4xf32>
    %get3A_13 = arith.constant 0 : index
    %get3A_14 = arith.constant 0 : index
    %get3A_15 = vector.load %arg5[%get3A_13, %get3A_14] : memref<1x4xf32, #tpu.memory_space<vmem>>, vector<1x4xf32>
    %add3A_16 = vector.broadcast %get3A_15 : vector<1x4xf32> to vector<5120x4xf32>
    %add3A_17 = arith.addf %slice3A, %add3A_16 : vector<5120x4xf32>
    %swap3A = arith.constant 0 : index
    %swap3A_18 = arith.constant 0 : index
    %swap3A_19 = vector.load %arg6[%swap3A, %swap3A_18] : memref<5120x4xf32, #tpu.memory_space<vmem>>, vector<5120x4xf32>
    tpu.vector_store %arg6[%swap3A, %swap3A_18], %add3A_17 {strides = array<i32>} : memref<5120x4xf32, #tpu.memory_space<vmem>>, vector<5120x4xf32>,
    return
  }
  func.func @transform_0(%arg0: i32) -> (i32, i32) {
    %c0_i32 = arith.constant 0 : i32
    %c0_i32_0 = arith.constant 0 : i32
    return %arg0, %c0_i32 : i32, i32
  }
  func.func @transform_1(%arg0: i32) -> (i32, i32) {
    %c0_i32 = arith.constant 0 : i32
    %c0_i32_0 = arith.constant 0 : i32
    return %arg0, %c0_i32 : i32, i32
  }
  func.func @transform_2(%arg0: i32) -> (i32, i32) {
    %c0_i32 = arith.constant 0 : i32
    %c0_i32_0 = arith.constant 0 : i32
    return %arg0, %c0_i32 : i32, i32
  }
  func.func @transform_3(%arg0: i32) -> (i32, i32) {
    %c0_i32 = arith.constant 0 : i32
    %c0_i32_0 = arith.constant 0 : i32
    return %arg0, %c0_i32 : i32, i32
  }
  func.func @transform_4(%arg0: i32) -> (i32, i32) {
    %c0_i32 = arith.constant 0 : i32
    %c0_i32_0 = arith.constant 0 : i32
    %c0_i32_1 = arith.constant 0 : i32
    return %c0_i32, %c0_i32_0 : i32, i32
  }
  func.func @transform_5(%arg0: i32) -> (i32, i32) {
    %c0_i32 = arith.constant 0 : i32
    %c0_i32_0 = arith.constant 0 : i32
    return %arg0, %c0_i32 : i32, i32
  }
}

</mosaic_0001>

<sc_bundles>
// kernel: kernel.10.cloned.1.call-start
scs
__scs_entry_jumppad:
0x0: {  	(pc) =	sbr.rel $0x88, $3  }
0x1: {  	(tag) =	ssettag $0x0;
	lr =	simm.s32 $0x1  }
0x2: {  	[smem:$0x3F99] =	sst lr;
	_ =	strace $0xD0000000  }
0x3: {  	_ = 	snop  }
0x4: {  	_ = 	snop  }
0x5: {  	_ = 	snop  }
0x6: {  	_ = 	snop  }
0x7: {  	_ = 	snop  }
__scs_overlays_trampoline_lowered:
0x8: {  	[smem:$0x3FA8] =	sst s0  }
0x9: {  	[smem:$0x3FA9] =	sst s1  }
0xa: {  	[smem:$0x3FAA] =	sst s2  }
0xb: {  	[smem:$0x3FAB] =	sst s3  }
0xc: {  	[smem:$0x3FAC] =	sst s4  }
0xd: {  	[smem:$0x3FAD] =	sst s5  }
0xe: {  	[smem:$0x3FAE] =	sst s6  }
0xf: {  	[smem:$0x3FAF] =	sst s7  }
0x10: {  	[smem:$0x3FB0] =	sst s8  }
0x11: {  	[smem:$0x3FB1] =	sst s9;
	s0 =	simm.s32 @!p0 $0x0  }
0x12: {  	s1 =	sld [smem:$0x3F97];
	s0 =	simm.s32 @p0 $0x1  }
0x13: {  	[smem:$0x3FB2] =	sst s0;
	s0 =	simm.s32 @!p1 $0x0  }
0x14: {  	s2 =	sld [smem:$0x3F96];
	s0 =	simm.s32 @p1 $0x1  }
0x15: {  	[smem:$0x3FB3] =	sst s0;
	s0 =	simm.s32 @!p2 $0x0  }
0x16: {  	s3 =	sld [smem:$0x3FDB];
	s0 =	simm.s32 @p2 $0x1  }
0x17: {  	s4 =	simm.s32 $0x1BF5;
	[smem:$0x3FB5] =	sst s0  }
0x18: {  	s0 =	sld [smem:$0x3F98];
	_ =	swait.ge [sflag:s4], $0x0  }
0x19: {  	s7 =	sld [smem:$0x3F99]  }
0x1a: {  	s8 =	sadd.s32 $0xFFFFE003, lr  }
0x1b: {  	s9 =	sadd.s32 $0xFFFFFEF7, lr;
	s5 =	simm.s32 $0xFFFFFFFF;
	p2 =	slt.u32 s8, $0xFFFFF086  }
0x1c: {  	p1 =	slt.u32 s9, $0xF7A;
	s5 =	simm.s32 @!p2 $0x0  }
0x1d: {  	s5 =	simm.s32 @p1 $0x1;
	p0 =	seq.s32 s7, s2  }
0x1e: {  	s7 =	smul.u32 @!p0 $0xF7A, s2;
	p2 =	seq.s32 @!p0 s5, $0x0  }
0x1f: {  	s9 =	smul.u32 $0xF7A, s1;
	s8 =	simm.s32 @!p0 $0x1BF5;
	p2 =	por !p2, p0  }
0x20: {  	[sflag:s8] =	ssyncset.s32 @!p0 $0xFFFFF086;
	s6 =	sadd.s32 @!p0 s3, s7;
	s7 =	simm.s32 @!p0 $0x108  }
0x21: {  	s3 =	sadd.s32 s3, s9;
	s6 =	sadd.s32 @!p0 $0x88, s6;
	s7 =	simm.s32 @p2 $0x1082  }
0x22: {  	[simem:s7], [sflag:s8] =	dma.local @!p0 [hbm:s6], $0xF7A  }
0x23: {  	s9 =	sor.u32 $0xD0000000, s2;
	s6 =	simm.s32 $0x108;
	_ =	swait.ge @!p0 [sflag:s8], $0x0  }
0x24: {  	s3 =	sadd.s32 $0x88, s3;
	s6 =	simm.s32 @!p1 $0x1082;
	[sflag:s4] =	ssyncset.s32 $0xFFFFF086  }
0x25: {  	[simem:s6], [sflag:s4] =	dma.local [hbm:s3], $0xF7A  }
0x26: {  	[smem:$0x3F99] =	sst s1;
	(tag) =	ssettag s2;
	_ =	strace s9  }
0x27: {  	s1 =	sld [smem:$0x3FA9]  }
0x28: {  	s2 =	sld [smem:$0x3FAA]  }
0x29: {  	s4 =	sld [smem:$0x3FAC]  }
0x2a: {  	p0 =	seq.s32 s5, $0x0;
	s5 =	sld [smem:$0x3FAD]  }
0x2b: {  	s6 =	sld [smem:$0x3FAE]  }
0x2c: {  	s7 =	sld [smem:$0x3FAF]  }
0x2d: {  	s3 =	simm.s32 $0x108;
	s8 =	sld [smem:$0x3FB0]  }
0x2e: {  	s3 =	simm.s32 @!p0 $0x1082;
	s9 =	sld [smem:$0x3FB1]  }
0x2f: {  	lr =	sadd.s32 s0, s3;
	s0 =	sld [smem:$0x3FA8]  }
0x30: {  	s3 =	sld [smem:$0x3FAB]  }
0x31: {  	[smem:$0x3FB4] =	sst s10  }
0x32: {  	s10 =	sld [smem:$0x3FB2];
	_ =	sdelay $0x3  }
0x33: {  	p0 =	seq.s32 s10, $0x1;
	s10 =	sld [smem:$0x3FB4];
	_ =	sdelay $0x3  }
0x34: {  	[smem:$0x3FB4] =	sst s10  }
0x35: {  	s10 =	sld [smem:$0x3FB3];
	_ =	sdelay $0x3  }
0x36: {  	p1 =	seq.s32 s10, $0x1;
	s10 =	sld [smem:$0x3FB4];
	_ =	sdelay $0x3  }
0x37: {  	[smem:$0x3FB4] =	sst s10  }
0x38: {  	s10 =	sld [smem:$0x3FB5]  }
0x39: {  	_ = 	snop;
	(pc) =	sbr.ind lr, $3  }
0x3a: {  	_ = 	snop  }
0x3b: {  	_ = 	snop  }
0x3c: {  	p2 =	seq.s32 s10, $0x1;
	s10 =	sld [smem:$0x3FB4]  }
0x3d: {  	_ =	shalt  }
0x3e: {  	_ =	shalt  }
0x3f: {  	_ =	shalt  }
0x40: {  	_ =	shalt  }
0x41: {  	_ =	shalt  }
0x42: {  	_ =	shalt  }
0x43: {  	_ =	shalt  }
0x44: {  	_ =	shalt  }
0x45: {  	_ =	shalt  }
0x46: {  	_ =	shalt  }
0x47: {  	_ =	shalt  }
0x48: {  	_ =	shalt  }
0x49: {  	_ =	shalt  }
0x4a: {  	_ =	shalt  }
0x4b: {  	_ =	shalt  }
0x4c: {  	_ =	shalt  }
0x4d: {  	_ =	shalt  }
0x4e: {  	_ =	shalt  }
0x4f: {  	_ =	shalt  }
0x50: {  	_ =	shalt  }
0x51: {  	_ =	shalt  }
0x52: {  	_ =	shalt  }
0x53: {  	_ =	shalt  }
0x54: {  	_ =	shalt  }
0x55: {  	_ =	shalt  }
0x56: {  	_ =	shalt  }
0x57: {  	_ =	shalt  }
0x58: {  	_ =	shalt  }
0x59: {  	_ =	shalt  }
0x5a: {  	_ =	shalt  }
0x5b: {  	_ =	shalt  }
0x5c: {  	_ =	shalt  }
0x5d: {  	_ =	shalt  }
0x5e: {  	_ =	shalt  }
0x5f: {  	_ =	shalt  }
0x60: {  	_ =	shalt  }
0x61: {  	_ =	shalt  }
0x62: {  	_ =	shalt  }
0x63: {  	_ =	shalt  }
0x64: {  	_ =	shalt  }
0x65: {  	_ =	shalt  }
0x66: {  	_ =	shalt  }
0x67: {  	_ =	shalt  }
0x68: {  	_ =	shalt  }
0x69: {  	_ =	shalt  }
0x6a: {  	_ =	shalt  }
0x6b: {  	_ =	shalt  }
0x6c: {  	_ =	shalt  }
0x6d: {  	_ =	shalt  }
0x6e: {  	_ =	shalt  }
0x6f: {  	_ =	shalt  }
0x70: {  	_ =	shalt  }
0x71: {  	_ =	shalt  }
0x72: {  	_ =	shalt  }
0x73: {  	_ =	shalt  }
0x74: {  	_ =	shalt  }
0x75: {  	_ =	shalt  }
0x76: {  	_ =	shalt  }
0x77: {  	_ =	shalt  }
0x78: {  	_ =	shalt  }
0x79: {  	_ =	shalt  }
0x7a: {  	_ =	shalt  }
0x7b: {  	_ =	shalt  }
0x7c: {  	_ =	shalt  }
0x7d: {  	_ =	shalt  }
0x7e: {  	_ =	shalt  }
0x7f: {  	_ =	shalt  }
0x80: {  	_ =	shalt  }
0x81: {  	_ =	shalt  }
0x82: {  	_ =	shalt  }
0x83: {  	_ =	shalt  }
0x84: {  	_ =	shalt  }
0x85: {  	_ =	shalt  }
0x86: {  	_ =	shalt  }
0x87: {  	_ =	shalt  }
.Lfunc_end0:
.L_simem_size_0:
called_computation_lowered:
.L_overlay_start_0:
0x88: {  	s2 =	sld [smem:$0x3FD9]  }
0x89: {  	s3 =	sld [smem:$0x3FFE];
	_ =	sdelay $0x1  }
0x8a: {  	s1 =	srdreg.scid  }
0x8b: {  	s0 =	sand.u32 $0x1, s1  }
0x8c: {  	s16 =	sshll.u32 s0, $0xA;
	s2 =	sadd.s32 s3, s2  }
0x8d: {  	s2 =	sadd.s32 s2, s16  }
0x8e: {  	[smem:$0x3FC0] =	sst s2  }
0x8f: {  	_ = 	snop  }
0x90: {  	(tm) =	ssettm $0x1  }
0x91: {  	s17 =	sld [smem:$0x3FFB];
	_ =	sdelay $0x3  }
0x92: {  	_ =	strace s17  }
0x93: {  	s2 =	sld [smem:$0x3FFC];
	_ =	sdelay $0x3  }
0x94: {  	_ =	strace s2  }
0x95: {  	s2 =	sld [smem:$0x3FFD];
	_ =	sdelay $0x3  }
0x96: {  	_ =	strace s2  }
0x97: {  	_ =	strace $0x8FFFFFFF  }
0x98: {  	s18 =	sld [smem:$0x3FDB];
	_ =	sdelay $0x1  }
0x99: {  	s19 =	simm.s32 $_scs_section_size  }
0x9a: {  	s4 =	simm.s32 $_size__tile_overlayer_lowered;
	s5 =	simm.s32 $_tile_overlayer_lowered  }
0x9b: {  	s22 =	simm.s32 $0x1BFF;
	s21 =	sshll.u32 s5, $0x1;
	s2 =	sadd.s32 s19, s18  }
0x9c: {  	s6 =	simm.s32 $0x0;
	s20 =	sshll.u32 s4, $0x1;
	s4 =	sadd.s32 s21, s2  }
0x9d: {  	[timem:s6], [sflag:s22] =	dma.local [hbm:s4], s20  }
0x9e: {  	_ =	swait.ge [sflag:s22], s20  }
0x9f: {  	s3 =	ssub.s32 $0x0, s20;
	[sflag:s22] =	ssyncset.done $0x0  }
0xa0: {  	[sflag:s22] =	ssyncadd.s32 s3;
	_ =	sdelay $0x1  }
0xa1: {  	s23 =	simm.s32 $0x1B8B  }
0xa2: {  	_ =	swait.ge [sflag:s23], $0x1  }
0xa3: {  	[sflag:s23] =	ssyncset.done $0x0  }
0xa4: {  	s25 =	simm.s32 $0x1B8E;
	s24 =	sld [smem:$0x3FFE];
	[sflag:s23] =	ssyncadd.s32 $0xFFFFFFFF  }
0xa5: {  	s26 =	simm.s32 $execute0_lowered;
	[smem:$0x3FD2] =	sst s25  }
0xa6: {  	s4 =	sshll.u32 s26, $0x1;
	_ =	strace $0x80000046;
	[dreg:$0x1] =	wrdreg $0xFFFFFFFF  }
0xa7: {  	s28 =	simm.s32 $_size_execute0_lowered;
	s2 =	sadd.s32 s2, s4;
	[dreg:$0x0] =	wrdreg $0x0  }
0xa8: {  	s4 =	sshll.u32 s28, $0x1;
	[dreg:$0x2] =	wrdreg s2  }
0xa9: {  	[dreg:$0x3] =	wrdreg s4  }
0xaa: {  	[dreg:$0x4] =	wrdreg $0xC0  }
0xab: {  	_ =	task [dreg:s6], $0x5FFFF  }
0xac: {  	[dreg:$0x1] =	wrdreg $0xFFFFFFFF  }
0xad: {  	[dreg:$0x0] =	wrdreg $0x60  }
0xae: {  	[dreg:$0x2] =	wrdreg s24  }
0xaf: {  	[dreg:$0x3] =	wrdreg $0x60000  }
0xb0: {  	[dreg:$0x4] =	wrdreg $0x9  }
0xb1: {  	_ =	task.clear_ibuf [dreg:s6], $0x5FFFF;
	_ =	strace $0x90000046  }
0xb2: {  	s29 =	simm.s32 $0x9;
	_ =	strace $0x80000048  }
0xb3: {  	_ =	swait.ge [sflag:s29], $0x1  }
0xb4: {  	[sflag:s29] =	ssyncadd.s32 $0xFFFFFFFF  }
0xb5: {  	_ =	strace $0x90000048  }
0xb6: {  	_ =	sfence  }
0xb7: {  	s30 =	sld [smem:$0x0];
	_ =	sdelay $0x2  }
0xb8: {  	s31 =	sshll.u32 s1, $0xD;
	s1 =	sshrl.u32 s1, $0x2  }
0xb9: {  	s3 =	sand.u32 $0x4000, s31;
	s1 =	sadd.s32 s1, s30  }
0xba: {  	s0 =	sor.u32 s3, s0;
	s1 =	sshll.u32 s1, $0x11  }
0xbb: {  	s0 =	sor.u32 s1, s0  }
0xbc: {  	s0 =	sadd.s32 $0x8F2B, s0  }
0xbd: {  	[sflag:s0] =	ssyncadd.remote.s32 $0x1  }
0xbe: {  	_ =	sfence.sel $0xFFFF  }
0xbf: {  	[dreg:$0x0] =	wrdreg $0xFFFFFFFF;
	(pc) =	sbr.abs _section_cstart, $3  }
0xc0: {  	[dreg:$0x1] =	wrdreg $0xFFFFFFFF  }
0xc1: {  	_ =	task.clear_ibuf [dreg:s6], $0x2FFFF;
	_ =	strace $0x9FFFFFFF  }
0xc2: {  	(tm) =	ssettm $0x7FFFFFFF  }
0xc3: {  	_ =	shalt  }
tec
execute0_lowered:
.L_overlay_start_1:
0x0: {  	(tag) =	ssettag $0x1  }
0x1: {  	s0 =	srdreg.scid;
	s7 =	rddreg [dreg:$0x0]  }
0x2: {  	s2 =	rddreg [dreg:$0x1];
	s1 =	stileid.u32  }
0x3: {  	s3 =	simm.s32 $0x0;
	s10 =	simm.s32 $0x100;
	s11 =	simm.s32 $0x2800  }
0x4: {  	s12 =	simm.s32 $0x0;
	s4 =	sand.u32 $0x1, s0;
	s0 =	rddreg [dreg:$0x2]  }
0x5: {  	[smem:$0x7FF] =	sst s3;
	s5 =	sshll.u32 s4, $0x4;
	s6 =	ssub.s32 $0x2, s4  }
0x6: {  	p0 =	seq.s32 s4, $0x1;
	s5 =	sor.u32 s1, s5;
	s8 =	sshrl.u32 s6, $0x1  }
0x7: {  	s5 =	smul.u32 $0x500, s5;
	s6 =	ssub.s32 s6, s8;
	s8 =	simm.s32 $0xD200  }
0x8: {  	s9 =	smul.u32 $0x2800, s1;
	_ =	strace $0x80000047;
	s8 =	simm.s32 @!p0 $0x12200  }
0x9: {  	s6 =	smax.u32 s6, $0x1;
	s5 =	sadd.s32 s5, s7;
	s7 =	sadd.s32 s8, s7  }
0xa: {  	s4 =	sadd.s32 $0x3200, s5;
	s5 =	sadd.s32 s9, s2;
	s9 =	sshrl.u32 s9, $0x3  }
0xb: {  	v0 =	vimm.f32 $1.000000000e+00;
	v1 =	vimm.f32 $0.0e+00;
	s8 =	simm.s32 $0x1;
	s7 =	sadd.s32 s7, s9;
	s9 =	simm.s32 $0x3800  }
.LBB2_1:
0xc: {  	[tilespmem:s3], [sflag:$0x1] =	stream.linear.gather [hbm4b:s4+s3], $0x2800, $0x38;
	[tilespmem:$0x8800] =	vst v63  }
0xd: {  	_ =	swait.ge [sflag:s8], $0x2800  }
0xe: {  	[sflag:s8] =	ssyncset.done $0x0  }
0xf: {  	s13 =	simm.s32 $0x0;
	[sflag:s8] =	ssyncadd.s32 $0xFFFFD800  }
.LBB2_2:
0x10: {  	p0 =	sne.s32 s13, $0x3FC0  }
.Ltmp0:
0x11: {  	_ = 	snop;
	(pc) =	sbr.rel @p0 .LBB2_2-.Ltmp0, $3  }
0x12: {  	_ =	sdelay $0x1  }
0x13: {  	s14 =	sshra.s32 s13, $0x2  }
0x14: {  	s13 =	sadd.s32 $0x40, s13;
	[tilespmem:s14+$0x2800] =	vst v0  }
0x15: {  	s13 =	simm.s32 $0x40;
	s14 =	simm.s32 $0x0  }
.LBB2_4:
0x16: {  	p0 =	sne.s32 s13, $0x9FC0;
	[tilespmem:s14+$0x3800] =	vst v1;
	s14 =	smov.u32 s13;
	s13 =	sadd.s32 $0x40, s13  }
.Ltmp1:
0x17: {  	(pc) =	sbr.rel @p0 .LBB2_4-.Ltmp1, $2  }
0x18: {  	_ =	sdelay $0x2  }
0x19: {  	s14 =	sshra.s32 s14, $0x2  }
0x1a: {  	[tilespmem:s14+$0x3800] =	vst v1  }
0x1b: {  	[spmem:s5] =	stream.linear.scatter [tilespmem:s9], [sflag:$0x1], $0x2800, $0x38;
	[tilespmem:$0x8800] =	vst v63  }
0x1c: {  	_ =	swait.ge [sflag:s8], $0x2800  }
0x1d: {  	[sflag:s8] =	ssyncset.done $0x0  }
0x1e: {  	[sflag:s8] =	ssyncadd.s32 $0xFFFFD800  }
0x1f: {  	s13 =	simm.s32 $0x0;
	[bflag:$0x0] =	sbarrier.arrive $0xFFFF  }
0x20: {  	[spmem:s2] =	stream.indirect.scatter.add.f32 [tilespmem:s11], [sflag:$0x1], $0x10, s13, s10, $0xb8;
	[tilespmem:$0x8800] =	vst v63  }
0x21: {  	_ =	swait.ge [sflag:s8], $0x1000  }
0x22: {  	s13 =	simm.s32 $0x400;
	[sflag:s8] =	ssyncset.done $0x0  }
.LBB2_6:
0x23: {  	s14 =	sshra.s32 s13, $0x2;
	[sflag:s8] =	ssyncadd.s32 $0xFFFFF000;
	p0 =	sne.s32 s13, $0x9C00  }
0x24: {  	[spmem:s2] =	stream.indirect.scatter.add.f32 [tilespmem:s11], [sflag:$0x1], $0x10, s14, s10, $0xb8;
	[tilespmem:$0x8800] =	vst v63  }
.Ltmp2:
0x25: {  	_ = 	snop;
	(pc) =	sbr.rel @p0 .LBB2_6-.Ltmp2, $4  }
0x26: {  	_ = 	snop  }
0x27: {  	s13 =	sadd.s32 $0x400, s13  }
0x28: {  	_ =	swait.ge [sflag:s8], $0x1000  }
0x29: {  	[sflag:s8] =	ssyncset.done $0x0  }
0x2a: {  	[sflag:s8] =	ssyncadd.s32 $0xFFFFF000  }
0x2b: {  	[bflag:$0x0] =	sbarrier.arrive $0xFFFF  }
0x2c: {  	[tilespmem:s9], [sflag:$0x1] =	stream.linear.gather [spmem:s5], $0x2800, $0x38;
	[tilespmem:$0x8800] =	vst v63  }
0x2d: {  	s12 =	sadd.s32 $0x1, s12;
	_ =	swait.ge [sflag:s8], $0x2800  }
0x2e: {  	p0 =	sne.s32 s12, s6;
	[sflag:s8] =	ssyncset.done $0x0  }
.Ltmp3:
0x2f: {  	[sflag:s8] =	ssyncadd.s32 $0xFFFFD800;
	(pc) =	sbr.rel @p0 .LBB2_1-.Ltmp3, $4  }
0x30: {  	[hbm4b:s7+s3] =	stream.linear.scatter [tilespmem:s9], [sflag:$0x1], $0x2800, $0x38;
	[tilespmem:$0x8800] =	vst v63  }
0x31: {  	_ =	swait.ge [sflag:s8], $0x2800  }
0x32: {  	[sflag:s8] =	ssyncset.done $0x0  }
0x33: {  	[sflag:s8] =	ssyncadd.s32 $0xFFFFD800  }
0x34: {  	_ =	sfence.sel $0x180000  }
0x35: {  	[bflag:$0x0] =	sbarrier.arrive $0xFFFF  }
0x36: {  	p0 =	sne.s32 s1, $0x0;
	_ =	strace $0x90000047  }
0x37: {  	s0 =	sadd.s32 @!p0 $0x100000, s0;
	[bflag:$0x2] =	sbarrier.arrive $0xFFFF  }
0x38: {  	[sflag:s0] =	ssyncadd.tile.s32 @!p0 $0x1;
	_ =	shalt  }
.Lfunc_end2:
_tile_overlayer_lowered:
.L_overlay_start_2:
0x39: {  	(tag) =	ssettag $0x2  }
0x3a: {  	s0 =	rddreg [dreg:$0x0];
	s2 =	stileid.u32  }
0x3b: {  	s1 =	rddreg [dreg:$0x1];
	p0 =	sne.s32 s2, $0x0  }
0x3c: {  	s3 =	rddreg [dreg:$0x2];
	[bflag:$0x3] =	sbarrier.arrive $0xFFFF;
	s2 =	simm.s32 @!p0 $0x1C01  }
0x3d: {  	[timem:s3], [sflag:s2] =	dma.local @!p0 [hbm:s0], s1  }
0x3e: {  	s0 =	simm.s32 @!p0 $0x1  }
0x3f: {  	_ =	swait.ge @!p0 [sflag:s0], s1  }
0x40: {  	s1 =	ssub.s32 @!p0 $0x0, s1;
	[sflag:s0] =	ssyncset.done @!p0 $0x0  }
0x41: {  	[sflag:s0] =	ssyncadd.s32 @!p0 s1  }
0x42: {  	[bflag:$0x3] =	sbarrier.arrive $0xFFFF  }
0x43: {  	_ =	shalt  }

// kernel: kernel.13.cloned.1.call-start
scs
__scs_entry_jumppad:
0x0: {  	(pc) =	sbr.rel $0x88, $3  }
0x1: {  	(tag) =	ssettag $0x0;
	lr =	simm.s32 $0x1  }
0x2: {  	[smem:$0x3F99] =	sst lr;
	_ =	strace $0xD0000000  }
0x3: {  	_ = 	snop  }
0x4: {  	_ = 	snop  }
0x5: {  	_ = 	snop  }
0x6: {  	_ = 	snop  }
0x7: {  	_ = 	snop  }
__scs_overlays_trampoline_lowered:
0x8: {  	[smem:$0x3FA8] =	sst s0  }
0x9: {  	[smem:$0x3FA9] =	sst s1  }
0xa: {  	[smem:$0x3FAA] =	sst s2  }
0xb: {  	[smem:$0x3FAB] =	sst s3  }
0xc: {  	[smem:$0x3FAC] =	sst s4  }
0xd: {  	[smem:$0x3FAD] =	sst s5  }
0xe: {  	[smem:$0x3FAE] =	sst s6  }
0xf: {  	[smem:$0x3FAF] =	sst s7  }
0x10: {  	[smem:$0x3FB0] =	sst s8  }
0x11: {  	[smem:$0x3FB1] =	sst s9;
	s0 =	simm.s32 @!p0 $0x0  }
0x12: {  	s1 =	sld [smem:$0x3F97];
	s0 =	simm.s32 @p0 $0x1  }
0x13: {  	[smem:$0x3FB2] =	sst s0;
	s0 =	simm.s32 @!p1 $0x0  }
0x14: {  	s2 =	sld [smem:$0x3F96];
	s0 =	simm.s32 @p1 $0x1  }
0x15: {  	[smem:$0x3FB3] =	sst s0;
	s0 =	simm.s32 @!p2 $0x0  }
0x16: {  	s3 =	sld [smem:$0x3FDB];
	s0 =	simm.s32 @p2 $0x1  }
0x17: {  	s4 =	simm.s32 $0x1BF5;
	[smem:$0x3FB5] =	sst s0  }
0x18: {  	s0 =	sld [smem:$0x3F98];
	_ =	swait.ge [sflag:s4], $0x0  }
0x19: {  	s7 =	sld [smem:$0x3F99]  }
0x1a: {  	s8 =	sadd.s32 $0xFFFFE003, lr  }
0x1b: {  	s9 =	sadd.s32 $0xFFFFFEF7, lr;
	s5 =	simm.s32 $0xFFFFFFFF;
	p2 =	slt.u32 s8, $0xFFFFF086  }
0x1c: {  	p1 =	slt.u32 s9, $0xF7A;
	s5 =	simm.s32 @!p2 $0x0  }
0x1d: {  	s5 =	simm.s32 @p1 $0x1;
	p0 =	seq.s32 s7, s2  }
0x1e: {  	s7 =	smul.u32 @!p0 $0xF7A, s2;
	p2 =	seq.s32 @!p0 s5, $0x0  }
0x1f: {  	s9 =	smul.u32 $0xF7A, s1;
	s8 =	simm.s32 @!p0 $0x1BF5;
	p2 =	por !p2, p0  }
0x20: {  	[sflag:s8] =	ssyncset.s32 @!p0 $0xFFFFF086;
	s6 =	sadd.s32 @!p0 s3, s7;
	s7 =	simm.s32 @!p0 $0x108  }
0x21: {  	s3 =	sadd.s32 s3, s9;
	s6 =	sadd.s32 @!p0 $0x88, s6;
	s7 =	simm.s32 @p2 $0x1082  }
0x22: {  	[simem:s7], [sflag:s8] =	dma.local @!p0 [hbm:s6], $0xF7A  }
0x23: {  	s9 =	sor.u32 $0xD0000000, s2;
	s6 =	simm.s32 $0x108;
	_ =	swait.ge @!p0 [sflag:s8], $0x0  }
0x24: {  	s3 =	sadd.s32 $0x88, s3;
	s6 =	simm.s32 @!p1 $0x1082;
	[sflag:s4] =	ssyncset.s32 $0xFFFFF086  }
0x25: {  	[simem:s6], [sflag:s4] =	dma.local [hbm:s3], $0xF7A  }
0x26: {  	[smem:$0x3F99] =	sst s1;
	(tag) =	ssettag s2;
	_ =	strace s9  }
0x27: {  	s1 =	sld [smem:$0x3FA9]  }
0x28: {  	s2 =	sld [smem:$0x3FAA]  }
0x29: {  	s4 =	sld [smem:$0x3FAC]  }
0x2a: {  	p0 =	seq.s32 s5, $0x0;
	s5 =	sld [smem:$0x3FAD]  }
0x2b: {  	s6 =	sld [smem:$0x3FAE]  }
0x2c: {  	s7 =	sld [smem:$0x3FAF]  }
0x2d: {  	s3 =	simm.s32 $0x108;
	s8 =	sld [smem:$0x3FB0]  }
0x2e: {  	s3 =	simm.s32 @!p0 $0x1082;
	s9 =	sld [smem:$0x3FB1]  }
0x2f: {  	lr =	sadd.s32 s0, s3;
	s0 =	sld [smem:$0x3FA8]  }
0x30: {  	s3 =	sld [smem:$0x3FAB]  }
0x31: {  	[smem:$0x3FB4] =	sst s10  }
0x32: {  	s10 =	sld [smem:$0x3FB2];
	_ =	sdelay $0x3  }
0x33: {  	p0 =	seq.s32 s10, $0x1;
	s10 =	sld [smem:$0x3FB4];
	_ =	sdelay $0x3  }
0x34: {  	[smem:$0x3FB4] =	sst s10  }
0x35: {  	s10 =	sld [smem:$0x3FB3];
	_ =	sdelay $0x3  }
0x36: {  	p1 =	seq.s32 s10, $0x1;
	s10 =	sld [smem:$0x3FB4];
	_ =	sdelay $0x3  }
0x37: {  	[smem:$0x3FB4] =	sst s10  }
0x38: {  	s10 =	sld [smem:$0x3FB5]  }
0x39: {  	_ = 	snop;
	(pc) =	sbr.ind lr, $3  }
0x3a: {  	_ = 	snop  }
0x3b: {  	_ = 	snop  }
0x3c: {  	p2 =	seq.s32 s10, $0x1;
	s10 =	sld [smem:$0x3FB4]  }
0x3d: {  	_ =	shalt  }
0x3e: {  	_ =	shalt  }
0x3f: {  	_ =	shalt  }
0x40: {  	_ =	shalt  }
0x41: {  	_ =	shalt  }
0x42: {  	_ =	shalt  }
0x43: {  	_ =	shalt  }
0x44: {  	_ =	shalt  }
0x45: {  	_ =	shalt  }
0x46: {  	_ =	shalt  }
0x47: {  	_ =	shalt  }
0x48: {  	_ =	shalt  }
0x49: {  	_ =	shalt  }
0x4a: {  	_ =	shalt  }
0x4b: {  	_ =	shalt  }
0x4c: {  	_ =	shalt  }
0x4d: {  	_ =	shalt  }
0x4e: {  	_ =	shalt  }
0x4f: {  	_ =	shalt  }
0x50: {  	_ =	shalt  }
0x51: {  	_ =	shalt  }
0x52: {  	_ =	shalt  }
0x53: {  	_ =	shalt  }
0x54: {  	_ =	shalt  }
0x55: {  	_ =	shalt  }
0x56: {  	_ =	shalt  }
0x57: {  	_ =	shalt  }
0x58: {  	_ =	shalt  }
0x59: {  	_ =	shalt  }
0x5a: {  	_ =	shalt  }
0x5b: {  	_ =	shalt  }
0x5c: {  	_ =	shalt  }
0x5d: {  	_ =	shalt  }
0x5e: {  	_ =	shalt  }
0x5f: {  	_ =	shalt  }
0x60: {  	_ =	shalt  }
0x61: {  	_ =	shalt  }
0x62: {  	_ =	shalt  }
0x63: {  	_ =	shalt  }
0x64: {  	_ =	shalt  }
0x65: {  	_ =	shalt  }
0x66: {  	_ =	shalt  }
0x67: {  	_ =	shalt  }
0x68: {  	_ =	shalt  }
0x69: {  	_ =	shalt  }
0x6a: {  	_ =	shalt  }
0x6b: {  	_ =	shalt  }
0x6c: {  	_ =	shalt  }
0x6d: {  	_ =	shalt  }
0x6e: {  	_ =	shalt  }
0x6f: {  	_ =	shalt  }
0x70: {  	_ =	shalt  }
0x71: {  	_ =	shalt  }
0x72: {  	_ =	shalt  }
0x73: {  	_ =	shalt  }
0x74: {  	_ =	shalt  }
0x75: {  	_ =	shalt  }
0x76: {  	_ =	shalt  }
0x77: {  	_ =	shalt  }
0x78: {  	_ =	shalt  }
0x79: {  	_ =	shalt  }
0x7a: {  	_ =	shalt  }
0x7b: {  	_ =	shalt  }
0x7c: {  	_ =	shalt  }
0x7d: {  	_ =	shalt  }
0x7e: {  	_ =	shalt  }
0x7f: {  	_ =	shalt  }
0x80: {  	_ =	shalt  }
0x81: {  	_ =	shalt  }
0x82: {  	_ =	shalt  }
0x83: {  	_ =	shalt  }
0x84: {  	_ =	shalt  }
0x85: {  	_ =	shalt  }
0x86: {  	_ =	shalt  }
0x87: {  	_ =	shalt  }
.Lfunc_end0:
.L_simem_size_0:
called_computation.1_lowered:
.L_overlay_start_0:
0x88: {  	s2 =	sld [smem:$0x3FD9]  }
0x89: {  	s3 =	sld [smem:$0x3FFE];
	_ =	sdelay $0x1  }
0x8a: {  	s1 =	srdreg.scid  }
0x8b: {  	s0 =	sand.u32 $0x1, s1  }
0x8c: {  	s16 =	sshll.u32 s0, $0xA;
	s2 =	sadd.s32 s3, s2  }
0x8d: {  	s2 =	sadd.s32 s2, s16  }
0x8e: {  	[smem:$0x3FC0] =	sst s2  }
0x8f: {  	_ = 	snop  }
0x90: {  	(tm) =	ssettm $0x1  }
0x91: {  	s17 =	sld [smem:$0x3FFB];
	_ =	sdelay $0x3  }
0x92: {  	_ =	strace s17  }
0x93: {  	s2 =	sld [smem:$0x3FFC];
	_ =	sdelay $0x3  }
0x94: {  	_ =	strace s2  }
0x95: {  	s2 =	sld [smem:$0x3FFD];
	_ =	sdelay $0x3  }
0x96: {  	_ =	strace s2  }
0x97: {  	_ =	strace $0x8FFFFFFF  }
0x98: {  	s18 =	sld [smem:$0x3FDB];
	_ =	sdelay $0x1  }
0x99: {  	s19 =	simm.s32 $_scs_section_size  }
0x9a: {  	s4 =	simm.s32 $_size__tile_overlayer_lowered;
	s5 =	simm.s32 $_tile_overlayer_lowered  }
0x9b: {  	s22 =	simm.s32 $0x1BFF;
	s21 =	sshll.u32 s5, $0x1;
	s2 =	sadd.s32 s19, s18  }
0x9c: {  	s6 =	simm.s32 $0x0;
	s20 =	sshll.u32 s4, $0x1;
	s4 =	sadd.s32 s21, s2  }
0x9d: {  	[timem:s6], [sflag:s22] =	dma.local [hbm:s4], s20  }
0x9e: {  	_ =	swait.ge [sflag:s22], s20  }
0x9f: {  	s3 =	ssub.s32 $0x0, s20;
	[sflag:s22] =	ssyncset.done $0x0  }
0xa0: {  	[sflag:s22] =	ssyncadd.s32 s3;
	_ =	sdelay $0x1  }
0xa1: {  	s23 =	simm.s32 $0x1B8B  }
0xa2: {  	_ =	swait.ge [sflag:s23], $0x1  }
0xa3: {  	[sflag:s23] =	ssyncset.done $0x0  }
0xa4: {  	s25 =	simm.s32 $0x1B8E;
	s24 =	sld [smem:$0x3FFE];
	[sflag:s23] =	ssyncadd.s32 $0xFFFFFFFF  }
0xa5: {  	s26 =	simm.s32 $execute0_lowered;
	[smem:$0x3FD2] =	sst s25  }
0xa6: {  	s4 =	sshll.u32 s26, $0x1;
	_ =	strace $0x80000049;
	[dreg:$0x1] =	wrdreg $0xFFFFFFFF  }
0xa7: {  	s28 =	simm.s32 $_size_execute0_lowered;
	s2 =	sadd.s32 s2, s4;
	[dreg:$0x0] =	wrdreg $0x0  }
0xa8: {  	s4 =	sshll.u32 s28, $0x1;
	[dreg:$0x2] =	wrdreg s2  }
0xa9: {  	[dreg:$0x3] =	wrdreg s4  }
0xaa: {  	[dreg:$0x4] =	wrdreg $0xC0  }
0xab: {  	_ =	task [dreg:s6], $0x5FFFF  }
0xac: {  	[dreg:$0x1] =	wrdreg $0xFFFFFFFF  }
0xad: {  	[dreg:$0x0] =	wrdreg $0x60  }
0xae: {  	[dreg:$0x2] =	wrdreg s24  }
0xaf: {  	[dreg:$0x3] =	wrdreg $0x130000  }
0xb0: {  	[dreg:$0x4] =	wrdreg $0x9  }
0xb1: {  	_ =	task.clear_ibuf [dreg:s6], $0x5FFFF;
	_ =	strace $0x90000049  }
0xb2: {  	s29 =	simm.s32 $0x9;
	_ =	strace $0x8000004B  }
0xb3: {  	_ =	swait.ge [sflag:s29], $0x1  }
0xb4: {  	[sflag:s29] =	ssyncadd.s32 $0xFFFFFFFF  }
0xb5: {  	_ =	strace $0x9000004B  }
0xb6: {  	_ =	sfence  }
0xb7: {  	s30 =	sld [smem:$0x0];
	_ =	sdelay $0x2  }
0xb8: {  	s31 =	sshll.u32 s1, $0xD;
	s1 =	sshrl.u32 s1, $0x2  }
0xb9: {  	s3 =	sand.u32 $0x4000, s31;
	s1 =	sadd.s32 s1, s30  }
0xba: {  	s0 =	sor.u32 s3, s0;
	s1 =	sshll.u32 s1, $0x11  }
0xbb: {  	s0 =	sor.u32 s1, s0  }
0xbc: {  	s0 =	sadd.s32 $0x8F2B, s0  }
0xbd: {  	[sflag:s0] =	ssyncadd.remote.s32 $0x1  }
0xbe: {  	_ =	sfence.sel $0xFFFF  }
0xbf: {  	[dreg:$0x0] =	wrdreg $0xFFFFFFFF;
	(pc) =	sbr.abs _section_cstart, $3  }
0xc0: {  	[dreg:$0x1] =	wrdreg $0xFFFFFFFF  }
0xc1: {  	_ =	task.clear_ibuf [dreg:s6], $0x2FFFF;
	_ =	strace $0x9FFFFFFF  }
0xc2: {  	(tm) =	ssettm $0x7FFFFFFF  }
0xc3: {  	_ =	shalt  }
tec
execute0_lowered:
.L_overlay_start_1:
0x0: {  	(tag) =	ssettag $0x1  }
0x1: {  	s0 =	rddreg [dreg:$0x0]  }
0x2: {  	s1 =	rddreg [dreg:$0x1];
	s2 =	simm.s32 $0x0  }
0x3: {  	s3 =	srdreg.scid;
	s17 =	stileid.u32;
	s28 =	simm.s32 $0x100  }
0x4: {  	s29 =	simm.s32 $0x4800;
	s30 =	simm.s32 $0x8800;
	s31 =	simm.s32 $0x200  }
0x5: {  	[smem:$0x7FF] =	sst s2;
	s4 =	sadd.s32 $0x17200, s0;
	s3 =	sand.u32 $0x1, s3  }
0x6: {  	s5 =	sadd.s32 $0x3200, s0;
	s8 =	smul.u32 $0xA000, s17;
	s6 =	sadd.s32 $0x49200, s0  }
0x7: {  	s9 =	sadd.s32 $0x71200, s0;
	s0 =	sadd.s32 $0x5D200, s0;
	s16 =	smul.u32 $0x4C00, s17  }
0x8: {  	s13 =	sshll.u32 s17, $0x7;
	_ =	strace $0x8000004A;
	[dreg:$0x3] =	wrdreg s9  }
0x9: {  	s17 =	smul.u32 $0x980, s17;
	s7 =	ssub.s32 $0x2, s3;
	[dreg:$0x4] =	wrdreg s0  }
0xa: {  	s13 =	sor.u32 $0x9800, s13;
	p0 =	sne.s32 s3, $0x0;
	s0 =	simm.s32 $0xC800  }
0xb: {  	s3 =	simm.s32 $0x1;
	s18 =	sshrl.u32 s7, $0x1;
	s21 =	sadd.s32 $0x2800, s8  }
0xc: {  	s9 =	sadd.s32 s8, s1;
	s14 =	sadd.s32 $0x5000, s8;
	s15 =	sadd.s32 $0x7800, s8  }
0xd: {  	[dreg:$0x5] =	wrdreg s13;
	s8 =	sshrl.u32 s8, $0x3;
	s22 =	sshrl.u32 s16, $0x3  }
0xe: {  	s23 =	sadd.s32 s4, s17;
	s24 =	sadd.s32 s5, s17;
	s17 =	simm.s32 $0x5  }
0xf: {  	s19 =	ssub.s32 s7, s18;
	s10 =	sadd.s32 s21, s1;
	[dreg:$0x6] =	wrdreg s8  }
0x10: {  	s11 =	sadd.s32 s14, s1;
	s12 =	sadd.s32 s15, s1;
	[dreg:$0x7] =	wrdreg s23  }
0x11: {  	[dreg:$0x8] =	wrdreg s24;
	s16 =	sadd.s32 $0x480, s22;
	s8 =	sadd.s32 $0x900, s22  }
0x12: {  	s20 =	sshrl.u32 s21, $0x3;
	s21 =	sshrl.u32 s14, $0x3;
	s22 =	sshrl.u32 s15, $0x3  }
.Ltmp0:
0x13: {  	s24 =	simm.s32 $0x10800;
	s7 =	simm.s32 $0x2;
	(pc) =	sbr.rel .LBB2_1-.Ltmp0, $4  }
0x14: {  	s15 =	simm.s32 $0x3;
	s18 =	simm.s32 $0x6;
	s25 =	sadd.s32 s4, s16  }
0x15: {  	s26 =	sadd.s32 s5, s16;
	[dreg:$0xb] =	wrdreg s8;
	s23 =	smax.u32 s19, $0x1  }
0x16: {  	s16 =	simm.s32 $0x4;
	s19 =	simm.s32 $0x0;
	[dreg:$0x9] =	wrdreg s25  }
0x17: {  	v0 =	vimm.f32 $0.0e+00;
	[dreg:$0xa] =	wrdreg s26;
	s25 =	simm.s32 $0x7;
	s26 =	simm.s32 $0x2400  }
.LBB2_8:
0x18: {  	[tilespmem:s0], [sflag:$0x3] =	stream.indirect.gather [hbm4b:s6+s28], $0x40, s14, s28, $0xb8;
	[tilespmem:$0x1D000] =	vst v63  }
0x19: {  	_ =	swait.ge [sflag:s3], $0x4000  }
0x1a: {  	[sflag:s3] =	ssyncset.done $0x0  }
0x1b: {  	s8 =	simm.s32 $0x4500;
	[sflag:s3] =	ssyncadd.s32 $0xFFFFC000  }
0x1c: {  	[spmem:s1] =	stream.indirect.scatter.add.f32 [tilespmem:s29], [sflag:$0x4], $0x40, s8, s28, $0xb8;
	[tilespmem:$0x1D000] =	vst v63  }
0x1d: {  	_ =	swait.ge [sflag:s7], $0x4000  }
0x1e: {  	[sflag:s7] =	ssyncset.done $0x0  }
0x1f: {  	s13 =	simm.s32 $0x4600;
	[sflag:s7] =	ssyncadd.s32 $0xFFFFC000  }
0x20: {  	[spmem:s1] =	stream.indirect.scatter.add.f32 [tilespmem:s30], [sflag:$0x5], $0x40, s13, s28, $0xb8;
	[tilespmem:$0x1D000] =	vst v63  }
0x21: {  	_ =	swait.ge [sflag:s15], $0x4000  }
0x22: {  	[sflag:s15] =	ssyncset.done $0x0  }
0x23: {  	s14 =	simm.s32 $0x4700;
	[sflag:s15] =	ssyncadd.s32 $0xFFFFC000  }
0x24: {  	[spmem:s1] =	stream.indirect.scatter.add.f32 [tilespmem:s0], [sflag:$0x6], $0x40, s14, s28, $0xb8;
	[tilespmem:$0x1D000] =	vst v63  }
0x25: {  	_ =	swait.ge [sflag:s16], $0x4000  }
0x26: {  	[sflag:s16] =	ssyncset.done $0x0  }
0x27: {  	[sflag:s16] =	ssyncadd.s32 $0xFFFFC000  }
0x28: {  	_ =	swait.ge [sflag:s17], $0x4000  }
0x29: {  	[sflag:s17] =	ssyncset.done $0x0  }
0x2a: {  	[sflag:s17] =	ssyncadd.s32 $0xFFFFC000  }
0x2b: {  	_ =	swait.ge [sflag:s18], $0x4000  }
0x2c: {  	[sflag:s18] =	ssyncset.done $0x0;
	s14 =	rddreg [dreg:$0xb]  }
0x2d: {  	s8 =	rddreg [dreg:$0x3];
	[sflag:s18] =	ssyncadd.s32 $0xFFFFC000  }
.LBB2_9:
0x2e: {  	s13 =	sadd.s32 s4, s14  }
0x2f: {  	[tilespmem:s2], [sflag:$0x7] =	stream.linear.gather [hbm4b:s13+s2], $0x400, $0x38;
	[tilespmem:$0x1D000] =	vst v63  }
0x30: {  	_ =	swait.ge [sflag:s25], $0x400  }
0x31: {  	[sflag:s25] =	ssyncset.done $0x0  }
0x32: {  	s14 =	sadd.s32 s5, s14;
	[sflag:s25] =	ssyncadd.s32 $0xFFFFFC00  }
0x33: {  	[tilespmem:s26], [sflag:$0x7] =	stream.linear.gather [hbm4b:s14+s2], $0x400, $0x38;
	[tilespmem:$0x1D000] =	vst v63  }
0x34: {  	_ =	swait.ge [sflag:s25], $0x400  }
0x35: {  	[sflag:s25] =	ssyncset.done $0x0  }
0x36: {  	[sflag:s25] =	ssyncadd.s32 $0xFFFFFC00  }
0x37: {  	[tilespmem:s29], [sflag:$0x1] =	stream.indirect.gather [hbm4b:s6+s28], $0x40, s2, s28, $0xb8;
	[tilespmem:$0x1D000] =	vst v63  }
0x38: {  	_ = 	snop  }
0x39: {  	[tilespmem:s30], [sflag:$0x2] =	stream.indirect.gather [hbm4b:s6+s28], $0x40, s28, s28, $0xb8;
	[tilespmem:$0x1D000] =	vst v63  }
0x3a: {  	_ =	swait.ge [sflag:s3], $0x4000  }
0x3b: {  	[sflag:s3] =	ssyncset.done $0x0  }
0x3c: {  	[sflag:s3] =	ssyncadd.s32 $0xFFFFC000  }
0x3d: {  	[spmem:s1] =	stream.indirect.scatter.add.f32 [tilespmem:s29], [sflag:$0x4], $0x40, s26, s28, $0xb8;
	[tilespmem:$0x1D000] =	vst v63  }
0x3e: {  	_ =	swait.ge [sflag:s7], $0x4000  }
0x3f: {  	[sflag:s7] =	ssyncset.done $0x0  }
0x40: {  	s14 =	simm.s32 $0x2500;
	[sflag:s7] =	ssyncadd.s32 $0xFFFFC000  }
0x41: {  	[spmem:s1] =	stream.indirect.scatter.add.f32 [tilespmem:s30], [sflag:$0x5], $0x40, s14, s28, $0xb8;
	[tilespmem:$0x1D000] =	vst v63  }
0x42: {  	_ =	swait.ge [sflag:s16], $0x4000  }
0x43: {  	[sflag:s16] =	ssyncset.done $0x0  }
0x44: {  	[sflag:s16] =	ssyncadd.s32 $0xFFFFC000  }
0x45: {  	_ =	swait.ge [sflag:s17], $0x4000  }
0x46: {  	[sflag:s17] =	ssyncset.done $0x0  }
0x47: {  	[sflag:s17] =	ssyncadd.s32 $0xFFFFC000  }
0x48: {  	[tilespmem:s29], [sflag:$0x1] =	stream.indirect.gather [hbm4b:s6+s28], $0x40, s31, s28, $0xb8;
	[tilespmem:$0x1D000] =	vst v63  }
0x49: {  	s14 =	simm.s32 $0x300  }
0x4a: {  	[tilespmem:s30], [sflag:$0x2] =	stream.indirect.gather [hbm4b:s6+s28], $0x40, s14, s28, $0xb8;
	[tilespmem:$0x1D000] =	vst v63  }
0x4b: {  	_ =	swait.ge [sflag:s3], $0x4000  }
0x4c: {  	[sflag:s3] =	ssyncset.done $0x0  }
0x4d: {  	s14 =	simm.s32 $0x2600;
	[sflag:s3] =	ssyncadd.s32 $0xFFFFC000  }
0x4e: {  	[spmem:s1] =	stream.indirect.scatter.add.f32 [tilespmem:s29], [sflag:$0x4], $0x40, s14, s28, $0xb8;
	[tilespmem:$0x1D000] =	vst v63  }
0x4f: {  	_ =	swait.ge [sflag:s7], $0x4000  }
0x50: {  	[sflag:s7] =	ssyncset.done $0x0  }
0x51: {  	s14 =	simm.s32 $0x2700;
	[sflag:s7] =	ssyncadd.s32 $0xFFFFC000  }
0x52: {  	[spmem:s1] =	stream.indirect.scatter.add.f32 [tilespmem:s30], [sflag:$0x5], $0x40, s14, s28, $0xb8;
	[tilespmem:$0x1D000] =	vst v63  }
0x53: {  	_ =	swait.ge [sflag:s16], $0x4000  }
0x54: {  	[sflag:s16] =	ssyncset.done $0x0  }
0x55: {  	[sflag:s16] =	ssyncadd.s32 $0xFFFFC000  }
0x56: {  	_ =	swait.ge [sflag:s17], $0x4000  }
0x57: {  	[sflag:s17] =	ssyncset.done $0x0  }
0x58: {  	[sflag:s17] =	ssyncadd.s32 $0xFFFFC000  }
0x59: {  	[bflag:$0x0] =	sbarrier.arrive $0xFFFF  }
0x5a: {  	[tilespmem:s24], [sflag:$0x7] =	stream.linear.gather [spmem:s9], $0x2800, $0x38;
	[tilespmem:$0x1D000] =	vst v63  }
0x5b: {  	_ =	swait.ge [sflag:s25], $0x2800  }
0x5c: {  	[sflag:s25] =	ssyncset.done $0x0;
	s14 =	rddreg [dreg:$0x6]  }
0x5d: {  	s13 =	sadd.s32 s8, s14;
	[sflag:s25] =	ssyncadd.s32 $0xFFFFD800  }
0x5e: {  	[hbm4b:s13+s2] =	stream.linear.scatter [tilespmem:s24], [sflag:$0x7], $0x2800, $0x38;
	[tilespmem:$0x1D000] =	vst v63  }
0x5f: {  	_ =	swait.ge [sflag:s25], $0x2800  }
0x60: {  	[sflag:s25] =	ssyncset.done $0x0  }
0x61: {  	[sflag:s25] =	ssyncadd.s32 $0xFFFFD800  }
0x62: {  	[tilespmem:s24], [sflag:$0x7] =	stream.linear.gather [spmem:s10], $0x2800, $0x38;
	[tilespmem:$0x1D000] =	vst v63  }
0x63: {  	_ =	swait.ge [sflag:s25], $0x2800  }
0x64: {  	[sflag:s25] =	ssyncset.done $0x0  }
0x65: {  	s14 =	sadd.s32 s8, s20;
	[sflag:s25] =	ssyncadd.s32 $0xFFFFD800  }
0x66: {  	[hbm4b:s14+s2] =	stream.linear.scatter [tilespmem:s24], [sflag:$0x7], $0x2800, $0x38;
	[tilespmem:$0x1D000] =	vst v63  }
0x67: {  	_ =	swait.ge [sflag:s25], $0x2800  }
0x68: {  	[sflag:s25] =	ssyncset.done $0x0  }
0x69: {  	[sflag:s25] =	ssyncadd.s32 $0xFFFFD800  }
0x6a: {  	[tilespmem:s24], [sflag:$0x7] =	stream.linear.gather [spmem:s11], $0x2800, $0x38;
	[tilespmem:$0x1D000] =	vst v63  }
0x6b: {  	_ =	swait.ge [sflag:s25], $0x2800  }
0x6c: {  	[sflag:s25] =	ssyncset.done $0x0  }
0x6d: {  	s14 =	sadd.s32 s8, s21;
	[sflag:s25] =	ssyncadd.s32 $0xFFFFD800  }
0x6e: {  	[hbm4b:s14+s2] =	stream.linear.scatter [tilespmem:s24], [sflag:$0x7], $0x2800, $0x38;
	[tilespmem:$0x1D000] =	vst v63  }
0x6f: {  	_ =	swait.ge [sflag:s25], $0x2800  }
0x70: {  	[sflag:s25] =	ssyncset.done $0x0  }
0x71: {  	[sflag:s25] =	ssyncadd.s32 $0xFFFFD800  }
0x72: {  	[tilespmem:s24], [sflag:$0x7] =	stream.linear.gather [spmem:s12], $0x2800, $0x38;
	[tilespmem:$0x1D000] =	vst v63  }
0x73: {  	s19 =	sadd.s32 $0x1, s19;
	_ =	swait.ge [sflag:s25], $0x2800  }
0x74: {  	p1 =	sne.s32 s19, s23;
	[sflag:s25] =	ssyncset.done $0x0  }
.Ltmp1:
0x75: {  	s14 =	sadd.s32 s8, s22;
	[sflag:s25] =	ssyncadd.s32 $0xFFFFD800;
	(pc) =	sbr.rel @!p1 .LBB2_10-.Ltmp1, $4  }
0x76: {  	[hbm4b:s14+s2] =	stream.linear.scatter [tilespmem:s24], [sflag:$0x7], $0x2800, $0x38;
	[tilespmem:$0x1D000] =	vst v63  }
0x77: {  	_ =	swait.ge [sflag:s25], $0x2800  }
0x78: {  	[sflag:s25] =	ssyncset.done $0x0  }
0x79: {  	[sflag:s25] =	ssyncadd.s32 $0xFFFFD800  }
.LBB2_1:
0x7a: {  	s14 =	simm.s32 $0x100;
	s8 =	simm.s32 $0x0  }
.LBB2_2:
0x7b: {  	p1 =	sne.s32 s14, $0x9F00;
	[tilespmem:s8+$0x10830] =	vst v0;
	s13 =	smov.u32 s14;
	s14 =	sadd.s32 $0x100, s14  }
.Ltmp2:
0x7c: {  	[tilespmem:s8+$0x10820] =	vst v0;
	(pc) =	sbr.rel @p1 .LBB2_2-.Ltmp2, $3  }
0x7d: {  	[tilespmem:s8+$0x10800] =	vst v0  }
0x7e: {  	[tilespmem:s8+$0x10810] =	vst v0;
	_ =	sdelay $0x1  }
0x7f: {  	s8 =	sshra.s32 s13, $0x2  }
0x80: {  	[tilespmem:s8+$0x10830] =	vst v0  }
0x81: {  	[tilespmem:s8+$0x10820] =	vst v0  }
0x82: {  	[tilespmem:s8+$0x10800] =	vst v0  }
0x83: {  	[tilespmem:s8+$0x10810] =	vst v0  }
0x84: {  	[spmem:s9] =	stream.linear.scatter [tilespmem:s24], [sflag:$0x7], $0x2800, $0x38;
	[tilespmem:$0x1D000] =	vst v63  }
0x85: {  	_ =	swait.ge [sflag:s25], $0x2800  }
0x86: {  	[sflag:s25] =	ssyncset.done $0x0  }
0x87: {  	[sflag:s25] =	ssyncadd.s32 $0xFFFFD800  }
0x88: {  	[spmem:s10] =	stream.linear.scatter [tilespmem:s24], [sflag:$0x7], $0x2800, $0x38;
	[tilespmem:$0x1D000] =	vst v63  }
0x89: {  	_ =	swait.ge [sflag:s25], $0x2800  }
0x8a: {  	[sflag:s25] =	ssyncset.done $0x0  }
0x8b: {  	[sflag:s25] =	ssyncadd.s32 $0xFFFFD800  }
0x8c: {  	[spmem:s11] =	stream.linear.scatter [tilespmem:s24], [sflag:$0x7], $0x2800, $0x38;
	[tilespmem:$0x1D000] =	vst v63  }
0x8d: {  	_ =	swait.ge [sflag:s25], $0x2800  }
0x8e: {  	[sflag:s25] =	ssyncset.done $0x0  }
0x8f: {  	[sflag:s25] =	ssyncadd.s32 $0xFFFFD800  }
0x90: {  	[spmem:s12] =	stream.linear.scatter [tilespmem:s24], [sflag:$0x7], $0x2800, $0x38;
	[tilespmem:$0x1D000] =	vst v63  }
0x91: {  	_ =	swait.ge [sflag:s25], $0x2800  }
.Ltmp3:
0x92: {  	[sflag:s25] =	ssyncset.done $0x0;
	(pc) =	sbr.rel @p0 .LBB2_9-.Ltmp3, $4  }
0x93: {  	[sflag:s25] =	ssyncadd.s32 $0xFFFFD800  }
0x94: {  	[bflag:$0x0] =	sbarrier.arrive $0xFFFF  }
0x95: {  	s14 =	rddreg [dreg:$0x5]  }
0x96: {  	s8 =	rddreg [dreg:$0x4]  }
0x97: {  	s8 =	simm.s32 $0x0;
	s13 =	rddreg [dreg:$0x7]  }
0x98: {  	[tilespmem:s8], [sflag:$0x7] =	stream.linear.gather [hbm4b:s13+s8], $0x2400, $0x38;
	[tilespmem:$0x1D000] =	vst v63  }
0x99: {  	_ =	swait.ge [sflag:s25], $0x2400  }
0x9a: {  	[sflag:s25] =	ssyncset.done $0x0  }
0x9b: {  	s14 =	rddreg [dreg:$0x8];
	[sflag:s25] =	ssyncadd.s32 $0xFFFFDC00  }
0x9c: {  	[tilespmem:s26], [sflag:$0x7] =	stream.linear.gather [hbm4b:s14+s8], $0x2400, $0x38;
	[tilespmem:$0x1D000] =	vst v63  }
0x9d: {  	_ =	swait.ge [sflag:s25], $0x2400  }
0x9e: {  	[sflag:s25] =	ssyncset.done $0x0  }
0x9f: {  	[sflag:s25] =	ssyncadd.s32 $0xFFFFDC00  }
0xa0: {  	[tilespmem:s29], [sflag:$0x1] =	stream.indirect.gather [hbm4b:s6+s28], $0x40, s8, s28, $0xb8;
	[tilespmem:$0x1D000] =	vst v63  }
0xa1: {  	_ = 	snop  }
0xa2: {  	[tilespmem:s30], [sflag:$0x2] =	stream.indirect.gather [hbm4b:s6+s28], $0x40, s28, s28, $0xb8;
	[tilespmem:$0x1D000] =	vst v63  }
0xa3: {  	_ = 	snop  }
0xa4: {  	[tilespmem:s0], [sflag:$0x3] =	stream.indirect.gather [hbm4b:s6+s28], $0x40, s31, s28, $0xb8;
	[tilespmem:$0x1D000] =	vst v63  }
0xa5: {  	_ =	swait.ge [sflag:s3], $0x4000  }
0xa6: {  	[sflag:s3] =	ssyncset.done $0x0  }
0xa7: {  	s14 =	simm.s32 $0x2400;
	[sflag:s3] =	ssyncadd.s32 $0xFFFFC000  }
0xa8: {  	[spmem:s1] =	stream.indirect.scatter.add.f32 [tilespmem:s29], [sflag:$0x4], $0x40, s14, s28, $0xb8;
	[tilespmem:$0x1D000] =	vst v63  }
0xa9: {  	_ =	swait.ge [sflag:s7], $0x4000  }
0xaa: {  	[sflag:s7] =	ssyncset.done $0x0  }
0xab: {  	s13 =	simm.s32 $0x2500;
	[sflag:s7] =	ssyncadd.s32 $0xFFFFC000  }
0xac: {  	[spmem:s1] =	stream.indirect.scatter.add.f32 [tilespmem:s30], [sflag:$0x5], $0x40, s13, s28, $0xb8;
	[tilespmem:$0x1D000] =	vst v63  }
0xad: {  	_ =	swait.ge [sflag:s15], $0x4000  }
0xae: {  	[sflag:s15] =	ssyncset.done $0x0  }
0xaf: {  	s14 =	simm.s32 $0x2600;
	[sflag:s15] =	ssyncadd.s32 $0xFFFFC000  }
0xb0: {  	[spmem:s1] =	stream.indirect.scatter.add.f32 [tilespmem:s0], [sflag:$0x6], $0x40, s14, s28, $0xb8;
	[tilespmem:$0x1D000] =	vst v63  }
0xb1: {  	_ =	swait.ge [sflag:s16], $0x4000  }
0xb2: {  	[sflag:s16] =	ssyncset.done $0x0  }
0xb3: {  	s13 =	simm.s32 $0x300;
	[sflag:s16] =	ssyncadd.s32 $0xFFFFC000  }
0xb4: {  	[tilespmem:s29], [sflag:$0x1] =	stream.indirect.gather [hbm4b:s6+s28], $0x40, s13, s28, $0xb8;
	[tilespmem:$0x1D000] =	vst v63  }
0xb5: {  	_ =	swait.ge [sflag:s17], $0x4000  }
0xb6: {  	[sflag:s17] =	ssyncset.done $0x0  }
0xb7: {  	s14 =	simm.s32 $0x400;
	[sflag:s17] =	ssyncadd.s32 $0xFFFFC000  }
0xb8: {  	[tilespmem:s30], [sflag:$0x2] =	stream.indirect.gather [hbm4b:s6+s28], $0x40, s14, s28, $0xb8;
	[tilespmem:$0x1D000] =	vst v63  }
0xb9: {  	_ =	swait.ge [sflag:s18], $0x4000  }
0xba: {  	[sflag:s18] =	ssyncset.done $0x0  }
0xbb: {  	s8 =	simm.s32 $0xC00;
	s14 =	simm.s32 $0x500;
	[sflag:s18] =	ssyncadd.s32 $0xFFFFC000  }
.LBB2_5:
0xbc: {  	[tilespmem:s0], [sflag:$0x3] =	stream.indirect.gather [hbm4b:s6+s28], $0x40, s14, s28, $0xb8;
	[tilespmem:$0x1D000] =	vst v63  }
0xbd: {  	s13 =	smov.u32 s8  }
0xbe: {  	p1 =	sne.s32 s8, $0x7800;
	s8 =	sadd.s32 $0xC00, s8;
	_ =	swait.ge [sflag:s3], $0x4000  }
0xbf: {  	s13 =	sshra.s32 s13, $0x2;
	[sflag:s3] =	ssyncset.done $0x0  }
0xc0: {  	s14 =	sadd.s32 $0x2400, s13;
	[sflag:s3] =	ssyncadd.s32 $0xFFFFC000  }
0xc1: {  	[spmem:s1] =	stream.indirect.scatter.add.f32 [tilespmem:s29], [sflag:$0x4], $0x40, s14, s28, $0xb8;
	[tilespmem:$0x1D000] =	vst v63  }
0xc2: {  	_ =	swait.ge [sflag:s7], $0x4000  }
0xc3: {  	[sflag:s7] =	ssyncset.done $0x0  }
0xc4: {  	s14 =	sadd.s32 $0x2500, s13;
	[sflag:s7] =	ssyncadd.s32 $0xFFFFC000  }
0xc5: {  	[spmem:s1] =	stream.indirect.scatter.add.f32 [tilespmem:s30], [sflag:$0x5], $0x40, s14, s28, $0xb8;
	[tilespmem:$0x1D000] =	vst v63  }
0xc6: {  	_ =	swait.ge [sflag:s15], $0x4000  }
0xc7: {  	[sflag:s15] =	ssyncset.done $0x0  }
0xc8: {  	s14 =	sadd.s32 $0x2600, s13;
	[sflag:s15] =	ssyncadd.s32 $0xFFFFC000  }
0xc9: {  	[spmem:s1] =	stream.indirect.scatter.add.f32 [tilespmem:s0], [sflag:$0x6], $0x40, s14, s28, $0xb8;
	[tilespmem:$0x1D000] =	vst v63  }
0xca: {  	_ =	swait.ge [sflag:s16], $0x4000  }
0xcb: {  	[sflag:s16] =	ssyncset.done $0x0  }
0xcc: {  	s14 =	sadd.s32 $0x300, s13;
	[sflag:s16] =	ssyncadd.s32 $0xFFFFC000  }
0xcd: {  	[tilespmem:s29], [sflag:$0x1] =	stream.indirect.gather [hbm4b:s6+s28], $0x40, s14, s28, $0xb8;
	[tilespmem:$0x1D000] =	vst v63  }
0xce: {  	_ =	swait.ge [sflag:s17], $0x4000  }
0xcf: {  	[sflag:s17] =	ssyncset.done $0x0  }
.Ltmp4:
0xd0: {  	s14 =	sadd.s32 $0x400, s13;
	[sflag:s17] =	ssyncadd.s32 $0xFFFFC000;
	(pc) =	sbr.rel @p1 .LBB2_5-.Ltmp4, $4  }
0xd1: {  	[tilespmem:s30], [sflag:$0x2] =	stream.indirect.gather [hbm4b:s6+s28], $0x40, s14, s28, $0xb8;
	[tilespmem:$0x1D000] =	vst v63  }
0xd2: {  	_ =	swait.ge [sflag:s18], $0x4000  }
0xd3: {  	[sflag:s18] =	ssyncset.done $0x0  }
0xd4: {  	s14 =	sadd.s32 $0x500, s13;
	[sflag:s18] =	ssyncadd.s32 $0xFFFFC000  }
0xd5: {  	[tilespmem:s0], [sflag:$0x3] =	stream.indirect.gather [hbm4b:s6+s28], $0x40, s14, s28, $0xb8;
	[tilespmem:$0x1D000] =	vst v63  }
0xd6: {  	_ =	swait.ge [sflag:s3], $0x4000  }
0xd7: {  	[sflag:s3] =	ssyncset.done $0x0  }
0xd8: {  	s8 =	simm.s32 $0x4500;
	[sflag:s3] =	ssyncadd.s32 $0xFFFFC000  }
0xd9: {  	[spmem:s1] =	stream.indirect.scatter.add.f32 [tilespmem:s29], [sflag:$0x4], $0x40, s8, s28, $0xb8;
	[tilespmem:$0x1D000] =	vst v63  }
0xda: {  	_ =	swait.ge [sflag:s7], $0x4000  }
0xdb: {  	[sflag:s7] =	ssyncset.done $0x0  }
0xdc: {  	s14 =	simm.s32 $0x4600;
	[sflag:s7] =	ssyncadd.s32 $0xFFFFC000  }
0xdd: {  	[spmem:s1] =	stream.indirect.scatter.add.f32 [tilespmem:s30], [sflag:$0x5], $0x40, s14, s28, $0xb8;
	[tilespmem:$0x1D000] =	vst v63  }
0xde: {  	_ =	swait.ge [sflag:s15], $0x4000  }
0xdf: {  	[sflag:s15] =	ssyncset.done $0x0  }
0xe0: {  	s13 =	simm.s32 $0x4700;
	[sflag:s15] =	ssyncadd.s32 $0xFFFFC000  }
0xe1: {  	[spmem:s1] =	stream.indirect.scatter.add.f32 [tilespmem:s0], [sflag:$0x6], $0x40, s13, s28, $0xb8;
	[tilespmem:$0x1D000] =	vst v63  }
0xe2: {  	_ =	swait.ge [sflag:s16], $0x4000  }
0xe3: {  	[sflag:s16] =	ssyncset.done $0x0  }
0xe4: {  	[sflag:s16] =	ssyncadd.s32 $0xFFFFC000  }
0xe5: {  	_ =	swait.ge [sflag:s17], $0x4000  }
0xe6: {  	[sflag:s17] =	ssyncset.done $0x0  }
0xe7: {  	[sflag:s17] =	ssyncadd.s32 $0xFFFFC000  }
0xe8: {  	_ =	swait.ge [sflag:s18], $0x4000  }
0xe9: {  	[sflag:s18] =	ssyncset.done $0x0  }
0xea: {  	s8 =	simm.s32 $0x0;
	s13 =	rddreg [dreg:$0x9];
	[sflag:s18] =	ssyncadd.s32 $0xFFFFC000  }
0xeb: {  	[tilespmem:s8], [sflag:$0x7] =	stream.linear.gather [hbm4b:s13+s8], $0x2400, $0x38;
	[tilespmem:$0x1D000] =	vst v63  }
0xec: {  	_ =	swait.ge [sflag:s25], $0x2400  }
0xed: {  	[sflag:s25] =	ssyncset.done $0x0  }
0xee: {  	s14 =	rddreg [dreg:$0xa];
	[sflag:s25] =	ssyncadd.s32 $0xFFFFDC00  }
0xef: {  	[tilespmem:s26], [sflag:$0x7] =	stream.linear.gather [hbm4b:s14+s8], $0x2400, $0x38;
	[tilespmem:$0x1D000] =	vst v63  }
0xf0: {  	_ =	swait.ge [sflag:s25], $0x2400  }
0xf1: {  	[sflag:s25] =	ssyncset.done $0x0  }
0xf2: {  	[sflag:s25] =	ssyncadd.s32 $0xFFFFDC00  }
0xf3: {  	[tilespmem:s29], [sflag:$0x1] =	stream.indirect.gather [hbm4b:s6+s28], $0x40, s8, s28, $0xb8;
	[tilespmem:$0x1D000] =	vst v63  }
0xf4: {  	_ = 	snop  }
0xf5: {  	[tilespmem:s30], [sflag:$0x2] =	stream.indirect.gather [hbm4b:s6+s28], $0x40, s28, s28, $0xb8;
	[tilespmem:$0x1D000] =	vst v63  }
0xf6: {  	_ = 	snop  }
0xf7: {  	[tilespmem:s0], [sflag:$0x3] =	stream.indirect.gather [hbm4b:s6+s28], $0x40, s31, s28, $0xb8;
	[tilespmem:$0x1D000] =	vst v63  }
0xf8: {  	_ =	swait.ge [sflag:s3], $0x4000  }
0xf9: {  	[sflag:s3] =	ssyncset.done $0x0  }
0xfa: {  	s14 =	simm.s32 $0x2400;
	[sflag:s3] =	ssyncadd.s32 $0xFFFFC000  }
0xfb: {  	[spmem:s1] =	stream.indirect.scatter.add.f32 [tilespmem:s29], [sflag:$0x4], $0x40, s14, s28, $0xb8;
	[tilespmem:$0x1D000] =	vst v63  }
0xfc: {  	_ =	swait.ge [sflag:s7], $0x4000  }
0xfd: {  	[sflag:s7] =	ssyncset.done $0x0  }
0xfe: {  	s13 =	simm.s32 $0x2500;
	[sflag:s7] =	ssyncadd.s32 $0xFFFFC000  }
0xff: {  	[spmem:s1] =	stream.indirect.scatter.add.f32 [tilespmem:s30], [sflag:$0x5], $0x40, s13, s28, $0xb8;
	[tilespmem:$0x1D000] =	vst v63  }
0x100: {  	_ =	swait.ge [sflag:s15], $0x4000  }
0x101: {  	[sflag:s15] =	ssyncset.done $0x0  }
0x102: {  	s14 =	simm.s32 $0x2600;
	[sflag:s15] =	ssyncadd.s32 $0xFFFFC000  }
0x103: {  	[spmem:s1] =	stream.indirect.scatter.add.f32 [tilespmem:s0], [sflag:$0x6], $0x40, s14, s28, $0xb8;
	[tilespmem:$0x1D000] =	vst v63  }
0x104: {  	_ =	swait.ge [sflag:s16], $0x4000  }
0x105: {  	[sflag:s16] =	ssyncset.done $0x0  }
0x106: {  	s13 =	simm.s32 $0x300;
	[sflag:s16] =	ssyncadd.s32 $0xFFFFC000  }
0x107: {  	[tilespmem:s29], [sflag:$0x1] =	stream.indirect.gather [hbm4b:s6+s28], $0x40, s13, s28, $0xb8;
	[tilespmem:$0x1D000] =	vst v63  }
0x108: {  	_ =	swait.ge [sflag:s17], $0x4000  }
0x109: {  	[sflag:s17] =	ssyncset.done $0x0  }
0x10a: {  	s14 =	simm.s32 $0x400;
	[sflag:s17] =	ssyncadd.s32 $0xFFFFC000  }
0x10b: {  	[tilespmem:s30], [sflag:$0x2] =	stream.indirect.gather [hbm4b:s6+s28], $0x40, s14, s28, $0xb8;
	[tilespmem:$0x1D000] =	vst v63  }
0x10c: {  	_ =	swait.ge [sflag:s18], $0x4000  }
0x10d: {  	[sflag:s18] =	ssyncset.done $0x0  }
0x10e: {  	s8 =	simm.s32 $0xC00;
	s14 =	simm.s32 $0x500;
	[sflag:s18] =	ssyncadd.s32 $0xFFFFC000  }
.LBB2_7:
0x10f: {  	[tilespmem:s0], [sflag:$0x3] =	stream.indirect.gather [hbm4b:s6+s28], $0x40, s14, s28, $0xb8;
	[tilespmem:$0x1D000] =	vst v63  }
0x110: {  	s13 =	smov.u32 s8  }
0x111: {  	p1 =	sne.s32 s8, $0x7800;
	s8 =	sadd.s32 $0xC00, s8;
	_ =	swait.ge [sflag:s3], $0x4000  }
0x112: {  	s13 =	sshra.s32 s13, $0x2;
	[sflag:s3] =	ssyncset.done $0x0  }
0x113: {  	s14 =	sadd.s32 $0x2400, s13;
	[sflag:s3] =	ssyncadd.s32 $0xFFFFC000  }
0x114: {  	[spmem:s1] =	stream.indirect.scatter.add.f32 [tilespmem:s29], [sflag:$0x4], $0x40, s14, s28, $0xb8;
	[tilespmem:$0x1D000] =	vst v63  }
0x115: {  	_ =	swait.ge [sflag:s7], $0x4000  }
0x116: {  	[sflag:s7] =	ssyncset.done $0x0  }
0x117: {  	s14 =	sadd.s32 $0x2500, s13;
	[sflag:s7] =	ssyncadd.s32 $0xFFFFC000  }
0x118: {  	[spmem:s1] =	stream.indirect.scatter.add.f32 [tilespmem:s30], [sflag:$0x5], $0x40, s14, s28, $0xb8;
	[tilespmem:$0x1D000] =	vst v63  }
0x119: {  	_ =	swait.ge [sflag:s15], $0x4000  }
0x11a: {  	[sflag:s15] =	ssyncset.done $0x0  }
0x11b: {  	s14 =	sadd.s32 $0x2600, s13;
	[sflag:s15] =	ssyncadd.s32 $0xFFFFC000  }
0x11c: {  	[spmem:s1] =	stream.indirect.scatter.add.f32 [tilespmem:s0], [sflag:$0x6], $0x40, s14, s28, $0xb8;
	[tilespmem:$0x1D000] =	vst v63  }
0x11d: {  	_ =	swait.ge [sflag:s16], $0x4000  }
0x11e: {  	[sflag:s16] =	ssyncset.done $0x0  }
0x11f: {  	s14 =	sadd.s32 $0x300, s13;
	[sflag:s16] =	ssyncadd.s32 $0xFFFFC000  }
0x120: {  	[tilespmem:s29], [sflag:$0x1] =	stream.indirect.gather [hbm4b:s6+s28], $0x40, s14, s28, $0xb8;
	[tilespmem:$0x1D000] =	vst v63  }
0x121: {  	_ =	swait.ge [sflag:s17], $0x4000  }
0x122: {  	[sflag:s17] =	ssyncset.done $0x0  }
.Ltmp5:
0x123: {  	s14 =	sadd.s32 $0x400, s13;
	[sflag:s17] =	ssyncadd.s32 $0xFFFFC000;
	(pc) =	sbr.rel @p1 .LBB2_7-.Ltmp5, $4  }
0x124: {  	[tilespmem:s30], [sflag:$0x2] =	stream.indirect.gather [hbm4b:s6+s28], $0x40, s14, s28, $0xb8;
	[tilespmem:$0x1D000] =	vst v63  }
0x125: {  	_ =	swait.ge [sflag:s18], $0x4000  }
0x126: {  	[sflag:s18] =	ssyncset.done $0x0  }
0x127: {  	s14 =	sadd.s32 $0x500, s13;
	[sflag:s18] =	ssyncadd.s32 $0xFFFFC000  }
.Ltmp6:
0x128: {  	_ = 	snop;
	(pc) =	sbr.rel .LBB2_8-.Ltmp6, $1  }
0x129: {  	_ =	sdelay $0x3  }
.LBB2_10:
0x12a: {  	_ =	sfence.sel $0x180000  }
0x12b: {  	[bflag:$0x0] =	sbarrier.arrive $0xFFFF  }
0x12c: {  	_ =	strace $0x9000004A  }
0x12d: {  	s0 =	stileid.u32;
	[bflag:$0x2] =	sbarrier.arrive $0xFFFF  }
0x12e: {  	p0 =	sne.s32 s0, $0x0;
	s0 =	rddreg [dreg:$0x2]  }
0x12f: {  	s0 =	sadd.s32 @!p0 $0x100000, s0  }
0x130: {  	[sflag:s0] =	ssyncadd.tile.s32 @!p0 $0x1;
	_ =	shalt  }
.Lfunc_end2:
_tile_overlayer_lowered:
.L_overlay_start_2:
0x131: {  	(tag) =	ssettag $0x2  }
0x132: {  	s0 =	rddreg [dreg:$0x0];
	s2 =	stileid.u32  }
0x133: {  	s1 =	rddreg [dreg:$0x1];
	p0 =	sne.s32 s2, $0x0  }
0x134: {  	s3 =	rddreg [dreg:$0x2];
	[bflag:$0x3] =	sbarrier.arrive $0xFFFF;
	s2 =	simm.s32 @!p0 $0x1C07  }
0x135: {  	[timem:s3], [sflag:s2] =	dma.local @!p0 [hbm:s0], s1  }
0x136: {  	s0 =	simm.s32 @!p0 $0x7  }
0x137: {  	_ =	swait.ge @!p0 [sflag:s0], s1  }
0x138: {  	s1 =	ssub.s32 @!p0 $0x0, s1;
	[sflag:s0] =	ssyncset.done @!p0 $0x0  }
0x139: {  	[sflag:s0] =	ssyncadd.s32 @!p0 s1  }
0x13a: {  	[bflag:$0x3] =	sbarrier.arrive $0xFFFF  }
0x13b: {  	_ =	shalt  }

// kernel: kernel.16.cloned.1.call-start
scs
__scs_entry_jumppad:
0x0: {  	(pc) =	sbr.rel $0x88, $3  }
0x1: {  	(tag) =	ssettag $0x0;
	lr =	simm.s32 $0x1  }
0x2: {  	[smem:$0x3F99] =	sst lr;
	_ =	strace $0xD0000000  }
0x3: {  	_ = 	snop  }
0x4: {  	_ = 	snop  }
0x5: {  	_ = 	snop  }
0x6: {  	_ = 	snop  }
0x7: {  	_ = 	snop  }
__scs_overlays_trampoline_lowered:
0x8: {  	[smem:$0x3FA8] =	sst s0  }
0x9: {  	[smem:$0x3FA9] =	sst s1  }
0xa: {  	[smem:$0x3FAA] =	sst s2  }
0xb: {  	[smem:$0x3FAB] =	sst s3  }
0xc: {  	[smem:$0x3FAC] =	sst s4  }
0xd: {  	[smem:$0x3FAD] =	sst s5  }
0xe: {  	[smem:$0x3FAE] =	sst s6  }
0xf: {  	[smem:$0x3FAF] =	sst s7  }
0x10: {  	[smem:$0x3FB0] =	sst s8  }
0x11: {  	[smem:$0x3FB1] =	sst s9;
	s0 =	simm.s32 @!p0 $0x0  }
0x12: {  	s1 =	sld [smem:$0x3F97];
	s0 =	simm.s32 @p0 $0x1  }
0x13: {  	[smem:$0x3FB2] =	sst s0;
	s0 =	simm.s32 @!p1 $0x0  }
0x14: {  	s2 =	sld [smem:$0x3F96];
	s0 =	simm.s32 @p1 $0x1  }
0x15: {  	[smem:$0x3FB3] =	sst s0;
	s0 =	simm.s32 @!p2 $0x0  }
0x16: {  	s3 =	sld [smem:$0x3FDB];
	s0 =	simm.s32 @p2 $0x1  }
0x17: {  	s4 =	simm.s32 $0x1BF5;
	[smem:$0x3FB5] =	sst s0  }
0x18: {  	s0 =	sld [smem:$0x3F98];
	_ =	swait.ge [sflag:s4], $0x0  }
0x19: {  	s7 =	sld [smem:$0x3F99]  }
0x1a: {  	s8 =	sadd.s32 $0xFFFFE003, lr  }
0x1b: {  	s9 =	sadd.s32 $0xFFFFFEF7, lr;
	s5 =	simm.s32 $0xFFFFFFFF;
	p2 =	slt.u32 s8, $0xFFFFF086  }
0x1c: {  	p1 =	slt.u32 s9, $0xF7A;
	s5 =	simm.s32 @!p2 $0x0  }
0x1d: {  	s5 =	simm.s32 @p1 $0x1;
	p0 =	seq.s32 s7, s2  }
0x1e: {  	s7 =	smul.u32 @!p0 $0xF7A, s2;
	p2 =	seq.s32 @!p0 s5, $0x0  }
0x1f: {  	s9 =	smul.u32 $0xF7A, s1;
	s8 =	simm.s32 @!p0 $0x1BF5;
	p2 =	por !p2, p0  }
0x20: {  	[sflag:s8] =	ssyncset.s32 @!p0 $0xFFFFF086;
	s6 =	sadd.s32 @!p0 s3, s7;
	s7 =	simm.s32 @!p0 $0x108  }
0x21: {  	s3 =	sadd.s32 s3, s9;
	s6 =	sadd.s32 @!p0 $0x88, s6;
	s7 =	simm.s32 @p2 $0x1082  }
0x22: {  	[simem:s7], [sflag:s8] =	dma.local @!p0 [hbm:s6], $0xF7A  }
0x23: {  	s9 =	sor.u32 $0xD0000000, s2;
	s6 =	simm.s32 $0x108;
	_ =	swait.ge @!p0 [sflag:s8], $0x0  }
0x24: {  	s3 =	sadd.s32 $0x88, s3;
	s6 =	simm.s32 @!p1 $0x1082;
	[sflag:s4] =	ssyncset.s32 $0xFFFFF086  }
0x25: {  	[simem:s6], [sflag:s4] =	dma.local [hbm:s3], $0xF7A  }
0x26: {  	[smem:$0x3F99] =	sst s1;
	(tag) =	ssettag s2;
	_ =	strace s9  }
0x27: {  	s1 =	sld [smem:$0x3FA9]  }
0x28: {  	s2 =	sld [smem:$0x3FAA]  }
0x29: {  	s4 =	sld [smem:$0x3FAC]  }
0x2a: {  	p0 =	seq.s32 s5, $0x0;
	s5 =	sld [smem:$0x3FAD]  }
0x2b: {  	s6 =	sld [smem:$0x3FAE]  }
0x2c: {  	s7 =	sld [smem:$0x3FAF]  }
0x2d: {  	s3 =	simm.s32 $0x108;
	s8 =	sld [smem:$0x3FB0]  }
0x2e: {  	s3 =	simm.s32 @!p0 $0x1082;
	s9 =	sld [smem:$0x3FB1]  }
0x2f: {  	lr =	sadd.s32 s0, s3;
	s0 =	sld [smem:$0x3FA8]  }
0x30: {  	s3 =	sld [smem:$0x3FAB]  }
0x31: {  	[smem:$0x3FB4] =	sst s10  }
0x32: {  	s10 =	sld [smem:$0x3FB2];
	_ =	sdelay $0x3  }
0x33: {  	p0 =	seq.s32 s10, $0x1;
	s10 =	sld [smem:$0x3FB4];
	_ =	sdelay $0x3  }
0x34: {  	[smem:$0x3FB4] =	sst s10  }
0x35: {  	s10 =	sld [smem:$0x3FB3];
	_ =	sdelay $0x3  }
0x36: {  	p1 =	seq.s32 s10, $0x1;
	s10 =	sld [smem:$0x3FB4];
	_ =	sdelay $0x3  }
0x37: {  	[smem:$0x3FB4] =	sst s10  }
0x38: {  	s10 =	sld [smem:$0x3FB5]  }
0x39: {  	_ = 	snop;
	(pc) =	sbr.ind lr, $3  }
0x3a: {  	_ = 	snop  }
0x3b: {  	_ = 	snop  }
0x3c: {  	p2 =	seq.s32 s10, $0x1;
	s10 =	sld [smem:$0x3FB4]  }
0x3d: {  	_ =	shalt  }
0x3e: {  	_ =	shalt  }
0x3f: {  	_ =	shalt  }
0x40: {  	_ =	shalt  }
0x41: {  	_ =	shalt  }
0x42: {  	_ =	shalt  }
0x43: {  	_ =	shalt  }
0x44: {  	_ =	shalt  }
0x45: {  	_ =	shalt  }
0x46: {  	_ =	shalt  }
0x47: {  	_ =	shalt  }
0x48: {  	_ =	shalt  }
0x49: {  	_ =	shalt  }
0x4a: {  	_ =	shalt  }
0x4b: {  	_ =	shalt  }
0x4c: {  	_ =	shalt  }
0x4d: {  	_ =	shalt  }
0x4e: {  	_ =	shalt  }
0x4f: {  	_ =	shalt  }
0x50: {  	_ =	shalt  }
0x51: {  	_ =	shalt  }
0x52: {  	_ =	shalt  }
0x53: {  	_ =	shalt  }
0x54: {  	_ =	shalt  }
0x55: {  	_ =	shalt  }
0x56: {  	_ =	shalt  }
0x57: {  	_ =	shalt  }
0x58: {  	_ =	shalt  }
0x59: {  	_ =	shalt  }
0x5a: {  	_ =	shalt  }
0x5b: {  	_ =	shalt  }
0x5c: {  	_ =	shalt  }
0x5d: {  	_ =	shalt  }
0x5e: {  	_ =	shalt  }
0x5f: {  	_ =	shalt  }
0x60: {  	_ =	shalt  }
0x61: {  	_ =	shalt  }
0x62: {  	_ =	shalt  }
0x63: {  	_ =	shalt  }
0x64: {  	_ =	shalt  }
0x65: {  	_ =	shalt  }
0x66: {  	_ =	shalt  }
0x67: {  	_ =	shalt  }
0x68: {  	_ =	shalt  }
0x69: {  	_ =	shalt  }
0x6a: {  	_ =	shalt  }
0x6b: {  	_ =	shalt  }
0x6c: {  	_ =	shalt  }
0x6d: {  	_ =	shalt  }
0x6e: {  	_ =	shalt  }
0x6f: {  	_ =	shalt  }
0x70: {  	_ =	shalt  }
0x71: {  	_ =	shalt  }
0x72: {  	_ =	shalt  }
0x73: {  	_ =	shalt  }
0x74: {  	_ =	shalt  }
0x75: {  	_ =	shalt  }
0x76: {  	_ =	shalt  }
0x77: {  	_ =	shalt  }
0x78: {  	_ =	shalt  }
0x79: {  	_ =	shalt  }
0x7a: {  	_ =	shalt  }
0x7b: {  	_ =	shalt  }
0x7c: {  	_ =	shalt  }
0x7d: {  	_ =	shalt  }
0x7e: {  	_ =	shalt  }
0x7f: {  	_ =	shalt  }
0x80: {  	_ =	shalt  }
0x81: {  	_ =	shalt  }
0x82: {  	_ =	shalt  }
0x83: {  	_ =	shalt  }
0x84: {  	_ =	shalt  }
0x85: {  	_ =	shalt  }
0x86: {  	_ =	shalt  }
0x87: {  	_ =	shalt  }
.Lfunc_end0:
.L_simem_size_0:
called_computation.2_lowered:
.L_overlay_start_0:
0x88: {  	s2 =	sld [smem:$0x3FD9]  }
0x89: {  	s3 =	sld [smem:$0x3FFE];
	_ =	sdelay $0x1  }
0x8a: {  	s1 =	srdreg.scid  }
0x8b: {  	s0 =	sand.u32 $0x1, s1  }
0x8c: {  	s16 =	sshll.u32 s0, $0xA;
	s2 =	sadd.s32 s3, s2  }
0x8d: {  	s2 =	sadd.s32 s2, s16  }
0x8e: {  	[smem:$0x3FC0] =	sst s2  }
0x8f: {  	_ = 	snop  }
0x90: {  	(tm) =	ssettm $0x1  }
0x91: {  	s17 =	sld [smem:$0x3FFB];
	_ =	sdelay $0x3  }
0x92: {  	_ =	strace s17  }
0x93: {  	s2 =	sld [smem:$0x3FFC];
	_ =	sdelay $0x3  }
0x94: {  	_ =	strace s2  }
0x95: {  	s2 =	sld [smem:$0x3FFD];
	_ =	sdelay $0x3  }
0x96: {  	_ =	strace s2  }
0x97: {  	_ =	strace $0x8FFFFFFF  }
0x98: {  	s18 =	sld [smem:$0x3FDB];
	_ =	sdelay $0x1  }
0x99: {  	s19 =	simm.s32 $_scs_section_size  }
0x9a: {  	s4 =	simm.s32 $_size__tile_overlayer_lowered;
	s5 =	simm.s32 $_tile_overlayer_lowered  }
0x9b: {  	s22 =	simm.s32 $0x1BFF;
	s21 =	sshll.u32 s5, $0x1;
	s2 =	sadd.s32 s19, s18  }
0x9c: {  	s6 =	simm.s32 $0x0;
	s20 =	sshll.u32 s4, $0x1;
	s4 =	sadd.s32 s21, s2  }
0x9d: {  	[timem:s6], [sflag:s22] =	dma.local [hbm:s4], s20  }
0x9e: {  	_ =	swait.ge [sflag:s22], s20  }
0x9f: {  	s3 =	ssub.s32 $0x0, s20;
	[sflag:s22] =	ssyncset.done $0x0  }
0xa0: {  	[sflag:s22] =	ssyncadd.s32 s3;
	_ =	sdelay $0x1  }
0xa1: {  	s23 =	simm.s32 $0x1B8B  }
0xa2: {  	_ =	swait.ge [sflag:s23], $0x1  }
0xa3: {  	[sflag:s23] =	ssyncset.done $0x0  }
0xa4: {  	s25 =	simm.s32 $0x1B8E;
	s24 =	sld [smem:$0x3FFE];
	[sflag:s23] =	ssyncadd.s32 $0xFFFFFFFF  }
0xa5: {  	s26 =	simm.s32 $execute0_lowered;
	[smem:$0x3FD2] =	sst s25  }
0xa6: {  	s4 =	sshll.u32 s26, $0x1;
	_ =	strace $0x8000004C;
	[dreg:$0x1] =	wrdreg $0xFFFFFFFF  }
0xa7: {  	s28 =	simm.s32 $_size_execute0_lowered;
	s2 =	sadd.s32 s2, s4;
	[dreg:$0x0] =	wrdreg $0x0  }
0xa8: {  	s4 =	sshll.u32 s28, $0x1;
	[dreg:$0x2] =	wrdreg s2  }
0xa9: {  	[dreg:$0x3] =	wrdreg s4  }
0xaa: {  	[dreg:$0x4] =	wrdreg $0xC0  }
0xab: {  	_ =	task [dreg:s6], $0x5FFFF  }
0xac: {  	[dreg:$0x1] =	wrdreg $0xFFFFFFFF  }
0xad: {  	[dreg:$0x0] =	wrdreg $0x60  }
0xae: {  	[dreg:$0x2] =	wrdreg s24  }
0xaf: {  	[dreg:$0x3] =	wrdreg $0xBC000  }
0xb0: {  	[dreg:$0x4] =	wrdreg $0x9  }
0xb1: {  	_ =	task.clear_ibuf [dreg:s6], $0x5FFFF;
	_ =	strace $0x9000004C  }
0xb2: {  	s29 =	simm.s32 $0x9;
	_ =	strace $0x8000004E  }
0xb3: {  	_ =	swait.ge [sflag:s29], $0x1  }
0xb4: {  	[sflag:s29] =	ssyncadd.s32 $0xFFFFFFFF  }
0xb5: {  	_ =	strace $0x9000004E  }
0xb6: {  	_ =	sfence  }
0xb7: {  	s30 =	sld [smem:$0x0];
	_ =	sdelay $0x2  }
0xb8: {  	s31 =	sshll.u32 s1, $0xD;
	s1 =	sshrl.u32 s1, $0x2  }
0xb9: {  	s3 =	sand.u32 $0x4000, s31;
	s1 =	sadd.s32 s1, s30  }
0xba: {  	s0 =	sor.u32 s3, s0;
	s1 =	sshll.u32 s1, $0x11  }
0xbb: {  	s0 =	sor.u32 s1, s0  }
0xbc: {  	s0 =	sadd.s32 $0x8F2B, s0  }
0xbd: {  	[sflag:s0] =	ssyncadd.remote.s32 $0x1  }
0xbe: {  	_ =	sfence.sel $0xFFFF  }
0xbf: {  	[dreg:$0x0] =	wrdreg $0xFFFFFFFF;
	(pc) =	sbr.abs _section_cstart, $3  }
0xc0: {  	[dreg:$0x1] =	wrdreg $0xFFFFFFFF  }
0xc1: {  	_ =	task.clear_ibuf [dreg:s6], $0x2FFFF;
	_ =	strace $0x9FFFFFFF  }
0xc2: {  	(tm) =	ssettm $0x7FFFFFFF  }
0xc3: {  	_ =	shalt  }
tec
execute0_lowered:
.L_overlay_start_1:
0x0: {  	(tag) =	ssettag $0x1  }
0x1: {  	s0 =	rddreg [dreg:$0x0]  }
0x2: {  	s1 =	rddreg [dreg:$0x1];
	s2 =	simm.s32 $0x0  }
0x3: {  	s3 =	srdreg.scid;
	s17 =	stileid.u32;
	s28 =	simm.s32 $0x100  }
0x4: {  	s29 =	simm.s32 $0x4800;
	s30 =	simm.s32 $0x6800;
	s31 =	simm.s32 $0x200  }
0x5: {  	[smem:$0x7FF] =	sst s2;
	s4 =	sadd.s32 $0x17200, s0;
	s3 =	sand.u32 $0x1, s3  }
0x6: {  	s5 =	sadd.s32 $0x3200, s0;
	s8 =	smul.u32 $0x5000, s17;
	s6 =	sadd.s32 $0xD200, s0  }
0x7: {  	s9 =	sadd.s32 $0x53200, s0;
	s0 =	sadd.s32 $0x49200, s0;
	s16 =	smul.u32 $0x4C00, s17  }
0x8: {  	s13 =	sshll.u32 s17, $0x7;
	_ =	strace $0x8000004D;
	[dreg:$0x3] =	wrdreg s9  }
0x9: {  	s17 =	smul.u32 $0x980, s17;
	s7 =	ssub.s32 $0x2, s3;
	[dreg:$0x4] =	wrdreg s0  }
0xa: {  	s13 =	sor.u32 $0x9800, s13;
	p0 =	sne.s32 s3, $0x0;
	s0 =	simm.s32 $0x8800  }
0xb: {  	s3 =	simm.s32 $0x1;
	s18 =	sshrl.u32 s7, $0x1;
	s21 =	sadd.s32 $0x1400, s8  }
0xc: {  	s9 =	sadd.s32 s8, s1;
	s14 =	sadd.s32 $0x2800, s8;
	s15 =	sadd.s32 $0x3C00, s8  }
0xd: {  	[dreg:$0x5] =	wrdreg s13;
	s8 =	sshrl.u32 s8, $0x3;
	s22 =	sshrl.u32 s16, $0x3  }
0xe: {  	s23 =	sadd.s32 s4, s17;
	s24 =	sadd.s32 s5, s17;
	s17 =	simm.s32 $0x5  }
0xf: {  	s19 =	ssub.s32 s7, s18;
	s10 =	sadd.s32 s21, s1;
	[dreg:$0x6] =	wrdreg s8  }
0x10: {  	s11 =	sadd.s32 s14, s1;
	s12 =	sadd.s32 s15, s1;
	[dreg:$0x7] =	wrdreg s23  }
0x11: {  	[dreg:$0x8] =	wrdreg s24;
	s16 =	sadd.s32 $0x480, s22;
	s8 =	sadd.s32 $0x900, s22  }
0x12: {  	s20 =	sshrl.u32 s21, $0x3;
	s21 =	sshrl.u32 s14, $0x3;
	s22 =	sshrl.u32 s15, $0x3  }
.Ltmp0:
0x13: {  	s24 =	simm.s32 $0xA800;
	s7 =	simm.s32 $0x2;
	(pc) =	sbr.rel .LBB2_1-.Ltmp0, $4  }
0x14: {  	s15 =	simm.s32 $0x3;
	s18 =	simm.s32 $0x6;
	s25 =	sadd.s32 s4, s16  }
0x15: {  	s26 =	sadd.s32 s5, s16;
	[dreg:$0xb] =	wrdreg s8;
	s23 =	smax.u32 s19, $0x1  }
0x16: {  	s16 =	simm.s32 $0x4;
	s19 =	simm.s32 $0x0;
	[dreg:$0x9] =	wrdreg s25  }
0x17: {  	v0 =	vimm.f32 $0.0e+00;
	[dreg:$0xa] =	wrdreg s26;
	s25 =	simm.s32 $0x7;
	s26 =	simm.s32 $0x2400  }
.LBB2_8:
0x18: {  	[tilespmem:s0], [sflag:$0x3] =	stream.indirect.gather [hbm4b:s6+s28], $0x20, s14, s28, $0xb8;
	[tilespmem:$0x10C00] =	vst v63  }
0x19: {  	_ =	swait.ge [sflag:s3], $0x2000  }
0x1a: {  	[sflag:s3] =	ssyncset.done $0x0  }
0x1b: {  	s8 =	simm.s32 $0x4500;
	[sflag:s3] =	ssyncadd.s32 $0xFFFFE000  }
0x1c: {  	[spmem:s1] =	stream.indirect.scatter.add.f32 [tilespmem:s29], [sflag:$0x4], $0x20, s8, s28, $0xb8;
	[tilespmem:$0x10C00] =	vst v63  }
0x1d: {  	_ =	swait.ge [sflag:s7], $0x2000  }
0x1e: {  	[sflag:s7] =	ssyncset.done $0x0  }
0x1f: {  	s13 =	simm.s32 $0x4600;
	[sflag:s7] =	ssyncadd.s32 $0xFFFFE000  }
0x20: {  	[spmem:s1] =	stream.indirect.scatter.add.f32 [tilespmem:s30], [sflag:$0x5], $0x20, s13, s28, $0xb8;
	[tilespmem:$0x10C00] =	vst v63  }
0x21: {  	_ =	swait.ge [sflag:s15], $0x2000  }
0x22: {  	[sflag:s15] =	ssyncset.done $0x0  }
0x23: {  	s14 =	simm.s32 $0x4700;
	[sflag:s15] =	ssyncadd.s32 $0xFFFFE000  }
0x24: {  	[spmem:s1] =	stream.indirect.scatter.add.f32 [tilespmem:s0], [sflag:$0x6], $0x20, s14, s28, $0xb8;
	[tilespmem:$0x10C00] =	vst v63  }
0x25: {  	_ =	swait.ge [sflag:s16], $0x2000  }
0x26: {  	[sflag:s16] =	ssyncset.done $0x0  }
0x27: {  	[sflag:s16] =	ssyncadd.s32 $0xFFFFE000  }
0x28: {  	_ =	swait.ge [sflag:s17], $0x2000  }
0x29: {  	[sflag:s17] =	ssyncset.done $0x0  }
0x2a: {  	[sflag:s17] =	ssyncadd.s32 $0xFFFFE000  }
0x2b: {  	_ =	swait.ge [sflag:s18], $0x2000  }
0x2c: {  	[sflag:s18] =	ssyncset.done $0x0;
	s14 =	rddreg [dreg:$0xb]  }
0x2d: {  	s8 =	rddreg [dreg:$0x3];
	[sflag:s18] =	ssyncadd.s32 $0xFFFFE000  }
.LBB2_9:
0x2e: {  	s13 =	sadd.s32 s4, s14  }
0x2f: {  	[tilespmem:s2], [sflag:$0x7] =	stream.linear.gather [hbm4b:s13+s2], $0x400, $0x38;
	[tilespmem:$0x10C00] =	vst v63  }
0x30: {  	_ =	swait.ge [sflag:s25], $0x400  }
0x31: {  	[sflag:s25] =	ssyncset.done $0x0  }
0x32: {  	s14 =	sadd.s32 s5, s14;
	[sflag:s25] =	ssyncadd.s32 $0xFFFFFC00  }
0x33: {  	[tilespmem:s26], [sflag:$0x7] =	stream.linear.gather [hbm4b:s14+s2], $0x400, $0x38;
	[tilespmem:$0x10C00] =	vst v63  }
0x34: {  	_ =	swait.ge [sflag:s25], $0x400  }
0x35: {  	[sflag:s25] =	ssyncset.done $0x0  }
0x36: {  	[sflag:s25] =	ssyncadd.s32 $0xFFFFFC00  }
0x37: {  	[tilespmem:s29], [sflag:$0x1] =	stream.indirect.gather [hbm4b:s6+s28], $0x20, s2, s28, $0xb8;
	[tilespmem:$0x10C00] =	vst v63  }
0x38: {  	_ = 	snop  }
0x39: {  	[tilespmem:s30], [sflag:$0x2] =	stream.indirect.gather [hbm4b:s6+s28], $0x20, s28, s28, $0xb8;
	[tilespmem:$0x10C00] =	vst v63  }
0x3a: {  	_ =	swait.ge [sflag:s3], $0x2000  }
0x3b: {  	[sflag:s3] =	ssyncset.done $0x0  }
0x3c: {  	[sflag:s3] =	ssyncadd.s32 $0xFFFFE000  }
0x3d: {  	[spmem:s1] =	stream.indirect.scatter.add.f32 [tilespmem:s29], [sflag:$0x4], $0x20, s26, s28, $0xb8;
	[tilespmem:$0x10C00] =	vst v63  }
0x3e: {  	_ =	swait.ge [sflag:s7], $0x2000  }
0x3f: {  	[sflag:s7] =	ssyncset.done $0x0  }
0x40: {  	s14 =	simm.s32 $0x2500;
	[sflag:s7] =	ssyncadd.s32 $0xFFFFE000  }
0x41: {  	[spmem:s1] =	stream.indirect.scatter.add.f32 [tilespmem:s30], [sflag:$0x5], $0x20, s14, s28, $0xb8;
	[tilespmem:$0x10C00] =	vst v63  }
0x42: {  	_ =	swait.ge [sflag:s16], $0x2000  }
0x43: {  	[sflag:s16] =	ssyncset.done $0x0  }
0x44: {  	[sflag:s16] =	ssyncadd.s32 $0xFFFFE000  }
0x45: {  	_ =	swait.ge [sflag:s17], $0x2000  }
0x46: {  	[sflag:s17] =	ssyncset.done $0x0  }
0x47: {  	[sflag:s17] =	ssyncadd.s32 $0xFFFFE000  }
0x48: {  	[tilespmem:s29], [sflag:$0x1] =	stream.indirect.gather [hbm4b:s6+s28], $0x20, s31, s28, $0xb8;
	[tilespmem:$0x10C00] =	vst v63  }
0x49: {  	s14 =	simm.s32 $0x300  }
0x4a: {  	[tilespmem:s30], [sflag:$0x2] =	stream.indirect.gather [hbm4b:s6+s28], $0x20, s14, s28, $0xb8;
	[tilespmem:$0x10C00] =	vst v63  }
0x4b: {  	_ =	swait.ge [sflag:s3], $0x2000  }
0x4c: {  	[sflag:s3] =	ssyncset.done $0x0  }
0x4d: {  	s14 =	simm.s32 $0x2600;
	[sflag:s3] =	ssyncadd.s32 $0xFFFFE000  }
0x4e: {  	[spmem:s1] =	stream.indirect.scatter.add.f32 [tilespmem:s29], [sflag:$0x4], $0x20, s14, s28, $0xb8;
	[tilespmem:$0x10C00] =	vst v63  }
0x4f: {  	_ =	swait.ge [sflag:s7], $0x2000  }
0x50: {  	[sflag:s7] =	ssyncset.done $0x0  }
0x51: {  	s14 =	simm.s32 $0x2700;
	[sflag:s7] =	ssyncadd.s32 $0xFFFFE000  }
0x52: {  	[spmem:s1] =	stream.indirect.scatter.add.f32 [tilespmem:s30], [sflag:$0x5], $0x20, s14, s28, $0xb8;
	[tilespmem:$0x10C00] =	vst v63  }
0x53: {  	_ =	swait.ge [sflag:s16], $0x2000  }
0x54: {  	[sflag:s16] =	ssyncset.done $0x0  }
0x55: {  	[sflag:s16] =	ssyncadd.s32 $0xFFFFE000  }
0x56: {  	_ =	swait.ge [sflag:s17], $0x2000  }
0x57: {  	[sflag:s17] =	ssyncset.done $0x0  }
0x58: {  	[sflag:s17] =	ssyncadd.s32 $0xFFFFE000  }
0x59: {  	[bflag:$0x0] =	sbarrier.arrive $0xFFFF  }
0x5a: {  	[tilespmem:s24], [sflag:$0x7] =	stream.linear.gather [spmem:s9], $0x1400, $0x38;
	[tilespmem:$0x10C00] =	vst v63  }
0x5b: {  	_ =	swait.ge [sflag:s25], $0x1400  }
0x5c: {  	[sflag:s25] =	ssyncset.done $0x0;
	s14 =	rddreg [dreg:$0x6]  }
0x5d: {  	s13 =	sadd.s32 s8, s14;
	[sflag:s25] =	ssyncadd.s32 $0xFFFFEC00  }
0x5e: {  	[hbm4b:s13+s2] =	stream.linear.scatter [tilespmem:s24], [sflag:$0x7], $0x1400, $0x38;
	[tilespmem:$0x10C00] =	vst v63  }
0x5f: {  	_ =	swait.ge [sflag:s25], $0x1400  }
0x60: {  	[sflag:s25] =	ssyncset.done $0x0  }
0x61: {  	[sflag:s25] =	ssyncadd.s32 $0xFFFFEC00  }
0x62: {  	[tilespmem:s24], [sflag:$0x7] =	stream.linear.gather [spmem:s10], $0x1400, $0x38;
	[tilespmem:$0x10C00] =	vst v63  }
0x63: {  	_ =	swait.ge [sflag:s25], $0x1400  }
0x64: {  	[sflag:s25] =	ssyncset.done $0x0  }
0x65: {  	s14 =	sadd.s32 s8, s20;
	[sflag:s25] =	ssyncadd.s32 $0xFFFFEC00  }
0x66: {  	[hbm4b:s14+s2] =	stream.linear.scatter [tilespmem:s24], [sflag:$0x7], $0x1400, $0x38;
	[tilespmem:$0x10C00] =	vst v63  }
0x67: {  	_ =	swait.ge [sflag:s25], $0x1400  }
0x68: {  	[sflag:s25] =	ssyncset.done $0x0  }
0x69: {  	[sflag:s25] =	ssyncadd.s32 $0xFFFFEC00  }
0x6a: {  	[tilespmem:s24], [sflag:$0x7] =	stream.linear.gather [spmem:s11], $0x1400, $0x38;
	[tilespmem:$0x10C00] =	vst v63  }
0x6b: {  	_ =	swait.ge [sflag:s25], $0x1400  }
0x6c: {  	[sflag:s25] =	ssyncset.done $0x0  }
0x6d: {  	s14 =	sadd.s32 s8, s21;
	[sflag:s25] =	ssyncadd.s32 $0xFFFFEC00  }
0x6e: {  	[hbm4b:s14+s2] =	stream.linear.scatter [tilespmem:s24], [sflag:$0x7], $0x1400, $0x38;
	[tilespmem:$0x10C00] =	vst v63  }
0x6f: {  	_ =	swait.ge [sflag:s25], $0x1400  }
0x70: {  	[sflag:s25] =	ssyncset.done $0x0  }
0x71: {  	[sflag:s25] =	ssyncadd.s32 $0xFFFFEC00  }
0x72: {  	[tilespmem:s24], [sflag:$0x7] =	stream.linear.gather [spmem:s12], $0x1400, $0x38;
	[tilespmem:$0x10C00] =	vst v63  }
0x73: {  	s19 =	sadd.s32 $0x1, s19;
	_ =	swait.ge [sflag:s25], $0x1400  }
0x74: {  	p1 =	sne.s32 s19, s23;
	[sflag:s25] =	ssyncset.done $0x0  }
.Ltmp1:
0x75: {  	s14 =	sadd.s32 s8, s22;
	[sflag:s25] =	ssyncadd.s32 $0xFFFFEC00;
	(pc) =	sbr.rel @!p1 .LBB2_10-.Ltmp1, $4  }
0x76: {  	[hbm4b:s14+s2] =	stream.linear.scatter [tilespmem:s24], [sflag:$0x7], $0x1400, $0x38;
	[tilespmem:$0x10C00] =	vst v63  }
0x77: {  	_ =	swait.ge [sflag:s25], $0x1400  }
0x78: {  	[sflag:s25] =	ssyncset.done $0x0  }
0x79: {  	[sflag:s25] =	ssyncadd.s32 $0xFFFFEC00  }
.LBB2_1:
0x7a: {  	s8 =	simm.s32 $0x80;
	s14 =	simm.s32 $0x0  }
.LBB2_2:
0x7b: {  	p1 =	sne.s32 s8, $0x4F80;
	[tilespmem:s14+$0xA800] =	vst v0;
	s13 =	smov.u32 s8;
	s8 =	sadd.s32 $0x80, s8  }
.Ltmp2:
0x7c: {  	[tilespmem:s14+$0xA810] =	vst v0;
	(pc) =	sbr.rel @p1 .LBB2_2-.Ltmp2, $2  }
0x7d: {  	_ =	sdelay $0x2  }
0x7e: {  	s14 =	sshra.s32 s13, $0x2  }
0x7f: {  	[tilespmem:s14+$0xA800] =	vst v0  }
0x80: {  	[tilespmem:s14+$0xA810] =	vst v0  }
0x81: {  	[spmem:s9] =	stream.linear.scatter [tilespmem:s24], [sflag:$0x7], $0x1400, $0x38;
	[tilespmem:$0x10C00] =	vst v63  }
0x82: {  	_ =	swait.ge [sflag:s25], $0x1400  }
0x83: {  	[sflag:s25] =	ssyncset.done $0x0  }
0x84: {  	[sflag:s25] =	ssyncadd.s32 $0xFFFFEC00  }
0x85: {  	[spmem:s10] =	stream.linear.scatter [tilespmem:s24], [sflag:$0x7], $0x1400, $0x38;
	[tilespmem:$0x10C00] =	vst v63  }
0x86: {  	_ =	swait.ge [sflag:s25], $0x1400  }
0x87: {  	[sflag:s25] =	ssyncset.done $0x0  }
0x88: {  	[sflag:s25] =	ssyncadd.s32 $0xFFFFEC00  }
0x89: {  	[spmem:s11] =	stream.linear.scatter [tilespmem:s24], [sflag:$0x7], $0x1400, $0x38;
	[tilespmem:$0x10C00] =	vst v63  }
0x8a: {  	_ =	swait.ge [sflag:s25], $0x1400  }
0x8b: {  	[sflag:s25] =	ssyncset.done $0x0  }
0x8c: {  	[sflag:s25] =	ssyncadd.s32 $0xFFFFEC00  }
0x8d: {  	[spmem:s12] =	stream.linear.scatter [tilespmem:s24], [sflag:$0x7], $0x1400, $0x38;
	[tilespmem:$0x10C00] =	vst v63  }
0x8e: {  	_ =	swait.ge [sflag:s25], $0x1400  }
.Ltmp3:
0x8f: {  	[sflag:s25] =	ssyncset.done $0x0;
	(pc) =	sbr.rel @p0 .LBB2_9-.Ltmp3, $4  }
0x90: {  	[sflag:s25] =	ssyncadd.s32 $0xFFFFEC00  }
0x91: {  	[bflag:$0x0] =	sbarrier.arrive $0xFFFF  }
0x92: {  	s14 =	rddreg [dreg:$0x5]  }
0x93: {  	s8 =	rddreg [dreg:$0x4]  }
0x94: {  	s8 =	simm.s32 $0x0;
	s13 =	rddreg [dreg:$0x7]  }
0x95: {  	[tilespmem:s8], [sflag:$0x7] =	stream.linear.gather [hbm4b:s13+s8], $0x2400, $0x38;
	[tilespmem:$0x10C00] =	vst v63  }
0x96: {  	_ =	swait.ge [sflag:s25], $0x2400  }
0x97: {  	[sflag:s25] =	ssyncset.done $0x0  }
0x98: {  	s14 =	rddreg [dreg:$0x8];
	[sflag:s25] =	ssyncadd.s32 $0xFFFFDC00  }
0x99: {  	[tilespmem:s26], [sflag:$0x7] =	stream.linear.gather [hbm4b:s14+s8], $0x2400, $0x38;
	[tilespmem:$0x10C00] =	vst v63  }
0x9a: {  	_ =	swait.ge [sflag:s25], $0x2400  }
0x9b: {  	[sflag:s25] =	ssyncset.done $0x0  }
0x9c: {  	[sflag:s25] =	ssyncadd.s32 $0xFFFFDC00  }
0x9d: {  	[tilespmem:s29], [sflag:$0x1] =	stream.indirect.gather [hbm4b:s6+s28], $0x20, s8, s28, $0xb8;
	[tilespmem:$0x10C00] =	vst v63  }
0x9e: {  	_ = 	snop  }
0x9f: {  	[tilespmem:s30], [sflag:$0x2] =	stream.indirect.gather [hbm4b:s6+s28], $0x20, s28, s28, $0xb8;
	[tilespmem:$0x10C00] =	vst v63  }
0xa0: {  	_ = 	snop  }
0xa1: {  	[tilespmem:s0], [sflag:$0x3] =	stream.indirect.gather [hbm4b:s6+s28], $0x20, s31, s28, $0xb8;
	[tilespmem:$0x10C00] =	vst v63  }
0xa2: {  	_ =	swait.ge [sflag:s3], $0x2000  }
0xa3: {  	[sflag:s3] =	ssyncset.done $0x0  }
0xa4: {  	s14 =	simm.s32 $0x2400;
	[sflag:s3] =	ssyncadd.s32 $0xFFFFE000  }
0xa5: {  	[spmem:s1] =	stream.indirect.scatter.add.f32 [tilespmem:s29], [sflag:$0x4], $0x20, s14, s28, $0xb8;
	[tilespmem:$0x10C00] =	vst v63  }
0xa6: {  	_ =	swait.ge [sflag:s7], $0x2000  }
0xa7: {  	[sflag:s7] =	ssyncset.done $0x0  }
0xa8: {  	s13 =	simm.s32 $0x2500;
	[sflag:s7] =	ssyncadd.s32 $0xFFFFE000  }
0xa9: {  	[spmem:s1] =	stream.indirect.scatter.add.f32 [tilespmem:s30], [sflag:$0x5], $0x20, s13, s28, $0xb8;
	[tilespmem:$0x10C00] =	vst v63  }
0xaa: {  	_ =	swait.ge [sflag:s15], $0x2000  }
0xab: {  	[sflag:s15] =	ssyncset.done $0x0  }
0xac: {  	s14 =	simm.s32 $0x2600;
	[sflag:s15] =	ssyncadd.s32 $0xFFFFE000  }
0xad: {  	[spmem:s1] =	stream.indirect.scatter.add.f32 [tilespmem:s0], [sflag:$0x6], $0x20, s14, s28, $0xb8;
	[tilespmem:$0x10C00] =	vst v63  }
0xae: {  	_ =	swait.ge [sflag:s16], $0x2000  }
0xaf: {  	[sflag:s16] =	ssyncset.done $0x0  }
0xb0: {  	s13 =	simm.s32 $0x300;
	[sflag:s16] =	ssyncadd.s32 $0xFFFFE000  }
0xb1: {  	[tilespmem:s29], [sflag:$0x1] =	stream.indirect.gather [hbm4b:s6+s28], $0x20, s13, s28, $0xb8;
	[tilespmem:$0x10C00] =	vst v63  }
0xb2: {  	_ =	swait.ge [sflag:s17], $0x2000  }
0xb3: {  	[sflag:s17] =	ssyncset.done $0x0  }
0xb4: {  	s14 =	simm.s32 $0x400;
	[sflag:s17] =	ssyncadd.s32 $0xFFFFE000  }
0xb5: {  	[tilespmem:s30], [sflag:$0x2] =	stream.indirect.gather [hbm4b:s6+s28], $0x20, s14, s28, $0xb8;
	[tilespmem:$0x10C00] =	vst v63  }
0xb6: {  	_ =	swait.ge [sflag:s18], $0x2000  }
0xb7: {  	[sflag:s18] =	ssyncset.done $0x0  }
0xb8: {  	s8 =	simm.s32 $0xC00;
	s14 =	simm.s32 $0x500;
	[sflag:s18] =	ssyncadd.s32 $0xFFFFE000  }
.LBB2_5:
0xb9: {  	[tilespmem:s0], [sflag:$0x3] =	stream.indirect.gather [hbm4b:s6+s28], $0x20, s14, s28, $0xb8;
	[tilespmem:$0x10C00] =	vst v63  }
0xba: {  	s13 =	smov.u32 s8  }
0xbb: {  	p1 =	sne.s32 s8, $0x7800;
	s8 =	sadd.s32 $0xC00, s8;
	_ =	swait.ge [sflag:s3], $0x2000  }
0xbc: {  	s13 =	sshra.s32 s13, $0x2;
	[sflag:s3] =	ssyncset.done $0x0  }
0xbd: {  	s14 =	sadd.s32 $0x2400, s13;
	[sflag:s3] =	ssyncadd.s32 $0xFFFFE000  }
0xbe: {  	[spmem:s1] =	stream.indirect.scatter.add.f32 [tilespmem:s29], [sflag:$0x4], $0x20, s14, s28, $0xb8;
	[tilespmem:$0x10C00] =	vst v63  }
0xbf: {  	_ =	swait.ge [sflag:s7], $0x2000  }
0xc0: {  	[sflag:s7] =	ssyncset.done $0x0  }
0xc1: {  	s14 =	sadd.s32 $0x2500, s13;
	[sflag:s7] =	ssyncadd.s32 $0xFFFFE000  }
0xc2: {  	[spmem:s1] =	stream.indirect.scatter.add.f32 [tilespmem:s30], [sflag:$0x5], $0x20, s14, s28, $0xb8;
	[tilespmem:$0x10C00] =	vst v63  }
0xc3: {  	_ =	swait.ge [sflag:s15], $0x2000  }
0xc4: {  	[sflag:s15] =	ssyncset.done $0x0  }
0xc5: {  	s14 =	sadd.s32 $0x2600, s13;
	[sflag:s15] =	ssyncadd.s32 $0xFFFFE000  }
0xc6: {  	[spmem:s1] =	stream.indirect.scatter.add.f32 [tilespmem:s0], [sflag:$0x6], $0x20, s14, s28, $0xb8;
	[tilespmem:$0x10C00] =	vst v63  }
0xc7: {  	_ =	swait.ge [sflag:s16], $0x2000  }
0xc8: {  	[sflag:s16] =	ssyncset.done $0x0  }
0xc9: {  	s14 =	sadd.s32 $0x300, s13;
	[sflag:s16] =	ssyncadd.s32 $0xFFFFE000  }
0xca: {  	[tilespmem:s29], [sflag:$0x1] =	stream.indirect.gather [hbm4b:s6+s28], $0x20, s14, s28, $0xb8;
	[tilespmem:$0x10C00] =	vst v63  }
0xcb: {  	_ =	swait.ge [sflag:s17], $0x2000  }
0xcc: {  	[sflag:s17] =	ssyncset.done $0x0  }
.Ltmp4:
0xcd: {  	s14 =	sadd.s32 $0x400, s13;
	[sflag:s17] =	ssyncadd.s32 $0xFFFFE000;
	(pc) =	sbr.rel @p1 .LBB2_5-.Ltmp4, $4  }
0xce: {  	[tilespmem:s30], [sflag:$0x2] =	stream.indirect.gather [hbm4b:s6+s28], $0x20, s14, s28, $0xb8;
	[tilespmem:$0x10C00] =	vst v63  }
0xcf: {  	_ =	swait.ge [sflag:s18], $0x2000  }
0xd0: {  	[sflag:s18] =	ssyncset.done $0x0  }
0xd1: {  	s14 =	sadd.s32 $0x500, s13;
	[sflag:s18] =	ssyncadd.s32 $0xFFFFE000  }
0xd2: {  	[tilespmem:s0], [sflag:$0x3] =	stream.indirect.gather [hbm4b:s6+s28], $0x20, s14, s28, $0xb8;
	[tilespmem:$0x10C00] =	vst v63  }
0xd3: {  	_ =	swait.ge [sflag:s3], $0x2000  }
0xd4: {  	[sflag:s3] =	ssyncset.done $0x0  }
0xd5: {  	s8 =	simm.s32 $0x4500;
	[sflag:s3] =	ssyncadd.s32 $0xFFFFE000  }
0xd6: {  	[spmem:s1] =	stream.indirect.scatter.add.f32 [tilespmem:s29], [sflag:$0x4], $0x20, s8, s28, $0xb8;
	[tilespmem:$0x10C00] =	vst v63  }
0xd7: {  	_ =	swait.ge [sflag:s7], $0x2000  }
0xd8: {  	[sflag:s7] =	ssyncset.done $0x0  }
0xd9: {  	s14 =	simm.s32 $0x4600;
	[sflag:s7] =	ssyncadd.s32 $0xFFFFE000  }
0xda: {  	[spmem:s1] =	stream.indirect.scatter.add.f32 [tilespmem:s30], [sflag:$0x5], $0x20, s14, s28, $0xb8;
	[tilespmem:$0x10C00] =	vst v63  }
0xdb: {  	_ =	swait.ge [sflag:s15], $0x2000  }
0xdc: {  	[sflag:s15] =	ssyncset.done $0x0  }
0xdd: {  	s13 =	simm.s32 $0x4700;
	[sflag:s15] =	ssyncadd.s32 $0xFFFFE000  }
0xde: {  	[spmem:s1] =	stream.indirect.scatter.add.f32 [tilespmem:s0], [sflag:$0x6], $0x20, s13, s28, $0xb8;
	[tilespmem:$0x10C00] =	vst v63  }
0xdf: {  	_ =	swait.ge [sflag:s16], $0x2000  }
0xe0: {  	[sflag:s16] =	ssyncset.done $0x0  }
0xe1: {  	[sflag:s16] =	ssyncadd.s32 $0xFFFFE000  }
0xe2: {  	_ =	swait.ge [sflag:s17], $0x2000  }
0xe3: {  	[sflag:s17] =	ssyncset.done $0x0  }
0xe4: {  	[sflag:s17] =	ssyncadd.s32 $0xFFFFE000  }
0xe5: {  	_ =	swait.ge [sflag:s18], $0x2000  }
0xe6: {  	[sflag:s18] =	ssyncset.done $0x0  }
0xe7: {  	s8 =	simm.s32 $0x0;
	s13 =	rddreg [dreg:$0x9];
	[sflag:s18] =	ssyncadd.s32 $0xFFFFE000  }
0xe8: {  	[tilespmem:s8], [sflag:$0x7] =	stream.linear.gather [hbm4b:s13+s8], $0x2400, $0x38;
	[tilespmem:$0x10C00] =	vst v63  }
0xe9: {  	_ =	swait.ge [sflag:s25], $0x2400  }
0xea: {  	[sflag:s25] =	ssyncset.done $0x0  }
0xeb: {  	s14 =	rddreg [dreg:$0xa];
	[sflag:s25] =	ssyncadd.s32 $0xFFFFDC00  }
0xec: {  	[tilespmem:s26], [sflag:$0x7] =	stream.linear.gather [hbm4b:s14+s8], $0x2400, $0x38;
	[tilespmem:$0x10C00] =	vst v63  }
0xed: {  	_ =	swait.ge [sflag:s25], $0x2400  }
0xee: {  	[sflag:s25] =	ssyncset.done $0x0  }
0xef: {  	[sflag:s25] =	ssyncadd.s32 $0xFFFFDC00  }
0xf0: {  	[tilespmem:s29], [sflag:$0x1] =	stream.indirect.gather [hbm4b:s6+s28], $0x20, s8, s28, $0xb8;
	[tilespmem:$0x10C00] =	vst v63  }
0xf1: {  	_ = 	snop  }
0xf2: {  	[tilespmem:s30], [sflag:$0x2] =	stream.indirect.gather [hbm4b:s6+s28], $0x20, s28, s28, $0xb8;
	[tilespmem:$0x10C00] =	vst v63  }
0xf3: {  	_ = 	snop  }
0xf4: {  	[tilespmem:s0], [sflag:$0x3] =	stream.indirect.gather [hbm4b:s6+s28], $0x20, s31, s28, $0xb8;
	[tilespmem:$0x10C00] =	vst v63  }
0xf5: {  	_ =	swait.ge [sflag:s3], $0x2000  }
0xf6: {  	[sflag:s3] =	ssyncset.done $0x0  }
0xf7: {  	s14 =	simm.s32 $0x2400;
	[sflag:s3] =	ssyncadd.s32 $0xFFFFE000  }
0xf8: {  	[spmem:s1] =	stream.indirect.scatter.add.f32 [tilespmem:s29], [sflag:$0x4], $0x20, s14, s28, $0xb8;
	[tilespmem:$0x10C00] =	vst v63  }
0xf9: {  	_ =	swait.ge [sflag:s7], $0x2000  }
0xfa: {  	[sflag:s7] =	ssyncset.done $0x0  }
0xfb: {  	s13 =	simm.s32 $0x2500;
	[sflag:s7] =	ssyncadd.s32 $0xFFFFE000  }
0xfc: {  	[spmem:s1] =	stream.indirect.scatter.add.f32 [tilespmem:s30], [sflag:$0x5], $0x20, s13, s28, $0xb8;
	[tilespmem:$0x10C00] =	vst v63  }
0xfd: {  	_ =	swait.ge [sflag:s15], $0x2000  }
0xfe: {  	[sflag:s15] =	ssyncset.done $0x0  }
0xff: {  	s14 =	simm.s32 $0x2600;
	[sflag:s15] =	ssyncadd.s32 $0xFFFFE000  }
0x100: {  	[spmem:s1] =	stream.indirect.scatter.add.f32 [tilespmem:s0], [sflag:$0x6], $0x20, s14, s28, $0xb8;
	[tilespmem:$0x10C00] =	vst v63  }
0x101: {  	_ =	swait.ge [sflag:s16], $0x2000  }
0x102: {  	[sflag:s16] =	ssyncset.done $0x0  }
0x103: {  	s13 =	simm.s32 $0x300;
	[sflag:s16] =	ssyncadd.s32 $0xFFFFE000  }
0x104: {  	[tilespmem:s29], [sflag:$0x1] =	stream.indirect.gather [hbm4b:s6+s28], $0x20, s13, s28, $0xb8;
	[tilespmem:$0x10C00] =	vst v63  }
0x105: {  	_ =	swait.ge [sflag:s17], $0x2000  }
0x106: {  	[sflag:s17] =	ssyncset.done $0x0  }
0x107: {  	s14 =	simm.s32 $0x400;
	[sflag:s17] =	ssyncadd.s32 $0xFFFFE000  }
0x108: {  	[tilespmem:s30], [sflag:$0x2] =	stream.indirect.gather [hbm4b:s6+s28], $0x20, s14, s28, $0xb8;
	[tilespmem:$0x10C00] =	vst v63  }
0x109: {  	_ =	swait.ge [sflag:s18], $0x2000  }
0x10a: {  	[sflag:s18] =	ssyncset.done $0x0  }
0x10b: {  	s8 =	simm.s32 $0xC00;
	s14 =	simm.s32 $0x500;
	[sflag:s18] =	ssyncadd.s32 $0xFFFFE000  }
.LBB2_7:
0x10c: {  	[tilespmem:s0], [sflag:$0x3] =	stream.indirect.gather [hbm4b:s6+s28], $0x20, s14, s28, $0xb8;
	[tilespmem:$0x10C00] =	vst v63  }
0x10d: {  	s13 =	smov.u32 s8  }
0x10e: {  	p1 =	sne.s32 s8, $0x7800;
	s8 =	sadd.s32 $0xC00, s8;
	_ =	swait.ge [sflag:s3], $0x2000  }
0x10f: {  	s13 =	sshra.s32 s13, $0x2;
	[sflag:s3] =	ssyncset.done $0x0  }
0x110: {  	s14 =	sadd.s32 $0x2400, s13;
	[sflag:s3] =	ssyncadd.s32 $0xFFFFE000  }
0x111: {  	[spmem:s1] =	stream.indirect.scatter.add.f32 [tilespmem:s29], [sflag:$0x4], $0x20, s14, s28, $0xb8;
	[tilespmem:$0x10C00] =	vst v63  }
0x112: {  	_ =	swait.ge [sflag:s7], $0x2000  }
0x113: {  	[sflag:s7] =	ssyncset.done $0x0  }
0x114: {  	s14 =	sadd.s32 $0x2500, s13;
	[sflag:s7] =	ssyncadd.s32 $0xFFFFE000  }
0x115: {  	[spmem:s1] =	stream.indirect.scatter.add.f32 [tilespmem:s30], [sflag:$0x5], $0x20, s14, s28, $0xb8;
	[tilespmem:$0x10C00] =	vst v63  }
0x116: {  	_ =	swait.ge [sflag:s15], $0x2000  }
0x117: {  	[sflag:s15] =	ssyncset.done $0x0  }
0x118: {  	s14 =	sadd.s32 $0x2600, s13;
	[sflag:s15] =	ssyncadd.s32 $0xFFFFE000  }
0x119: {  	[spmem:s1] =	stream.indirect.scatter.add.f32 [tilespmem:s0], [sflag:$0x6], $0x20, s14, s28, $0xb8;
	[tilespmem:$0x10C00] =	vst v63  }
0x11a: {  	_ =	swait.ge [sflag:s16], $0x2000  }
0x11b: {  	[sflag:s16] =	ssyncset.done $0x0  }
0x11c: {  	s14 =	sadd.s32 $0x300, s13;
	[sflag:s16] =	ssyncadd.s32 $0xFFFFE000  }
0x11d: {  	[tilespmem:s29], [sflag:$0x1] =	stream.indirect.gather [hbm4b:s6+s28], $0x20, s14, s28, $0xb8;
	[tilespmem:$0x10C00] =	vst v63  }
0x11e: {  	_ =	swait.ge [sflag:s17], $0x2000  }
0x11f: {  	[sflag:s17] =	ssyncset.done $0x0  }
.Ltmp5:
0x120: {  	s14 =	sadd.s32 $0x400, s13;
	[sflag:s17] =	ssyncadd.s32 $0xFFFFE000;
	(pc) =	sbr.rel @p1 .LBB2_7-.Ltmp5, $4  }
0x121: {  	[tilespmem:s30], [sflag:$0x2] =	stream.indirect.gather [hbm4b:s6+s28], $0x20, s14, s28, $0xb8;
	[tilespmem:$0x10C00] =	vst v63  }
0x122: {  	_ =	swait.ge [sflag:s18], $0x2000  }
0x123: {  	[sflag:s18] =	ssyncset.done $0x0  }
0x124: {  	s14 =	sadd.s32 $0x500, s13;
	[sflag:s18] =	ssyncadd.s32 $0xFFFFE000  }
.Ltmp6:
0x125: {  	_ = 	snop;
	(pc) =	sbr.rel .LBB2_8-.Ltmp6, $1  }
0x126: {  	_ =	sdelay $0x3  }
.LBB2_10:
0x127: {  	_ =	sfence.sel $0x180000  }
0x128: {  	[bflag:$0x0] =	sbarrier.arrive $0xFFFF  }
0x129: {  	_ =	strace $0x9000004D  }
0x12a: {  	s0 =	stileid.u32;
	[bflag:$0x2] =	sbarrier.arrive $0xFFFF  }
0x12b: {  	p0 =	sne.s32 s0, $0x0;
	s0 =	rddreg [dreg:$0x2]  }
0x12c: {  	s0 =	sadd.s32 @!p0 $0x100000, s0  }
0x12d: {  	[sflag:s0] =	ssyncadd.tile.s32 @!p0 $0x1;
	_ =	shalt  }
.Lfunc_end2:
_tile_overlayer_lowered:
.L_overlay_start_2:
0x12e: {  	(tag) =	ssettag $0x2  }
0x12f: {  	s0 =	rddreg [dreg:$0x0];
	s2 =	stileid.u32  }
0x130: {  	s1 =	rddreg [dreg:$0x1];
	p0 =	sne.s32 s2, $0x0  }
0x131: {  	s3 =	rddreg [dreg:$0x2];
	[bflag:$0x3] =	sbarrier.arrive $0xFFFF;
	s2 =	simm.s32 @!p0 $0x1C07  }
0x132: {  	[timem:s3], [sflag:s2] =	dma.local @!p0 [hbm:s0], s1  }
0x133: {  	s0 =	simm.s32 @!p0 $0x7  }
0x134: {  	_ =	swait.ge @!p0 [sflag:s0], s1  }
0x135: {  	s1 =	ssub.s32 @!p0 $0x0, s1;
	[sflag:s0] =	ssyncset.done @!p0 $0x0  }
0x136: {  	[sflag:s0] =	ssyncadd.s32 @!p0 s1  }
0x137: {  	[bflag:$0x3] =	sbarrier.arrive $0xFFFF  }
0x138: {  	_ =	shalt  }

// kernel: kernel.19.cloned.1.call-start
scs
__scs_entry_jumppad:
0x0: {  	(pc) =	sbr.rel $0x88, $3  }
0x1: {  	(tag) =	ssettag $0x0;
	lr =	simm.s32 $0x1  }
0x2: {  	[smem:$0x3F99] =	sst lr;
	_ =	strace $0xD0000000  }
0x3: {  	_ = 	snop  }
0x4: {  	_ = 	snop  }
0x5: {  	_ = 	snop  }
0x6: {  	_ = 	snop  }
0x7: {  	_ = 	snop  }
__scs_overlays_trampoline_lowered:
0x8: {  	[smem:$0x3FA8] =	sst s0  }
0x9: {  	[smem:$0x3FA9] =	sst s1  }
0xa: {  	[smem:$0x3FAA] =	sst s2  }
0xb: {  	[smem:$0x3FAB] =	sst s3  }
0xc: {  	[smem:$0x3FAC] =	sst s4  }
0xd: {  	[smem:$0x3FAD] =	sst s5  }
0xe: {  	[smem:$0x3FAE] =	sst s6  }
0xf: {  	[smem:$0x3FAF] =	sst s7  }
0x10: {  	[smem:$0x3FB0] =	sst s8  }
0x11: {  	[smem:$0x3FB1] =	sst s9;
	s0 =	simm.s32 @!p0 $0x0  }
0x12: {  	s1 =	sld [smem:$0x3F97];
	s0 =	simm.s32 @p0 $0x1  }
0x13: {  	[smem:$0x3FB2] =	sst s0;
	s0 =	simm.s32 @!p1 $0x0  }
0x14: {  	s2 =	sld [smem:$0x3F96];
	s0 =	simm.s32 @p1 $0x1  }
0x15: {  	[smem:$0x3FB3] =	sst s0;
	s0 =	simm.s32 @!p2 $0x0  }
0x16: {  	s3 =	sld [smem:$0x3FDB];
	s0 =	simm.s32 @p2 $0x1  }
0x17: {  	s4 =	simm.s32 $0x1BF5;
	[smem:$0x3FB5] =	sst s0  }
0x18: {  	s0 =	sld [smem:$0x3F98];
	_ =	swait.ge [sflag:s4], $0x0  }
0x19: {  	s7 =	sld [smem:$0x3F99]  }
0x1a: {  	s8 =	sadd.s32 $0xFFFFE003, lr  }
0x1b: {  	s9 =	sadd.s32 $0xFFFFFEF7, lr;
	s5 =	simm.s32 $0xFFFFFFFF;
	p2 =	slt.u32 s8, $0xFFFFF086  }
0x1c: {  	p1 =	slt.u32 s9, $0xF7A;
	s5 =	simm.s32 @!p2 $0x0  }
0x1d: {  	s5 =	simm.s32 @p1 $0x1;
	p0 =	seq.s32 s7, s2  }
0x1e: {  	s7 =	smul.u32 @!p0 $0xF7A, s2;
	p2 =	seq.s32 @!p0 s5, $0x0  }
0x1f: {  	s9 =	smul.u32 $0xF7A, s1;
	s8 =	simm.s32 @!p0 $0x1BF5;
	p2 =	por !p2, p0  }
0x20: {  	[sflag:s8] =	ssyncset.s32 @!p0 $0xFFFFF086;
	s6 =	sadd.s32 @!p0 s3, s7;
	s7 =	simm.s32 @!p0 $0x108  }
0x21: {  	s3 =	sadd.s32 s3, s9;
	s6 =	sadd.s32 @!p0 $0x88, s6;
	s7 =	simm.s32 @p2 $0x1082  }
0x22: {  	[simem:s7], [sflag:s8] =	dma.local @!p0 [hbm:s6], $0xF7A  }
0x23: {  	s9 =	sor.u32 $0xD0000000, s2;
	s6 =	simm.s32 $0x108;
	_ =	swait.ge @!p0 [sflag:s8], $0x0  }
0x24: {  	s3 =	sadd.s32 $0x88, s3;
	s6 =	simm.s32 @!p1 $0x1082;
	[sflag:s4] =	ssyncset.s32 $0xFFFFF086  }
0x25: {  	[simem:s6], [sflag:s4] =	dma.local [hbm:s3], $0xF7A  }
0x26: {  	[smem:$0x3F99] =	sst s1;
	(tag) =	ssettag s2;
	_ =	strace s9  }
0x27: {  	s1 =	sld [smem:$0x3FA9]  }
0x28: {  	s2 =	sld [smem:$0x3FAA]  }
0x29: {  	s4 =	sld [smem:$0x3FAC]  }
0x2a: {  	p0 =	seq.s32 s5, $0x0;
	s5 =	sld [smem:$0x3FAD]  }
0x2b: {  	s6 =	sld [smem:$0x3FAE]  }
0x2c: {  	s7 =	sld [smem:$0x3FAF]  }
0x2d: {  	s3 =	simm.s32 $0x108;
	s8 =	sld [smem:$0x3FB0]  }
0x2e: {  	s3 =	simm.s32 @!p0 $0x1082;
	s9 =	sld [smem:$0x3FB1]  }
0x2f: {  	lr =	sadd.s32 s0, s3;
	s0 =	sld [smem:$0x3FA8]  }
0x30: {  	s3 =	sld [smem:$0x3FAB]  }
0x31: {  	[smem:$0x3FB4] =	sst s10  }
0x32: {  	s10 =	sld [smem:$0x3FB2];
	_ =	sdelay $0x3  }
0x33: {  	p0 =	seq.s32 s10, $0x1;
	s10 =	sld [smem:$0x3FB4];
	_ =	sdelay $0x3  }
0x34: {  	[smem:$0x3FB4] =	sst s10  }
0x35: {  	s10 =	sld [smem:$0x3FB3];
	_ =	sdelay $0x3  }
0x36: {  	p1 =	seq.s32 s10, $0x1;
	s10 =	sld [smem:$0x3FB4];
	_ =	sdelay $0x3  }
0x37: {  	[smem:$0x3FB4] =	sst s10  }
0x38: {  	s10 =	sld [smem:$0x3FB5]  }
0x39: {  	_ = 	snop;
	(pc) =	sbr.ind lr, $3  }
0x3a: {  	_ = 	snop  }
0x3b: {  	_ = 	snop  }
0x3c: {  	p2 =	seq.s32 s10, $0x1;
	s10 =	sld [smem:$0x3FB4]  }
0x3d: {  	_ =	shalt  }
0x3e: {  	_ =	shalt  }
0x3f: {  	_ =	shalt  }
0x40: {  	_ =	shalt  }
0x41: {  	_ =	shalt  }
0x42: {  	_ =	shalt  }
0x43: {  	_ =	shalt  }
0x44: {  	_ =	shalt  }
0x45: {  	_ =	shalt  }
0x46: {  	_ =	shalt  }
0x47: {  	_ =	shalt  }
0x48: {  	_ =	shalt  }
0x49: {  	_ =	shalt  }
0x4a: {  	_ =	shalt  }
0x4b: {  	_ =	shalt  }
0x4c: {  	_ =	shalt  }
0x4d: {  	_ =	shalt  }
0x4e: {  	_ =	shalt  }
0x4f: {  	_ =	shalt  }
0x50: {  	_ =	shalt  }
0x51: {  	_ =	shalt  }
0x52: {  	_ =	shalt  }
0x53: {  	_ =	shalt  }
0x54: {  	_ =	shalt  }
0x55: {  	_ =	shalt  }
0x56: {  	_ =	shalt  }
0x57: {  	_ =	shalt  }
0x58: {  	_ =	shalt  }
0x59: {  	_ =	shalt  }
0x5a: {  	_ =	shalt  }
0x5b: {  	_ =	shalt  }
0x5c: {  	_ =	shalt  }
0x5d: {  	_ =	shalt  }
0x5e: {  	_ =	shalt  }
0x5f: {  	_ =	shalt  }
0x60: {  	_ =	shalt  }
0x61: {  	_ =	shalt  }
0x62: {  	_ =	shalt  }
0x63: {  	_ =	shalt  }
0x64: {  	_ =	shalt  }
0x65: {  	_ =	shalt  }
0x66: {  	_ =	shalt  }
0x67: {  	_ =	shalt  }
0x68: {  	_ =	shalt  }
0x69: {  	_ =	shalt  }
0x6a: {  	_ =	shalt  }
0x6b: {  	_ =	shalt  }
0x6c: {  	_ =	shalt  }
0x6d: {  	_ =	shalt  }
0x6e: {  	_ =	shalt  }
0x6f: {  	_ =	shalt  }
0x70: {  	_ =	shalt  }
0x71: {  	_ =	shalt  }
0x72: {  	_ =	shalt  }
0x73: {  	_ =	shalt  }
0x74: {  	_ =	shalt  }
0x75: {  	_ =	shalt  }
0x76: {  	_ =	shalt  }
0x77: {  	_ =	shalt  }
0x78: {  	_ =	shalt  }
0x79: {  	_ =	shalt  }
0x7a: {  	_ =	shalt  }
0x7b: {  	_ =	shalt  }
0x7c: {  	_ =	shalt  }
0x7d: {  	_ =	shalt  }
0x7e: {  	_ =	shalt  }
0x7f: {  	_ =	shalt  }
0x80: {  	_ =	shalt  }
0x81: {  	_ =	shalt  }
0x82: {  	_ =	shalt  }
0x83: {  	_ =	shalt  }
0x84: {  	_ =	shalt  }
0x85: {  	_ =	shalt  }
0x86: {  	_ =	shalt  }
0x87: {  	_ =	shalt  }
.Lfunc_end0:
.L_simem_size_0:
called_computation.3_lowered:
.L_overlay_start_0:
0x88: {  	s2 =	sld [smem:$0x3FD9]  }
0x89: {  	s3 =	sld [smem:$0x3FFE];
	_ =	sdelay $0x1  }
0x8a: {  	s1 =	srdreg.scid  }
0x8b: {  	s0 =	sand.u32 $0x1, s1  }
0x8c: {  	s16 =	sshll.u32 s0, $0xA;
	s2 =	sadd.s32 s3, s2  }
0x8d: {  	s2 =	sadd.s32 s2, s16  }
0x8e: {  	[smem:$0x3FC0] =	sst s2  }
0x8f: {  	_ = 	snop  }
0x90: {  	(tm) =	ssettm $0x1  }
0x91: {  	s17 =	sld [smem:$0x3FFB];
	_ =	sdelay $0x3  }
0x92: {  	_ =	strace s17  }
0x93: {  	s2 =	sld [smem:$0x3FFC];
	_ =	sdelay $0x3  }
0x94: {  	_ =	strace s2  }
0x95: {  	s2 =	sld [smem:$0x3FFD];
	_ =	sdelay $0x3  }
0x96: {  	_ =	strace s2  }
0x97: {  	_ =	strace $0x8FFFFFFF  }
0x98: {  	s18 =	sld [smem:$0x3FDB];
	_ =	sdelay $0x1  }
0x99: {  	s19 =	simm.s32 $_scs_section_size  }
0x9a: {  	s4 =	simm.s32 $_size__tile_overlayer_lowered;
	s5 =	simm.s32 $_tile_overlayer_lowered  }
0x9b: {  	s22 =	simm.s32 $0x1BFF;
	s21 =	sshll.u32 s5, $0x1;
	s2 =	sadd.s32 s19, s18  }
0x9c: {  	s6 =	simm.s32 $0x0;
	s20 =	sshll.u32 s4, $0x1;
	s4 =	sadd.s32 s21, s2  }
0x9d: {  	[timem:s6], [sflag:s22] =	dma.local [hbm:s4], s20  }
0x9e: {  	_ =	swait.ge [sflag:s22], s20  }
0x9f: {  	s3 =	ssub.s32 $0x0, s20;
	[sflag:s22] =	ssyncset.done $0x0  }
0xa0: {  	[sflag:s22] =	ssyncadd.s32 s3;
	_ =	sdelay $0x1  }
0xa1: {  	s23 =	simm.s32 $0x1B8B  }
0xa2: {  	_ =	swait.ge [sflag:s23], $0x1  }
0xa3: {  	[sflag:s23] =	ssyncset.done $0x0  }
0xa4: {  	s25 =	simm.s32 $0x1B8E;
	s24 =	sld [smem:$0x3FFE];
	[sflag:s23] =	ssyncadd.s32 $0xFFFFFFFF  }
0xa5: {  	s26 =	simm.s32 $execute0_lowered;
	[smem:$0x3FD2] =	sst s25  }
0xa6: {  	s4 =	sshll.u32 s26, $0x1;
	_ =	strace $0x8000004F;
	[dreg:$0x1] =	wrdreg $0xFFFFFFFF  }
0xa7: {  	s28 =	simm.s32 $_size_execute0_lowered;
	s2 =	sadd.s32 s2, s4;
	[dreg:$0x0] =	wrdreg $0x0  }
0xa8: {  	s4 =	sshll.u32 s28, $0x1;
	[dreg:$0x2] =	wrdreg s2  }
0xa9: {  	[dreg:$0x3] =	wrdreg s4  }
0xaa: {  	[dreg:$0x4] =	wrdreg $0xC0  }
0xab: {  	_ =	task [dreg:s6], $0x5FFFF  }
0xac: {  	[dreg:$0x1] =	wrdreg $0xFFFFFFFF  }
0xad: {  	[dreg:$0x0] =	wrdreg $0x60  }
0xae: {  	[dreg:$0x2] =	wrdreg s24  }
0xaf: {  	[dreg:$0x3] =	wrdreg $0x82000  }
0xb0: {  	[dreg:$0x4] =	wrdreg $0x9  }
0xb1: {  	_ =	task.clear_ibuf [dreg:s6], $0x5FFFF;
	_ =	strace $0x9000004F  }
0xb2: {  	s29 =	simm.s32 $0x9;
	_ =	strace $0x80000051  }
0xb3: {  	_ =	swait.ge [sflag:s29], $0x1  }
0xb4: {  	[sflag:s29] =	ssyncadd.s32 $0xFFFFFFFF  }
0xb5: {  	_ =	strace $0x90000051  }
0xb6: {  	_ =	sfence  }
0xb7: {  	s30 =	sld [smem:$0x0];
	_ =	sdelay $0x2  }
0xb8: {  	s31 =	sshll.u32 s1, $0xD;
	s1 =	sshrl.u32 s1, $0x2  }
0xb9: {  	s3 =	sand.u32 $0x4000, s31;
	s1 =	sadd.s32 s1, s30  }
0xba: {  	s0 =	sor.u32 s3, s0;
	s1 =	sshll.u32 s1, $0x11  }
0xbb: {  	s0 =	sor.u32 s1, s0  }
0xbc: {  	s0 =	sadd.s32 $0x8F2B, s0  }
0xbd: {  	[sflag:s0] =	ssyncadd.remote.s32 $0x1  }
0xbe: {  	_ =	sfence.sel $0xFFFF  }
0xbf: {  	[dreg:$0x0] =	wrdreg $0xFFFFFFFF;
	(pc) =	sbr.abs _section_cstart, $3  }
0xc0: {  	[dreg:$0x1] =	wrdreg $0xFFFFFFFF  }
0xc1: {  	_ =	task.clear_ibuf [dreg:s6], $0x2FFFF;
	_ =	strace $0x9FFFFFFF  }
0xc2: {  	(tm) =	ssettm $0x7FFFFFFF  }
0xc3: {  	_ =	shalt  }
tec
execute0_lowered:
.L_overlay_start_1:
0x0: {  	(tag) =	ssettag $0x1  }
0x1: {  	s0 =	rddreg [dreg:$0x0]  }
0x2: {  	s1 =	rddreg [dreg:$0x1];
	s2 =	simm.s32 $0x0  }
0x3: {  	s3 =	srdreg.scid;
	s17 =	stileid.u32;
	s28 =	simm.s32 $0x100  }
0x4: {  	s29 =	simm.s32 $0x4800;
	s30 =	simm.s32 $0x5800;
	s31 =	simm.s32 $0x200  }
0x5: {  	[smem:$0x7FF] =	sst s2;
	s4 =	sadd.s32 $0x17200, s0;
	s3 =	sand.u32 $0x1, s3  }
0x6: {  	s5 =	sadd.s32 $0x3200, s0;
	s8 =	smul.u32 $0x2800, s17;
	s6 =	sadd.s32 $0xD200, s0  }
0x7: {  	s9 =	sadd.s32 $0x49200, s0;
	s0 =	sadd.s32 $0x12200, s0;
	s16 =	smul.u32 $0x4C00, s17  }
0x8: {  	s14 =	sshll.u32 s17, $0x7;
	_ =	strace $0x80000050;
	[dreg:$0x3] =	wrdreg s9  }
0x9: {  	s17 =	smul.u32 $0x980, s17;
	s7 =	ssub.s32 $0x2, s3;
	[dreg:$0x4] =	wrdreg s0  }
0xa: {  	s14 =	sor.u32 $0x9800, s14;
	p0 =	sne.s32 s3, $0x0;
	s0 =	simm.s32 $0x6800  }
0xb: {  	s3 =	simm.s32 $0x1;
	s18 =	sshrl.u32 s7, $0x1;
	s21 =	sadd.s32 $0xA00, s8  }
0xc: {  	s9 =	sadd.s32 s8, s1;
	s13 =	sadd.s32 $0x1400, s8;
	s15 =	sadd.s32 $0x1E00, s8  }
0xd: {  	[dreg:$0x5] =	wrdreg s14;
	s8 =	sshrl.u32 s8, $0x3;
	s22 =	sshrl.u32 s16, $0x3  }
0xe: {  	s23 =	sadd.s32 s4, s17;
	s24 =	sadd.s32 s5, s17;
	s17 =	simm.s32 $0x5  }
0xf: {  	s19 =	ssub.s32 s7, s18;
	s10 =	sadd.s32 s21, s1;
	[dreg:$0x6] =	wrdreg s8  }
0x10: {  	s11 =	sadd.s32 s13, s1;
	s12 =	sadd.s32 s15, s1;
	[dreg:$0x7] =	wrdreg s23  }
0x11: {  	[dreg:$0x8] =	wrdreg s24;
	s16 =	sadd.s32 $0x480, s22;
	s8 =	sadd.s32 $0x900, s22  }
0x12: {  	s20 =	sshrl.u32 s21, $0x3;
	s21 =	sshrl.u32 s13, $0x3;
	s22 =	sshrl.u32 s15, $0x3  }
.Ltmp0:
0x13: {  	s24 =	simm.s32 $0x7800;
	s7 =	simm.s32 $0x2;
	(pc) =	sbr.rel .LBB2_1-.Ltmp0, $4  }
0x14: {  	s15 =	simm.s32 $0x3;
	s18 =	simm.s32 $0x6;
	s25 =	sadd.s32 s4, s16  }
0x15: {  	s26 =	sadd.s32 s5, s16;
	[dreg:$0xb] =	wrdreg s8;
	s23 =	smax.u32 s19, $0x1  }
0x16: {  	s16 =	simm.s32 $0x4;
	s19 =	simm.s32 $0x0;
	[dreg:$0x9] =	wrdreg s25  }
0x17: {  	v0 =	vimm.f32 $0.0e+00;
	[dreg:$0xa] =	wrdreg s26;
	s25 =	simm.s32 $0x7;
	s26 =	simm.s32 $0x2400  }
.LBB2_8:
0x18: {  	[tilespmem:s0], [sflag:$0x3] =	stream.indirect.gather [hbm4b:s6+s28], $0x10, s13, s28, $0xb8;
	[tilespmem:$0xAA00] =	vst v63  }
0x19: {  	_ =	swait.ge [sflag:s3], $0x1000  }
0x1a: {  	[sflag:s3] =	ssyncset.done $0x0  }
0x1b: {  	s8 =	simm.s32 $0x4500;
	[sflag:s3] =	ssyncadd.s32 $0xFFFFF000  }
0x1c: {  	[spmem:s1] =	stream.indirect.scatter.add.f32 [tilespmem:s29], [sflag:$0x4], $0x10, s8, s28, $0xb8;
	[tilespmem:$0xAA00] =	vst v63  }
0x1d: {  	_ =	swait.ge [sflag:s7], $0x1000  }
0x1e: {  	[sflag:s7] =	ssyncset.done $0x0  }
0x1f: {  	s13 =	simm.s32 $0x4600;
	[sflag:s7] =	ssyncadd.s32 $0xFFFFF000  }
0x20: {  	[spmem:s1] =	stream.indirect.scatter.add.f32 [tilespmem:s30], [sflag:$0x5], $0x10, s13, s28, $0xb8;
	[tilespmem:$0xAA00] =	vst v63  }
0x21: {  	_ =	swait.ge [sflag:s15], $0x1000  }
0x22: {  	[sflag:s15] =	ssyncset.done $0x0  }
0x23: {  	s14 =	simm.s32 $0x4700;
	[sflag:s15] =	ssyncadd.s32 $0xFFFFF000  }
0x24: {  	[spmem:s1] =	stream.indirect.scatter.add.f32 [tilespmem:s0], [sflag:$0x6], $0x10, s14, s28, $0xb8;
	[tilespmem:$0xAA00] =	vst v63  }
0x25: {  	_ =	swait.ge [sflag:s16], $0x1000  }
0x26: {  	[sflag:s16] =	ssyncset.done $0x0  }
0x27: {  	[sflag:s16] =	ssyncadd.s32 $0xFFFFF000  }
0x28: {  	_ =	swait.ge [sflag:s17], $0x1000  }
0x29: {  	[sflag:s17] =	ssyncset.done $0x0  }
0x2a: {  	[sflag:s17] =	ssyncadd.s32 $0xFFFFF000  }
0x2b: {  	_ =	swait.ge [sflag:s18], $0x1000  }
0x2c: {  	[sflag:s18] =	ssyncset.done $0x0;
	s13 =	rddreg [dreg:$0xb]  }
0x2d: {  	s8 =	rddreg [dreg:$0x3];
	[sflag:s18] =	ssyncadd.s32 $0xFFFFF000  }
.LBB2_9:
0x2e: {  	s14 =	sadd.s32 s4, s13  }
0x2f: {  	[tilespmem:s2], [sflag:$0x7] =	stream.linear.gather [hbm4b:s14+s2], $0x400, $0x38;
	[tilespmem:$0xAA00] =	vst v63  }
0x30: {  	_ =	swait.ge [sflag:s25], $0x400  }
0x31: {  	[sflag:s25] =	ssyncset.done $0x0  }
0x32: {  	s14 =	sadd.s32 s5, s13;
	[sflag:s25] =	ssyncadd.s32 $0xFFFFFC00  }
0x33: {  	[tilespmem:s26], [sflag:$0x7] =	stream.linear.gather [hbm4b:s14+s2], $0x400, $0x38;
	[tilespmem:$0xAA00] =	vst v63  }
0x34: {  	_ =	swait.ge [sflag:s25], $0x400  }
0x35: {  	[sflag:s25] =	ssyncset.done $0x0  }
0x36: {  	[sflag:s25] =	ssyncadd.s32 $0xFFFFFC00  }
0x37: {  	[tilespmem:s29], [sflag:$0x1] =	stream.indirect.gather [hbm4b:s6+s28], $0x10, s2, s28, $0xb8;
	[tilespmem:$0xAA00] =	vst v63  }
0x38: {  	_ = 	snop  }
0x39: {  	[tilespmem:s30], [sflag:$0x2] =	stream.indirect.gather [hbm4b:s6+s28], $0x10, s28, s28, $0xb8;
	[tilespmem:$0xAA00] =	vst v63  }
0x3a: {  	_ =	swait.ge [sflag:s3], $0x1000  }
0x3b: {  	[sflag:s3] =	ssyncset.done $0x0  }
0x3c: {  	[sflag:s3] =	ssyncadd.s32 $0xFFFFF000  }
0x3d: {  	[spmem:s1] =	stream.indirect.scatter.add.f32 [tilespmem:s29], [sflag:$0x4], $0x10, s26, s28, $0xb8;
	[tilespmem:$0xAA00] =	vst v63  }
0x3e: {  	_ =	swait.ge [sflag:s7], $0x1000  }
0x3f: {  	[sflag:s7] =	ssyncset.done $0x0  }
0x40: {  	s14 =	simm.s32 $0x2500;
	[sflag:s7] =	ssyncadd.s32 $0xFFFFF000  }
0x41: {  	[spmem:s1] =	stream.indirect.scatter.add.f32 [tilespmem:s30], [sflag:$0x5], $0x10, s14, s28, $0xb8;
	[tilespmem:$0xAA00] =	vst v63  }
0x42: {  	_ =	swait.ge [sflag:s16], $0x1000  }
0x43: {  	[sflag:s16] =	ssyncset.done $0x0  }
0x44: {  	[sflag:s16] =	ssyncadd.s32 $0xFFFFF000  }
0x45: {  	_ =	swait.ge [sflag:s17], $0x1000  }
0x46: {  	[sflag:s17] =	ssyncset.done $0x0  }
0x47: {  	[sflag:s17] =	ssyncadd.s32 $0xFFFFF000  }
0x48: {  	[tilespmem:s29], [sflag:$0x1] =	stream.indirect.gather [hbm4b:s6+s28], $0x10, s31, s28, $0xb8;
	[tilespmem:$0xAA00] =	vst v63  }
0x49: {  	s14 =	simm.s32 $0x300  }
0x4a: {  	[tilespmem:s30], [sflag:$0x2] =	stream.indirect.gather [hbm4b:s6+s28], $0x10, s14, s28, $0xb8;
	[tilespmem:$0xAA00] =	vst v63  }
0x4b: {  	_ =	swait.ge [sflag:s3], $0x1000  }
0x4c: {  	[sflag:s3] =	ssyncset.done $0x0  }
0x4d: {  	s14 =	simm.s32 $0x2600;
	[sflag:s3] =	ssyncadd.s32 $0xFFFFF000  }
0x4e: {  	[spmem:s1] =	stream.indirect.scatter.add.f32 [tilespmem:s29], [sflag:$0x4], $0x10, s14, s28, $0xb8;
	[tilespmem:$0xAA00] =	vst v63  }
0x4f: {  	_ =	swait.ge [sflag:s7], $0x1000  }
0x50: {  	[sflag:s7] =	ssyncset.done $0x0  }
0x51: {  	s14 =	simm.s32 $0x2700;
	[sflag:s7] =	ssyncadd.s32 $0xFFFFF000  }
0x52: {  	[spmem:s1] =	stream.indirect.scatter.add.f32 [tilespmem:s30], [sflag:$0x5], $0x10, s14, s28, $0xb8;
	[tilespmem:$0xAA00] =	vst v63  }
0x53: {  	_ =	swait.ge [sflag:s16], $0x1000  }
0x54: {  	[sflag:s16] =	ssyncset.done $0x0  }
0x55: {  	[sflag:s16] =	ssyncadd.s32 $0xFFFFF000  }
0x56: {  	_ =	swait.ge [sflag:s17], $0x1000  }
0x57: {  	[sflag:s17] =	ssyncset.done $0x0  }
0x58: {  	[sflag:s17] =	ssyncadd.s32 $0xFFFFF000  }
0x59: {  	[bflag:$0x0] =	sbarrier.arrive $0xFFFF  }
0x5a: {  	[tilespmem:s24], [sflag:$0x7] =	stream.linear.gather [spmem:s9], $0xA00, $0x38;
	[tilespmem:$0xAA00] =	vst v63  }
0x5b: {  	_ =	swait.ge [sflag:s25], $0xA00  }
0x5c: {  	[sflag:s25] =	ssyncset.done $0x0;
	s14 =	rddreg [dreg:$0x6]  }
0x5d: {  	s13 =	sadd.s32 s8, s14;
	[sflag:s25] =	ssyncadd.s32 $0xFFFFF600  }
0x5e: {  	[hbm4b:s13+s2] =	stream.linear.scatter [tilespmem:s24], [sflag:$0x7], $0xA00, $0x38;
	[tilespmem:$0xAA00] =	vst v63  }
0x5f: {  	_ =	swait.ge [sflag:s25], $0xA00  }
0x60: {  	[sflag:s25] =	ssyncset.done $0x0  }
0x61: {  	[sflag:s25] =	ssyncadd.s32 $0xFFFFF600  }
0x62: {  	[tilespmem:s24], [sflag:$0x7] =	stream.linear.gather [spmem:s10], $0xA00, $0x38;
	[tilespmem:$0xAA00] =	vst v63  }
0x63: {  	_ =	swait.ge [sflag:s25], $0xA00  }
0x64: {  	[sflag:s25] =	ssyncset.done $0x0  }
0x65: {  	s14 =	sadd.s32 s8, s20;
	[sflag:s25] =	ssyncadd.s32 $0xFFFFF600  }
0x66: {  	[hbm4b:s14+s2] =	stream.linear.scatter [tilespmem:s24], [sflag:$0x7], $0xA00, $0x38;
	[tilespmem:$0xAA00] =	vst v63  }
0x67: {  	_ =	swait.ge [sflag:s25], $0xA00  }
0x68: {  	[sflag:s25] =	ssyncset.done $0x0  }
0x69: {  	[sflag:s25] =	ssyncadd.s32 $0xFFFFF600  }
0x6a: {  	[tilespmem:s24], [sflag:$0x7] =	stream.linear.gather [spmem:s11], $0xA00, $0x38;
	[tilespmem:$0xAA00] =	vst v63  }
0x6b: {  	_ =	swait.ge [sflag:s25], $0xA00  }
0x6c: {  	[sflag:s25] =	ssyncset.done $0x0  }
0x6d: {  	s14 =	sadd.s32 s8, s21;
	[sflag:s25] =	ssyncadd.s32 $0xFFFFF600  }
0x6e: {  	[hbm4b:s14+s2] =	stream.linear.scatter [tilespmem:s24], [sflag:$0x7], $0xA00, $0x38;
	[tilespmem:$0xAA00] =	vst v63  }
0x6f: {  	_ =	swait.ge [sflag:s25], $0xA00  }
0x70: {  	[sflag:s25] =	ssyncset.done $0x0  }
0x71: {  	[sflag:s25] =	ssyncadd.s32 $0xFFFFF600  }
0x72: {  	[tilespmem:s24], [sflag:$0x7] =	stream.linear.gather [spmem:s12], $0xA00, $0x38;
	[tilespmem:$0xAA00] =	vst v63  }
0x73: {  	s19 =	sadd.s32 $0x1, s19;
	_ =	swait.ge [sflag:s25], $0xA00  }
0x74: {  	p1 =	sne.s32 s19, s23;
	[sflag:s25] =	ssyncset.done $0x0  }
.Ltmp1:
0x75: {  	s14 =	sadd.s32 s8, s22;
	[sflag:s25] =	ssyncadd.s32 $0xFFFFF600;
	(pc) =	sbr.rel @!p1 .LBB2_10-.Ltmp1, $4  }
0x76: {  	[hbm4b:s14+s2] =	stream.linear.scatter [tilespmem:s24], [sflag:$0x7], $0xA00, $0x38;
	[tilespmem:$0xAA00] =	vst v63  }
0x77: {  	_ =	swait.ge [sflag:s25], $0xA00  }
0x78: {  	[sflag:s25] =	ssyncset.done $0x0  }
0x79: {  	[sflag:s25] =	ssyncadd.s32 $0xFFFFF600  }
.LBB2_1:
0x7a: {  	s8 =	simm.s32 $0x40;
	s13 =	simm.s32 $0x0  }
.LBB2_2:
0x7b: {  	p1 =	sne.s32 s8, $0x27C0;
	[tilespmem:s13+$0x7800] =	vst v0;
	s13 =	smov.u32 s8;
	s8 =	sadd.s32 $0x40, s8  }
.Ltmp2:
0x7c: {  	(pc) =	sbr.rel @p1 .LBB2_2-.Ltmp2, $2  }
0x7d: {  	_ =	sdelay $0x2  }
0x7e: {  	s13 =	sshra.s32 s13, $0x2  }
0x7f: {  	[tilespmem:s13+$0x7800] =	vst v0  }
0x80: {  	[spmem:s9] =	stream.linear.scatter [tilespmem:s24], [sflag:$0x7], $0xA00, $0x38;
	[tilespmem:$0xAA00] =	vst v63  }
0x81: {  	_ =	swait.ge [sflag:s25], $0xA00  }
0x82: {  	[sflag:s25] =	ssyncset.done $0x0  }
0x83: {  	[sflag:s25] =	ssyncadd.s32 $0xFFFFF600  }
0x84: {  	[spmem:s10] =	stream.linear.scatter [tilespmem:s24], [sflag:$0x7], $0xA00, $0x38;
	[tilespmem:$0xAA00] =	vst v63  }
0x85: {  	_ =	swait.ge [sflag:s25], $0xA00  }
0x86: {  	[sflag:s25] =	ssyncset.done $0x0  }
0x87: {  	[sflag:s25] =	ssyncadd.s32 $0xFFFFF600  }
0x88: {  	[spmem:s11] =	stream.linear.scatter [tilespmem:s24], [sflag:$0x7], $0xA00, $0x38;
	[tilespmem:$0xAA00] =	vst v63  }
0x89: {  	_ =	swait.ge [sflag:s25], $0xA00  }
0x8a: {  	[sflag:s25] =	ssyncset.done $0x0  }
0x8b: {  	[sflag:s25] =	ssyncadd.s32 $0xFFFFF600  }
0x8c: {  	[spmem:s12] =	stream.linear.scatter [tilespmem:s24], [sflag:$0x7], $0xA00, $0x38;
	[tilespmem:$0xAA00] =	vst v63  }
0x8d: {  	_ =	swait.ge [sflag:s25], $0xA00  }
.Ltmp3:
0x8e: {  	[sflag:s25] =	ssyncset.done $0x0;
	(pc) =	sbr.rel @p0 .LBB2_9-.Ltmp3, $4  }
0x8f: {  	[sflag:s25] =	ssyncadd.s32 $0xFFFFF600  }
0x90: {  	[bflag:$0x0] =	sbarrier.arrive $0xFFFF  }
0x91: {  	s13 =	rddreg [dreg:$0x5]  }
0x92: {  	s8 =	rddreg [dreg:$0x4]  }
0x93: {  	s8 =	simm.s32 $0x0;
	s13 =	rddreg [dreg:$0x7]  }
0x94: {  	[tilespmem:s8], [sflag:$0x7] =	stream.linear.gather [hbm4b:s13+s8], $0x2400, $0x38;
	[tilespmem:$0xAA00] =	vst v63  }
0x95: {  	_ =	swait.ge [sflag:s25], $0x2400  }
0x96: {  	[sflag:s25] =	ssyncset.done $0x0  }
0x97: {  	s14 =	rddreg [dreg:$0x8];
	[sflag:s25] =	ssyncadd.s32 $0xFFFFDC00  }
0x98: {  	[tilespmem:s26], [sflag:$0x7] =	stream.linear.gather [hbm4b:s14+s8], $0x2400, $0x38;
	[tilespmem:$0xAA00] =	vst v63  }
0x99: {  	_ =	swait.ge [sflag:s25], $0x2400  }
0x9a: {  	[sflag:s25] =	ssyncset.done $0x0  }
0x9b: {  	[sflag:s25] =	ssyncadd.s32 $0xFFFFDC00  }
0x9c: {  	[tilespmem:s29], [sflag:$0x1] =	stream.indirect.gather [hbm4b:s6+s28], $0x10, s8, s28, $0xb8;
	[tilespmem:$0xAA00] =	vst v63  }
0x9d: {  	_ = 	snop  }
0x9e: {  	[tilespmem:s30], [sflag:$0x2] =	stream.indirect.gather [hbm4b:s6+s28], $0x10, s28, s28, $0xb8;
	[tilespmem:$0xAA00] =	vst v63  }
0x9f: {  	_ = 	snop  }
0xa0: {  	[tilespmem:s0], [sflag:$0x3] =	stream.indirect.gather [hbm4b:s6+s28], $0x10, s31, s28, $0xb8;
	[tilespmem:$0xAA00] =	vst v63  }
0xa1: {  	_ =	swait.ge [sflag:s3], $0x1000  }
0xa2: {  	[sflag:s3] =	ssyncset.done $0x0  }
0xa3: {  	s14 =	simm.s32 $0x2400;
	[sflag:s3] =	ssyncadd.s32 $0xFFFFF000  }
0xa4: {  	[spmem:s1] =	stream.indirect.scatter.add.f32 [tilespmem:s29], [sflag:$0x4], $0x10, s14, s28, $0xb8;
	[tilespmem:$0xAA00] =	vst v63  }
0xa5: {  	_ =	swait.ge [sflag:s7], $0x1000  }
0xa6: {  	[sflag:s7] =	ssyncset.done $0x0  }
0xa7: {  	s13 =	simm.s32 $0x2500;
	[sflag:s7] =	ssyncadd.s32 $0xFFFFF000  }
0xa8: {  	[spmem:s1] =	stream.indirect.scatter.add.f32 [tilespmem:s30], [sflag:$0x5], $0x10, s13, s28, $0xb8;
	[tilespmem:$0xAA00] =	vst v63  }
0xa9: {  	_ =	swait.ge [sflag:s15], $0x1000  }
0xaa: {  	[sflag:s15] =	ssyncset.done $0x0  }
0xab: {  	s14 =	simm.s32 $0x2600;
	[sflag:s15] =	ssyncadd.s32 $0xFFFFF000  }
0xac: {  	[spmem:s1] =	stream.indirect.scatter.add.f32 [tilespmem:s0], [sflag:$0x6], $0x10, s14, s28, $0xb8;
	[tilespmem:$0xAA00] =	vst v63  }
0xad: {  	_ =	swait.ge [sflag:s16], $0x1000  }
0xae: {  	[sflag:s16] =	ssyncset.done $0x0  }
0xaf: {  	s13 =	simm.s32 $0x300;
	[sflag:s16] =	ssyncadd.s32 $0xFFFFF000  }
0xb0: {  	[tilespmem:s29], [sflag:$0x1] =	stream.indirect.gather [hbm4b:s6+s28], $0x10, s13, s28, $0xb8;
	[tilespmem:$0xAA00] =	vst v63  }
0xb1: {  	_ =	swait.ge [sflag:s17], $0x1000  }
0xb2: {  	[sflag:s17] =	ssyncset.done $0x0  }
0xb3: {  	s14 =	simm.s32 $0x400;
	[sflag:s17] =	ssyncadd.s32 $0xFFFFF000  }
0xb4: {  	[tilespmem:s30], [sflag:$0x2] =	stream.indirect.gather [hbm4b:s6+s28], $0x10, s14, s28, $0xb8;
	[tilespmem:$0xAA00] =	vst v63  }
0xb5: {  	_ =	swait.ge [sflag:s18], $0x1000  }
0xb6: {  	[sflag:s18] =	ssyncset.done $0x0  }
0xb7: {  	s8 =	simm.s32 $0xC00;
	s13 =	simm.s32 $0x500;
	[sflag:s18] =	ssyncadd.s32 $0xFFFFF000  }
.LBB2_5:
0xb8: {  	[tilespmem:s0], [sflag:$0x3] =	stream.indirect.gather [hbm4b:s6+s28], $0x10, s13, s28, $0xb8;
	[tilespmem:$0xAA00] =	vst v63  }
0xb9: {  	s13 =	smov.u32 s8  }
0xba: {  	p1 =	sne.s32 s8, $0x7800;
	s8 =	sadd.s32 $0xC00, s8;
	_ =	swait.ge [sflag:s3], $0x1000  }
0xbb: {  	s13 =	sshra.s32 s13, $0x2;
	[sflag:s3] =	ssyncset.done $0x0  }
0xbc: {  	s14 =	sadd.s32 $0x2400, s13;
	[sflag:s3] =	ssyncadd.s32 $0xFFFFF000  }
0xbd: {  	[spmem:s1] =	stream.indirect.scatter.add.f32 [tilespmem:s29], [sflag:$0x4], $0x10, s14, s28, $0xb8;
	[tilespmem:$0xAA00] =	vst v63  }
0xbe: {  	_ =	swait.ge [sflag:s7], $0x1000  }
0xbf: {  	[sflag:s7] =	ssyncset.done $0x0  }
0xc0: {  	s14 =	sadd.s32 $0x2500, s13;
	[sflag:s7] =	ssyncadd.s32 $0xFFFFF000  }
0xc1: {  	[spmem:s1] =	stream.indirect.scatter.add.f32 [tilespmem:s30], [sflag:$0x5], $0x10, s14, s28, $0xb8;
	[tilespmem:$0xAA00] =	vst v63  }
0xc2: {  	_ =	swait.ge [sflag:s15], $0x1000  }
0xc3: {  	[sflag:s15] =	ssyncset.done $0x0  }
0xc4: {  	s14 =	sadd.s32 $0x2600, s13;
	[sflag:s15] =	ssyncadd.s32 $0xFFFFF000  }
0xc5: {  	[spmem:s1] =	stream.indirect.scatter.add.f32 [tilespmem:s0], [sflag:$0x6], $0x10, s14, s28, $0xb8;
	[tilespmem:$0xAA00] =	vst v63  }
0xc6: {  	_ =	swait.ge [sflag:s16], $0x1000  }
0xc7: {  	[sflag:s16] =	ssyncset.done $0x0  }
0xc8: {  	s14 =	sadd.s32 $0x300, s13;
	[sflag:s16] =	ssyncadd.s32 $0xFFFFF000  }
0xc9: {  	[tilespmem:s29], [sflag:$0x1] =	stream.indirect.gather [hbm4b:s6+s28], $0x10, s14, s28, $0xb8;
	[tilespmem:$0xAA00] =	vst v63  }
0xca: {  	_ =	swait.ge [sflag:s17], $0x1000  }
0xcb: {  	[sflag:s17] =	ssyncset.done $0x0  }
.Ltmp4:
0xcc: {  	s14 =	sadd.s32 $0x400, s13;
	[sflag:s17] =	ssyncadd.s32 $0xFFFFF000;
	(pc) =	sbr.rel @p1 .LBB2_5-.Ltmp4, $4  }
0xcd: {  	[tilespmem:s30], [sflag:$0x2] =	stream.indirect.gather [hbm4b:s6+s28], $0x10, s14, s28, $0xb8;
	[tilespmem:$0xAA00] =	vst v63  }
0xce: {  	_ =	swait.ge [sflag:s18], $0x1000  }
0xcf: {  	[sflag:s18] =	ssyncset.done $0x0  }
0xd0: {  	s13 =	sadd.s32 $0x500, s13;
	[sflag:s18] =	ssyncadd.s32 $0xFFFFF000  }
0xd1: {  	[tilespmem:s0], [sflag:$0x3] =	stream.indirect.gather [hbm4b:s6+s28], $0x10, s13, s28, $0xb8;
	[tilespmem:$0xAA00] =	vst v63  }
0xd2: {  	_ =	swait.ge [sflag:s3], $0x1000  }
0xd3: {  	[sflag:s3] =	ssyncset.done $0x0  }
0xd4: {  	s8 =	simm.s32 $0x4500;
	[sflag:s3] =	ssyncadd.s32 $0xFFFFF000  }
0xd5: {  	[spmem:s1] =	stream.indirect.scatter.add.f32 [tilespmem:s29], [sflag:$0x4], $0x10, s8, s28, $0xb8;
	[tilespmem:$0xAA00] =	vst v63  }
0xd6: {  	_ =	swait.ge [sflag:s7], $0x1000  }
0xd7: {  	[sflag:s7] =	ssyncset.done $0x0  }
0xd8: {  	s14 =	simm.s32 $0x4600;
	[sflag:s7] =	ssyncadd.s32 $0xFFFFF000  }
0xd9: {  	[spmem:s1] =	stream.indirect.scatter.add.f32 [tilespmem:s30], [sflag:$0x5], $0x10, s14, s28, $0xb8;
	[tilespmem:$0xAA00] =	vst v63  }
0xda: {  	_ =	swait.ge [sflag:s15], $0x1000  }
0xdb: {  	[sflag:s15] =	ssyncset.done $0x0  }
0xdc: {  	s13 =	simm.s32 $0x4700;
	[sflag:s15] =	ssyncadd.s32 $0xFFFFF000  }
0xdd: {  	[spmem:s1] =	stream.indirect.scatter.add.f32 [tilespmem:s0], [sflag:$0x6], $0x10, s13, s28, $0xb8;
	[tilespmem:$0xAA00] =	vst v63  }
0xde: {  	_ =	swait.ge [sflag:s16], $0x1000  }
0xdf: {  	[sflag:s16] =	ssyncset.done $0x0  }
0xe0: {  	[sflag:s16] =	ssyncadd.s32 $0xFFFFF000  }
0xe1: {  	_ =	swait.ge [sflag:s17], $0x1000  }
0xe2: {  	[sflag:s17] =	ssyncset.done $0x0  }
0xe3: {  	[sflag:s17] =	ssyncadd.s32 $0xFFFFF000  }
0xe4: {  	_ =	swait.ge [sflag:s18], $0x1000  }
0xe5: {  	[sflag:s18] =	ssyncset.done $0x0  }
0xe6: {  	s8 =	simm.s32 $0x0;
	s14 =	rddreg [dreg:$0x9];
	[sflag:s18] =	ssyncadd.s32 $0xFFFFF000  }
0xe7: {  	[tilespmem:s8], [sflag:$0x7] =	stream.linear.gather [hbm4b:s14+s8], $0x2400, $0x38;
	[tilespmem:$0xAA00] =	vst v63  }
0xe8: {  	_ =	swait.ge [sflag:s25], $0x2400  }
0xe9: {  	[sflag:s25] =	ssyncset.done $0x0  }
0xea: {  	s14 =	rddreg [dreg:$0xa];
	[sflag:s25] =	ssyncadd.s32 $0xFFFFDC00  }
0xeb: {  	[tilespmem:s26], [sflag:$0x7] =	stream.linear.gather [hbm4b:s14+s8], $0x2400, $0x38;
	[tilespmem:$0xAA00] =	vst v63  }
0xec: {  	_ =	swait.ge [sflag:s25], $0x2400  }
0xed: {  	[sflag:s25] =	ssyncset.done $0x0  }
0xee: {  	[sflag:s25] =	ssyncadd.s32 $0xFFFFDC00  }
0xef: {  	[tilespmem:s29], [sflag:$0x1] =	stream.indirect.gather [hbm4b:s6+s28], $0x10, s8, s28, $0xb8;
	[tilespmem:$0xAA00] =	vst v63  }
0xf0: {  	_ = 	snop  }
0xf1: {  	[tilespmem:s30], [sflag:$0x2] =	stream.indirect.gather [hbm4b:s6+s28], $0x10, s28, s28, $0xb8;
	[tilespmem:$0xAA00] =	vst v63  }
0xf2: {  	_ = 	snop  }
0xf3: {  	[tilespmem:s0], [sflag:$0x3] =	stream.indirect.gather [hbm4b:s6+s28], $0x10, s31, s28, $0xb8;
	[tilespmem:$0xAA00] =	vst v63  }
0xf4: {  	_ =	swait.ge [sflag:s3], $0x1000  }
0xf5: {  	[sflag:s3] =	ssyncset.done $0x0  }
0xf6: {  	s14 =	simm.s32 $0x2400;
	[sflag:s3] =	ssyncadd.s32 $0xFFFFF000  }
0xf7: {  	[spmem:s1] =	stream.indirect.scatter.add.f32 [tilespmem:s29], [sflag:$0x4], $0x10, s14, s28, $0xb8;
	[tilespmem:$0xAA00] =	vst v63  }
0xf8: {  	_ =	swait.ge [sflag:s7], $0x1000  }
0xf9: {  	[sflag:s7] =	ssyncset.done $0x0  }
0xfa: {  	s13 =	simm.s32 $0x2500;
	[sflag:s7] =	ssyncadd.s32 $0xFFFFF000  }
0xfb: {  	[spmem:s1] =	stream.indirect.scatter.add.f32 [tilespmem:s30], [sflag:$0x5], $0x10, s13, s28, $0xb8;
	[tilespmem:$0xAA00] =	vst v63  }
0xfc: {  	_ =	swait.ge [sflag:s15], $0x1000  }
0xfd: {  	[sflag:s15] =	ssyncset.done $0x0  }
0xfe: {  	s14 =	simm.s32 $0x2600;
	[sflag:s15] =	ssyncadd.s32 $0xFFFFF000  }
0xff: {  	[spmem:s1] =	stream.indirect.scatter.add.f32 [tilespmem:s0], [sflag:$0x6], $0x10, s14, s28, $0xb8;
	[tilespmem:$0xAA00] =	vst v63  }
0x100: {  	_ =	swait.ge [sflag:s16], $0x1000  }
0x101: {  	[sflag:s16] =	ssyncset.done $0x0  }
0x102: {  	s13 =	simm.s32 $0x300;
	[sflag:s16] =	ssyncadd.s32 $0xFFFFF000  }
0x103: {  	[tilespmem:s29], [sflag:$0x1] =	stream.indirect.gather [hbm4b:s6+s28], $0x10, s13, s28, $0xb8;
	[tilespmem:$0xAA00] =	vst v63  }
0x104: {  	_ =	swait.ge [sflag:s17], $0x1000  }
0x105: {  	[sflag:s17] =	ssyncset.done $0x0  }
0x106: {  	s14 =	simm.s32 $0x400;
	[sflag:s17] =	ssyncadd.s32 $0xFFFFF000  }
0x107: {  	[tilespmem:s30], [sflag:$0x2] =	stream.indirect.gather [hbm4b:s6+s28], $0x10, s14, s28, $0xb8;
	[tilespmem:$0xAA00] =	vst v63  }
0x108: {  	_ =	swait.ge [sflag:s18], $0x1000  }
0x109: {  	[sflag:s18] =	ssyncset.done $0x0  }
0x10a: {  	s8 =	simm.s32 $0xC00;
	s13 =	simm.s32 $0x500;
	[sflag:s18] =	ssyncadd.s32 $0xFFFFF000  }
.LBB2_7:
0x10b: {  	[tilespmem:s0], [sflag:$0x3] =	stream.indirect.gather [hbm4b:s6+s28], $0x10, s13, s28, $0xb8;
	[tilespmem:$0xAA00] =	vst v63  }
0x10c: {  	s13 =	smov.u32 s8  }
0x10d: {  	p1 =	sne.s32 s8, $0x7800;
	s8 =	sadd.s32 $0xC00, s8;
	_ =	swait.ge [sflag:s3], $0x1000  }
0x10e: {  	s13 =	sshra.s32 s13, $0x2;
	[sflag:s3] =	ssyncset.done $0x0  }
0x10f: {  	s14 =	sadd.s32 $0x2400, s13;
	[sflag:s3] =	ssyncadd.s32 $0xFFFFF000  }
0x110: {  	[spmem:s1] =	stream.indirect.scatter.add.f32 [tilespmem:s29], [sflag:$0x4], $0x10, s14, s28, $0xb8;
	[tilespmem:$0xAA00] =	vst v63  }
0x111: {  	_ =	swait.ge [sflag:s7], $0x1000  }
0x112: {  	[sflag:s7] =	ssyncset.done $0x0  }
0x113: {  	s14 =	sadd.s32 $0x2500, s13;
	[sflag:s7] =	ssyncadd.s32 $0xFFFFF000  }
0x114: {  	[spmem:s1] =	stream.indirect.scatter.add.f32 [tilespmem:s30], [sflag:$0x5], $0x10, s14, s28, $0xb8;
	[tilespmem:$0xAA00] =	vst v63  }
0x115: {  	_ =	swait.ge [sflag:s15], $0x1000  }
0x116: {  	[sflag:s15] =	ssyncset.done $0x0  }
0x117: {  	s14 =	sadd.s32 $0x2600, s13;
	[sflag:s15] =	ssyncadd.s32 $0xFFFFF000  }
0x118: {  	[spmem:s1] =	stream.indirect.scatter.add.f32 [tilespmem:s0], [sflag:$0x6], $0x10, s14, s28, $0xb8;
	[tilespmem:$0xAA00] =	vst v63  }
0x119: {  	_ =	swait.ge [sflag:s16], $0x1000  }
0x11a: {  	[sflag:s16] =	ssyncset.done $0x0  }
0x11b: {  	s14 =	sadd.s32 $0x300, s13;
	[sflag:s16] =	ssyncadd.s32 $0xFFFFF000  }
0x11c: {  	[tilespmem:s29], [sflag:$0x1] =	stream.indirect.gather [hbm4b:s6+s28], $0x10, s14, s28, $0xb8;
	[tilespmem:$0xAA00] =	vst v63  }
0x11d: {  	_ =	swait.ge [sflag:s17], $0x1000  }
0x11e: {  	[sflag:s17] =	ssyncset.done $0x0  }
.Ltmp5:
0x11f: {  	s14 =	sadd.s32 $0x400, s13;
	[sflag:s17] =	ssyncadd.s32 $0xFFFFF000;
	(pc) =	sbr.rel @p1 .LBB2_7-.Ltmp5, $4  }
0x120: {  	[tilespmem:s30], [sflag:$0x2] =	stream.indirect.gather [hbm4b:s6+s28], $0x10, s14, s28, $0xb8;
	[tilespmem:$0xAA00] =	vst v63  }
0x121: {  	_ =	swait.ge [sflag:s18], $0x1000  }
0x122: {  	[sflag:s18] =	ssyncset.done $0x0  }
0x123: {  	s13 =	sadd.s32 $0x500, s13;
	[sflag:s18] =	ssyncadd.s32 $0xFFFFF000  }
.Ltmp6:
0x124: {  	_ = 	snop;
	(pc) =	sbr.rel .LBB2_8-.Ltmp6, $1  }
0x125: {  	_ =	sdelay $0x3  }
.LBB2_10:
0x126: {  	_ =	sfence.sel $0x180000  }
0x127: {  	[bflag:$0x0] =	sbarrier.arrive $0xFFFF  }
0x128: {  	_ =	strace $0x90000050  }
0x129: {  	s0 =	stileid.u32;
	[bflag:$0x2] =	sbarrier.arrive $0xFFFF  }
0x12a: {  	p0 =	sne.s32 s0, $0x0;
	s0 =	rddreg [dreg:$0x2]  }
0x12b: {  	s0 =	sadd.s32 @!p0 $0x100000, s0  }
0x12c: {  	[sflag:s0] =	ssyncadd.tile.s32 @!p0 $0x1;
	_ =	shalt  }
.Lfunc_end2:
_tile_overlayer_lowered:
.L_overlay_start_2:
0x12d: {  	(tag) =	ssettag $0x2  }
0x12e: {  	s0 =	rddreg [dreg:$0x0];
	s2 =	stileid.u32  }
0x12f: {  	s1 =	rddreg [dreg:$0x1];
	p0 =	sne.s32 s2, $0x0  }
0x130: {  	s3 =	rddreg [dreg:$0x2];
	[bflag:$0x3] =	sbarrier.arrive $0xFFFF;
	s2 =	simm.s32 @!p0 $0x1C07  }
0x131: {  	[timem:s3], [sflag:s2] =	dma.local @!p0 [hbm:s0], s1  }
0x132: {  	s0 =	simm.s32 @!p0 $0x7  }
0x133: {  	_ =	swait.ge @!p0 [sflag:s0], s1  }
0x134: {  	s1 =	ssub.s32 @!p0 $0x0, s1;
	[sflag:s0] =	ssyncset.done @!p0 $0x0  }
0x135: {  	[sflag:s0] =	ssyncadd.s32 @!p0 s1  }
0x136: {  	[bflag:$0x3] =	sbarrier.arrive $0xFFFF  }
0x137: {  	_ =	shalt  }

</sc_bundles>
